<compile_context>
chip_gen: v7x
topology: tpu7x:2x2x1
jax: 0.10.2.dev20260603
libtpu: 0.0.44.dev20260713+nightly
codegen_flags: <defaults>
</compile_context>

<pallas_src>
import functools

import jax
import jax.numpy as jnp
from jax import lax
from jax.experimental import pallas as pl
from jax.experimental.pallas import tpu as pltpu
from jax.experimental.pallas import tpu_sc as plsc

N_NODES = 10000
D = 128
NC = 2
NS = 16
NW = NC * NS
CHUNK = 128
G = 8
ZROWS = 632
N_ACC = NS * ZROWS

def _make_layer(cpw):
    mesh = plsc.VectorSubcoreMesh(core_axis_name="c", subcore_axis_name="s")
    ng = cpw // G
    assert cpw % G == 0

    @functools.partial(
        pl.kernel,
        out_type=(jax.ShapeDtypeStruct((NC, N_ACC, D), jnp.float32),
                  jax.ShapeDtypeStruct((NW * cpw * CHUNK, D), jnp.float32)),
        mesh=mesh,
        scratch_types=[
            pltpu.VMEM((2, G, CHUNK), jnp.int32),
            pltpu.VMEM((cpw, CHUNK), jnp.int32),
            pltpu.VMEM((2, CHUNK, D), jnp.float32),
            pltpu.VMEM_SHARED((N_ACC, D), jnp.float32),
            pltpu.SemaphoreType.DMA((2,)),
            pltpu.SemaphoreType.DMA((2,)),
            pltpu.SemaphoreType.DMA,
            pltpu.SemaphoreType.DMA,
        ],
    )
    def layer_k(table, src_idx, dst_idx, out, msg, srcr, dst_v,
                rows, spm, sem_a, sem_b, sem_i, sem_d):
        c = lax.axis_index("c")
        s = lax.axis_index("s")
        w = c * NS + s
        base = w * cpw
        pltpu.sync_copy(src_idx.at[w].at[pl.ds(0, G)], srcr.at[0])
        pltpu.async_copy(src_idx.at[w].at[pl.ds(G, G)], srcr.at[1], sem_i)
        pltpu.async_copy(dst_idx.at[w], dst_v, sem_d)
        @pl.when(s < 15)
        def _stage():
            pltpu.sync_copy(table.at[pl.ds(s * 640, 640)],
                            spm.at[pl.ds(s * 640, 640)])

        @pl.when(s == 15)
        def _stage_tail():
            pltpu.sync_copy(table.at[pl.ds(9600, 400)],
                            spm.at[pl.ds(9600, 400)])
        plsc.subcore_barrier()

        pltpu.async_copy(spm.at[srcr.at[0].at[0]], rows.at[0], sem_a.at[0])

        def grp(g, carry):
            gp = g % 2
            gn = (g + 1) % 2
            for r in range(G):
                k = g * G + r
                b = r % 2
                @pl.when(k >= 1)
                def _drain():
                    pltpu.make_async_copy(table.at[pl.ds(0, CHUNK)],
                                          rows.at[1 - b],
                                          sem_b.at[1 - b]).wait()

                if r < G - 1:
                    pltpu.async_copy(spm.at[srcr.at[gp].at[r + 1]],
                                     rows.at[1 - b], sem_a.at[1 - b])
                else:
                    @pl.when(g + 1 < ng)
                    def _cross():
                        pltpu.make_async_copy(
                            src_idx.at[0].at[pl.ds(0, G)], srcr.at[gn],
                            sem_i).wait()
                        pltpu.async_copy(spm.at[srcr.at[gn].at[0]],
                                         rows.at[1 - b], sem_a.at[1 - b])

                    @pl.when(g + 2 < ng)
                    def _pref():
                        off = pl.multiple_of((g + 2) * G, G)
                        pltpu.async_copy(
                            src_idx.at[w].at[pl.ds(off, G)],
                            srcr.at[gp], sem_i)
                pltpu.make_async_copy(table.at[pl.ds(0, CHUNK)],
                                      rows.at[b], sem_a.at[b]).wait()
                pltpu.async_copy(
                    rows.at[b],
                    msg.at[pl.ds((base + k) * CHUNK, CHUNK)],
                    sem_b.at[b])
            return carry

        lax.fori_loop(0, ng, grp, 0)
        pltpu.make_async_copy(table.at[pl.ds(0, CHUNK)],
                              rows.at[(cpw - 1) % 2],
                              sem_b.at[(cpw - 1) % 2]).wait()
        pltpu.async_copy(msg.at[pl.ds(base * CHUNK, CHUNK)], rows.at[0],
                         sem_a.at[0])
        plsc.subcore_barrier()
        pltpu.make_async_copy(dst_idx.at[0], dst_v, sem_d).wait()


        def pair(t, carry):
            for db in range(2):
                k = t * 2 + db
                b = db
                @pl.when(k >= 1)
                def _drain():
                    pltpu.make_async_copy(msg.at[pl.ds(0, CHUNK)],
                                          rows.at[1 - b],
                                          sem_b.at[1 - b]).wait()

                @pl.when(k + 1 < cpw)
                def _next():
                    pltpu.async_copy(
                        msg.at[pl.ds((base + k + 1) * CHUNK, CHUNK)],
                        rows.at[1 - b], sem_a.at[1 - b])
                pltpu.make_async_copy(msg.at[pl.ds(0, CHUNK)],
                                      rows.at[b], sem_a.at[b]).wait()
                pltpu.async_copy(rows.at[b], spm.at[dst_v.at[k]],
                                 sem_b.at[b], add=True)
            return carry

        lax.fori_loop(0, cpw // 2, pair, 0)
        pltpu.make_async_copy(msg.at[pl.ds(0, CHUNK)],
                              rows.at[(cpw - 1) % 2],
                              sem_b.at[(cpw - 1) % 2]).wait()
        plsc.subcore_barrier()
        pltpu.sync_copy(spm.at[pl.ds(s * ZROWS, ZROWS)],
                        out.at[c].at[pl.ds(s * ZROWS, ZROWS)])

    return layer_k


_BLK = 2000


def _mid_body(p_ref, t_ref, w1_ref, b1_ref, o_ref):
    a = p_ref[0] + p_ref[1] - 2.0 * t_ref[...]
    o_ref[...] = jnp.maximum(jax.lax.dot(a, w1_ref[...]) + b1_ref[...], 0.0)


def _dense_mid(p, t, W1, b1):
    n = N_NODES
    return pl.pallas_call(
        _mid_body,
        grid=(n // _BLK,),
        in_specs=[
            pl.BlockSpec((NC, _BLK, D), lambda i: (0, i, 0)),
            pl.BlockSpec((_BLK, D), lambda i: (i, 0)),
            pl.BlockSpec((D, D), lambda i: (0, 0)),
            pl.BlockSpec((1, D), lambda i: (0, 0)),
        ],
        out_specs=pl.BlockSpec((_BLK, D), lambda i: (i, 0)),
        out_shape=jax.ShapeDtypeStruct((n, D), jnp.float32),
    )(p, t, W1, b1.reshape(1, D))


def _fin_body(n, p_ref, t_ref, w2_ref, b2_ref, wp1_ref, bp1_ref, wp2_ref,
              bp2_ref, o_ref, acc_ref):
    i = pl.program_id(0)

    @pl.when(i == 0)
    def _zero():
        acc_ref[...] = jnp.zeros_like(acc_ref)

    agg2 = p_ref[0] + p_ref[1] - 2.0 * t_ref[...]
    h2 = jnp.maximum(jax.lax.dot(agg2, w2_ref[...]) + b2_ref[...], 0.0)
    acc_ref[...] += jnp.sum(h2, axis=0, keepdims=True)

    @pl.when(i == pl.num_programs(0) - 1)
    def _head():
        g = acc_ref[...] * (1.0 / n)
        hp = jnp.maximum(
            jax.lax.dot(g, wp1_ref[...]) + bp1_ref[...], 0.0)
        o_ref[...] = jax.lax.dot(hp, wp2_ref[...]) + bp2_ref[...]


def _dense_final(p, t, W2, b2, Wp1, bp1, Wp2, bp2):
    n = N_NODES
    return pl.pallas_call(
        functools.partial(_fin_body, n),
        grid=(n // _BLK,),
        in_specs=[
            pl.BlockSpec((NC, _BLK, D), lambda i: (0, i, 0)),
            pl.BlockSpec((_BLK, D), lambda i: (i, 0)),
            pl.BlockSpec((D, D), lambda i: (0, 0)),
            pl.BlockSpec((1, D), lambda i: (0, 0)),
            pl.BlockSpec((D, D), lambda i: (0, 0)),
            pl.BlockSpec((1, D), lambda i: (0, 0)),
            pl.BlockSpec((D, 16), lambda i: (0, 0)),
            pl.BlockSpec((1, 16), lambda i: (0, 0)),
        ],
        out_specs=pl.BlockSpec((1, 16), lambda i: (0, 0)),
        out_shape=jax.ShapeDtypeStruct((1, 16), jnp.float32),
        scratch_shapes=[pltpu.VMEM((1, D), jnp.float32)],
    )(p, t, W2, b2.reshape(1, D), Wp1, bp1.reshape(1, D), Wp2,
      bp2.reshape(1, 16))


def kernel(x, edge_index, W1, b1, W2, b2, Wp1, bp1, Wp2, bp2):
    src = edge_index[0]
    dst = edge_index[1]
    e = src.shape[0]
    cpw = -(-e // (NW * CHUNK))
    cpw = -(-cpw // G) * G
    e_pad = NW * cpw * CHUNK
    pad = e_pad - e
    src_p = jnp.concatenate(
        [src, jnp.zeros((pad,), jnp.int32)]).reshape(NW, cpw, CHUNK)
    dst_p = jnp.concatenate(
        [dst, jnp.full((pad,), N_NODES, jnp.int32)]).reshape(NW, cpw, CHUNK)
    layer = _make_layer(cpw)
    p1, _ = layer(x, src_p, dst_p)
    h = _dense_mid(p1, x, W1, b1)
    p2, _ = layer(h, src_p, dst_p)
    out = _dense_final(p2, h, W2, b2, Wp1, bp1, Wp2, bp2)
    return out.reshape(16)

# --- scband reference (transcript-rebuilt; emitter-appended) ---
"""Pipeline reference for scband-graph-classifier-19782619365665 (READ-ONLY COPY).

The authoritative reference and input builder live on the scoring server;
editing this copy changes nothing except your own understanding.
"""

import jax, jax.numpy as jnp
import numpy as np

N_NODES = 10000
N_EDGES = 320000
D_FEAT = 128
D_HID = 128
D_OUT = 16

def setup_inputs(seed: int = 0) -> dict:
    key = jax.random.key(seed)
    ks = jax.random.split(key, 12)
    x = jax.random.normal(ks[0], (N_NODES, D_FEAT), dtype=jnp.float32)
    edge_index = jax.random.randint(ks[1], (2, N_EDGES), 0, N_NODES, dtype=jnp.int64 if jax.config.jax_enable_x64 else jnp.int32).astype(jnp.int32)
    s = 1.0 / np.sqrt(D_FEAT)
    W1 = jax.random.uniform(ks[2], (D_FEAT, D_HID), minval=-s, maxval=s, dtype=jnp.float32)
    b1 = jax.random.uniform(ks[3], (D_HID,), minval=-s, maxval=s, dtype=jnp.float32)
    W2 = jax.random.uniform(ks[4], (D_HID, D_HID), minval=-s, maxval=s, dtype=jnp.float32)
    b2 = jax.random.uniform(ks[5], (D_HID,), minval=-s, maxval=s, dtype=jnp.float32)
    Wp1 = jax.random.uniform(ks[6], (D_HID, D_HID), minval=-s, maxval=s, dtype=jnp.float32)
    bp1 = jax.random.uniform(ks[7], (D_HID,), minval=-s, maxval=s, dtype=jnp.float32)
    Wp2 = jax.random.uniform(ks[8], (D_HID, D_OUT), minval=-s, maxval=s, dtype=jnp.float32)
    bp2 = jax.random.uniform(ks[9], (D_OUT,), minval=-s, maxval=s, dtype=jnp.float32)
    return {"x": x, "edge_index": edge_index, "W1": W1, "b1": b1, "W2": W2, "b2": b2, "Wp1": Wp1, "bp1": bp1, "Wp2": Wp2, "bp2": bp2}

def reference(x, edge_index, W1, b1, W2, b2, Wp1, bp1, Wp2, bp2):
    src = edge_index[0]
    dst = edge_index[1]
    n = x.shape[0]
    # Message-passing layer 1: gather from src, scatter-add to dst, linear + relu
    msg = jnp.take(x, src, axis=0)
    agg = jax.ops.segment_sum(msg, dst, num_segments=n)
    h = jax.nn.relu(agg @ W1 + b1)
    # Message-passing layer 2
    msg2 = jnp.take(h, src, axis=0)
    agg2 = jax.ops.segment_sum(msg2, dst, num_segments=n)
    h2 = jax.nn.relu(agg2 @ W2 + b2)
    # Global mean pooling over nodes -> graph embedding
    g = jnp.mean(h2, axis=0)
    # Post-MP MLP: hidden layer + output head
    p = jax.nn.relu(g @ Wp1 + bp1)
    out = p @ Wp2 + bp2
    return out

if __name__ == "__main__":
    import jax
    _d = setup_inputs()
    print(jax.jit(kernel)(*tuple(_d.values())))

</pallas_src>

<mosaic_0001>
#map = affine_map<(d0, d1) -> (0, 0)>
#map1 = affine_map<(d0, d1) -> (0, 0, 0)>
module attributes {stable_mosaic.version = 14 : i64} {
  func.func @layer_k(%arg0: i32, %arg1: i32, %arg2: memref<10000x128xf32, #tpu.memory_space<hbm>>, %arg3: memref<32x80x128xi32, #tpu.memory_space<hbm>>, %arg4: memref<32x80x128xi32, #tpu.memory_space<hbm>>, %arg5: memref<2x10112x128xf32, #tpu.memory_space<hbm>>, %arg6: memref<327680x128xf32, #tpu.memory_space<hbm>>, %arg7: memref<2x8x128xi32, #tpu.memory_space<vmem>>, %arg8: memref<80x128xi32, #tpu.memory_space<vmem>>, %arg9: memref<2x128x128xf32, #tpu.memory_space<vmem>>, %arg10: memref<10112x128xf32, #tpu.memory_space<vmem_shared>>, %arg11: memref<2x!tpu.dma_semaphore, #tpu.memory_space<semaphore_mem>>, %arg12: memref<2x!tpu.dma_semaphore, #tpu.memory_space<semaphore_mem>>, %arg13: memref<!tpu.dma_semaphore, #tpu.memory_space<semaphore_mem>>, %arg14: memref<!tpu.dma_semaphore, #tpu.memory_space<semaphore_mem>>) attributes {dimension_semantics = [#tpu.dimension_semantics<core_parallel>, #tpu.dimension_semantics<subcore_parallel>], iteration_bounds = array<i64: 2, 16>, scalar_prefetch = 0 : i64, scratch_operands = 8 : i64, tpu.core_type = #tpu.core_type<sc_vector_subcore>, window_params = [{transform_indices = #map}, {transform_indices = #map1}, {transform_indices = #map1}, {transform_indices = #map1}, {transform_indices = #map}]} {
    %mul3A = arith.constant 16 : i32
    %mul3A_0 = arith.muli %arg0, %mul3A : i32
    %add3A = arith.addi %mul3A_0, %arg1 : i32
    %mul3A_1 = arith.constant 80 : i32
    %mul3A_2 = arith.muli %add3A, %mul3A_1 : i32
    %run_scoped3A = arith.constant 0 : i32
    "tpu.region"() ({
      %run_scoped3A_138 = tpu.sem_alloc : memref<!tpu.dma_semaphore, #tpu.memory_space<semaphore_mem>>
      %dma_start3A_139 = arith.constant 0 : i32
      %dma_start3A_140 = arith.constant 0 : i32
      %dma_start3A_141 = tpu.memref_slice %arg7[%run_scoped3A, %dma_start3A_139, %dma_start3A_140] : memref<2x8x128xi32, #tpu.memory_space<vmem>> -> memref<1x8x128xi32, #tpu.memory_space<vmem>>
      %dma_start3A_142 = tpu.memref_squeeze %dma_start3A_141 : memref<1x8x128xi32, #tpu.memory_space<vmem>> -> memref<8x128xi32, #tpu.memory_space<vmem>>
      %dma_start3A_143 = arith.constant 0 : i32
      %dma_start3A_144 = arith.constant 0 : i32
      %dma_start3A_145 = tpu.memref_slice %arg3[%add3A, %dma_start3A_143, %dma_start3A_144] : memref<32x80x128xi32, #tpu.memory_space<hbm>> -> memref<1x80x128xi32, #tpu.memory_space<hbm>>
      %dma_start3A_146 = tpu.memref_squeeze %dma_start3A_145 : memref<1x80x128xi32, #tpu.memory_space<hbm>> -> memref<80x128xi32, #tpu.memory_space<hbm>>
      %dma_start3A_147 = arith.constant 0 : i32
      %dma_start3A_148 = arith.constant 0 : i32
      %dma_start3A_149 = tpu.memref_slice %dma_start3A_146[%dma_start3A_147, %dma_start3A_148] : memref<80x128xi32, #tpu.memory_space<hbm>> -> memref<8x128xi32, #tpu.memory_space<hbm>>
      %dma_start3A_150 = arith.constant 0 : i32
      %dma_start3A_151 = arith.constant 0 : i32
      %dma_start3A_152 = tpu.memref_slice %arg7[%run_scoped3A, %dma_start3A_150, %dma_start3A_151] : memref<2x8x128xi32, #tpu.memory_space<vmem>> -> memref<1x8x128xi32, #tpu.memory_space<vmem>>
      %dma_start3A_153 = tpu.memref_squeeze %dma_start3A_152 : memref<1x8x128xi32, #tpu.memory_space<vmem>> -> memref<8x128xi32, #tpu.memory_space<vmem>>
      %dma_start3A_154 = arith.constant 0 : i32
      %dma_start3A_155 = arith.constant 0 : i32
      %dma_start3A_156 = tpu.memref_slice %arg3[%add3A, %dma_start3A_154, %dma_start3A_155] : memref<32x80x128xi32, #tpu.memory_space<hbm>> -> memref<1x80x128xi32, #tpu.memory_space<hbm>>
      %dma_start3A_157 = tpu.memref_squeeze %dma_start3A_156 : memref<1x80x128xi32, #tpu.memory_space<hbm>> -> memref<80x128xi32, #tpu.memory_space<hbm>>
      %dma_start3A_158 = arith.constant 0 : i32
      %dma_start3A_159 = arith.constant 0 : i32
      %dma_start3A_160 = tpu.memref_slice %dma_start3A_157[%dma_start3A_158, %dma_start3A_159] : memref<80x128xi32, #tpu.memory_space<hbm>> -> memref<8x128xi32, #tpu.memory_space<hbm>>
      tpu.enqueue_dma source(%dma_start3A_160 : memref<8x128xi32, #tpu.memory_space<hbm>>) target(%dma_start3A_153 : memref<8x128xi32, #tpu.memory_space<vmem>>) target_semaphore(%run_scoped3A_138 : memref<!tpu.dma_semaphore, #tpu.memory_space<semaphore_mem>>)
      %dma_wait3A_161 = arith.constant 0 : i32
      %dma_wait3A_162 = arith.constant 0 : i32
      %dma_wait3A_163 = tpu.memref_slice %arg7[%run_scoped3A, %dma_wait3A_161, %dma_wait3A_162] : memref<2x8x128xi32, #tpu.memory_space<vmem>> -> memref<1x8x128xi32, #tpu.memory_space<vmem>>
      %dma_wait3A_164 = tpu.memref_squeeze %dma_wait3A_163 : memref<1x8x128xi32, #tpu.memory_space<vmem>> -> memref<8x128xi32, #tpu.memory_space<vmem>>
      %dma_wait3A_165 = arith.constant 0 : i32
      %dma_wait3A_166 = arith.constant 0 : i32
      %dma_wait3A_167 = tpu.memref_slice %arg3[%add3A, %dma_wait3A_165, %dma_wait3A_166] : memref<32x80x128xi32, #tpu.memory_space<hbm>> -> memref<1x80x128xi32, #tpu.memory_space<hbm>>
      %dma_wait3A_168 = tpu.memref_squeeze %dma_wait3A_167 : memref<1x80x128xi32, #tpu.memory_space<hbm>> -> memref<80x128xi32, #tpu.memory_space<hbm>>
      %dma_wait3A_169 = arith.constant 0 : i32
      %dma_wait3A_170 = arith.constant 0 : i32
      %dma_wait3A_171 = tpu.memref_slice %dma_wait3A_168[%dma_wait3A_169, %dma_wait3A_170] : memref<80x128xi32, #tpu.memory_space<hbm>> -> memref<8x128xi32, #tpu.memory_space<hbm>>
      %dma_wait3A_172 = arith.constant 0 : i32
      %dma_wait3A_173 = arith.constant 0 : i32
      %dma_wait3A_174 = tpu.memref_slice %arg7[%run_scoped3A, %dma_wait3A_172, %dma_wait3A_173] : memref<2x8x128xi32, #tpu.memory_space<vmem>> -> memref<1x8x128xi32, #tpu.memory_space<vmem>>
      %dma_wait3A_175 = tpu.memref_squeeze %dma_wait3A_174 : memref<1x8x128xi32, #tpu.memory_space<vmem>> -> memref<8x128xi32, #tpu.memory_space<vmem>>
      %dma_wait3A_176 = arith.constant 0 : i32
      %dma_wait3A_177 = arith.constant 0 : i32
      %dma_wait3A_178 = tpu.memref_slice %arg3[%add3A, %dma_wait3A_176, %dma_wait3A_177] : memref<32x80x128xi32, #tpu.memory_space<hbm>> -> memref<1x80x128xi32, #tpu.memory_space<hbm>>
      %dma_wait3A_179 = tpu.memref_squeeze %dma_wait3A_178 : memref<1x80x128xi32, #tpu.memory_space<hbm>> -> memref<80x128xi32, #tpu.memory_space<hbm>>
      %dma_wait3A_180 = arith.constant 0 : i32
      %dma_wait3A_181 = arith.constant 0 : i32
      %dma_wait3A_182 = tpu.memref_slice %dma_wait3A_179[%dma_wait3A_180, %dma_wait3A_181] : memref<80x128xi32, #tpu.memory_space<hbm>> -> memref<8x128xi32, #tpu.memory_space<hbm>>
      tpu.wait_dma2 semaphore(%run_scoped3A_138 : memref<!tpu.dma_semaphore, #tpu.memory_space<semaphore_mem>>) src(%dma_wait3A_182 : memref<8x128xi32, #tpu.memory_space<hbm>>) dst(%dma_wait3A_175 : memref<8x128xi32, #tpu.memory_space<vmem>>)
      tpu.yield
    }) : () -> ()
    %dma_start3A = arith.constant 1 : i32
    %dma_start3A_3 = arith.constant 0 : i32
    %dma_start3A_4 = arith.constant 0 : i32
    %dma_start3A_5 = tpu.memref_slice %arg7[%dma_start3A, %dma_start3A_3, %dma_start3A_4] : memref<2x8x128xi32, #tpu.memory_space<vmem>> -> memref<1x8x128xi32, #tpu.memory_space<vmem>>
    %dma_start3A_6 = tpu.memref_squeeze %dma_start3A_5 : memref<1x8x128xi32, #tpu.memory_space<vmem>> -> memref<8x128xi32, #tpu.memory_space<vmem>>
    %dma_start3A_7 = arith.constant 0 : i32
    %dma_start3A_8 = arith.constant 0 : i32
    %dma_start3A_9 = tpu.memref_slice %arg3[%add3A, %dma_start3A_7, %dma_start3A_8] : memref<32x80x128xi32, #tpu.memory_space<hbm>> -> memref<1x80x128xi32, #tpu.memory_space<hbm>>
    %dma_start3A_10 = tpu.memref_squeeze %dma_start3A_9 : memref<1x80x128xi32, #tpu.memory_space<hbm>> -> memref<80x128xi32, #tpu.memory_space<hbm>>
    %dma_start3A_11 = arith.constant 8 : i32
    %dma_start3A_12 = arith.constant 0 : i32
    %dma_start3A_13 = tpu.memref_slice %dma_start3A_10[%dma_start3A_11, %dma_start3A_12] : memref<80x128xi32, #tpu.memory_space<hbm>> -> memref<8x128xi32, #tpu.memory_space<hbm>>
    %dma_start3A_14 = arith.constant 0 : i32
    %dma_start3A_15 = arith.constant 0 : i32
    %dma_start3A_16 = tpu.memref_slice %arg7[%dma_start3A, %dma_start3A_14, %dma_start3A_15] : memref<2x8x128xi32, #tpu.memory_space<vmem>> -> memref<1x8x128xi32, #tpu.memory_space<vmem>>
    %dma_start3A_17 = tpu.memref_squeeze %dma_start3A_16 : memref<1x8x128xi32, #tpu.memory_space<vmem>> -> memref<8x128xi32, #tpu.memory_space<vmem>>
    %dma_start3A_18 = arith.constant 0 : i32
    %dma_start3A_19 = arith.constant 0 : i32
    %dma_start3A_20 = tpu.memref_slice %arg3[%add3A, %dma_start3A_18, %dma_start3A_19] : memref<32x80x128xi32, #tpu.memory_space<hbm>> -> memref<1x80x128xi32, #tpu.memory_space<hbm>>
    %dma_start3A_21 = tpu.memref_squeeze %dma_start3A_20 : memref<1x80x128xi32, #tpu.memory_space<hbm>> -> memref<80x128xi32, #tpu.memory_space<hbm>>
    %dma_start3A_22 = arith.constant 8 : i32
    %dma_start3A_23 = arith.constant 0 : i32
    %dma_start3A_24 = tpu.memref_slice %dma_start3A_21[%dma_start3A_22, %dma_start3A_23] : memref<80x128xi32, #tpu.memory_space<hbm>> -> memref<8x128xi32, #tpu.memory_space<hbm>>
    tpu.enqueue_dma source(%dma_start3A_24 : memref<8x128xi32, #tpu.memory_space<hbm>>) target(%dma_start3A_17 : memref<8x128xi32, #tpu.memory_space<vmem>>) target_semaphore(%arg13 : memref<!tpu.dma_semaphore, #tpu.memory_space<semaphore_mem>>)
    %dma_start3A_25 = arith.constant 0 : i32
    %dma_start3A_26 = arith.constant 0 : i32
    %dma_start3A_27 = tpu.memref_slice %arg4[%add3A, %dma_start3A_25, %dma_start3A_26] : memref<32x80x128xi32, #tpu.memory_space<hbm>> -> memref<1x80x128xi32, #tpu.memory_space<hbm>>
    %dma_start3A_28 = tpu.memref_squeeze %dma_start3A_27 : memref<1x80x128xi32, #tpu.memory_space<hbm>> -> memref<80x128xi32, #tpu.memory_space<hbm>>
    %dma_start3A_29 = arith.constant 0 : i32
    %dma_start3A_30 = arith.constant 0 : i32
    %dma_start3A_31 = tpu.memref_slice %arg4[%add3A, %dma_start3A_29, %dma_start3A_30] : memref<32x80x128xi32, #tpu.memory_space<hbm>> -> memref<1x80x128xi32, #tpu.memory_space<hbm>>
    %dma_start3A_32 = tpu.memref_squeeze %dma_start3A_31 : memref<1x80x128xi32, #tpu.memory_space<hbm>> -> memref<80x128xi32, #tpu.memory_space<hbm>>
    tpu.enqueue_dma source(%dma_start3A_32 : memref<80x128xi32, #tpu.memory_space<hbm>>) target(%arg8 : memref<80x128xi32, #tpu.memory_space<vmem>>) target_semaphore(%arg14 : memref<!tpu.dma_semaphore, #tpu.memory_space<semaphore_mem>>)
    %lt3A = arith.constant 15 : i32
    %lt3A_33 = arith.cmpi slt, %arg1, %lt3A : i32
    %convert_element_type3A = arith.extui %lt3A_33 : i1 to i32
    %cond3A = arith.constant 0 : i32
    %cond3A_34 = arith.cmpi ne, %convert_element_type3A, %cond3A : i32
    scf.if %cond3A_34 {
      %mul3A_138 = arith.constant 640 : i32
      %mul3A_139 = arith.muli %arg1, %mul3A_138 : i32
      %mul3A_140 = arith.constant 640 : i32
      %mul3A_141 = arith.muli %arg1, %mul3A_140 : i32
      "tpu.region"() ({
        %run_scoped3A_142 = tpu.sem_alloc : memref<!tpu.dma_semaphore, #tpu.memory_space<semaphore_mem>>
        %dma_start3A_143 = arith.constant 0 : i32
        %dma_start3A_144 = tpu.memref_slice %arg10[%mul3A_141, %dma_start3A_143] : memref<10112x128xf32, #tpu.memory_space<vmem_shared>> -> memref<640x128xf32, #tpu.memory_space<vmem_shared>>
        %dma_start3A_145 = arith.constant 0 : i32
        %dma_start3A_146 = tpu.memref_slice %arg2[%mul3A_139, %dma_start3A_145] : memref<10000x128xf32, #tpu.memory_space<hbm>> -> memref<640x128xf32, #tpu.memory_space<hbm>>
        tpu.enqueue_dma source(%dma_start3A_146 : memref<640x128xf32, #tpu.memory_space<hbm>>) target(%dma_start3A_144 : memref<640x128xf32, #tpu.memory_space<vmem_shared>>) target_semaphore(%run_scoped3A_142 : memref<!tpu.dma_semaphore, #tpu.memory_space<semaphore_mem>>)
        %dma_wait3A_147 = arith.constant 0 : i32
        %dma_wait3A_148 = tpu.memref_slice %arg10[%mul3A_141, %dma_wait3A_147] : memref<10112x128xf32, #tpu.memory_space<vmem_shared>> -> memref<640x128xf32, #tpu.memory_space<vmem_shared>>
        %dma_wait3A_149 = arith.constant 0 : i32
        %dma_wait3A_150 = tpu.memref_slice %arg2[%mul3A_139, %dma_wait3A_149] : memref<10000x128xf32, #tpu.memory_space<hbm>> -> memref<640x128xf32, #tpu.memory_space<hbm>>
        tpu.wait_dma2 semaphore(%run_scoped3A_142 : memref<!tpu.dma_semaphore, #tpu.memory_space<semaphore_mem>>) src(%dma_wait3A_150 : memref<640x128xf32, #tpu.memory_space<hbm>>) dst(%dma_wait3A_148 : memref<640x128xf32, #tpu.memory_space<vmem_shared>>)
        tpu.yield
      }) : () -> ()
    } else {
    }
    %eq3A = arith.constant 15 : i32
    %eq3A_35 = arith.cmpi eq, %arg1, %eq3A : i32
    %convert_element_type3A_36 = arith.extui %eq3A_35 : i1 to i32
    %cond3A_37 = arith.constant 0 : i32
    %cond3A_38 = arith.cmpi ne, %convert_element_type3A_36, %cond3A_37 : i32
    scf.if %cond3A_38 {
      "tpu.region"() ({
        %run_scoped3A_138 = tpu.sem_alloc : memref<!tpu.dma_semaphore, #tpu.memory_space<semaphore_mem>>
        %dma_start3A_139 = arith.constant 9600 : i32
        %dma_start3A_140 = arith.constant 0 : i32
        %dma_start3A_141 = tpu.memref_slice %arg10[%dma_start3A_139, %dma_start3A_140] : memref<10112x128xf32, #tpu.memory_space<vmem_shared>> -> memref<400x128xf32, #tpu.memory_space<vmem_shared>>
        %dma_start3A_142 = arith.constant 9600 : i32
        %dma_start3A_143 = arith.constant 0 : i32
        %dma_start3A_144 = tpu.memref_slice %arg2[%dma_start3A_142, %dma_start3A_143] : memref<10000x128xf32, #tpu.memory_space<hbm>> -> memref<400x128xf32, #tpu.memory_space<hbm>>
        tpu.enqueue_dma source(%dma_start3A_144 : memref<400x128xf32, #tpu.memory_space<hbm>>) target(%dma_start3A_141 : memref<400x128xf32, #tpu.memory_space<vmem_shared>>) target_semaphore(%run_scoped3A_138 : memref<!tpu.dma_semaphore, #tpu.memory_space<semaphore_mem>>)
        %dma_wait3A_145 = arith.constant 9600 : i32
        %dma_wait3A_146 = arith.constant 0 : i32
        %dma_wait3A_147 = tpu.memref_slice %arg10[%dma_wait3A_145, %dma_wait3A_146] : memref<10112x128xf32, #tpu.memory_space<vmem_shared>> -> memref<400x128xf32, #tpu.memory_space<vmem_shared>>
        %dma_wait3A_148 = arith.constant 9600 : i32
        %dma_wait3A_149 = arith.constant 0 : i32
        %dma_wait3A_150 = tpu.memref_slice %arg2[%dma_wait3A_148, %dma_wait3A_149] : memref<10000x128xf32, #tpu.memory_space<hbm>> -> memref<400x128xf32, #tpu.memory_space<hbm>>
        tpu.wait_dma2 semaphore(%run_scoped3A_138 : memref<!tpu.dma_semaphore, #tpu.memory_space<semaphore_mem>>) src(%dma_wait3A_150 : memref<400x128xf32, #tpu.memory_space<hbm>>) dst(%dma_wait3A_147 : memref<400x128xf32, #tpu.memory_space<vmem_shared>>)
        tpu.yield
      }) : () -> ()
    } else {
    }
    %barrier3A = arith.constant 0 : index
    tpu.barrier barrier_id(%barrier3A)
    %dma_start3A_39 = arith.constant 0 : i32
    %dma_start3A_40 = arith.constant 0 : i32
    %dma_start3A_41 = arith.constant 0 : i32
    %dma_start3A_42 = arith.constant 0 : i32
    %dma_start3A_43 = arith.constant 0 : i32
    %dma_start3A_44 = arith.constant 0 : i32
    %dma_start3A_45 = tpu.memref_slice %arg9[%dma_start3A_41, %dma_start3A_43, %dma_start3A_44] : memref<2x128x128xf32, #tpu.memory_space<vmem>> -> memref<1x128x128xf32, #tpu.memory_space<vmem>>
    %dma_start3A_46 = tpu.memref_squeeze %dma_start3A_45 : memref<1x128x128xf32, #tpu.memory_space<vmem>> -> memref<128x128xf32, #tpu.memory_space<vmem>>
    %dma_start3A_47 = arith.constant 0 : i32
    %dma_start3A_48 = arith.constant 0 : i32
    %dma_start3A_49 = tpu.memref_slice %arg7[%dma_start3A_39, %dma_start3A_47, %dma_start3A_48] : memref<2x8x128xi32, #tpu.memory_space<vmem>> -> memref<1x8x128xi32, #tpu.memory_space<vmem>>
    %dma_start3A_50 = tpu.memref_squeeze %dma_start3A_49 : memref<1x8x128xi32, #tpu.memory_space<vmem>> -> memref<8x128xi32, #tpu.memory_space<vmem>>
    %dma_start3A_51 = arith.constant 0 : i32
    %dma_start3A_52 = tpu.memref_slice %dma_start3A_50[%dma_start3A_40, %dma_start3A_51] : memref<8x128xi32, #tpu.memory_space<vmem>> -> memref<1x128xi32, #tpu.memory_space<vmem>>
    %dma_start3A_53 = tpu.memref_squeeze %dma_start3A_52 : memref<1x128xi32, #tpu.memory_space<vmem>> -> memref<128xi32, #tpu.memory_space<vmem>>
    %dma_start3A_54 = arith.constant 0 : i32
    %dma_start3A_55 = arith.constant 0 : i32
    %dma_start3A_56 = tpu.memref_slice %arg10[%dma_start3A_54, %dma_start3A_55] : memref<10112x128xf32, #tpu.memory_space<vmem_shared>> -> memref<10112x128xf32, #tpu.memory_space<vmem_shared>>
    %dma_start3A_57 = tpu.memref_slice %arg11[%dma_start3A_42] : memref<2x!tpu.dma_semaphore, #tpu.memory_space<semaphore_mem>> -> memref<1x!tpu.dma_semaphore, #tpu.memory_space<semaphore_mem>>
    %dma_start3A_58 = tpu.memref_squeeze %dma_start3A_57 : memref<1x!tpu.dma_semaphore, #tpu.memory_space<semaphore_mem>> -> memref<!tpu.dma_semaphore, #tpu.memory_space<semaphore_mem>>
    tpu.enqueue_indirect_dma source(%dma_start3A_56 : memref<10112x128xf32, #tpu.memory_space<vmem_shared>>) target(%dma_start3A_46 : memref<128x128xf32, #tpu.memory_space<vmem>>) offsets(%dma_start3A_53 : memref<128xi32, #tpu.memory_space<vmem>>) semaphore(%dma_start3A_58 : memref<!tpu.dma_semaphore, #tpu.memory_space<semaphore_mem>>)
    %scan3A = arith.constant 0 : i32
    %scan3A_59 = arith.constant 0 : i32
    %scan3A_60 = arith.constant 10 : i32
    %scan3A_61 = arith.addi %scan3A_59, %scan3A_60 : i32
    %scan3A_62 = arith.constant 1 : i32
    scf.for %scan3A_138 = %scan3A_59 to %scan3A_61 step %scan3A_62  : i32 {
      %jit3A = arith.constant 2 : i32
      %eq3A_139 = arith.constant 0 : i32
      %eq3A_140 = arith.cmpi eq, %jit3A, %eq3A_139 : i32
      %jit3A_141 = arith.constant 1 : i32
      %select_n3A = arith.select %eq3A_140, %jit3A_141, %jit3A : i32
      %rem3A = arith.remsi %scan3A_138, %select_n3A : i32
      %ne3A = arith.constant 0 : i32
      %ne3A_142 = arith.cmpi ne, %rem3A, %ne3A : i32
      %lt3A_143 = arith.constant 0 : i32
      %lt3A_144 = arith.cmpi slt, %rem3A, %lt3A_143 : i32
      %lt3A_145 = arith.constant 0 : i32
      %lt3A_146 = arith.cmpi slt, %select_n3A, %lt3A_145 : i32
      %ne3A_147 = arith.xori %lt3A_144, %lt3A_146 : i1
      %and3A = arith.andi %ne3A_147, %ne3A_142 : i1
      %add3A_148 = arith.addi %rem3A, %select_n3A : i32
      %select_n3A_149 = arith.select %and3A, %add3A_148, %rem3A : i32
      %add3A_150 = arith.constant 1 : i32
      %add3A_151 = arith.addi %scan3A_138, %add3A_150 : i32
      %jit3A_152 = arith.constant 2 : i32
      %eq3A_153 = arith.constant 0 : i32
      %eq3A_154 = arith.cmpi eq, %jit3A_152, %eq3A_153 : i32
      %jit3A_155 = arith.constant 1 : i32
      %select_n3A_156 = arith.select %eq3A_154, %jit3A_155, %jit3A_152 : i32
      %rem3A_157 = arith.remsi %add3A_151, %select_n3A_156 : i32
      %ne3A_158 = arith.constant 0 : i32
      %ne3A_159 = arith.cmpi ne, %rem3A_157, %ne3A_158 : i32
      %lt3A_160 = arith.constant 0 : i32
      %lt3A_161 = arith.cmpi slt, %rem3A_157, %lt3A_160 : i32
      %lt3A_162 = arith.constant 0 : i32
      %lt3A_163 = arith.cmpi slt, %select_n3A_156, %lt3A_162 : i32
      %ne3A_164 = arith.xori %lt3A_161, %lt3A_163 : i1
      %and3A_165 = arith.andi %ne3A_164, %ne3A_159 : i1
      %add3A_166 = arith.addi %rem3A_157, %select_n3A_156 : i32
      %select_n3A_167 = arith.select %and3A_165, %add3A_166, %rem3A_157 : i32
      %mul3A_168 = arith.constant 8 : i32
      %mul3A_169 = arith.muli %scan3A_138, %mul3A_168 : i32
      %add3A_170 = arith.constant 0 : i32
      %add3A_171 = arith.addi %mul3A_169, %add3A_170 : i32
      %ge3A = arith.constant 1 : i32
      %ge3A_172 = arith.cmpi sge, %add3A_171, %ge3A : i32
      %convert_element_type3A_173 = arith.extui %ge3A_172 : i1 to i32
      %cond3A_174 = arith.constant 0 : i32
      %cond3A_175 = arith.cmpi ne, %convert_element_type3A_173, %cond3A_174 : i32
      scf.if %cond3A_175 {
        %dma_wait3A_682 = arith.constant 1 : i32
        %dma_wait3A_683 = arith.constant 1 : i32
        %dma_wait3A_684 = arith.constant 0 : i32
        %dma_wait3A_685 = arith.constant 0 : i32
        %dma_wait3A_686 = tpu.memref_slice %arg9[%dma_wait3A_682, %dma_wait3A_684, %dma_wait3A_685] : memref<2x128x128xf32, #tpu.memory_space<vmem>> -> memref<1x128x128xf32, #tpu.memory_space<vmem>>
        %dma_wait3A_687 = tpu.memref_squeeze %dma_wait3A_686 : memref<1x128x128xf32, #tpu.memory_space<vmem>> -> memref<128x128xf32, #tpu.memory_space<vmem>>
        %dma_wait3A_688 = arith.constant 0 : i32
        %dma_wait3A_689 = arith.constant 0 : i32
        %dma_wait3A_690 = tpu.memref_slice %arg2[%dma_wait3A_688, %dma_wait3A_689] : memref<10000x128xf32, #tpu.memory_space<hbm>> -> memref<128x128xf32, #tpu.memory_space<hbm>>
        %dma_wait3A_691 = tpu.memref_slice %arg12[%dma_wait3A_683] : memref<2x!tpu.dma_semaphore, #tpu.memory_space<semaphore_mem>> -> memref<1x!tpu.dma_semaphore, #tpu.memory_space<semaphore_mem>>
        %dma_wait3A_692 = tpu.memref_squeeze %dma_wait3A_691 : memref<1x!tpu.dma_semaphore, #tpu.memory_space<semaphore_mem>> -> memref<!tpu.dma_semaphore, #tpu.memory_space<semaphore_mem>>
        %dma_wait3A_693 = arith.constant 0 : i32
        %dma_wait3A_694 = arith.constant 0 : i32
        %dma_wait3A_695 = tpu.memref_slice %arg9[%dma_wait3A_682, %dma_wait3A_693, %dma_wait3A_694] : memref<2x128x128xf32, #tpu.memory_space<vmem>> -> memref<1x128x128xf32, #tpu.memory_space<vmem>>
        %dma_wait3A_696 = tpu.memref_squeeze %dma_wait3A_695 : memref<1x128x128xf32, #tpu.memory_space<vmem>> -> memref<128x128xf32, #tpu.memory_space<vmem>>
        %dma_wait3A_697 = arith.constant 0 : i32
        %dma_wait3A_698 = arith.constant 0 : i32
        %dma_wait3A_699 = tpu.memref_slice %arg2[%dma_wait3A_697, %dma_wait3A_698] : memref<10000x128xf32, #tpu.memory_space<hbm>> -> memref<128x128xf32, #tpu.memory_space<hbm>>
        tpu.wait_dma2 semaphore(%dma_wait3A_692 : memref<!tpu.dma_semaphore, #tpu.memory_space<semaphore_mem>>) src(%dma_wait3A_699 : memref<128x128xf32, #tpu.memory_space<hbm>>) dst(%dma_wait3A_696 : memref<128x128xf32, #tpu.memory_space<vmem>>)
      } else {
      }
      %dma_start3A_176 = arith.constant 1 : i32
      %dma_start3A_177 = arith.constant 1 : i32
      %dma_start3A_178 = arith.constant 1 : i32
      %dma_start3A_179 = arith.constant 0 : i32
      %dma_start3A_180 = arith.constant 0 : i32
      %dma_start3A_181 = tpu.memref_slice %arg9[%dma_start3A_177, %dma_start3A_179, %dma_start3A_180] : memref<2x128x128xf32, #tpu.memory_space<vmem>> -> memref<1x128x128xf32, #tpu.memory_space<vmem>>
      %dma_start3A_182 = tpu.memref_squeeze %dma_start3A_181 : memref<1x128x128xf32, #tpu.memory_space<vmem>> -> memref<128x128xf32, #tpu.memory_space<vmem>>
      %dma_start3A_183 = arith.constant 0 : i32
      %dma_start3A_184 = arith.constant 0 : i32
      %dma_start3A_185 = tpu.memref_slice %arg7[%select_n3A_149, %dma_start3A_183, %dma_start3A_184] : memref<2x8x128xi32, #tpu.memory_space<vmem>> -> memref<1x8x128xi32, #tpu.memory_space<vmem>>
      %dma_start3A_186 = tpu.memref_squeeze %dma_start3A_185 : memref<1x8x128xi32, #tpu.memory_space<vmem>> -> memref<8x128xi32, #tpu.memory_space<vmem>>
      %dma_start3A_187 = arith.constant 0 : i32
      %dma_start3A_188 = tpu.memref_slice %dma_start3A_186[%dma_start3A_176, %dma_start3A_187] : memref<8x128xi32, #tpu.memory_space<vmem>> -> memref<1x128xi32, #tpu.memory_space<vmem>>
      %dma_start3A_189 = tpu.memref_squeeze %dma_start3A_188 : memref<1x128xi32, #tpu.memory_space<vmem>> -> memref<128xi32, #tpu.memory_space<vmem>>
      %dma_start3A_190 = arith.constant 0 : i32
      %dma_start3A_191 = arith.constant 0 : i32
      %dma_start3A_192 = tpu.memref_slice %arg10[%dma_start3A_190, %dma_start3A_191] : memref<10112x128xf32, #tpu.memory_space<vmem_shared>> -> memref<10112x128xf32, #tpu.memory_space<vmem_shared>>
      %dma_start3A_193 = tpu.memref_slice %arg11[%dma_start3A_178] : memref<2x!tpu.dma_semaphore, #tpu.memory_space<semaphore_mem>> -> memref<1x!tpu.dma_semaphore, #tpu.memory_space<semaphore_mem>>
      %dma_start3A_194 = tpu.memref_squeeze %dma_start3A_193 : memref<1x!tpu.dma_semaphore, #tpu.memory_space<semaphore_mem>> -> memref<!tpu.dma_semaphore, #tpu.memory_space<semaphore_mem>>
      tpu.enqueue_indirect_dma source(%dma_start3A_192 : memref<10112x128xf32, #tpu.memory_space<vmem_shared>>) target(%dma_start3A_182 : memref<128x128xf32, #tpu.memory_space<vmem>>) offsets(%dma_start3A_189 : memref<128xi32, #tpu.memory_space<vmem>>) semaphore(%dma_start3A_194 : memref<!tpu.dma_semaphore, #tpu.memory_space<semaphore_mem>>)
      %dma_wait3A_195 = arith.constant 0 : i32
      %dma_wait3A_196 = arith.constant 0 : i32
      %dma_wait3A_197 = arith.constant 0 : i32
      %dma_wait3A_198 = arith.constant 0 : i32
      %dma_wait3A_199 = tpu.memref_slice %arg9[%dma_wait3A_195, %dma_wait3A_197, %dma_wait3A_198] : memref<2x128x128xf32, #tpu.memory_space<vmem>> -> memref<1x128x128xf32, #tpu.memory_space<vmem>>
      %dma_wait3A_200 = tpu.memref_squeeze %dma_wait3A_199 : memref<1x128x128xf32, #tpu.memory_space<vmem>> -> memref<128x128xf32, #tpu.memory_space<vmem>>
      %dma_wait3A_201 = arith.constant 0 : i32
      %dma_wait3A_202 = arith.constant 0 : i32
      %dma_wait3A_203 = tpu.memref_slice %arg2[%dma_wait3A_201, %dma_wait3A_202] : memref<10000x128xf32, #tpu.memory_space<hbm>> -> memref<128x128xf32, #tpu.memory_space<hbm>>
      %dma_wait3A_204 = tpu.memref_slice %arg11[%dma_wait3A_196] : memref<2x!tpu.dma_semaphore, #tpu.memory_space<semaphore_mem>> -> memref<1x!tpu.dma_semaphore, #tpu.memory_space<semaphore_mem>>
      %dma_wait3A_205 = tpu.memref_squeeze %dma_wait3A_204 : memref<1x!tpu.dma_semaphore, #tpu.memory_space<semaphore_mem>> -> memref<!tpu.dma_semaphore, #tpu.memory_space<semaphore_mem>>
      %dma_wait3A_206 = arith.constant 0 : i32
      %dma_wait3A_207 = arith.constant 0 : i32
      %dma_wait3A_208 = tpu.memref_slice %arg9[%dma_wait3A_195, %dma_wait3A_206, %dma_wait3A_207] : memref<2x128x128xf32, #tpu.memory_space<vmem>> -> memref<1x128x128xf32, #tpu.memory_space<vmem>>
      %dma_wait3A_209 = tpu.memref_squeeze %dma_wait3A_208 : memref<1x128x128xf32, #tpu.memory_space<vmem>> -> memref<128x128xf32, #tpu.memory_space<vmem>>
      %dma_wait3A_210 = arith.constant 0 : i32
      %dma_wait3A_211 = arith.constant 0 : i32
      %dma_wait3A_212 = tpu.memref_slice %arg2[%dma_wait3A_210, %dma_wait3A_211] : memref<10000x128xf32, #tpu.memory_space<hbm>> -> memref<128x128xf32, #tpu.memory_space<hbm>>
      tpu.wait_dma2 semaphore(%dma_wait3A_205 : memref<!tpu.dma_semaphore, #tpu.memory_space<semaphore_mem>>) src(%dma_wait3A_212 : memref<128x128xf32, #tpu.memory_space<hbm>>) dst(%dma_wait3A_209 : memref<128x128xf32, #tpu.memory_space<vmem>>)
      %add3A_213 = arith.addi %mul3A_2, %add3A_171 : i32
      %mul3A_214 = arith.constant 128 : i32
      %mul3A_215 = arith.muli %add3A_213, %mul3A_214 : i32
      %dma_start3A_216 = arith.constant 0 : i32
      %dma_start3A_217 = arith.constant 0 : i32
      %dma_start3A_218 = arith.constant 0 : i32
      %dma_start3A_219 = arith.constant 0 : i32
      %dma_start3A_220 = tpu.memref_slice %arg9[%dma_start3A_216, %dma_start3A_218, %dma_start3A_219] : memref<2x128x128xf32, #tpu.memory_space<vmem>> -> memref<1x128x128xf32, #tpu.memory_space<vmem>>
      %dma_start3A_221 = tpu.memref_squeeze %dma_start3A_220 : memref<1x128x128xf32, #tpu.memory_space<vmem>> -> memref<128x128xf32, #tpu.memory_space<vmem>>
      %dma_start3A_222 = arith.constant 0 : i32
      %dma_start3A_223 = tpu.memref_slice %arg6[%mul3A_215, %dma_start3A_222] : memref<327680x128xf32, #tpu.memory_space<hbm>> -> memref<128x128xf32, #tpu.memory_space<hbm>>
      %dma_start3A_224 = tpu.memref_slice %arg12[%dma_start3A_217] : memref<2x!tpu.dma_semaphore, #tpu.memory_space<semaphore_mem>> -> memref<1x!tpu.dma_semaphore, #tpu.memory_space<semaphore_mem>>
      %dma_start3A_225 = tpu.memref_squeeze %dma_start3A_224 : memref<1x!tpu.dma_semaphore, #tpu.memory_space<semaphore_mem>> -> memref<!tpu.dma_semaphore, #tpu.memory_space<semaphore_mem>>
      %dma_start3A_226 = arith.constant 0 : i32
      %dma_start3A_227 = tpu.memref_slice %arg6[%mul3A_215, %dma_start3A_226] : memref<327680x128xf32, #tpu.memory_space<hbm>> -> memref<128x128xf32, #tpu.memory_space<hbm>>
      %dma_start3A_228 = arith.constant 0 : i32
      %dma_start3A_229 = arith.constant 0 : i32
      %dma_start3A_230 = tpu.memref_slice %arg9[%dma_start3A_216, %dma_start3A_228, %dma_start3A_229] : memref<2x128x128xf32, #tpu.memory_space<vmem>> -> memref<1x128x128xf32, #tpu.memory_space<vmem>>
      %dma_start3A_231 = tpu.memref_squeeze %dma_start3A_230 : memref<1x128x128xf32, #tpu.memory_space<vmem>> -> memref<128x128xf32, #tpu.memory_space<vmem>>
      tpu.enqueue_dma source(%dma_start3A_231 : memref<128x128xf32, #tpu.memory_space<vmem>>) target(%dma_start3A_227 : memref<128x128xf32, #tpu.memory_space<hbm>>) target_semaphore(%dma_start3A_225 : memref<!tpu.dma_semaphore, #tpu.memory_space<semaphore_mem>>)
      %mul3A_232 = arith.constant 8 : i32
      %mul3A_233 = arith.muli %scan3A_138, %mul3A_232 : i32
      %add3A_234 = arith.constant 1 : i32
      %add3A_235 = arith.addi %mul3A_233, %add3A_234 : i32
      %ge3A_236 = arith.constant 1 : i32
      %ge3A_237 = arith.cmpi sge, %add3A_235, %ge3A_236 : i32
      %convert_element_type3A_238 = arith.extui %ge3A_237 : i1 to i32
      %cond3A_239 = arith.constant 0 : i32
      %cond3A_240 = arith.cmpi ne, %convert_element_type3A_238, %cond3A_239 : i32
      scf.if %cond3A_240 {
        %dma_wait3A_682 = arith.constant 0 : i32
        %dma_wait3A_683 = arith.constant 0 : i32
        %dma_wait3A_684 = arith.constant 0 : i32
        %dma_wait3A_685 = arith.constant 0 : i32
        %dma_wait3A_686 = tpu.memref_slice %arg9[%dma_wait3A_682, %dma_wait3A_684, %dma_wait3A_685] : memref<2x128x128xf32, #tpu.memory_space<vmem>> -> memref<1x128x128xf32, #tpu.memory_space<vmem>>
        %dma_wait3A_687 = tpu.memref_squeeze %dma_wait3A_686 : memref<1x128x128xf32, #tpu.memory_space<vmem>> -> memref<128x128xf32, #tpu.memory_space<vmem>>
        %dma_wait3A_688 = arith.constant 0 : i32
        %dma_wait3A_689 = arith.constant 0 : i32
        %dma_wait3A_690 = tpu.memref_slice %arg2[%dma_wait3A_688, %dma_wait3A_689] : memref<10000x128xf32, #tpu.memory_space<hbm>> -> memref<128x128xf32, #tpu.memory_space<hbm>>
        %dma_wait3A_691 = tpu.memref_slice %arg12[%dma_wait3A_683] : memref<2x!tpu.dma_semaphore, #tpu.memory_space<semaphore_mem>> -> memref<1x!tpu.dma_semaphore, #tpu.memory_space<semaphore_mem>>
        %dma_wait3A_692 = tpu.memref_squeeze %dma_wait3A_691 : memref<1x!tpu.dma_semaphore, #tpu.memory_space<semaphore_mem>> -> memref<!tpu.dma_semaphore, #tpu.memory_space<semaphore_mem>>
        %dma_wait3A_693 = arith.constant 0 : i32
        %dma_wait3A_694 = arith.constant 0 : i32
        %dma_wait3A_695 = tpu.memref_slice %arg9[%dma_wait3A_682, %dma_wait3A_693, %dma_wait3A_694] : memref<2x128x128xf32, #tpu.memory_space<vmem>> -> memref<1x128x128xf32, #tpu.memory_space<vmem>>
        %dma_wait3A_696 = tpu.memref_squeeze %dma_wait3A_695 : memref<1x128x128xf32, #tpu.memory_space<vmem>> -> memref<128x128xf32, #tpu.memory_space<vmem>>
        %dma_wait3A_697 = arith.constant 0 : i32
        %dma_wait3A_698 = arith.constant 0 : i32
        %dma_wait3A_699 = tpu.memref_slice %arg2[%dma_wait3A_697, %dma_wait3A_698] : memref<10000x128xf32, #tpu.memory_space<hbm>> -> memref<128x128xf32, #tpu.memory_space<hbm>>
        tpu.wait_dma2 semaphore(%dma_wait3A_692 : memref<!tpu.dma_semaphore, #tpu.memory_space<semaphore_mem>>) src(%dma_wait3A_699 : memref<128x128xf32, #tpu.memory_space<hbm>>) dst(%dma_wait3A_696 : memref<128x128xf32, #tpu.memory_space<vmem>>)
      } else {
      }
      %dma_start3A_241 = arith.constant 2 : i32
      %dma_start3A_242 = arith.constant 0 : i32
      %dma_start3A_243 = arith.constant 0 : i32
      %dma_start3A_244 = arith.constant 0 : i32
      %dma_start3A_245 = arith.constant 0 : i32
      %dma_start3A_246 = tpu.memref_slice %arg9[%dma_start3A_242, %dma_start3A_244, %dma_start3A_245] : memref<2x128x128xf32, #tpu.memory_space<vmem>> -> memref<1x128x128xf32, #tpu.memory_space<vmem>>
      %dma_start3A_247 = tpu.memref_squeeze %dma_start3A_246 : memref<1x128x128xf32, #tpu.memory_space<vmem>> -> memref<128x128xf32, #tpu.memory_space<vmem>>
      %dma_start3A_248 = arith.constant 0 : i32
      %dma_start3A_249 = arith.constant 0 : i32
      %dma_start3A_250 = tpu.memref_slice %arg7[%select_n3A_149, %dma_start3A_248, %dma_start3A_249] : memref<2x8x128xi32, #tpu.memory_space<vmem>> -> memref<1x8x128xi32, #tpu.memory_space<vmem>>
      %dma_start3A_251 = tpu.memref_squeeze %dma_start3A_250 : memref<1x8x128xi32, #tpu.memory_space<vmem>> -> memref<8x128xi32, #tpu.memory_space<vmem>>
      %dma_start3A_252 = arith.constant 0 : i32
      %dma_start3A_253 = tpu.memref_slice %dma_start3A_251[%dma_start3A_241, %dma_start3A_252] : memref<8x128xi32, #tpu.memory_space<vmem>> -> memref<1x128xi32, #tpu.memory_space<vmem>>
      %dma_start3A_254 = tpu.memref_squeeze %dma_start3A_253 : memref<1x128xi32, #tpu.memory_space<vmem>> -> memref<128xi32, #tpu.memory_space<vmem>>
      %dma_start3A_255 = arith.constant 0 : i32
      %dma_start3A_256 = arith.constant 0 : i32
      %dma_start3A_257 = tpu.memref_slice %arg10[%dma_start3A_255, %dma_start3A_256] : memref<10112x128xf32, #tpu.memory_space<vmem_shared>> -> memref<10112x128xf32, #tpu.memory_space<vmem_shared>>
      %dma_start3A_258 = tpu.memref_slice %arg11[%dma_start3A_243] : memref<2x!tpu.dma_semaphore, #tpu.memory_space<semaphore_mem>> -> memref<1x!tpu.dma_semaphore, #tpu.memory_space<semaphore_mem>>
      %dma_start3A_259 = tpu.memref_squeeze %dma_start3A_258 : memref<1x!tpu.dma_semaphore, #tpu.memory_space<semaphore_mem>> -> memref<!tpu.dma_semaphore, #tpu.memory_space<semaphore_mem>>
      tpu.enqueue_indirect_dma source(%dma_start3A_257 : memref<10112x128xf32, #tpu.memory_space<vmem_shared>>) target(%dma_start3A_247 : memref<128x128xf32, #tpu.memory_space<vmem>>) offsets(%dma_start3A_254 : memref<128xi32, #tpu.memory_space<vmem>>) semaphore(%dma_start3A_259 : memref<!tpu.dma_semaphore, #tpu.memory_space<semaphore_mem>>)
      %dma_wait3A_260 = arith.constant 1 : i32
      %dma_wait3A_261 = arith.constant 1 : i32
      %dma_wait3A_262 = arith.constant 0 : i32
      %dma_wait3A_263 = arith.constant 0 : i32
      %dma_wait3A_264 = tpu.memref_slice %arg9[%dma_wait3A_260, %dma_wait3A_262, %dma_wait3A_263] : memref<2x128x128xf32, #tpu.memory_space<vmem>> -> memref<1x128x128xf32, #tpu.memory_space<vmem>>
      %dma_wait3A_265 = tpu.memref_squeeze %dma_wait3A_264 : memref<1x128x128xf32, #tpu.memory_space<vmem>> -> memref<128x128xf32, #tpu.memory_space<vmem>>
      %dma_wait3A_266 = arith.constant 0 : i32
      %dma_wait3A_267 = arith.constant 0 : i32
      %dma_wait3A_268 = tpu.memref_slice %arg2[%dma_wait3A_266, %dma_wait3A_267] : memref<10000x128xf32, #tpu.memory_space<hbm>> -> memref<128x128xf32, #tpu.memory_space<hbm>>
      %dma_wait3A_269 = tpu.memref_slice %arg11[%dma_wait3A_261] : memref<2x!tpu.dma_semaphore, #tpu.memory_space<semaphore_mem>> -> memref<1x!tpu.dma_semaphore, #tpu.memory_space<semaphore_mem>>
      %dma_wait3A_270 = tpu.memref_squeeze %dma_wait3A_269 : memref<1x!tpu.dma_semaphore, #tpu.memory_space<semaphore_mem>> -> memref<!tpu.dma_semaphore, #tpu.memory_space<semaphore_mem>>
      %dma_wait3A_271 = arith.constant 0 : i32
      %dma_wait3A_272 = arith.constant 0 : i32
      %dma_wait3A_273 = tpu.memref_slice %arg9[%dma_wait3A_260, %dma_wait3A_271, %dma_wait3A_272] : memref<2x128x128xf32, #tpu.memory_space<vmem>> -> memref<1x128x128xf32, #tpu.memory_space<vmem>>
      %dma_wait3A_274 = tpu.memref_squeeze %dma_wait3A_273 : memref<1x128x128xf32, #tpu.memory_space<vmem>> -> memref<128x128xf32, #tpu.memory_space<vmem>>
      %dma_wait3A_275 = arith.constant 0 : i32
      %dma_wait3A_276 = arith.constant 0 : i32
      %dma_wait3A_277 = tpu.memref_slice %arg2[%dma_wait3A_275, %dma_wait3A_276] : memref<10000x128xf32, #tpu.memory_space<hbm>> -> memref<128x128xf32, #tpu.memory_space<hbm>>
      tpu.wait_dma2 semaphore(%dma_wait3A_270 : memref<!tpu.dma_semaphore, #tpu.memory_space<semaphore_mem>>) src(%dma_wait3A_277 : memref<128x128xf32, #tpu.memory_space<hbm>>) dst(%dma_wait3A_274 : memref<128x128xf32, #tpu.memory_space<vmem>>)
      %add3A_278 = arith.addi %mul3A_2, %add3A_235 : i32
      %mul3A_279 = arith.constant 128 : i32
      %mul3A_280 = arith.muli %add3A_278, %mul3A_279 : i32
      %dma_start3A_281 = arith.constant 1 : i32
      %dma_start3A_282 = arith.constant 1 : i32
      %dma_start3A_283 = arith.constant 0 : i32
      %dma_start3A_284 = arith.constant 0 : i32
      %dma_start3A_285 = tpu.memref_slice %arg9[%dma_start3A_281, %dma_start3A_283, %dma_start3A_284] : memref<2x128x128xf32, #tpu.memory_space<vmem>> -> memref<1x128x128xf32, #tpu.memory_space<vmem>>
      %dma_start3A_286 = tpu.memref_squeeze %dma_start3A_285 : memref<1x128x128xf32, #tpu.memory_space<vmem>> -> memref<128x128xf32, #tpu.memory_space<vmem>>
      %dma_start3A_287 = arith.constant 0 : i32
      %dma_start3A_288 = tpu.memref_slice %arg6[%mul3A_280, %dma_start3A_287] : memref<327680x128xf32, #tpu.memory_space<hbm>> -> memref<128x128xf32, #tpu.memory_space<hbm>>
      %dma_start3A_289 = tpu.memref_slice %arg12[%dma_start3A_282] : memref<2x!tpu.dma_semaphore, #tpu.memory_space<semaphore_mem>> -> memref<1x!tpu.dma_semaphore, #tpu.memory_space<semaphore_mem>>
      %dma_start3A_290 = tpu.memref_squeeze %dma_start3A_289 : memref<1x!tpu.dma_semaphore, #tpu.memory_space<semaphore_mem>> -> memref<!tpu.dma_semaphore, #tpu.memory_space<semaphore_mem>>
      %dma_start3A_291 = arith.constant 0 : i32
      %dma_start3A_292 = tpu.memref_slice %arg6[%mul3A_280, %dma_start3A_291] : memref<327680x128xf32, #tpu.memory_space<hbm>> -> memref<128x128xf32, #tpu.memory_space<hbm>>
      %dma_start3A_293 = arith.constant 0 : i32
      %dma_start3A_294 = arith.constant 0 : i32
      %dma_start3A_295 = tpu.memref_slice %arg9[%dma_start3A_281, %dma_start3A_293, %dma_start3A_294] : memref<2x128x128xf32, #tpu.memory_space<vmem>> -> memref<1x128x128xf32, #tpu.memory_space<vmem>>
      %dma_start3A_296 = tpu.memref_squeeze %dma_start3A_295 : memref<1x128x128xf32, #tpu.memory_space<vmem>> -> memref<128x128xf32, #tpu.memory_space<vmem>>
      tpu.enqueue_dma source(%dma_start3A_296 : memref<128x128xf32, #tpu.memory_space<vmem>>) target(%dma_start3A_292 : memref<128x128xf32, #tpu.memory_space<hbm>>) target_semaphore(%dma_start3A_290 : memref<!tpu.dma_semaphore, #tpu.memory_space<semaphore_mem>>)
      %mul3A_297 = arith.constant 8 : i32
      %mul3A_298 = arith.muli %scan3A_138, %mul3A_297 : i32
      %add3A_299 = arith.constant 2 : i32
      %add3A_300 = arith.addi %mul3A_298, %add3A_299 : i32
      %ge3A_301 = arith.constant 1 : i32
      %ge3A_302 = arith.cmpi sge, %add3A_300, %ge3A_301 : i32
      %convert_element_type3A_303 = arith.extui %ge3A_302 : i1 to i32
      %cond3A_304 = arith.constant 0 : i32
      %cond3A_305 = arith.cmpi ne, %convert_element_type3A_303, %cond3A_304 : i32
      scf.if %cond3A_305 {
        %dma_wait3A_682 = arith.constant 1 : i32
        %dma_wait3A_683 = arith.constant 1 : i32
        %dma_wait3A_684 = arith.constant 0 : i32
        %dma_wait3A_685 = arith.constant 0 : i32
        %dma_wait3A_686 = tpu.memref_slice %arg9[%dma_wait3A_682, %dma_wait3A_684, %dma_wait3A_685] : memref<2x128x128xf32, #tpu.memory_space<vmem>> -> memref<1x128x128xf32, #tpu.memory_space<vmem>>
        %dma_wait3A_687 = tpu.memref_squeeze %dma_wait3A_686 : memref<1x128x128xf32, #tpu.memory_space<vmem>> -> memref<128x128xf32, #tpu.memory_space<vmem>>
        %dma_wait3A_688 = arith.constant 0 : i32
        %dma_wait3A_689 = arith.constant 0 : i32
        %dma_wait3A_690 = tpu.memref_slice %arg2[%dma_wait3A_688, %dma_wait3A_689] : memref<10000x128xf32, #tpu.memory_space<hbm>> -> memref<128x128xf32, #tpu.memory_space<hbm>>
        %dma_wait3A_691 = tpu.memref_slice %arg12[%dma_wait3A_683] : memref<2x!tpu.dma_semaphore, #tpu.memory_space<semaphore_mem>> -> memref<1x!tpu.dma_semaphore, #tpu.memory_space<semaphore_mem>>
        %dma_wait3A_692 = tpu.memref_squeeze %dma_wait3A_691 : memref<1x!tpu.dma_semaphore, #tpu.memory_space<semaphore_mem>> -> memref<!tpu.dma_semaphore, #tpu.memory_space<semaphore_mem>>
        %dma_wait3A_693 = arith.constant 0 : i32
        %dma_wait3A_694 = arith.constant 0 : i32
        %dma_wait3A_695 = tpu.memref_slice %arg9[%dma_wait3A_682, %dma_wait3A_693, %dma_wait3A_694] : memref<2x128x128xf32, #tpu.memory_space<vmem>> -> memref<1x128x128xf32, #tpu.memory_space<vmem>>
        %dma_wait3A_696 = tpu.memref_squeeze %dma_wait3A_695 : memref<1x128x128xf32, #tpu.memory_space<vmem>> -> memref<128x128xf32, #tpu.memory_space<vmem>>
        %dma_wait3A_697 = arith.constant 0 : i32
        %dma_wait3A_698 = arith.constant 0 : i32
        %dma_wait3A_699 = tpu.memref_slice %arg2[%dma_wait3A_697, %dma_wait3A_698] : memref<10000x128xf32, #tpu.memory_space<hbm>> -> memref<128x128xf32, #tpu.memory_space<hbm>>
        tpu.wait_dma2 semaphore(%dma_wait3A_692 : memref<!tpu.dma_semaphore, #tpu.memory_space<semaphore_mem>>) src(%dma_wait3A_699 : memref<128x128xf32, #tpu.memory_space<hbm>>) dst(%dma_wait3A_696 : memref<128x128xf32, #tpu.memory_space<vmem>>)
      } else {
      }
      %dma_start3A_306 = arith.constant 3 : i32
      %dma_start3A_307 = arith.constant 1 : i32
      %dma_start3A_308 = arith.constant 1 : i32
      %dma_start3A_309 = arith.constant 0 : i32
      %dma_start3A_310 = arith.constant 0 : i32
      %dma_start3A_311 = tpu.memref_slice %arg9[%dma_start3A_307, %dma_start3A_309, %dma_start3A_310] : memref<2x128x128xf32, #tpu.memory_space<vmem>> -> memref<1x128x128xf32, #tpu.memory_space<vmem>>
      %dma_start3A_312 = tpu.memref_squeeze %dma_start3A_311 : memref<1x128x128xf32, #tpu.memory_space<vmem>> -> memref<128x128xf32, #tpu.memory_space<vmem>>
      %dma_start3A_313 = arith.constant 0 : i32
      %dma_start3A_314 = arith.constant 0 : i32
      %dma_start3A_315 = tpu.memref_slice %arg7[%select_n3A_149, %dma_start3A_313, %dma_start3A_314] : memref<2x8x128xi32, #tpu.memory_space<vmem>> -> memref<1x8x128xi32, #tpu.memory_space<vmem>>
      %dma_start3A_316 = tpu.memref_squeeze %dma_start3A_315 : memref<1x8x128xi32, #tpu.memory_space<vmem>> -> memref<8x128xi32, #tpu.memory_space<vmem>>
      %dma_start3A_317 = arith.constant 0 : i32
      %dma_start3A_318 = tpu.memref_slice %dma_start3A_316[%dma_start3A_306, %dma_start3A_317] : memref<8x128xi32, #tpu.memory_space<vmem>> -> memref<1x128xi32, #tpu.memory_space<vmem>>
      %dma_start3A_319 = tpu.memref_squeeze %dma_start3A_318 : memref<1x128xi32, #tpu.memory_space<vmem>> -> memref<128xi32, #tpu.memory_space<vmem>>
      %dma_start3A_320 = arith.constant 0 : i32
      %dma_start3A_321 = arith.constant 0 : i32
      %dma_start3A_322 = tpu.memref_slice %arg10[%dma_start3A_320, %dma_start3A_321] : memref<10112x128xf32, #tpu.memory_space<vmem_shared>> -> memref<10112x128xf32, #tpu.memory_space<vmem_shared>>
      %dma_start3A_323 = tpu.memref_slice %arg11[%dma_start3A_308] : memref<2x!tpu.dma_semaphore, #tpu.memory_space<semaphore_mem>> -> memref<1x!tpu.dma_semaphore, #tpu.memory_space<semaphore_mem>>
      %dma_start3A_324 = tpu.memref_squeeze %dma_start3A_323 : memref<1x!tpu.dma_semaphore, #tpu.memory_space<semaphore_mem>> -> memref<!tpu.dma_semaphore, #tpu.memory_space<semaphore_mem>>
      tpu.enqueue_indirect_dma source(%dma_start3A_322 : memref<10112x128xf32, #tpu.memory_space<vmem_shared>>) target(%dma_start3A_312 : memref<128x128xf32, #tpu.memory_space<vmem>>) offsets(%dma_start3A_319 : memref<128xi32, #tpu.memory_space<vmem>>) semaphore(%dma_start3A_324 : memref<!tpu.dma_semaphore, #tpu.memory_space<semaphore_mem>>)
      %dma_wait3A_325 = arith.constant 0 : i32
      %dma_wait3A_326 = arith.constant 0 : i32
      %dma_wait3A_327 = arith.constant 0 : i32
      %dma_wait3A_328 = arith.constant 0 : i32
      %dma_wait3A_329 = tpu.memref_slice %arg9[%dma_wait3A_325, %dma_wait3A_327, %dma_wait3A_328] : memref<2x128x128xf32, #tpu.memory_space<vmem>> -> memref<1x128x128xf32, #tpu.memory_space<vmem>>
      %dma_wait3A_330 = tpu.memref_squeeze %dma_wait3A_329 : memref<1x128x128xf32, #tpu.memory_space<vmem>> -> memref<128x128xf32, #tpu.memory_space<vmem>>
      %dma_wait3A_331 = arith.constant 0 : i32
      %dma_wait3A_332 = arith.constant 0 : i32
      %dma_wait3A_333 = tpu.memref_slice %arg2[%dma_wait3A_331, %dma_wait3A_332] : memref<10000x128xf32, #tpu.memory_space<hbm>> -> memref<128x128xf32, #tpu.memory_space<hbm>>
      %dma_wait3A_334 = tpu.memref_slice %arg11[%dma_wait3A_326] : memref<2x!tpu.dma_semaphore, #tpu.memory_space<semaphore_mem>> -> memref<1x!tpu.dma_semaphore, #tpu.memory_space<semaphore_mem>>
      %dma_wait3A_335 = tpu.memref_squeeze %dma_wait3A_334 : memref<1x!tpu.dma_semaphore, #tpu.memory_space<semaphore_mem>> -> memref<!tpu.dma_semaphore, #tpu.memory_space<semaphore_mem>>
      %dma_wait3A_336 = arith.constant 0 : i32
      %dma_wait3A_337 = arith.constant 0 : i32
      %dma_wait3A_338 = tpu.memref_slice %arg9[%dma_wait3A_325, %dma_wait3A_336, %dma_wait3A_337] : memref<2x128x128xf32, #tpu.memory_space<vmem>> -> memref<1x128x128xf32, #tpu.memory_space<vmem>>
      %dma_wait3A_339 = tpu.memref_squeeze %dma_wait3A_338 : memref<1x128x128xf32, #tpu.memory_space<vmem>> -> memref<128x128xf32, #tpu.memory_space<vmem>>
      %dma_wait3A_340 = arith.constant 0 : i32
      %dma_wait3A_341 = arith.constant 0 : i32
      %dma_wait3A_342 = tpu.memref_slice %arg2[%dma_wait3A_340, %dma_wait3A_341] : memref<10000x128xf32, #tpu.memory_space<hbm>> -> memref<128x128xf32, #tpu.memory_space<hbm>>
      tpu.wait_dma2 semaphore(%dma_wait3A_335 : memref<!tpu.dma_semaphore, #tpu.memory_space<semaphore_mem>>) src(%dma_wait3A_342 : memref<128x128xf32, #tpu.memory_space<hbm>>) dst(%dma_wait3A_339 : memref<128x128xf32, #tpu.memory_space<vmem>>)
      %add3A_343 = arith.addi %mul3A_2, %add3A_300 : i32
      %mul3A_344 = arith.constant 128 : i32
      %mul3A_345 = arith.muli %add3A_343, %mul3A_344 : i32
      %dma_start3A_346 = arith.constant 0 : i32
      %dma_start3A_347 = arith.constant 0 : i32
      %dma_start3A_348 = arith.constant 0 : i32
      %dma_start3A_349 = arith.constant 0 : i32
      %dma_start3A_350 = tpu.memref_slice %arg9[%dma_start3A_346, %dma_start3A_348, %dma_start3A_349] : memref<2x128x128xf32, #tpu.memory_space<vmem>> -> memref<1x128x128xf32, #tpu.memory_space<vmem>>
      %dma_start3A_351 = tpu.memref_squeeze %dma_start3A_350 : memref<1x128x128xf32, #tpu.memory_space<vmem>> -> memref<128x128xf32, #tpu.memory_space<vmem>>
      %dma_start3A_352 = arith.constant 0 : i32
      %dma_start3A_353 = tpu.memref_slice %arg6[%mul3A_345, %dma_start3A_352] : memref<327680x128xf32, #tpu.memory_space<hbm>> -> memref<128x128xf32, #tpu.memory_space<hbm>>
      %dma_start3A_354 = tpu.memref_slice %arg12[%dma_start3A_347] : memref<2x!tpu.dma_semaphore, #tpu.memory_space<semaphore_mem>> -> memref<1x!tpu.dma_semaphore, #tpu.memory_space<semaphore_mem>>
      %dma_start3A_355 = tpu.memref_squeeze %dma_start3A_354 : memref<1x!tpu.dma_semaphore, #tpu.memory_space<semaphore_mem>> -> memref<!tpu.dma_semaphore, #tpu.memory_space<semaphore_mem>>
      %dma_start3A_356 = arith.constant 0 : i32
      %dma_start3A_357 = tpu.memref_slice %arg6[%mul3A_345, %dma_start3A_356] : memref<327680x128xf32, #tpu.memory_space<hbm>> -> memref<128x128xf32, #tpu.memory_space<hbm>>
      %dma_start3A_358 = arith.constant 0 : i32
      %dma_start3A_359 = arith.constant 0 : i32
      %dma_start3A_360 = tpu.memref_slice %arg9[%dma_start3A_346, %dma_start3A_358, %dma_start3A_359] : memref<2x128x128xf32, #tpu.memory_space<vmem>> -> memref<1x128x128xf32, #tpu.memory_space<vmem>>
      %dma_start3A_361 = tpu.memref_squeeze %dma_start3A_360 : memref<1x128x128xf32, #tpu.memory_space<vmem>> -> memref<128x128xf32, #tpu.memory_space<vmem>>
      tpu.enqueue_dma source(%dma_start3A_361 : memref<128x128xf32, #tpu.memory_space<vmem>>) target(%dma_start3A_357 : memref<128x128xf32, #tpu.memory_space<hbm>>) target_semaphore(%dma_start3A_355 : memref<!tpu.dma_semaphore, #tpu.memory_space<semaphore_mem>>)
      %mul3A_362 = arith.constant 8 : i32
      %mul3A_363 = arith.muli %scan3A_138, %mul3A_362 : i32
      %add3A_364 = arith.constant 3 : i32
      %add3A_365 = arith.addi %mul3A_363, %add3A_364 : i32
      %ge3A_366 = arith.constant 1 : i32
      %ge3A_367 = arith.cmpi sge, %add3A_365, %ge3A_366 : i32
      %convert_element_type3A_368 = arith.extui %ge3A_367 : i1 to i32
      %cond3A_369 = arith.constant 0 : i32
      %cond3A_370 = arith.cmpi ne, %convert_element_type3A_368, %cond3A_369 : i32
      scf.if %cond3A_370 {
        %dma_wait3A_682 = arith.constant 0 : i32
        %dma_wait3A_683 = arith.constant 0 : i32
        %dma_wait3A_684 = arith.constant 0 : i32
        %dma_wait3A_685 = arith.constant 0 : i32
        %dma_wait3A_686 = tpu.memref_slice %arg9[%dma_wait3A_682, %dma_wait3A_684, %dma_wait3A_685] : memref<2x128x128xf32, #tpu.memory_space<vmem>> -> memref<1x128x128xf32, #tpu.memory_space<vmem>>
        %dma_wait3A_687 = tpu.memref_squeeze %dma_wait3A_686 : memref<1x128x128xf32, #tpu.memory_space<vmem>> -> memref<128x128xf32, #tpu.memory_space<vmem>>
        %dma_wait3A_688 = arith.constant 0 : i32
        %dma_wait3A_689 = arith.constant 0 : i32
        %dma_wait3A_690 = tpu.memref_slice %arg2[%dma_wait3A_688, %dma_wait3A_689] : memref<10000x128xf32, #tpu.memory_space<hbm>> -> memref<128x128xf32, #tpu.memory_space<hbm>>
        %dma_wait3A_691 = tpu.memref_slice %arg12[%dma_wait3A_683] : memref<2x!tpu.dma_semaphore, #tpu.memory_space<semaphore_mem>> -> memref<1x!tpu.dma_semaphore, #tpu.memory_space<semaphore_mem>>
        %dma_wait3A_692 = tpu.memref_squeeze %dma_wait3A_691 : memref<1x!tpu.dma_semaphore, #tpu.memory_space<semaphore_mem>> -> memref<!tpu.dma_semaphore, #tpu.memory_space<semaphore_mem>>
        %dma_wait3A_693 = arith.constant 0 : i32
        %dma_wait3A_694 = arith.constant 0 : i32
        %dma_wait3A_695 = tpu.memref_slice %arg9[%dma_wait3A_682, %dma_wait3A_693, %dma_wait3A_694] : memref<2x128x128xf32, #tpu.memory_space<vmem>> -> memref<1x128x128xf32, #tpu.memory_space<vmem>>
        %dma_wait3A_696 = tpu.memref_squeeze %dma_wait3A_695 : memref<1x128x128xf32, #tpu.memory_space<vmem>> -> memref<128x128xf32, #tpu.memory_space<vmem>>
        %dma_wait3A_697 = arith.constant 0 : i32
        %dma_wait3A_698 = arith.constant 0 : i32
        %dma_wait3A_699 = tpu.memref_slice %arg2[%dma_wait3A_697, %dma_wait3A_698] : memref<10000x128xf32, #tpu.memory_space<hbm>> -> memref<128x128xf32, #tpu.memory_space<hbm>>
        tpu.wait_dma2 semaphore(%dma_wait3A_692 : memref<!tpu.dma_semaphore, #tpu.memory_space<semaphore_mem>>) src(%dma_wait3A_699 : memref<128x128xf32, #tpu.memory_space<hbm>>) dst(%dma_wait3A_696 : memref<128x128xf32, #tpu.memory_space<vmem>>)
      } else {
      }
      %dma_start3A_371 = arith.constant 4 : i32
      %dma_start3A_372 = arith.constant 0 : i32
      %dma_start3A_373 = arith.constant 0 : i32
      %dma_start3A_374 = arith.constant 0 : i32
      %dma_start3A_375 = arith.constant 0 : i32
      %dma_start3A_376 = tpu.memref_slice %arg9[%dma_start3A_372, %dma_start3A_374, %dma_start3A_375] : memref<2x128x128xf32, #tpu.memory_space<vmem>> -> memref<1x128x128xf32, #tpu.memory_space<vmem>>
      %dma_start3A_377 = tpu.memref_squeeze %dma_start3A_376 : memref<1x128x128xf32, #tpu.memory_space<vmem>> -> memref<128x128xf32, #tpu.memory_space<vmem>>
      %dma_start3A_378 = arith.constant 0 : i32
      %dma_start3A_379 = arith.constant 0 : i32
      %dma_start3A_380 = tpu.memref_slice %arg7[%select_n3A_149, %dma_start3A_378, %dma_start3A_379] : memref<2x8x128xi32, #tpu.memory_space<vmem>> -> memref<1x8x128xi32, #tpu.memory_space<vmem>>
      %dma_start3A_381 = tpu.memref_squeeze %dma_start3A_380 : memref<1x8x128xi32, #tpu.memory_space<vmem>> -> memref<8x128xi32, #tpu.memory_space<vmem>>
      %dma_start3A_382 = arith.constant 0 : i32
      %dma_start3A_383 = tpu.memref_slice %dma_start3A_381[%dma_start3A_371, %dma_start3A_382] : memref<8x128xi32, #tpu.memory_space<vmem>> -> memref<1x128xi32, #tpu.memory_space<vmem>>
      %dma_start3A_384 = tpu.memref_squeeze %dma_start3A_383 : memref<1x128xi32, #tpu.memory_space<vmem>> -> memref<128xi32, #tpu.memory_space<vmem>>
      %dma_start3A_385 = arith.constant 0 : i32
      %dma_start3A_386 = arith.constant 0 : i32
      %dma_start3A_387 = tpu.memref_slice %arg10[%dma_start3A_385, %dma_start3A_386] : memref<10112x128xf32, #tpu.memory_space<vmem_shared>> -> memref<10112x128xf32, #tpu.memory_space<vmem_shared>>
      %dma_start3A_388 = tpu.memref_slice %arg11[%dma_start3A_373] : memref<2x!tpu.dma_semaphore, #tpu.memory_space<semaphore_mem>> -> memref<1x!tpu.dma_semaphore, #tpu.memory_space<semaphore_mem>>
      %dma_start3A_389 = tpu.memref_squeeze %dma_start3A_388 : memref<1x!tpu.dma_semaphore, #tpu.memory_space<semaphore_mem>> -> memref<!tpu.dma_semaphore, #tpu.memory_space<semaphore_mem>>
      tpu.enqueue_indirect_dma source(%dma_start3A_387 : memref<10112x128xf32, #tpu.memory_space<vmem_shared>>) target(%dma_start3A_377 : memref<128x128xf32, #tpu.memory_space<vmem>>) offsets(%dma_start3A_384 : memref<128xi32, #tpu.memory_space<vmem>>) semaphore(%dma_start3A_389 : memref<!tpu.dma_semaphore, #tpu.memory_space<semaphore_mem>>)
      %dma_wait3A_390 = arith.constant 1 : i32
      %dma_wait3A_391 = arith.constant 1 : i32
      %dma_wait3A_392 = arith.constant 0 : i32
      %dma_wait3A_393 = arith.constant 0 : i32
      %dma_wait3A_394 = tpu.memref_slice %arg9[%dma_wait3A_390, %dma_wait3A_392, %dma_wait3A_393] : memref<2x128x128xf32, #tpu.memory_space<vmem>> -> memref<1x128x128xf32, #tpu.memory_space<vmem>>
      %dma_wait3A_395 = tpu.memref_squeeze %dma_wait3A_394 : memref<1x128x128xf32, #tpu.memory_space<vmem>> -> memref<128x128xf32, #tpu.memory_space<vmem>>
      %dma_wait3A_396 = arith.constant 0 : i32
      %dma_wait3A_397 = arith.constant 0 : i32
      %dma_wait3A_398 = tpu.memref_slice %arg2[%dma_wait3A_396, %dma_wait3A_397] : memref<10000x128xf32, #tpu.memory_space<hbm>> -> memref<128x128xf32, #tpu.memory_space<hbm>>
      %dma_wait3A_399 = tpu.memref_slice %arg11[%dma_wait3A_391] : memref<2x!tpu.dma_semaphore, #tpu.memory_space<semaphore_mem>> -> memref<1x!tpu.dma_semaphore, #tpu.memory_space<semaphore_mem>>
      %dma_wait3A_400 = tpu.memref_squeeze %dma_wait3A_399 : memref<1x!tpu.dma_semaphore, #tpu.memory_space<semaphore_mem>> -> memref<!tpu.dma_semaphore, #tpu.memory_space<semaphore_mem>>
      %dma_wait3A_401 = arith.constant 0 : i32
      %dma_wait3A_402 = arith.constant 0 : i32
      %dma_wait3A_403 = tpu.memref_slice %arg9[%dma_wait3A_390, %dma_wait3A_401, %dma_wait3A_402] : memref<2x128x128xf32, #tpu.memory_space<vmem>> -> memref<1x128x128xf32, #tpu.memory_space<vmem>>
      %dma_wait3A_404 = tpu.memref_squeeze %dma_wait3A_403 : memref<1x128x128xf32, #tpu.memory_space<vmem>> -> memref<128x128xf32, #tpu.memory_space<vmem>>
      %dma_wait3A_405 = arith.constant 0 : i32
      %dma_wait3A_406 = arith.constant 0 : i32
      %dma_wait3A_407 = tpu.memref_slice %arg2[%dma_wait3A_405, %dma_wait3A_406] : memref<10000x128xf32, #tpu.memory_space<hbm>> -> memref<128x128xf32, #tpu.memory_space<hbm>>
      tpu.wait_dma2 semaphore(%dma_wait3A_400 : memref<!tpu.dma_semaphore, #tpu.memory_space<semaphore_mem>>) src(%dma_wait3A_407 : memref<128x128xf32, #tpu.memory_space<hbm>>) dst(%dma_wait3A_404 : memref<128x128xf32, #tpu.memory_space<vmem>>)
      %add3A_408 = arith.addi %mul3A_2, %add3A_365 : i32
      %mul3A_409 = arith.constant 128 : i32
      %mul3A_410 = arith.muli %add3A_408, %mul3A_409 : i32
      %dma_start3A_411 = arith.constant 1 : i32
      %dma_start3A_412 = arith.constant 1 : i32
      %dma_start3A_413 = arith.constant 0 : i32
      %dma_start3A_414 = arith.constant 0 : i32
      %dma_start3A_415 = tpu.memref_slice %arg9[%dma_start3A_411, %dma_start3A_413, %dma_start3A_414] : memref<2x128x128xf32, #tpu.memory_space<vmem>> -> memref<1x128x128xf32, #tpu.memory_space<vmem>>
      %dma_start3A_416 = tpu.memref_squeeze %dma_start3A_415 : memref<1x128x128xf32, #tpu.memory_space<vmem>> -> memref<128x128xf32, #tpu.memory_space<vmem>>
      %dma_start3A_417 = arith.constant 0 : i32
      %dma_start3A_418 = tpu.memref_slice %arg6[%mul3A_410, %dma_start3A_417] : memref<327680x128xf32, #tpu.memory_space<hbm>> -> memref<128x128xf32, #tpu.memory_space<hbm>>
      %dma_start3A_419 = tpu.memref_slice %arg12[%dma_start3A_412] : memref<2x!tpu.dma_semaphore, #tpu.memory_space<semaphore_mem>> -> memref<1x!tpu.dma_semaphore, #tpu.memory_space<semaphore_mem>>
      %dma_start3A_420 = tpu.memref_squeeze %dma_start3A_419 : memref<1x!tpu.dma_semaphore, #tpu.memory_space<semaphore_mem>> -> memref<!tpu.dma_semaphore, #tpu.memory_space<semaphore_mem>>
      %dma_start3A_421 = arith.constant 0 : i32
      %dma_start3A_422 = tpu.memref_slice %arg6[%mul3A_410, %dma_start3A_421] : memref<327680x128xf32, #tpu.memory_space<hbm>> -> memref<128x128xf32, #tpu.memory_space<hbm>>
      %dma_start3A_423 = arith.constant 0 : i32
      %dma_start3A_424 = arith.constant 0 : i32
      %dma_start3A_425 = tpu.memref_slice %arg9[%dma_start3A_411, %dma_start3A_423, %dma_start3A_424] : memref<2x128x128xf32, #tpu.memory_space<vmem>> -> memref<1x128x128xf32, #tpu.memory_space<vmem>>
      %dma_start3A_426 = tpu.memref_squeeze %dma_start3A_425 : memref<1x128x128xf32, #tpu.memory_space<vmem>> -> memref<128x128xf32, #tpu.memory_space<vmem>>
      tpu.enqueue_dma source(%dma_start3A_426 : memref<128x128xf32, #tpu.memory_space<vmem>>) target(%dma_start3A_422 : memref<128x128xf32, #tpu.memory_space<hbm>>) target_semaphore(%dma_start3A_420 : memref<!tpu.dma_semaphore, #tpu.memory_space<semaphore_mem>>)
      %mul3A_427 = arith.constant 8 : i32
      %mul3A_428 = arith.muli %scan3A_138, %mul3A_427 : i32
      %add3A_429 = arith.constant 4 : i32
      %add3A_430 = arith.addi %mul3A_428, %add3A_429 : i32
      %ge3A_431 = arith.constant 1 : i32
      %ge3A_432 = arith.cmpi sge, %add3A_430, %ge3A_431 : i32
      %convert_element_type3A_433 = arith.extui %ge3A_432 : i1 to i32
      %cond3A_434 = arith.constant 0 : i32
      %cond3A_435 = arith.cmpi ne, %convert_element_type3A_433, %cond3A_434 : i32
      scf.if %cond3A_435 {
        %dma_wait3A_682 = arith.constant 1 : i32
        %dma_wait3A_683 = arith.constant 1 : i32
        %dma_wait3A_684 = arith.constant 0 : i32
        %dma_wait3A_685 = arith.constant 0 : i32
        %dma_wait3A_686 = tpu.memref_slice %arg9[%dma_wait3A_682, %dma_wait3A_684, %dma_wait3A_685] : memref<2x128x128xf32, #tpu.memory_space<vmem>> -> memref<1x128x128xf32, #tpu.memory_space<vmem>>
        %dma_wait3A_687 = tpu.memref_squeeze %dma_wait3A_686 : memref<1x128x128xf32, #tpu.memory_space<vmem>> -> memref<128x128xf32, #tpu.memory_space<vmem>>
        %dma_wait3A_688 = arith.constant 0 : i32
        %dma_wait3A_689 = arith.constant 0 : i32
        %dma_wait3A_690 = tpu.memref_slice %arg2[%dma_wait3A_688, %dma_wait3A_689] : memref<10000x128xf32, #tpu.memory_space<hbm>> -> memref<128x128xf32, #tpu.memory_space<hbm>>
        %dma_wait3A_691 = tpu.memref_slice %arg12[%dma_wait3A_683] : memref<2x!tpu.dma_semaphore, #tpu.memory_space<semaphore_mem>> -> memref<1x!tpu.dma_semaphore, #tpu.memory_space<semaphore_mem>>
        %dma_wait3A_692 = tpu.memref_squeeze %dma_wait3A_691 : memref<1x!tpu.dma_semaphore, #tpu.memory_space<semaphore_mem>> -> memref<!tpu.dma_semaphore, #tpu.memory_space<semaphore_mem>>
        %dma_wait3A_693 = arith.constant 0 : i32
        %dma_wait3A_694 = arith.constant 0 : i32
        %dma_wait3A_695 = tpu.memref_slice %arg9[%dma_wait3A_682, %dma_wait3A_693, %dma_wait3A_694] : memref<2x128x128xf32, #tpu.memory_space<vmem>> -> memref<1x128x128xf32, #tpu.memory_space<vmem>>
        %dma_wait3A_696 = tpu.memref_squeeze %dma_wait3A_695 : memref<1x128x128xf32, #tpu.memory_space<vmem>> -> memref<128x128xf32, #tpu.memory_space<vmem>>
        %dma_wait3A_697 = arith.constant 0 : i32
        %dma_wait3A_698 = arith.constant 0 : i32
        %dma_wait3A_699 = tpu.memref_slice %arg2[%dma_wait3A_697, %dma_wait3A_698] : memref<10000x128xf32, #tpu.memory_space<hbm>> -> memref<128x128xf32, #tpu.memory_space<hbm>>
        tpu.wait_dma2 semaphore(%dma_wait3A_692 : memref<!tpu.dma_semaphore, #tpu.memory_space<semaphore_mem>>) src(%dma_wait3A_699 : memref<128x128xf32, #tpu.memory_space<hbm>>) dst(%dma_wait3A_696 : memref<128x128xf32, #tpu.memory_space<vmem>>)
      } else {
      }
      %dma_start3A_436 = arith.constant 5 : i32
      %dma_start3A_437 = arith.constant 1 : i32
      %dma_start3A_438 = arith.constant 1 : i32
      %dma_start3A_439 = arith.constant 0 : i32
      %dma_start3A_440 = arith.constant 0 : i32
      %dma_start3A_441 = tpu.memref_slice %arg9[%dma_start3A_437, %dma_start3A_439, %dma_start3A_440] : memref<2x128x128xf32, #tpu.memory_space<vmem>> -> memref<1x128x128xf32, #tpu.memory_space<vmem>>
      %dma_start3A_442 = tpu.memref_squeeze %dma_start3A_441 : memref<1x128x128xf32, #tpu.memory_space<vmem>> -> memref<128x128xf32, #tpu.memory_space<vmem>>
      %dma_start3A_443 = arith.constant 0 : i32
      %dma_start3A_444 = arith.constant 0 : i32
      %dma_start3A_445 = tpu.memref_slice %arg7[%select_n3A_149, %dma_start3A_443, %dma_start3A_444] : memref<2x8x128xi32, #tpu.memory_space<vmem>> -> memref<1x8x128xi32, #tpu.memory_space<vmem>>
      %dma_start3A_446 = tpu.memref_squeeze %dma_start3A_445 : memref<1x8x128xi32, #tpu.memory_space<vmem>> -> memref<8x128xi32, #tpu.memory_space<vmem>>
      %dma_start3A_447 = arith.constant 0 : i32
      %dma_start3A_448 = tpu.memref_slice %dma_start3A_446[%dma_start3A_436, %dma_start3A_447] : memref<8x128xi32, #tpu.memory_space<vmem>> -> memref<1x128xi32, #tpu.memory_space<vmem>>
      %dma_start3A_449 = tpu.memref_squeeze %dma_start3A_448 : memref<1x128xi32, #tpu.memory_space<vmem>> -> memref<128xi32, #tpu.memory_space<vmem>>
      %dma_start3A_450 = arith.constant 0 : i32
      %dma_start3A_451 = arith.constant 0 : i32
      %dma_start3A_452 = tpu.memref_slice %arg10[%dma_start3A_450, %dma_start3A_451] : memref<10112x128xf32, #tpu.memory_space<vmem_shared>> -> memref<10112x128xf32, #tpu.memory_space<vmem_shared>>
      %dma_start3A_453 = tpu.memref_slice %arg11[%dma_start3A_438] : memref<2x!tpu.dma_semaphore, #tpu.memory_space<semaphore_mem>> -> memref<1x!tpu.dma_semaphore, #tpu.memory_space<semaphore_mem>>
      %dma_start3A_454 = tpu.memref_squeeze %dma_start3A_453 : memref<1x!tpu.dma_semaphore, #tpu.memory_space<semaphore_mem>> -> memref<!tpu.dma_semaphore, #tpu.memory_space<semaphore_mem>>
      tpu.enqueue_indirect_dma source(%dma_start3A_452 : memref<10112x128xf32, #tpu.memory_space<vmem_shared>>) target(%dma_start3A_442 : memref<128x128xf32, #tpu.memory_space<vmem>>) offsets(%dma_start3A_449 : memref<128xi32, #tpu.memory_space<vmem>>) semaphore(%dma_start3A_454 : memref<!tpu.dma_semaphore, #tpu.memory_space<semaphore_mem>>)
      %dma_wait3A_455 = arith.constant 0 : i32
      %dma_wait3A_456 = arith.constant 0 : i32
      %dma_wait3A_457 = arith.constant 0 : i32
      %dma_wait3A_458 = arith.constant 0 : i32
      %dma_wait3A_459 = tpu.memref_slice %arg9[%dma_wait3A_455, %dma_wait3A_457, %dma_wait3A_458] : memref<2x128x128xf32, #tpu.memory_space<vmem>> -> memref<1x128x128xf32, #tpu.memory_space<vmem>>
      %dma_wait3A_460 = tpu.memref_squeeze %dma_wait3A_459 : memref<1x128x128xf32, #tpu.memory_space<vmem>> -> memref<128x128xf32, #tpu.memory_space<vmem>>
      %dma_wait3A_461 = arith.constant 0 : i32
      %dma_wait3A_462 = arith.constant 0 : i32
      %dma_wait3A_463 = tpu.memref_slice %arg2[%dma_wait3A_461, %dma_wait3A_462] : memref<10000x128xf32, #tpu.memory_space<hbm>> -> memref<128x128xf32, #tpu.memory_space<hbm>>
      %dma_wait3A_464 = tpu.memref_slice %arg11[%dma_wait3A_456] : memref<2x!tpu.dma_semaphore, #tpu.memory_space<semaphore_mem>> -> memref<1x!tpu.dma_semaphore, #tpu.memory_space<semaphore_mem>>
      %dma_wait3A_465 = tpu.memref_squeeze %dma_wait3A_464 : memref<1x!tpu.dma_semaphore, #tpu.memory_space<semaphore_mem>> -> memref<!tpu.dma_semaphore, #tpu.memory_space<semaphore_mem>>
      %dma_wait3A_466 = arith.constant 0 : i32
      %dma_wait3A_467 = arith.constant 0 : i32
      %dma_wait3A_468 = tpu.memref_slice %arg9[%dma_wait3A_455, %dma_wait3A_466, %dma_wait3A_467] : memref<2x128x128xf32, #tpu.memory_space<vmem>> -> memref<1x128x128xf32, #tpu.memory_space<vmem>>
      %dma_wait3A_469 = tpu.memref_squeeze %dma_wait3A_468 : memref<1x128x128xf32, #tpu.memory_space<vmem>> -> memref<128x128xf32, #tpu.memory_space<vmem>>
      %dma_wait3A_470 = arith.constant 0 : i32
      %dma_wait3A_471 = arith.constant 0 : i32
      %dma_wait3A_472 = tpu.memref_slice %arg2[%dma_wait3A_470, %dma_wait3A_471] : memref<10000x128xf32, #tpu.memory_space<hbm>> -> memref<128x128xf32, #tpu.memory_space<hbm>>
      tpu.wait_dma2 semaphore(%dma_wait3A_465 : memref<!tpu.dma_semaphore, #tpu.memory_space<semaphore_mem>>) src(%dma_wait3A_472 : memref<128x128xf32, #tpu.memory_space<hbm>>) dst(%dma_wait3A_469 : memref<128x128xf32, #tpu.memory_space<vmem>>)
      %add3A_473 = arith.addi %mul3A_2, %add3A_430 : i32
      %mul3A_474 = arith.constant 128 : i32
      %mul3A_475 = arith.muli %add3A_473, %mul3A_474 : i32
      %dma_start3A_476 = arith.constant 0 : i32
      %dma_start3A_477 = arith.constant 0 : i32
      %dma_start3A_478 = arith.constant 0 : i32
      %dma_start3A_479 = arith.constant 0 : i32
      %dma_start3A_480 = tpu.memref_slice %arg9[%dma_start3A_476, %dma_start3A_478, %dma_start3A_479] : memref<2x128x128xf32, #tpu.memory_space<vmem>> -> memref<1x128x128xf32, #tpu.memory_space<vmem>>
      %dma_start3A_481 = tpu.memref_squeeze %dma_start3A_480 : memref<1x128x128xf32, #tpu.memory_space<vmem>> -> memref<128x128xf32, #tpu.memory_space<vmem>>
      %dma_start3A_482 = arith.constant 0 : i32
      %dma_start3A_483 = tpu.memref_slice %arg6[%mul3A_475, %dma_start3A_482] : memref<327680x128xf32, #tpu.memory_space<hbm>> -> memref<128x128xf32, #tpu.memory_space<hbm>>
      %dma_start3A_484 = tpu.memref_slice %arg12[%dma_start3A_477] : memref<2x!tpu.dma_semaphore, #tpu.memory_space<semaphore_mem>> -> memref<1x!tpu.dma_semaphore, #tpu.memory_space<semaphore_mem>>
      %dma_start3A_485 = tpu.memref_squeeze %dma_start3A_484 : memref<1x!tpu.dma_semaphore, #tpu.memory_space<semaphore_mem>> -> memref<!tpu.dma_semaphore, #tpu.memory_space<semaphore_mem>>
      %dma_start3A_486 = arith.constant 0 : i32
      %dma_start3A_487 = tpu.memref_slice %arg6[%mul3A_475, %dma_start3A_486] : memref<327680x128xf32, #tpu.memory_space<hbm>> -> memref<128x128xf32, #tpu.memory_space<hbm>>
      %dma_start3A_488 = arith.constant 0 : i32
      %dma_start3A_489 = arith.constant 0 : i32
      %dma_start3A_490 = tpu.memref_slice %arg9[%dma_start3A_476, %dma_start3A_488, %dma_start3A_489] : memref<2x128x128xf32, #tpu.memory_space<vmem>> -> memref<1x128x128xf32, #tpu.memory_space<vmem>>
      %dma_start3A_491 = tpu.memref_squeeze %dma_start3A_490 : memref<1x128x128xf32, #tpu.memory_space<vmem>> -> memref<128x128xf32, #tpu.memory_space<vmem>>
      tpu.enqueue_dma source(%dma_start3A_491 : memref<128x128xf32, #tpu.memory_space<vmem>>) target(%dma_start3A_487 : memref<128x128xf32, #tpu.memory_space<hbm>>) target_semaphore(%dma_start3A_485 : memref<!tpu.dma_semaphore, #tpu.memory_space<semaphore_mem>>)
      %mul3A_492 = arith.constant 8 : i32
      %mul3A_493 = arith.muli %scan3A_138, %mul3A_492 : i32
      %add3A_494 = arith.constant 5 : i32
      %add3A_495 = arith.addi %mul3A_493, %add3A_494 : i32
      %ge3A_496 = arith.constant 1 : i32
      %ge3A_497 = arith.cmpi sge, %add3A_495, %ge3A_496 : i32
      %convert_element_type3A_498 = arith.extui %ge3A_497 : i1 to i32
      %cond3A_499 = arith.constant 0 : i32
      %cond3A_500 = arith.cmpi ne, %convert_element_type3A_498, %cond3A_499 : i32
      scf.if %cond3A_500 {
        %dma_wait3A_682 = arith.constant 0 : i32
        %dma_wait3A_683 = arith.constant 0 : i32
        %dma_wait3A_684 = arith.constant 0 : i32
        %dma_wait3A_685 = arith.constant 0 : i32
        %dma_wait3A_686 = tpu.memref_slice %arg9[%dma_wait3A_682, %dma_wait3A_684, %dma_wait3A_685] : memref<2x128x128xf32, #tpu.memory_space<vmem>> -> memref<1x128x128xf32, #tpu.memory_space<vmem>>
        %dma_wait3A_687 = tpu.memref_squeeze %dma_wait3A_686 : memref<1x128x128xf32, #tpu.memory_space<vmem>> -> memref<128x128xf32, #tpu.memory_space<vmem>>
        %dma_wait3A_688 = arith.constant 0 : i32
        %dma_wait3A_689 = arith.constant 0 : i32
        %dma_wait3A_690 = tpu.memref_slice %arg2[%dma_wait3A_688, %dma_wait3A_689] : memref<10000x128xf32, #tpu.memory_space<hbm>> -> memref<128x128xf32, #tpu.memory_space<hbm>>
        %dma_wait3A_691 = tpu.memref_slice %arg12[%dma_wait3A_683] : memref<2x!tpu.dma_semaphore, #tpu.memory_space<semaphore_mem>> -> memref<1x!tpu.dma_semaphore, #tpu.memory_space<semaphore_mem>>
        %dma_wait3A_692 = tpu.memref_squeeze %dma_wait3A_691 : memref<1x!tpu.dma_semaphore, #tpu.memory_space<semaphore_mem>> -> memref<!tpu.dma_semaphore, #tpu.memory_space<semaphore_mem>>
        %dma_wait3A_693 = arith.constant 0 : i32
        %dma_wait3A_694 = arith.constant 0 : i32
        %dma_wait3A_695 = tpu.memref_slice %arg9[%dma_wait3A_682, %dma_wait3A_693, %dma_wait3A_694] : memref<2x128x128xf32, #tpu.memory_space<vmem>> -> memref<1x128x128xf32, #tpu.memory_space<vmem>>
        %dma_wait3A_696 = tpu.memref_squeeze %dma_wait3A_695 : memref<1x128x128xf32, #tpu.memory_space<vmem>> -> memref<128x128xf32, #tpu.memory_space<vmem>>
        %dma_wait3A_697 = arith.constant 0 : i32
        %dma_wait3A_698 = arith.constant 0 : i32
        %dma_wait3A_699 = tpu.memref_slice %arg2[%dma_wait3A_697, %dma_wait3A_698] : memref<10000x128xf32, #tpu.memory_space<hbm>> -> memref<128x128xf32, #tpu.memory_space<hbm>>
        tpu.wait_dma2 semaphore(%dma_wait3A_692 : memref<!tpu.dma_semaphore, #tpu.memory_space<semaphore_mem>>) src(%dma_wait3A_699 : memref<128x128xf32, #tpu.memory_space<hbm>>) dst(%dma_wait3A_696 : memref<128x128xf32, #tpu.memory_space<vmem>>)
      } else {
      }
      %dma_start3A_501 = arith.constant 6 : i32
      %dma_start3A_502 = arith.constant 0 : i32
      %dma_start3A_503 = arith.constant 0 : i32
      %dma_start3A_504 = arith.constant 0 : i32
      %dma_start3A_505 = arith.constant 0 : i32
      %dma_start3A_506 = tpu.memref_slice %arg9[%dma_start3A_502, %dma_start3A_504, %dma_start3A_505] : memref<2x128x128xf32, #tpu.memory_space<vmem>> -> memref<1x128x128xf32, #tpu.memory_space<vmem>>
      %dma_start3A_507 = tpu.memref_squeeze %dma_start3A_506 : memref<1x128x128xf32, #tpu.memory_space<vmem>> -> memref<128x128xf32, #tpu.memory_space<vmem>>
      %dma_start3A_508 = arith.constant 0 : i32
      %dma_start3A_509 = arith.constant 0 : i32
      %dma_start3A_510 = tpu.memref_slice %arg7[%select_n3A_149, %dma_start3A_508, %dma_start3A_509] : memref<2x8x128xi32, #tpu.memory_space<vmem>> -> memref<1x8x128xi32, #tpu.memory_space<vmem>>
      %dma_start3A_511 = tpu.memref_squeeze %dma_start3A_510 : memref<1x8x128xi32, #tpu.memory_space<vmem>> -> memref<8x128xi32, #tpu.memory_space<vmem>>
      %dma_start3A_512 = arith.constant 0 : i32
      %dma_start3A_513 = tpu.memref_slice %dma_start3A_511[%dma_start3A_501, %dma_start3A_512] : memref<8x128xi32, #tpu.memory_space<vmem>> -> memref<1x128xi32, #tpu.memory_space<vmem>>
      %dma_start3A_514 = tpu.memref_squeeze %dma_start3A_513 : memref<1x128xi32, #tpu.memory_space<vmem>> -> memref<128xi32, #tpu.memory_space<vmem>>
      %dma_start3A_515 = arith.constant 0 : i32
      %dma_start3A_516 = arith.constant 0 : i32
      %dma_start3A_517 = tpu.memref_slice %arg10[%dma_start3A_515, %dma_start3A_516] : memref<10112x128xf32, #tpu.memory_space<vmem_shared>> -> memref<10112x128xf32, #tpu.memory_space<vmem_shared>>
      %dma_start3A_518 = tpu.memref_slice %arg11[%dma_start3A_503] : memref<2x!tpu.dma_semaphore, #tpu.memory_space<semaphore_mem>> -> memref<1x!tpu.dma_semaphore, #tpu.memory_space<semaphore_mem>>
      %dma_start3A_519 = tpu.memref_squeeze %dma_start3A_518 : memref<1x!tpu.dma_semaphore, #tpu.memory_space<semaphore_mem>> -> memref<!tpu.dma_semaphore, #tpu.memory_space<semaphore_mem>>
      tpu.enqueue_indirect_dma source(%dma_start3A_517 : memref<10112x128xf32, #tpu.memory_space<vmem_shared>>) target(%dma_start3A_507 : memref<128x128xf32, #tpu.memory_space<vmem>>) offsets(%dma_start3A_514 : memref<128xi32, #tpu.memory_space<vmem>>) semaphore(%dma_start3A_519 : memref<!tpu.dma_semaphore, #tpu.memory_space<semaphore_mem>>)
      %dma_wait3A_520 = arith.constant 1 : i32
      %dma_wait3A_521 = arith.constant 1 : i32
      %dma_wait3A_522 = arith.constant 0 : i32
      %dma_wait3A_523 = arith.constant 0 : i32
      %dma_wait3A_524 = tpu.memref_slice %arg9[%dma_wait3A_520, %dma_wait3A_522, %dma_wait3A_523] : memref<2x128x128xf32, #tpu.memory_space<vmem>> -> memref<1x128x128xf32, #tpu.memory_space<vmem>>
      %dma_wait3A_525 = tpu.memref_squeeze %dma_wait3A_524 : memref<1x128x128xf32, #tpu.memory_space<vmem>> -> memref<128x128xf32, #tpu.memory_space<vmem>>
      %dma_wait3A_526 = arith.constant 0 : i32
      %dma_wait3A_527 = arith.constant 0 : i32
      %dma_wait3A_528 = tpu.memref_slice %arg2[%dma_wait3A_526, %dma_wait3A_527] : memref<10000x128xf32, #tpu.memory_space<hbm>> -> memref<128x128xf32, #tpu.memory_space<hbm>>
      %dma_wait3A_529 = tpu.memref_slice %arg11[%dma_wait3A_521] : memref<2x!tpu.dma_semaphore, #tpu.memory_space<semaphore_mem>> -> memref<1x!tpu.dma_semaphore, #tpu.memory_space<semaphore_mem>>
      %dma_wait3A_530 = tpu.memref_squeeze %dma_wait3A_529 : memref<1x!tpu.dma_semaphore, #tpu.memory_space<semaphore_mem>> -> memref<!tpu.dma_semaphore, #tpu.memory_space<semaphore_mem>>
      %dma_wait3A_531 = arith.constant 0 : i32
      %dma_wait3A_532 = arith.constant 0 : i32
      %dma_wait3A_533 = tpu.memref_slice %arg9[%dma_wait3A_520, %dma_wait3A_531, %dma_wait3A_532] : memref<2x128x128xf32, #tpu.memory_space<vmem>> -> memref<1x128x128xf32, #tpu.memory_space<vmem>>
      %dma_wait3A_534 = tpu.memref_squeeze %dma_wait3A_533 : memref<1x128x128xf32, #tpu.memory_space<vmem>> -> memref<128x128xf32, #tpu.memory_space<vmem>>
      %dma_wait3A_535 = arith.constant 0 : i32
      %dma_wait3A_536 = arith.constant 0 : i32
      %dma_wait3A_537 = tpu.memref_slice %arg2[%dma_wait3A_535, %dma_wait3A_536] : memref<10000x128xf32, #tpu.memory_space<hbm>> -> memref<128x128xf32, #tpu.memory_space<hbm>>
      tpu.wait_dma2 semaphore(%dma_wait3A_530 : memref<!tpu.dma_semaphore, #tpu.memory_space<semaphore_mem>>) src(%dma_wait3A_537 : memref<128x128xf32, #tpu.memory_space<hbm>>) dst(%dma_wait3A_534 : memref<128x128xf32, #tpu.memory_space<vmem>>)
      %add3A_538 = arith.addi %mul3A_2, %add3A_495 : i32
      %mul3A_539 = arith.constant 128 : i32
      %mul3A_540 = arith.muli %add3A_538, %mul3A_539 : i32
      %dma_start3A_541 = arith.constant 1 : i32
      %dma_start3A_542 = arith.constant 1 : i32
      %dma_start3A_543 = arith.constant 0 : i32
      %dma_start3A_544 = arith.constant 0 : i32
      %dma_start3A_545 = tpu.memref_slice %arg9[%dma_start3A_541, %dma_start3A_543, %dma_start3A_544] : memref<2x128x128xf32, #tpu.memory_space<vmem>> -> memref<1x128x128xf32, #tpu.memory_space<vmem>>
      %dma_start3A_546 = tpu.memref_squeeze %dma_start3A_545 : memref<1x128x128xf32, #tpu.memory_space<vmem>> -> memref<128x128xf32, #tpu.memory_space<vmem>>
      %dma_start3A_547 = arith.constant 0 : i32
      %dma_start3A_548 = tpu.memref_slice %arg6[%mul3A_540, %dma_start3A_547] : memref<327680x128xf32, #tpu.memory_space<hbm>> -> memref<128x128xf32, #tpu.memory_space<hbm>>
      %dma_start3A_549 = tpu.memref_slice %arg12[%dma_start3A_542] : memref<2x!tpu.dma_semaphore, #tpu.memory_space<semaphore_mem>> -> memref<1x!tpu.dma_semaphore, #tpu.memory_space<semaphore_mem>>
      %dma_start3A_550 = tpu.memref_squeeze %dma_start3A_549 : memref<1x!tpu.dma_semaphore, #tpu.memory_space<semaphore_mem>> -> memref<!tpu.dma_semaphore, #tpu.memory_space<semaphore_mem>>
      %dma_start3A_551 = arith.constant 0 : i32
      %dma_start3A_552 = tpu.memref_slice %arg6[%mul3A_540, %dma_start3A_551] : memref<327680x128xf32, #tpu.memory_space<hbm>> -> memref<128x128xf32, #tpu.memory_space<hbm>>
      %dma_start3A_553 = arith.constant 0 : i32
      %dma_start3A_554 = arith.constant 0 : i32
      %dma_start3A_555 = tpu.memref_slice %arg9[%dma_start3A_541, %dma_start3A_553, %dma_start3A_554] : memref<2x128x128xf32, #tpu.memory_space<vmem>> -> memref<1x128x128xf32, #tpu.memory_space<vmem>>
      %dma_start3A_556 = tpu.memref_squeeze %dma_start3A_555 : memref<1x128x128xf32, #tpu.memory_space<vmem>> -> memref<128x128xf32, #tpu.memory_space<vmem>>
      tpu.enqueue_dma source(%dma_start3A_556 : memref<128x128xf32, #tpu.memory_space<vmem>>) target(%dma_start3A_552 : memref<128x128xf32, #tpu.memory_space<hbm>>) target_semaphore(%dma_start3A_550 : memref<!tpu.dma_semaphore, #tpu.memory_space<semaphore_mem>>)
      %mul3A_557 = arith.constant 8 : i32
      %mul3A_558 = arith.muli %scan3A_138, %mul3A_557 : i32
      %add3A_559 = arith.constant 6 : i32
      %add3A_560 = arith.addi %mul3A_558, %add3A_559 : i32
      %ge3A_561 = arith.constant 1 : i32
      %ge3A_562 = arith.cmpi sge, %add3A_560, %ge3A_561 : i32
      %convert_element_type3A_563 = arith.extui %ge3A_562 : i1 to i32
      %cond3A_564 = arith.constant 0 : i32
      %cond3A_565 = arith.cmpi ne, %convert_element_type3A_563, %cond3A_564 : i32
      scf.if %cond3A_565 {
        %dma_wait3A_682 = arith.constant 1 : i32
        %dma_wait3A_683 = arith.constant 1 : i32
        %dma_wait3A_684 = arith.constant 0 : i32
        %dma_wait3A_685 = arith.constant 0 : i32
        %dma_wait3A_686 = tpu.memref_slice %arg9[%dma_wait3A_682, %dma_wait3A_684, %dma_wait3A_685] : memref<2x128x128xf32, #tpu.memory_space<vmem>> -> memref<1x128x128xf32, #tpu.memory_space<vmem>>
        %dma_wait3A_687 = tpu.memref_squeeze %dma_wait3A_686 : memref<1x128x128xf32, #tpu.memory_space<vmem>> -> memref<128x128xf32, #tpu.memory_space<vmem>>
        %dma_wait3A_688 = arith.constant 0 : i32
        %dma_wait3A_689 = arith.constant 0 : i32
        %dma_wait3A_690 = tpu.memref_slice %arg2[%dma_wait3A_688, %dma_wait3A_689] : memref<10000x128xf32, #tpu.memory_space<hbm>> -> memref<128x128xf32, #tpu.memory_space<hbm>>
        %dma_wait3A_691 = tpu.memref_slice %arg12[%dma_wait3A_683] : memref<2x!tpu.dma_semaphore, #tpu.memory_space<semaphore_mem>> -> memref<1x!tpu.dma_semaphore, #tpu.memory_space<semaphore_mem>>
        %dma_wait3A_692 = tpu.memref_squeeze %dma_wait3A_691 : memref<1x!tpu.dma_semaphore, #tpu.memory_space<semaphore_mem>> -> memref<!tpu.dma_semaphore, #tpu.memory_space<semaphore_mem>>
        %dma_wait3A_693 = arith.constant 0 : i32
        %dma_wait3A_694 = arith.constant 0 : i32
        %dma_wait3A_695 = tpu.memref_slice %arg9[%dma_wait3A_682, %dma_wait3A_693, %dma_wait3A_694] : memref<2x128x128xf32, #tpu.memory_space<vmem>> -> memref<1x128x128xf32, #tpu.memory_space<vmem>>
        %dma_wait3A_696 = tpu.memref_squeeze %dma_wait3A_695 : memref<1x128x128xf32, #tpu.memory_space<vmem>> -> memref<128x128xf32, #tpu.memory_space<vmem>>
        %dma_wait3A_697 = arith.constant 0 : i32
        %dma_wait3A_698 = arith.constant 0 : i32
        %dma_wait3A_699 = tpu.memref_slice %arg2[%dma_wait3A_697, %dma_wait3A_698] : memref<10000x128xf32, #tpu.memory_space<hbm>> -> memref<128x128xf32, #tpu.memory_space<hbm>>
        tpu.wait_dma2 semaphore(%dma_wait3A_692 : memref<!tpu.dma_semaphore, #tpu.memory_space<semaphore_mem>>) src(%dma_wait3A_699 : memref<128x128xf32, #tpu.memory_space<hbm>>) dst(%dma_wait3A_696 : memref<128x128xf32, #tpu.memory_space<vmem>>)
      } else {
      }
      %dma_start3A_566 = arith.constant 7 : i32
      %dma_start3A_567 = arith.constant 1 : i32
      %dma_start3A_568 = arith.constant 1 : i32
      %dma_start3A_569 = arith.constant 0 : i32
      %dma_start3A_570 = arith.constant 0 : i32
      %dma_start3A_571 = tpu.memref_slice %arg9[%dma_start3A_567, %dma_start3A_569, %dma_start3A_570] : memref<2x128x128xf32, #tpu.memory_space<vmem>> -> memref<1x128x128xf32, #tpu.memory_space<vmem>>
      %dma_start3A_572 = tpu.memref_squeeze %dma_start3A_571 : memref<1x128x128xf32, #tpu.memory_space<vmem>> -> memref<128x128xf32, #tpu.memory_space<vmem>>
      %dma_start3A_573 = arith.constant 0 : i32
      %dma_start3A_574 = arith.constant 0 : i32
      %dma_start3A_575 = tpu.memref_slice %arg7[%select_n3A_149, %dma_start3A_573, %dma_start3A_574] : memref<2x8x128xi32, #tpu.memory_space<vmem>> -> memref<1x8x128xi32, #tpu.memory_space<vmem>>
      %dma_start3A_576 = tpu.memref_squeeze %dma_start3A_575 : memref<1x8x128xi32, #tpu.memory_space<vmem>> -> memref<8x128xi32, #tpu.memory_space<vmem>>
      %dma_start3A_577 = arith.constant 0 : i32
      %dma_start3A_578 = tpu.memref_slice %dma_start3A_576[%dma_start3A_566, %dma_start3A_577] : memref<8x128xi32, #tpu.memory_space<vmem>> -> memref<1x128xi32, #tpu.memory_space<vmem>>
      %dma_start3A_579 = tpu.memref_squeeze %dma_start3A_578 : memref<1x128xi32, #tpu.memory_space<vmem>> -> memref<128xi32, #tpu.memory_space<vmem>>
      %dma_start3A_580 = arith.constant 0 : i32
      %dma_start3A_581 = arith.constant 0 : i32
      %dma_start3A_582 = tpu.memref_slice %arg10[%dma_start3A_580, %dma_start3A_581] : memref<10112x128xf32, #tpu.memory_space<vmem_shared>> -> memref<10112x128xf32, #tpu.memory_space<vmem_shared>>
      %dma_start3A_583 = tpu.memref_slice %arg11[%dma_start3A_568] : memref<2x!tpu.dma_semaphore, #tpu.memory_space<semaphore_mem>> -> memref<1x!tpu.dma_semaphore, #tpu.memory_space<semaphore_mem>>
      %dma_start3A_584 = tpu.memref_squeeze %dma_start3A_583 : memref<1x!tpu.dma_semaphore, #tpu.memory_space<semaphore_mem>> -> memref<!tpu.dma_semaphore, #tpu.memory_space<semaphore_mem>>
      tpu.enqueue_indirect_dma source(%dma_start3A_582 : memref<10112x128xf32, #tpu.memory_space<vmem_shared>>) target(%dma_start3A_572 : memref<128x128xf32, #tpu.memory_space<vmem>>) offsets(%dma_start3A_579 : memref<128xi32, #tpu.memory_space<vmem>>) semaphore(%dma_start3A_584 : memref<!tpu.dma_semaphore, #tpu.memory_space<semaphore_mem>>)
      %dma_wait3A_585 = arith.constant 0 : i32
      %dma_wait3A_586 = arith.constant 0 : i32
      %dma_wait3A_587 = arith.constant 0 : i32
      %dma_wait3A_588 = arith.constant 0 : i32
      %dma_wait3A_589 = tpu.memref_slice %arg9[%dma_wait3A_585, %dma_wait3A_587, %dma_wait3A_588] : memref<2x128x128xf32, #tpu.memory_space<vmem>> -> memref<1x128x128xf32, #tpu.memory_space<vmem>>
      %dma_wait3A_590 = tpu.memref_squeeze %dma_wait3A_589 : memref<1x128x128xf32, #tpu.memory_space<vmem>> -> memref<128x128xf32, #tpu.memory_space<vmem>>
      %dma_wait3A_591 = arith.constant 0 : i32
      %dma_wait3A_592 = arith.constant 0 : i32
      %dma_wait3A_593 = tpu.memref_slice %arg2[%dma_wait3A_591, %dma_wait3A_592] : memref<10000x128xf32, #tpu.memory_space<hbm>> -> memref<128x128xf32, #tpu.memory_space<hbm>>
      %dma_wait3A_594 = tpu.memref_slice %arg11[%dma_wait3A_586] : memref<2x!tpu.dma_semaphore, #tpu.memory_space<semaphore_mem>> -> memref<1x!tpu.dma_semaphore, #tpu.memory_space<semaphore_mem>>
      %dma_wait3A_595 = tpu.memref_squeeze %dma_wait3A_594 : memref<1x!tpu.dma_semaphore, #tpu.memory_space<semaphore_mem>> -> memref<!tpu.dma_semaphore, #tpu.memory_space<semaphore_mem>>
      %dma_wait3A_596 = arith.constant 0 : i32
      %dma_wait3A_597 = arith.constant 0 : i32
      %dma_wait3A_598 = tpu.memref_slice %arg9[%dma_wait3A_585, %dma_wait3A_596, %dma_wait3A_597] : memref<2x128x128xf32, #tpu.memory_space<vmem>> -> memref<1x128x128xf32, #tpu.memory_space<vmem>>
      %dma_wait3A_599 = tpu.memref_squeeze %dma_wait3A_598 : memref<1x128x128xf32, #tpu.memory_space<vmem>> -> memref<128x128xf32, #tpu.memory_space<vmem>>
      %dma_wait3A_600 = arith.constant 0 : i32
      %dma_wait3A_601 = arith.constant 0 : i32
      %dma_wait3A_602 = tpu.memref_slice %arg2[%dma_wait3A_600, %dma_wait3A_601] : memref<10000x128xf32, #tpu.memory_space<hbm>> -> memref<128x128xf32, #tpu.memory_space<hbm>>
      tpu.wait_dma2 semaphore(%dma_wait3A_595 : memref<!tpu.dma_semaphore, #tpu.memory_space<semaphore_mem>>) src(%dma_wait3A_602 : memref<128x128xf32, #tpu.memory_space<hbm>>) dst(%dma_wait3A_599 : memref<128x128xf32, #tpu.memory_space<vmem>>)
      %add3A_603 = arith.addi %mul3A_2, %add3A_560 : i32
      %mul3A_604 = arith.constant 128 : i32
      %mul3A_605 = arith.muli %add3A_603, %mul3A_604 : i32
      %dma_start3A_606 = arith.constant 0 : i32
      %dma_start3A_607 = arith.constant 0 : i32
      %dma_start3A_608 = arith.constant 0 : i32
      %dma_start3A_609 = arith.constant 0 : i32
      %dma_start3A_610 = tpu.memref_slice %arg9[%dma_start3A_606, %dma_start3A_608, %dma_start3A_609] : memref<2x128x128xf32, #tpu.memory_space<vmem>> -> memref<1x128x128xf32, #tpu.memory_space<vmem>>
      %dma_start3A_611 = tpu.memref_squeeze %dma_start3A_610 : memref<1x128x128xf32, #tpu.memory_space<vmem>> -> memref<128x128xf32, #tpu.memory_space<vmem>>
      %dma_start3A_612 = arith.constant 0 : i32
      %dma_start3A_613 = tpu.memref_slice %arg6[%mul3A_605, %dma_start3A_612] : memref<327680x128xf32, #tpu.memory_space<hbm>> -> memref<128x128xf32, #tpu.memory_space<hbm>>
      %dma_start3A_614 = tpu.memref_slice %arg12[%dma_start3A_607] : memref<2x!tpu.dma_semaphore, #tpu.memory_space<semaphore_mem>> -> memref<1x!tpu.dma_semaphore, #tpu.memory_space<semaphore_mem>>
      %dma_start3A_615 = tpu.memref_squeeze %dma_start3A_614 : memref<1x!tpu.dma_semaphore, #tpu.memory_space<semaphore_mem>> -> memref<!tpu.dma_semaphore, #tpu.memory_space<semaphore_mem>>
      %dma_start3A_616 = arith.constant 0 : i32
      %dma_start3A_617 = tpu.memref_slice %arg6[%mul3A_605, %dma_start3A_616] : memref<327680x128xf32, #tpu.memory_space<hbm>> -> memref<128x128xf32, #tpu.memory_space<hbm>>
      %dma_start3A_618 = arith.constant 0 : i32
      %dma_start3A_619 = arith.constant 0 : i32
      %dma_start3A_620 = tpu.memref_slice %arg9[%dma_start3A_606, %dma_start3A_618, %dma_start3A_619] : memref<2x128x128xf32, #tpu.memory_space<vmem>> -> memref<1x128x128xf32, #tpu.memory_space<vmem>>
      %dma_start3A_621 = tpu.memref_squeeze %dma_start3A_620 : memref<1x128x128xf32, #tpu.memory_space<vmem>> -> memref<128x128xf32, #tpu.memory_space<vmem>>
      tpu.enqueue_dma source(%dma_start3A_621 : memref<128x128xf32, #tpu.memory_space<vmem>>) target(%dma_start3A_617 : memref<128x128xf32, #tpu.memory_space<hbm>>) target_semaphore(%dma_start3A_615 : memref<!tpu.dma_semaphore, #tpu.memory_space<semaphore_mem>>)
      %mul3A_622 = arith.constant 8 : i32
      %mul3A_623 = arith.muli %scan3A_138, %mul3A_622 : i32
      %add3A_624 = arith.constant 7 : i32
      %add3A_625 = arith.addi %mul3A_623, %add3A_624 : i32
      %ge3A_626 = arith.constant 1 : i32
      %ge3A_627 = arith.cmpi sge, %add3A_625, %ge3A_626 : i32
      %convert_element_type3A_628 = arith.extui %ge3A_627 : i1 to i32
      %cond3A_629 = arith.constant 0 : i32
      %cond3A_630 = arith.cmpi ne, %convert_element_type3A_628, %cond3A_629 : i32
      scf.if %cond3A_630 {
        %dma_wait3A_682 = arith.constant 0 : i32
        %dma_wait3A_683 = arith.constant 0 : i32
        %dma_wait3A_684 = arith.constant 0 : i32
        %dma_wait3A_685 = arith.constant 0 : i32
        %dma_wait3A_686 = tpu.memref_slice %arg9[%dma_wait3A_682, %dma_wait3A_684, %dma_wait3A_685] : memref<2x128x128xf32, #tpu.memory_space<vmem>> -> memref<1x128x128xf32, #tpu.memory_space<vmem>>
        %dma_wait3A_687 = tpu.memref_squeeze %dma_wait3A_686 : memref<1x128x128xf32, #tpu.memory_space<vmem>> -> memref<128x128xf32, #tpu.memory_space<vmem>>
        %dma_wait3A_688 = arith.constant 0 : i32
        %dma_wait3A_689 = arith.constant 0 : i32
        %dma_wait3A_690 = tpu.memref_slice %arg2[%dma_wait3A_688, %dma_wait3A_689] : memref<10000x128xf32, #tpu.memory_space<hbm>> -> memref<128x128xf32, #tpu.memory_space<hbm>>
        %dma_wait3A_691 = tpu.memref_slice %arg12[%dma_wait3A_683] : memref<2x!tpu.dma_semaphore, #tpu.memory_space<semaphore_mem>> -> memref<1x!tpu.dma_semaphore, #tpu.memory_space<semaphore_mem>>
        %dma_wait3A_692 = tpu.memref_squeeze %dma_wait3A_691 : memref<1x!tpu.dma_semaphore, #tpu.memory_space<semaphore_mem>> -> memref<!tpu.dma_semaphore, #tpu.memory_space<semaphore_mem>>
        %dma_wait3A_693 = arith.constant 0 : i32
        %dma_wait3A_694 = arith.constant 0 : i32
        %dma_wait3A_695 = tpu.memref_slice %arg9[%dma_wait3A_682, %dma_wait3A_693, %dma_wait3A_694] : memref<2x128x128xf32, #tpu.memory_space<vmem>> -> memref<1x128x128xf32, #tpu.memory_space<vmem>>
        %dma_wait3A_696 = tpu.memref_squeeze %dma_wait3A_695 : memref<1x128x128xf32, #tpu.memory_space<vmem>> -> memref<128x128xf32, #tpu.memory_space<vmem>>
        %dma_wait3A_697 = arith.constant 0 : i32
        %dma_wait3A_698 = arith.constant 0 : i32
        %dma_wait3A_699 = tpu.memref_slice %arg2[%dma_wait3A_697, %dma_wait3A_698] : memref<10000x128xf32, #tpu.memory_space<hbm>> -> memref<128x128xf32, #tpu.memory_space<hbm>>
        tpu.wait_dma2 semaphore(%dma_wait3A_692 : memref<!tpu.dma_semaphore, #tpu.memory_space<semaphore_mem>>) src(%dma_wait3A_699 : memref<128x128xf32, #tpu.memory_space<hbm>>) dst(%dma_wait3A_696 : memref<128x128xf32, #tpu.memory_space<vmem>>)
      } else {
      }
      %add3A_631 = arith.constant 1 : i32
      %add3A_632 = arith.addi %scan3A_138, %add3A_631 : i32
      %lt3A_633 = arith.constant 10 : i32
      %lt3A_634 = arith.cmpi slt, %add3A_632, %lt3A_633 : i32
      %convert_element_type3A_635 = arith.extui %lt3A_634 : i1 to i32
      %cond3A_636 = arith.constant 0 : i32
      %cond3A_637 = arith.cmpi ne, %convert_element_type3A_635, %cond3A_636 : i32
      scf.if %cond3A_637 {
        %dma_wait3A_682 = arith.constant 0 : i32
        %dma_wait3A_683 = arith.constant 0 : i32
        %dma_wait3A_684 = arith.constant 0 : i32
        %dma_wait3A_685 = tpu.memref_slice %arg7[%select_n3A_167, %dma_wait3A_683, %dma_wait3A_684] : memref<2x8x128xi32, #tpu.memory_space<vmem>> -> memref<1x8x128xi32, #tpu.memory_space<vmem>>
        %dma_wait3A_686 = tpu.memref_squeeze %dma_wait3A_685 : memref<1x8x128xi32, #tpu.memory_space<vmem>> -> memref<8x128xi32, #tpu.memory_space<vmem>>
        %dma_wait3A_687 = arith.constant 0 : i32
        %dma_wait3A_688 = arith.constant 0 : i32
        %dma_wait3A_689 = tpu.memref_slice %arg3[%dma_wait3A_682, %dma_wait3A_687, %dma_wait3A_688] : memref<32x80x128xi32, #tpu.memory_space<hbm>> -> memref<1x80x128xi32, #tpu.memory_space<hbm>>
        %dma_wait3A_690 = tpu.memref_squeeze %dma_wait3A_689 : memref<1x80x128xi32, #tpu.memory_space<hbm>> -> memref<80x128xi32, #tpu.memory_space<hbm>>
        %dma_wait3A_691 = arith.constant 0 : i32
        %dma_wait3A_692 = arith.constant 0 : i32
        %dma_wait3A_693 = tpu.memref_slice %dma_wait3A_690[%dma_wait3A_691, %dma_wait3A_692] : memref<80x128xi32, #tpu.memory_space<hbm>> -> memref<8x128xi32, #tpu.memory_space<hbm>>
        %dma_wait3A_694 = arith.constant 0 : i32
        %dma_wait3A_695 = arith.constant 0 : i32
        %dma_wait3A_696 = tpu.memref_slice %arg7[%select_n3A_167, %dma_wait3A_694, %dma_wait3A_695] : memref<2x8x128xi32, #tpu.memory_space<vmem>> -> memref<1x8x128xi32, #tpu.memory_space<vmem>>
        %dma_wait3A_697 = tpu.memref_squeeze %dma_wait3A_696 : memref<1x8x128xi32, #tpu.memory_space<vmem>> -> memref<8x128xi32, #tpu.memory_space<vmem>>
        %dma_wait3A_698 = arith.constant 0 : i32
        %dma_wait3A_699 = arith.constant 0 : i32
        %dma_wait3A_700 = tpu.memref_slice %arg3[%dma_wait3A_682, %dma_wait3A_698, %dma_wait3A_699] : memref<32x80x128xi32, #tpu.memory_space<hbm>> -> memref<1x80x128xi32, #tpu.memory_space<hbm>>
        %dma_wait3A_701 = tpu.memref_squeeze %dma_wait3A_700 : memref<1x80x128xi32, #tpu.memory_space<hbm>> -> memref<80x128xi32, #tpu.memory_space<hbm>>
        %dma_wait3A_702 = arith.constant 0 : i32
        %dma_wait3A_703 = arith.constant 0 : i32
        %dma_wait3A_704 = tpu.memref_slice %dma_wait3A_701[%dma_wait3A_702, %dma_wait3A_703] : memref<80x128xi32, #tpu.memory_space<hbm>> -> memref<8x128xi32, #tpu.memory_space<hbm>>
        tpu.wait_dma2 semaphore(%arg13 : memref<!tpu.dma_semaphore, #tpu.memory_space<semaphore_mem>>) src(%dma_wait3A_704 : memref<8x128xi32, #tpu.memory_space<hbm>>) dst(%dma_wait3A_697 : memref<8x128xi32, #tpu.memory_space<vmem>>)
        %dma_start3A_705 = arith.constant 0 : i32
        %dma_start3A_706 = arith.constant 0 : i32
        %dma_start3A_707 = arith.constant 0 : i32
        %dma_start3A_708 = arith.constant 0 : i32
        %dma_start3A_709 = arith.constant 0 : i32
        %dma_start3A_710 = tpu.memref_slice %arg9[%dma_start3A_706, %dma_start3A_708, %dma_start3A_709] : memref<2x128x128xf32, #tpu.memory_space<vmem>> -> memref<1x128x128xf32, #tpu.memory_space<vmem>>
        %dma_start3A_711 = tpu.memref_squeeze %dma_start3A_710 : memref<1x128x128xf32, #tpu.memory_space<vmem>> -> memref<128x128xf32, #tpu.memory_space<vmem>>
        %dma_start3A_712 = arith.constant 0 : i32
        %dma_start3A_713 = arith.constant 0 : i32
        %dma_start3A_714 = tpu.memref_slice %arg7[%select_n3A_167, %dma_start3A_712, %dma_start3A_713] : memref<2x8x128xi32, #tpu.memory_space<vmem>> -> memref<1x8x128xi32, #tpu.memory_space<vmem>>
        %dma_start3A_715 = tpu.memref_squeeze %dma_start3A_714 : memref<1x8x128xi32, #tpu.memory_space<vmem>> -> memref<8x128xi32, #tpu.memory_space<vmem>>
        %dma_start3A_716 = arith.constant 0 : i32
        %dma_start3A_717 = tpu.memref_slice %dma_start3A_715[%dma_start3A_705, %dma_start3A_716] : memref<8x128xi32, #tpu.memory_space<vmem>> -> memref<1x128xi32, #tpu.memory_space<vmem>>
        %dma_start3A_718 = tpu.memref_squeeze %dma_start3A_717 : memref<1x128xi32, #tpu.memory_space<vmem>> -> memref<128xi32, #tpu.memory_space<vmem>>
        %dma_start3A_719 = arith.constant 0 : i32
        %dma_start3A_720 = arith.constant 0 : i32
        %dma_start3A_721 = tpu.memref_slice %arg10[%dma_start3A_719, %dma_start3A_720] : memref<10112x128xf32, #tpu.memory_space<vmem_shared>> -> memref<10112x128xf32, #tpu.memory_space<vmem_shared>>
        %dma_start3A_722 = tpu.memref_slice %arg11[%dma_start3A_707] : memref<2x!tpu.dma_semaphore, #tpu.memory_space<semaphore_mem>> -> memref<1x!tpu.dma_semaphore, #tpu.memory_space<semaphore_mem>>
        %dma_start3A_723 = tpu.memref_squeeze %dma_start3A_722 : memref<1x!tpu.dma_semaphore, #tpu.memory_space<semaphore_mem>> -> memref<!tpu.dma_semaphore, #tpu.memory_space<semaphore_mem>>
        tpu.enqueue_indirect_dma source(%dma_start3A_721 : memref<10112x128xf32, #tpu.memory_space<vmem_shared>>) target(%dma_start3A_711 : memref<128x128xf32, #tpu.memory_space<vmem>>) offsets(%dma_start3A_718 : memref<128xi32, #tpu.memory_space<vmem>>) semaphore(%dma_start3A_723 : memref<!tpu.dma_semaphore, #tpu.memory_space<semaphore_mem>>)
      } else {
      }
      %add3A_638 = arith.constant 2 : i32
      %add3A_639 = arith.addi %scan3A_138, %add3A_638 : i32
      %lt3A_640 = arith.constant 10 : i32
      %lt3A_641 = arith.cmpi slt, %add3A_639, %lt3A_640 : i32
      %convert_element_type3A_642 = arith.extui %lt3A_641 : i1 to i32
      %cond3A_643 = arith.constant 0 : i32
      %cond3A_644 = arith.cmpi ne, %convert_element_type3A_642, %cond3A_643 : i32
      scf.if %cond3A_644 {
        %add3A_682 = arith.constant 2 : i32
        %add3A_683 = arith.addi %scan3A_138, %add3A_682 : i32
        %mul3A_684 = arith.constant 8 : i32
        %mul3A_685 = arith.muli %add3A_683, %mul3A_684 : i32
        %multiple_of3A = tpu.assume_multiple %mul3A_685, 8 : i32
        %dma_start3A_686 = arith.constant 0 : i32
        %dma_start3A_687 = arith.constant 0 : i32
        %dma_start3A_688 = tpu.memref_slice %arg7[%select_n3A_149, %dma_start3A_686, %dma_start3A_687] : memref<2x8x128xi32, #tpu.memory_space<vmem>> -> memref<1x8x128xi32, #tpu.memory_space<vmem>>
        %dma_start3A_689 = tpu.memref_squeeze %dma_start3A_688 : memref<1x8x128xi32, #tpu.memory_space<vmem>> -> memref<8x128xi32, #tpu.memory_space<vmem>>
        %dma_start3A_690 = arith.constant 0 : i32
        %dma_start3A_691 = arith.constant 0 : i32
        %dma_start3A_692 = tpu.memref_slice %arg3[%add3A, %dma_start3A_690, %dma_start3A_691] : memref<32x80x128xi32, #tpu.memory_space<hbm>> -> memref<1x80x128xi32, #tpu.memory_space<hbm>>
        %dma_start3A_693 = tpu.memref_squeeze %dma_start3A_692 : memref<1x80x128xi32, #tpu.memory_space<hbm>> -> memref<80x128xi32, #tpu.memory_space<hbm>>
        %dma_start3A_694 = arith.constant 0 : i32
        %dma_start3A_695 = tpu.memref_slice %dma_start3A_693[%multiple_of3A, %dma_start3A_694] : memref<80x128xi32, #tpu.memory_space<hbm>> -> memref<8x128xi32, #tpu.memory_space<hbm>>
        %dma_start3A_696 = arith.constant 0 : i32
        %dma_start3A_697 = arith.constant 0 : i32
        %dma_start3A_698 = tpu.memref_slice %arg7[%select_n3A_149, %dma_start3A_696, %dma_start3A_697] : memref<2x8x128xi32, #tpu.memory_space<vmem>> -> memref<1x8x128xi32, #tpu.memory_space<vmem>>
        %dma_start3A_699 = tpu.memref_squeeze %dma_start3A_698 : memref<1x8x128xi32, #tpu.memory_space<vmem>> -> memref<8x128xi32, #tpu.memory_space<vmem>>
        %dma_start3A_700 = arith.constant 0 : i32
        %dma_start3A_701 = arith.constant 0 : i32
        %dma_start3A_702 = tpu.memref_slice %arg3[%add3A, %dma_start3A_700, %dma_start3A_701] : memref<32x80x128xi32, #tpu.memory_space<hbm>> -> memref<1x80x128xi32, #tpu.memory_space<hbm>>
        %dma_start3A_703 = tpu.memref_squeeze %dma_start3A_702 : memref<1x80x128xi32, #tpu.memory_space<hbm>> -> memref<80x128xi32, #tpu.memory_space<hbm>>
        %dma_start3A_704 = arith.constant 0 : i32
        %dma_start3A_705 = tpu.memref_slice %dma_start3A_703[%multiple_of3A, %dma_start3A_704] : memref<80x128xi32, #tpu.memory_space<hbm>> -> memref<8x128xi32, #tpu.memory_space<hbm>>
        tpu.enqueue_dma source(%dma_start3A_705 : memref<8x128xi32, #tpu.memory_space<hbm>>) target(%dma_start3A_699 : memref<8x128xi32, #tpu.memory_space<vmem>>) target_semaphore(%arg13 : memref<!tpu.dma_semaphore, #tpu.memory_space<semaphore_mem>>)
      } else {
      }
      %dma_wait3A_645 = arith.constant 1 : i32
      %dma_wait3A_646 = arith.constant 1 : i32
      %dma_wait3A_647 = arith.constant 0 : i32
      %dma_wait3A_648 = arith.constant 0 : i32
      %dma_wait3A_649 = tpu.memref_slice %arg9[%dma_wait3A_645, %dma_wait3A_647, %dma_wait3A_648] : memref<2x128x128xf32, #tpu.memory_space<vmem>> -> memref<1x128x128xf32, #tpu.memory_space<vmem>>
      %dma_wait3A_650 = tpu.memref_squeeze %dma_wait3A_649 : memref<1x128x128xf32, #tpu.memory_space<vmem>> -> memref<128x128xf32, #tpu.memory_space<vmem>>
      %dma_wait3A_651 = arith.constant 0 : i32
      %dma_wait3A_652 = arith.constant 0 : i32
      %dma_wait3A_653 = tpu.memref_slice %arg2[%dma_wait3A_651, %dma_wait3A_652] : memref<10000x128xf32, #tpu.memory_space<hbm>> -> memref<128x128xf32, #tpu.memory_space<hbm>>
      %dma_wait3A_654 = tpu.memref_slice %arg11[%dma_wait3A_646] : memref<2x!tpu.dma_semaphore, #tpu.memory_space<semaphore_mem>> -> memref<1x!tpu.dma_semaphore, #tpu.memory_space<semaphore_mem>>
      %dma_wait3A_655 = tpu.memref_squeeze %dma_wait3A_654 : memref<1x!tpu.dma_semaphore, #tpu.memory_space<semaphore_mem>> -> memref<!tpu.dma_semaphore, #tpu.memory_space<semaphore_mem>>
      %dma_wait3A_656 = arith.constant 0 : i32
      %dma_wait3A_657 = arith.constant 0 : i32
      %dma_wait3A_658 = tpu.memref_slice %arg9[%dma_wait3A_645, %dma_wait3A_656, %dma_wait3A_657] : memref<2x128x128xf32, #tpu.memory_space<vmem>> -> memref<1x128x128xf32, #tpu.memory_space<vmem>>
      %dma_wait3A_659 = tpu.memref_squeeze %dma_wait3A_658 : memref<1x128x128xf32, #tpu.memory_space<vmem>> -> memref<128x128xf32, #tpu.memory_space<vmem>>
      %dma_wait3A_660 = arith.constant 0 : i32
      %dma_wait3A_661 = arith.constant 0 : i32
      %dma_wait3A_662 = tpu.memref_slice %arg2[%dma_wait3A_660, %dma_wait3A_661] : memref<10000x128xf32, #tpu.memory_space<hbm>> -> memref<128x128xf32, #tpu.memory_space<hbm>>
      tpu.wait_dma2 semaphore(%dma_wait3A_655 : memref<!tpu.dma_semaphore, #tpu.memory_space<semaphore_mem>>) src(%dma_wait3A_662 : memref<128x128xf32, #tpu.memory_space<hbm>>) dst(%dma_wait3A_659 : memref<128x128xf32, #tpu.memory_space<vmem>>)
      %add3A_663 = arith.addi %mul3A_2, %add3A_625 : i32
      %mul3A_664 = arith.constant 128 : i32
      %mul3A_665 = arith.muli %add3A_663, %mul3A_664 : i32
      %dma_start3A_666 = arith.constant 1 : i32
      %dma_start3A_667 = arith.constant 1 : i32
      %dma_start3A_668 = arith.constant 0 : i32
      %dma_start3A_669 = arith.constant 0 : i32
      %dma_start3A_670 = tpu.memref_slice %arg9[%dma_start3A_666, %dma_start3A_668, %dma_start3A_669] : memref<2x128x128xf32, #tpu.memory_space<vmem>> -> memref<1x128x128xf32, #tpu.memory_space<vmem>>
      %dma_start3A_671 = tpu.memref_squeeze %dma_start3A_670 : memref<1x128x128xf32, #tpu.memory_space<vmem>> -> memref<128x128xf32, #tpu.memory_space<vmem>>
      %dma_start3A_672 = arith.constant 0 : i32
      %dma_start3A_673 = tpu.memref_slice %arg6[%mul3A_665, %dma_start3A_672] : memref<327680x128xf32, #tpu.memory_space<hbm>> -> memref<128x128xf32, #tpu.memory_space<hbm>>
      %dma_start3A_674 = tpu.memref_slice %arg12[%dma_start3A_667] : memref<2x!tpu.dma_semaphore, #tpu.memory_space<semaphore_mem>> -> memref<1x!tpu.dma_semaphore, #tpu.memory_space<semaphore_mem>>
      %dma_start3A_675 = tpu.memref_squeeze %dma_start3A_674 : memref<1x!tpu.dma_semaphore, #tpu.memory_space<semaphore_mem>> -> memref<!tpu.dma_semaphore, #tpu.memory_space<semaphore_mem>>
      %dma_start3A_676 = arith.constant 0 : i32
      %dma_start3A_677 = tpu.memref_slice %arg6[%mul3A_665, %dma_start3A_676] : memref<327680x128xf32, #tpu.memory_space<hbm>> -> memref<128x128xf32, #tpu.memory_space<hbm>>
      %dma_start3A_678 = arith.constant 0 : i32
      %dma_start3A_679 = arith.constant 0 : i32
      %dma_start3A_680 = tpu.memref_slice %arg9[%dma_start3A_666, %dma_start3A_678, %dma_start3A_679] : memref<2x128x128xf32, #tpu.memory_space<vmem>> -> memref<1x128x128xf32, #tpu.memory_space<vmem>>
      %dma_start3A_681 = tpu.memref_squeeze %dma_start3A_680 : memref<1x128x128xf32, #tpu.memory_space<vmem>> -> memref<128x128xf32, #tpu.memory_space<vmem>>
      tpu.enqueue_dma source(%dma_start3A_681 : memref<128x128xf32, #tpu.memory_space<vmem>>) target(%dma_start3A_677 : memref<128x128xf32, #tpu.memory_space<hbm>>) target_semaphore(%dma_start3A_675 : memref<!tpu.dma_semaphore, #tpu.memory_space<semaphore_mem>>)
    }
    %scan3A_63 = arith.constant 10 : i32
    %dma_wait3A = arith.constant 1 : i32
    %dma_wait3A_64 = arith.constant 1 : i32
    %dma_wait3A_65 = arith.constant 0 : i32
    %dma_wait3A_66 = arith.constant 0 : i32
    %dma_wait3A_67 = tpu.memref_slice %arg9[%dma_wait3A, %dma_wait3A_65, %dma_wait3A_66] : memref<2x128x128xf32, #tpu.memory_space<vmem>> -> memref<1x128x128xf32, #tpu.memory_space<vmem>>
    %dma_wait3A_68 = tpu.memref_squeeze %dma_wait3A_67 : memref<1x128x128xf32, #tpu.memory_space<vmem>> -> memref<128x128xf32, #tpu.memory_space<vmem>>
    %dma_wait3A_69 = arith.constant 0 : i32
    %dma_wait3A_70 = arith.constant 0 : i32
    %dma_wait3A_71 = tpu.memref_slice %arg2[%dma_wait3A_69, %dma_wait3A_70] : memref<10000x128xf32, #tpu.memory_space<hbm>> -> memref<128x128xf32, #tpu.memory_space<hbm>>
    %dma_wait3A_72 = tpu.memref_slice %arg12[%dma_wait3A_64] : memref<2x!tpu.dma_semaphore, #tpu.memory_space<semaphore_mem>> -> memref<1x!tpu.dma_semaphore, #tpu.memory_space<semaphore_mem>>
    %dma_wait3A_73 = tpu.memref_squeeze %dma_wait3A_72 : memref<1x!tpu.dma_semaphore, #tpu.memory_space<semaphore_mem>> -> memref<!tpu.dma_semaphore, #tpu.memory_space<semaphore_mem>>
    %dma_wait3A_74 = arith.constant 0 : i32
    %dma_wait3A_75 = arith.constant 0 : i32
    %dma_wait3A_76 = tpu.memref_slice %arg9[%dma_wait3A, %dma_wait3A_74, %dma_wait3A_75] : memref<2x128x128xf32, #tpu.memory_space<vmem>> -> memref<1x128x128xf32, #tpu.memory_space<vmem>>
    %dma_wait3A_77 = tpu.memref_squeeze %dma_wait3A_76 : memref<1x128x128xf32, #tpu.memory_space<vmem>> -> memref<128x128xf32, #tpu.memory_space<vmem>>
    %dma_wait3A_78 = arith.constant 0 : i32
    %dma_wait3A_79 = arith.constant 0 : i32
    %dma_wait3A_80 = tpu.memref_slice %arg2[%dma_wait3A_78, %dma_wait3A_79] : memref<10000x128xf32, #tpu.memory_space<hbm>> -> memref<128x128xf32, #tpu.memory_space<hbm>>
    tpu.wait_dma2 semaphore(%dma_wait3A_73 : memref<!tpu.dma_semaphore, #tpu.memory_space<semaphore_mem>>) src(%dma_wait3A_80 : memref<128x128xf32, #tpu.memory_space<hbm>>) dst(%dma_wait3A_77 : memref<128x128xf32, #tpu.memory_space<vmem>>)
    %mul3A_81 = arith.constant 128 : i32
    %mul3A_82 = arith.muli %mul3A_2, %mul3A_81 : i32
    %dma_start3A_83 = arith.constant 0 : i32
    %dma_start3A_84 = arith.constant 0 : i32
    %dma_start3A_85 = arith.constant 0 : i32
    %dma_start3A_86 = arith.constant 0 : i32
    %dma_start3A_87 = tpu.memref_slice %arg9[%dma_start3A_83, %dma_start3A_85, %dma_start3A_86] : memref<2x128x128xf32, #tpu.memory_space<vmem>> -> memref<1x128x128xf32, #tpu.memory_space<vmem>>
    %dma_start3A_88 = tpu.memref_squeeze %dma_start3A_87 : memref<1x128x128xf32, #tpu.memory_space<vmem>> -> memref<128x128xf32, #tpu.memory_space<vmem>>
    %dma_start3A_89 = arith.constant 0 : i32
    %dma_start3A_90 = tpu.memref_slice %arg6[%mul3A_82, %dma_start3A_89] : memref<327680x128xf32, #tpu.memory_space<hbm>> -> memref<128x128xf32, #tpu.memory_space<hbm>>
    %dma_start3A_91 = tpu.memref_slice %arg11[%dma_start3A_84] : memref<2x!tpu.dma_semaphore, #tpu.memory_space<semaphore_mem>> -> memref<1x!tpu.dma_semaphore, #tpu.memory_space<semaphore_mem>>
    %dma_start3A_92 = tpu.memref_squeeze %dma_start3A_91 : memref<1x!tpu.dma_semaphore, #tpu.memory_space<semaphore_mem>> -> memref<!tpu.dma_semaphore, #tpu.memory_space<semaphore_mem>>
    %dma_start3A_93 = arith.constant 0 : i32
    %dma_start3A_94 = arith.constant 0 : i32
    %dma_start3A_95 = tpu.memref_slice %arg9[%dma_start3A_83, %dma_start3A_93, %dma_start3A_94] : memref<2x128x128xf32, #tpu.memory_space<vmem>> -> memref<1x128x128xf32, #tpu.memory_space<vmem>>
    %dma_start3A_96 = tpu.memref_squeeze %dma_start3A_95 : memref<1x128x128xf32, #tpu.memory_space<vmem>> -> memref<128x128xf32, #tpu.memory_space<vmem>>
    %dma_start3A_97 = arith.constant 0 : i32
    %dma_start3A_98 = tpu.memref_slice %arg6[%mul3A_82, %dma_start3A_97] : memref<327680x128xf32, #tpu.memory_space<hbm>> -> memref<128x128xf32, #tpu.memory_space<hbm>>
    tpu.enqueue_dma source(%dma_start3A_98 : memref<128x128xf32, #tpu.memory_space<hbm>>) target(%dma_start3A_96 : memref<128x128xf32, #tpu.memory_space<vmem>>) target_semaphore(%dma_start3A_92 : memref<!tpu.dma_semaphore, #tpu.memory_space<semaphore_mem>>)
    %barrier3A_99 = arith.constant 0 : index
    tpu.barrier barrier_id(%barrier3A_99)
    %dma_wait3A_100 = arith.constant 0 : i32
    %dma_wait3A_101 = arith.constant 0 : i32
    %dma_wait3A_102 = arith.constant 0 : i32
    %dma_wait3A_103 = tpu.memref_slice %arg4[%dma_wait3A_100, %dma_wait3A_101, %dma_wait3A_102] : memref<32x80x128xi32, #tpu.memory_space<hbm>> -> memref<1x80x128xi32, #tpu.memory_space<hbm>>
    %dma_wait3A_104 = tpu.memref_squeeze %dma_wait3A_103 : memref<1x80x128xi32, #tpu.memory_space<hbm>> -> memref<80x128xi32, #tpu.memory_space<hbm>>
    %dma_wait3A_105 = arith.constant 0 : i32
    %dma_wait3A_106 = arith.constant 0 : i32
    %dma_wait3A_107 = tpu.memref_slice %arg4[%dma_wait3A_100, %dma_wait3A_105, %dma_wait3A_106] : memref<32x80x128xi32, #tpu.memory_space<hbm>> -> memref<1x80x128xi32, #tpu.memory_space<hbm>>
    %dma_wait3A_108 = tpu.memref_squeeze %dma_wait3A_107 : memref<1x80x128xi32, #tpu.memory_space<hbm>> -> memref<80x128xi32, #tpu.memory_space<hbm>>
    tpu.wait_dma2 semaphore(%arg14 : memref<!tpu.dma_semaphore, #tpu.memory_space<semaphore_mem>>) src(%dma_wait3A_108 : memref<80x128xi32, #tpu.memory_space<hbm>>) dst(%arg8 : memref<80x128xi32, #tpu.memory_space<vmem>>)
    %scan3A_109 = arith.constant 0 : i32
    %scan3A_110 = arith.constant 0 : i32
    %scan3A_111 = arith.constant 40 : i32
    %scan3A_112 = arith.addi %scan3A_110, %scan3A_111 : i32
    %scan3A_113 = arith.constant 1 : i32
    scf.for %scan3A_138 = %scan3A_110 to %scan3A_112 step %scan3A_113  : i32 {
      %mul3A_139 = arith.constant 2 : i32
      %mul3A_140 = arith.muli %scan3A_138, %mul3A_139 : i32
      %add3A_141 = arith.constant 0 : i32
      %add3A_142 = arith.addi %mul3A_140, %add3A_141 : i32
      %ge3A = arith.constant 1 : i32
      %ge3A_143 = arith.cmpi sge, %add3A_142, %ge3A : i32
      %convert_element_type3A_144 = arith.extui %ge3A_143 : i1 to i32
      %cond3A_145 = arith.constant 0 : i32
      %cond3A_146 = arith.cmpi ne, %convert_element_type3A_144, %cond3A_145 : i32
      scf.if %cond3A_146 {
        %dma_wait3A_234 = arith.constant 1 : i32
        %dma_wait3A_235 = arith.constant 1 : i32
        %dma_wait3A_236 = arith.constant 0 : i32
        %dma_wait3A_237 = arith.constant 0 : i32
        %dma_wait3A_238 = tpu.memref_slice %arg9[%dma_wait3A_234, %dma_wait3A_236, %dma_wait3A_237] : memref<2x128x128xf32, #tpu.memory_space<vmem>> -> memref<1x128x128xf32, #tpu.memory_space<vmem>>
        %dma_wait3A_239 = tpu.memref_squeeze %dma_wait3A_238 : memref<1x128x128xf32, #tpu.memory_space<vmem>> -> memref<128x128xf32, #tpu.memory_space<vmem>>
        %dma_wait3A_240 = arith.constant 0 : i32
        %dma_wait3A_241 = arith.constant 0 : i32
        %dma_wait3A_242 = tpu.memref_slice %arg6[%dma_wait3A_240, %dma_wait3A_241] : memref<327680x128xf32, #tpu.memory_space<hbm>> -> memref<128x128xf32, #tpu.memory_space<hbm>>
        %dma_wait3A_243 = tpu.memref_slice %arg12[%dma_wait3A_235] : memref<2x!tpu.dma_semaphore, #tpu.memory_space<semaphore_mem>> -> memref<1x!tpu.dma_semaphore, #tpu.memory_space<semaphore_mem>>
        %dma_wait3A_244 = tpu.memref_squeeze %dma_wait3A_243 : memref<1x!tpu.dma_semaphore, #tpu.memory_space<semaphore_mem>> -> memref<!tpu.dma_semaphore, #tpu.memory_space<semaphore_mem>>
        %dma_wait3A_245 = arith.constant 0 : i32
        %dma_wait3A_246 = arith.constant 0 : i32
        %dma_wait3A_247 = tpu.memref_slice %arg9[%dma_wait3A_234, %dma_wait3A_245, %dma_wait3A_246] : memref<2x128x128xf32, #tpu.memory_space<vmem>> -> memref<1x128x128xf32, #tpu.memory_space<vmem>>
        %dma_wait3A_248 = tpu.memref_squeeze %dma_wait3A_247 : memref<1x128x128xf32, #tpu.memory_space<vmem>> -> memref<128x128xf32, #tpu.memory_space<vmem>>
        %dma_wait3A_249 = arith.constant 0 : i32
        %dma_wait3A_250 = arith.constant 0 : i32
        %dma_wait3A_251 = tpu.memref_slice %arg6[%dma_wait3A_249, %dma_wait3A_250] : memref<327680x128xf32, #tpu.memory_space<hbm>> -> memref<128x128xf32, #tpu.memory_space<hbm>>
        tpu.wait_dma2 semaphore(%dma_wait3A_244 : memref<!tpu.dma_semaphore, #tpu.memory_space<semaphore_mem>>) src(%dma_wait3A_251 : memref<128x128xf32, #tpu.memory_space<hbm>>) dst(%dma_wait3A_248 : memref<128x128xf32, #tpu.memory_space<vmem>>)
      } else {
      }
      %add3A_147 = arith.constant 1 : i32
      %add3A_148 = arith.addi %add3A_142, %add3A_147 : i32
      %lt3A_149 = arith.constant 80 : i32
      %lt3A_150 = arith.cmpi slt, %add3A_148, %lt3A_149 : i32
      %convert_element_type3A_151 = arith.extui %lt3A_150 : i1 to i32
      %cond3A_152 = arith.constant 0 : i32
      %cond3A_153 = arith.cmpi ne, %convert_element_type3A_151, %cond3A_152 : i32
      scf.if %cond3A_153 {
        %add3A_234 = arith.addi %mul3A_2, %add3A_142 : i32
        %add3A_235 = arith.constant 1 : i32
        %add3A_236 = arith.addi %add3A_234, %add3A_235 : i32
        %mul3A_237 = arith.constant 128 : i32
        %mul3A_238 = arith.muli %add3A_236, %mul3A_237 : i32
        %dma_start3A_239 = arith.constant 1 : i32
        %dma_start3A_240 = arith.constant 1 : i32
        %dma_start3A_241 = arith.constant 0 : i32
        %dma_start3A_242 = arith.constant 0 : i32
        %dma_start3A_243 = tpu.memref_slice %arg9[%dma_start3A_239, %dma_start3A_241, %dma_start3A_242] : memref<2x128x128xf32, #tpu.memory_space<vmem>> -> memref<1x128x128xf32, #tpu.memory_space<vmem>>
        %dma_start3A_244 = tpu.memref_squeeze %dma_start3A_243 : memref<1x128x128xf32, #tpu.memory_space<vmem>> -> memref<128x128xf32, #tpu.memory_space<vmem>>
        %dma_start3A_245 = arith.constant 0 : i32
        %dma_start3A_246 = tpu.memref_slice %arg6[%mul3A_238, %dma_start3A_245] : memref<327680x128xf32, #tpu.memory_space<hbm>> -> memref<128x128xf32, #tpu.memory_space<hbm>>
        %dma_start3A_247 = tpu.memref_slice %arg11[%dma_start3A_240] : memref<2x!tpu.dma_semaphore, #tpu.memory_space<semaphore_mem>> -> memref<1x!tpu.dma_semaphore, #tpu.memory_space<semaphore_mem>>
        %dma_start3A_248 = tpu.memref_squeeze %dma_start3A_247 : memref<1x!tpu.dma_semaphore, #tpu.memory_space<semaphore_mem>> -> memref<!tpu.dma_semaphore, #tpu.memory_space<semaphore_mem>>
        %dma_start3A_249 = arith.constant 0 : i32
        %dma_start3A_250 = arith.constant 0 : i32
        %dma_start3A_251 = tpu.memref_slice %arg9[%dma_start3A_239, %dma_start3A_249, %dma_start3A_250] : memref<2x128x128xf32, #tpu.memory_space<vmem>> -> memref<1x128x128xf32, #tpu.memory_space<vmem>>
        %dma_start3A_252 = tpu.memref_squeeze %dma_start3A_251 : memref<1x128x128xf32, #tpu.memory_space<vmem>> -> memref<128x128xf32, #tpu.memory_space<vmem>>
        %dma_start3A_253 = arith.constant 0 : i32
        %dma_start3A_254 = tpu.memref_slice %arg6[%mul3A_238, %dma_start3A_253] : memref<327680x128xf32, #tpu.memory_space<hbm>> -> memref<128x128xf32, #tpu.memory_space<hbm>>
        tpu.enqueue_dma source(%dma_start3A_254 : memref<128x128xf32, #tpu.memory_space<hbm>>) target(%dma_start3A_252 : memref<128x128xf32, #tpu.memory_space<vmem>>) target_semaphore(%dma_start3A_248 : memref<!tpu.dma_semaphore, #tpu.memory_space<semaphore_mem>>)
      } else {
      }
      %dma_wait3A_154 = arith.constant 0 : i32
      %dma_wait3A_155 = arith.constant 0 : i32
      %dma_wait3A_156 = arith.constant 0 : i32
      %dma_wait3A_157 = arith.constant 0 : i32
      %dma_wait3A_158 = tpu.memref_slice %arg9[%dma_wait3A_154, %dma_wait3A_156, %dma_wait3A_157] : memref<2x128x128xf32, #tpu.memory_space<vmem>> -> memref<1x128x128xf32, #tpu.memory_space<vmem>>
      %dma_wait3A_159 = tpu.memref_squeeze %dma_wait3A_158 : memref<1x128x128xf32, #tpu.memory_space<vmem>> -> memref<128x128xf32, #tpu.memory_space<vmem>>
      %dma_wait3A_160 = arith.constant 0 : i32
      %dma_wait3A_161 = arith.constant 0 : i32
      %dma_wait3A_162 = tpu.memref_slice %arg6[%dma_wait3A_160, %dma_wait3A_161] : memref<327680x128xf32, #tpu.memory_space<hbm>> -> memref<128x128xf32, #tpu.memory_space<hbm>>
      %dma_wait3A_163 = tpu.memref_slice %arg11[%dma_wait3A_155] : memref<2x!tpu.dma_semaphore, #tpu.memory_space<semaphore_mem>> -> memref<1x!tpu.dma_semaphore, #tpu.memory_space<semaphore_mem>>
      %dma_wait3A_164 = tpu.memref_squeeze %dma_wait3A_163 : memref<1x!tpu.dma_semaphore, #tpu.memory_space<semaphore_mem>> -> memref<!tpu.dma_semaphore, #tpu.memory_space<semaphore_mem>>
      %dma_wait3A_165 = arith.constant 0 : i32
      %dma_wait3A_166 = arith.constant 0 : i32
      %dma_wait3A_167 = tpu.memref_slice %arg9[%dma_wait3A_154, %dma_wait3A_165, %dma_wait3A_166] : memref<2x128x128xf32, #tpu.memory_space<vmem>> -> memref<1x128x128xf32, #tpu.memory_space<vmem>>
      %dma_wait3A_168 = tpu.memref_squeeze %dma_wait3A_167 : memref<1x128x128xf32, #tpu.memory_space<vmem>> -> memref<128x128xf32, #tpu.memory_space<vmem>>
      %dma_wait3A_169 = arith.constant 0 : i32
      %dma_wait3A_170 = arith.constant 0 : i32
      %dma_wait3A_171 = tpu.memref_slice %arg6[%dma_wait3A_169, %dma_wait3A_170] : memref<327680x128xf32, #tpu.memory_space<hbm>> -> memref<128x128xf32, #tpu.memory_space<hbm>>
      tpu.wait_dma2 semaphore(%dma_wait3A_164 : memref<!tpu.dma_semaphore, #tpu.memory_space<semaphore_mem>>) src(%dma_wait3A_171 : memref<128x128xf32, #tpu.memory_space<hbm>>) dst(%dma_wait3A_168 : memref<128x128xf32, #tpu.memory_space<vmem>>)
      %dma_start3A_172 = arith.constant 0 : i32
      %dma_start3A_173 = arith.constant 0 : i32
      %dma_start3A_174 = arith.constant 0 : i32
      %dma_start3A_175 = arith.constant 0 : i32
      %dma_start3A_176 = tpu.memref_slice %arg9[%dma_start3A_172, %dma_start3A_174, %dma_start3A_175] : memref<2x128x128xf32, #tpu.memory_space<vmem>> -> memref<1x128x128xf32, #tpu.memory_space<vmem>>
      %dma_start3A_177 = tpu.memref_squeeze %dma_start3A_176 : memref<1x128x128xf32, #tpu.memory_space<vmem>> -> memref<128x128xf32, #tpu.memory_space<vmem>>
      %dma_start3A_178 = arith.constant 0 : i32
      %dma_start3A_179 = tpu.memref_slice %arg8[%add3A_142, %dma_start3A_178] : memref<80x128xi32, #tpu.memory_space<vmem>> -> memref<1x128xi32, #tpu.memory_space<vmem>>
      %dma_start3A_180 = tpu.memref_squeeze %dma_start3A_179 : memref<1x128xi32, #tpu.memory_space<vmem>> -> memref<128xi32, #tpu.memory_space<vmem>>
      %dma_start3A_181 = arith.constant 0 : i32
      %dma_start3A_182 = arith.constant 0 : i32
      %dma_start3A_183 = tpu.memref_slice %arg10[%dma_start3A_181, %dma_start3A_182] : memref<10112x128xf32, #tpu.memory_space<vmem_shared>> -> memref<10112x128xf32, #tpu.memory_space<vmem_shared>>
      %dma_start3A_184 = tpu.memref_slice %arg12[%dma_start3A_173] : memref<2x!tpu.dma_semaphore, #tpu.memory_space<semaphore_mem>> -> memref<1x!tpu.dma_semaphore, #tpu.memory_space<semaphore_mem>>
      %dma_start3A_185 = tpu.memref_squeeze %dma_start3A_184 : memref<1x!tpu.dma_semaphore, #tpu.memory_space<semaphore_mem>> -> memref<!tpu.dma_semaphore, #tpu.memory_space<semaphore_mem>>
      tpu.enqueue_indirect_dma source(%dma_start3A_177 : memref<128x128xf32, #tpu.memory_space<vmem>>) target(%dma_start3A_183 : memref<10112x128xf32, #tpu.memory_space<vmem_shared>>) offsets(%dma_start3A_180 : memref<128xi32, #tpu.memory_space<vmem>>) semaphore(%dma_start3A_185 : memref<!tpu.dma_semaphore, #tpu.memory_space<semaphore_mem>>) {add = true}
      %mul3A_186 = arith.constant 2 : i32
      %mul3A_187 = arith.muli %scan3A_138, %mul3A_186 : i32
      %add3A_188 = arith.constant 1 : i32
      %add3A_189 = arith.addi %mul3A_187, %add3A_188 : i32
      %ge3A_190 = arith.constant 1 : i32
      %ge3A_191 = arith.cmpi sge, %add3A_189, %ge3A_190 : i32
      %convert_element_type3A_192 = arith.extui %ge3A_191 : i1 to i32
      %cond3A_193 = arith.constant 0 : i32
      %cond3A_194 = arith.cmpi ne, %convert_element_type3A_192, %cond3A_193 : i32
      scf.if %cond3A_194 {
        %dma_wait3A_234 = arith.constant 0 : i32
        %dma_wait3A_235 = arith.constant 0 : i32
        %dma_wait3A_236 = arith.constant 0 : i32
        %dma_wait3A_237 = arith.constant 0 : i32
        %dma_wait3A_238 = tpu.memref_slice %arg9[%dma_wait3A_234, %dma_wait3A_236, %dma_wait3A_237] : memref<2x128x128xf32, #tpu.memory_space<vmem>> -> memref<1x128x128xf32, #tpu.memory_space<vmem>>
        %dma_wait3A_239 = tpu.memref_squeeze %dma_wait3A_238 : memref<1x128x128xf32, #tpu.memory_space<vmem>> -> memref<128x128xf32, #tpu.memory_space<vmem>>
        %dma_wait3A_240 = arith.constant 0 : i32
        %dma_wait3A_241 = arith.constant 0 : i32
        %dma_wait3A_242 = tpu.memref_slice %arg6[%dma_wait3A_240, %dma_wait3A_241] : memref<327680x128xf32, #tpu.memory_space<hbm>> -> memref<128x128xf32, #tpu.memory_space<hbm>>
        %dma_wait3A_243 = tpu.memref_slice %arg12[%dma_wait3A_235] : memref<2x!tpu.dma_semaphore, #tpu.memory_space<semaphore_mem>> -> memref<1x!tpu.dma_semaphore, #tpu.memory_space<semaphore_mem>>
        %dma_wait3A_244 = tpu.memref_squeeze %dma_wait3A_243 : memref<1x!tpu.dma_semaphore, #tpu.memory_space<semaphore_mem>> -> memref<!tpu.dma_semaphore, #tpu.memory_space<semaphore_mem>>
        %dma_wait3A_245 = arith.constant 0 : i32
        %dma_wait3A_246 = arith.constant 0 : i32
        %dma_wait3A_247 = tpu.memref_slice %arg9[%dma_wait3A_234, %dma_wait3A_245, %dma_wait3A_246] : memref<2x128x128xf32, #tpu.memory_space<vmem>> -> memref<1x128x128xf32, #tpu.memory_space<vmem>>
        %dma_wait3A_248 = tpu.memref_squeeze %dma_wait3A_247 : memref<1x128x128xf32, #tpu.memory_space<vmem>> -> memref<128x128xf32, #tpu.memory_space<vmem>>
        %dma_wait3A_249 = arith.constant 0 : i32
        %dma_wait3A_250 = arith.constant 0 : i32
        %dma_wait3A_251 = tpu.memref_slice %arg6[%dma_wait3A_249, %dma_wait3A_250] : memref<327680x128xf32, #tpu.memory_space<hbm>> -> memref<128x128xf32, #tpu.memory_space<hbm>>
        tpu.wait_dma2 semaphore(%dma_wait3A_244 : memref<!tpu.dma_semaphore, #tpu.memory_space<semaphore_mem>>) src(%dma_wait3A_251 : memref<128x128xf32, #tpu.memory_space<hbm>>) dst(%dma_wait3A_248 : memref<128x128xf32, #tpu.memory_space<vmem>>)
      } else {
      }
      %add3A_195 = arith.constant 1 : i32
      %add3A_196 = arith.addi %add3A_189, %add3A_195 : i32
      %lt3A_197 = arith.constant 80 : i32
      %lt3A_198 = arith.cmpi slt, %add3A_196, %lt3A_197 : i32
      %convert_element_type3A_199 = arith.extui %lt3A_198 : i1 to i32
      %cond3A_200 = arith.constant 0 : i32
      %cond3A_201 = arith.cmpi ne, %convert_element_type3A_199, %cond3A_200 : i32
      scf.if %cond3A_201 {
        %add3A_234 = arith.addi %mul3A_2, %add3A_189 : i32
        %add3A_235 = arith.constant 1 : i32
        %add3A_236 = arith.addi %add3A_234, %add3A_235 : i32
        %mul3A_237 = arith.constant 128 : i32
        %mul3A_238 = arith.muli %add3A_236, %mul3A_237 : i32
        %dma_start3A_239 = arith.constant 0 : i32
        %dma_start3A_240 = arith.constant 0 : i32
        %dma_start3A_241 = arith.constant 0 : i32
        %dma_start3A_242 = arith.constant 0 : i32
        %dma_start3A_243 = tpu.memref_slice %arg9[%dma_start3A_239, %dma_start3A_241, %dma_start3A_242] : memref<2x128x128xf32, #tpu.memory_space<vmem>> -> memref<1x128x128xf32, #tpu.memory_space<vmem>>
        %dma_start3A_244 = tpu.memref_squeeze %dma_start3A_243 : memref<1x128x128xf32, #tpu.memory_space<vmem>> -> memref<128x128xf32, #tpu.memory_space<vmem>>
        %dma_start3A_245 = arith.constant 0 : i32
        %dma_start3A_246 = tpu.memref_slice %arg6[%mul3A_238, %dma_start3A_245] : memref<327680x128xf32, #tpu.memory_space<hbm>> -> memref<128x128xf32, #tpu.memory_space<hbm>>
        %dma_start3A_247 = tpu.memref_slice %arg11[%dma_start3A_240] : memref<2x!tpu.dma_semaphore, #tpu.memory_space<semaphore_mem>> -> memref<1x!tpu.dma_semaphore, #tpu.memory_space<semaphore_mem>>
        %dma_start3A_248 = tpu.memref_squeeze %dma_start3A_247 : memref<1x!tpu.dma_semaphore, #tpu.memory_space<semaphore_mem>> -> memref<!tpu.dma_semaphore, #tpu.memory_space<semaphore_mem>>
        %dma_start3A_249 = arith.constant 0 : i32
        %dma_start3A_250 = arith.constant 0 : i32
        %dma_start3A_251 = tpu.memref_slice %arg9[%dma_start3A_239, %dma_start3A_249, %dma_start3A_250] : memref<2x128x128xf32, #tpu.memory_space<vmem>> -> memref<1x128x128xf32, #tpu.memory_space<vmem>>
        %dma_start3A_252 = tpu.memref_squeeze %dma_start3A_251 : memref<1x128x128xf32, #tpu.memory_space<vmem>> -> memref<128x128xf32, #tpu.memory_space<vmem>>
        %dma_start3A_253 = arith.constant 0 : i32
        %dma_start3A_254 = tpu.memref_slice %arg6[%mul3A_238, %dma_start3A_253] : memref<327680x128xf32, #tpu.memory_space<hbm>> -> memref<128x128xf32, #tpu.memory_space<hbm>>
        tpu.enqueue_dma source(%dma_start3A_254 : memref<128x128xf32, #tpu.memory_space<hbm>>) target(%dma_start3A_252 : memref<128x128xf32, #tpu.memory_space<vmem>>) target_semaphore(%dma_start3A_248 : memref<!tpu.dma_semaphore, #tpu.memory_space<semaphore_mem>>)
      } else {
      }
      %dma_wait3A_202 = arith.constant 1 : i32
      %dma_wait3A_203 = arith.constant 1 : i32
      %dma_wait3A_204 = arith.constant 0 : i32
      %dma_wait3A_205 = arith.constant 0 : i32
      %dma_wait3A_206 = tpu.memref_slice %arg9[%dma_wait3A_202, %dma_wait3A_204, %dma_wait3A_205] : memref<2x128x128xf32, #tpu.memory_space<vmem>> -> memref<1x128x128xf32, #tpu.memory_space<vmem>>
      %dma_wait3A_207 = tpu.memref_squeeze %dma_wait3A_206 : memref<1x128x128xf32, #tpu.memory_space<vmem>> -> memref<128x128xf32, #tpu.memory_space<vmem>>
      %dma_wait3A_208 = arith.constant 0 : i32
      %dma_wait3A_209 = arith.constant 0 : i32
      %dma_wait3A_210 = tpu.memref_slice %arg6[%dma_wait3A_208, %dma_wait3A_209] : memref<327680x128xf32, #tpu.memory_space<hbm>> -> memref<128x128xf32, #tpu.memory_space<hbm>>
      %dma_wait3A_211 = tpu.memref_slice %arg11[%dma_wait3A_203] : memref<2x!tpu.dma_semaphore, #tpu.memory_space<semaphore_mem>> -> memref<1x!tpu.dma_semaphore, #tpu.memory_space<semaphore_mem>>
      %dma_wait3A_212 = tpu.memref_squeeze %dma_wait3A_211 : memref<1x!tpu.dma_semaphore, #tpu.memory_space<semaphore_mem>> -> memref<!tpu.dma_semaphore, #tpu.memory_space<semaphore_mem>>
      %dma_wait3A_213 = arith.constant 0 : i32
      %dma_wait3A_214 = arith.constant 0 : i32
      %dma_wait3A_215 = tpu.memref_slice %arg9[%dma_wait3A_202, %dma_wait3A_213, %dma_wait3A_214] : memref<2x128x128xf32, #tpu.memory_space<vmem>> -> memref<1x128x128xf32, #tpu.memory_space<vmem>>
      %dma_wait3A_216 = tpu.memref_squeeze %dma_wait3A_215 : memref<1x128x128xf32, #tpu.memory_space<vmem>> -> memref<128x128xf32, #tpu.memory_space<vmem>>
      %dma_wait3A_217 = arith.constant 0 : i32
      %dma_wait3A_218 = arith.constant 0 : i32
      %dma_wait3A_219 = tpu.memref_slice %arg6[%dma_wait3A_217, %dma_wait3A_218] : memref<327680x128xf32, #tpu.memory_space<hbm>> -> memref<128x128xf32, #tpu.memory_space<hbm>>
      tpu.wait_dma2 semaphore(%dma_wait3A_212 : memref<!tpu.dma_semaphore, #tpu.memory_space<semaphore_mem>>) src(%dma_wait3A_219 : memref<128x128xf32, #tpu.memory_space<hbm>>) dst(%dma_wait3A_216 : memref<128x128xf32, #tpu.memory_space<vmem>>)
      %dma_start3A_220 = arith.constant 1 : i32
      %dma_start3A_221 = arith.constant 1 : i32
      %dma_start3A_222 = arith.constant 0 : i32
      %dma_start3A_223 = arith.constant 0 : i32
      %dma_start3A_224 = tpu.memref_slice %arg9[%dma_start3A_220, %dma_start3A_222, %dma_start3A_223] : memref<2x128x128xf32, #tpu.memory_space<vmem>> -> memref<1x128x128xf32, #tpu.memory_space<vmem>>
      %dma_start3A_225 = tpu.memref_squeeze %dma_start3A_224 : memref<1x128x128xf32, #tpu.memory_space<vmem>> -> memref<128x128xf32, #tpu.memory_space<vmem>>
      %dma_start3A_226 = arith.constant 0 : i32
      %dma_start3A_227 = tpu.memref_slice %arg8[%add3A_189, %dma_start3A_226] : memref<80x128xi32, #tpu.memory_space<vmem>> -> memref<1x128xi32, #tpu.memory_space<vmem>>
      %dma_start3A_228 = tpu.memref_squeeze %dma_start3A_227 : memref<1x128xi32, #tpu.memory_space<vmem>> -> memref<128xi32, #tpu.memory_space<vmem>>
      %dma_start3A_229 = arith.constant 0 : i32
      %dma_start3A_230 = arith.constant 0 : i32
      %dma_start3A_231 = tpu.memref_slice %arg10[%dma_start3A_229, %dma_start3A_230] : memref<10112x128xf32, #tpu.memory_space<vmem_shared>> -> memref<10112x128xf32, #tpu.memory_space<vmem_shared>>
      %dma_start3A_232 = tpu.memref_slice %arg12[%dma_start3A_221] : memref<2x!tpu.dma_semaphore, #tpu.memory_space<semaphore_mem>> -> memref<1x!tpu.dma_semaphore, #tpu.memory_space<semaphore_mem>>
      %dma_start3A_233 = tpu.memref_squeeze %dma_start3A_232 : memref<1x!tpu.dma_semaphore, #tpu.memory_space<semaphore_mem>> -> memref<!tpu.dma_semaphore, #tpu.memory_space<semaphore_mem>>
      tpu.enqueue_indirect_dma source(%dma_start3A_225 : memref<128x128xf32, #tpu.memory_space<vmem>>) target(%dma_start3A_231 : memref<10112x128xf32, #tpu.memory_space<vmem_shared>>) offsets(%dma_start3A_228 : memref<128xi32, #tpu.memory_space<vmem>>) semaphore(%dma_start3A_233 : memref<!tpu.dma_semaphore, #tpu.memory_space<semaphore_mem>>) {add = true}
    }
    %scan3A_114 = arith.constant 40 : i32
    %dma_wait3A_115 = arith.constant 1 : i32
    %dma_wait3A_116 = arith.constant 1 : i32
    %dma_wait3A_117 = arith.constant 0 : i32
    %dma_wait3A_118 = arith.constant 0 : i32
    %dma_wait3A_119 = tpu.memref_slice %arg9[%dma_wait3A_115, %dma_wait3A_117, %dma_wait3A_118] : memref<2x128x128xf32, #tpu.memory_space<vmem>> -> memref<1x128x128xf32, #tpu.memory_space<vmem>>
    %dma_wait3A_120 = tpu.memref_squeeze %dma_wait3A_119 : memref<1x128x128xf32, #tpu.memory_space<vmem>> -> memref<128x128xf32, #tpu.memory_space<vmem>>
    %dma_wait3A_121 = arith.constant 0 : i32
    %dma_wait3A_122 = arith.constant 0 : i32
    %dma_wait3A_123 = tpu.memref_slice %arg6[%dma_wait3A_121, %dma_wait3A_122] : memref<327680x128xf32, #tpu.memory_space<hbm>> -> memref<128x128xf32, #tpu.memory_space<hbm>>
    %dma_wait3A_124 = tpu.memref_slice %arg12[%dma_wait3A_116] : memref<2x!tpu.dma_semaphore, #tpu.memory_space<semaphore_mem>> -> memref<1x!tpu.dma_semaphore, #tpu.memory_space<semaphore_mem>>
    %dma_wait3A_125 = tpu.memref_squeeze %dma_wait3A_124 : memref<1x!tpu.dma_semaphore, #tpu.memory_space<semaphore_mem>> -> memref<!tpu.dma_semaphore, #tpu.memory_space<semaphore_mem>>
    %dma_wait3A_126 = arith.constant 0 : i32
    %dma_wait3A_127 = arith.constant 0 : i32
    %dma_wait3A_128 = tpu.memref_slice %arg9[%dma_wait3A_115, %dma_wait3A_126, %dma_wait3A_127] : memref<2x128x128xf32, #tpu.memory_space<vmem>> -> memref<1x128x128xf32, #tpu.memory_space<vmem>>
    %dma_wait3A_129 = tpu.memref_squeeze %dma_wait3A_128 : memref<1x128x128xf32, #tpu.memory_space<vmem>> -> memref<128x128xf32, #tpu.memory_space<vmem>>
    %dma_wait3A_130 = arith.constant 0 : i32
    %dma_wait3A_131 = arith.constant 0 : i32
    %dma_wait3A_132 = tpu.memref_slice %arg6[%dma_wait3A_130, %dma_wait3A_131] : memref<327680x128xf32, #tpu.memory_space<hbm>> -> memref<128x128xf32, #tpu.memory_space<hbm>>
    tpu.wait_dma2 semaphore(%dma_wait3A_125 : memref<!tpu.dma_semaphore, #tpu.memory_space<semaphore_mem>>) src(%dma_wait3A_132 : memref<128x128xf32, #tpu.memory_space<hbm>>) dst(%dma_wait3A_129 : memref<128x128xf32, #tpu.memory_space<vmem>>)
    %barrier3A_133 = arith.constant 0 : index
    tpu.barrier barrier_id(%barrier3A_133)
    %mul3A_134 = arith.constant 632 : i32
    %mul3A_135 = arith.muli %arg1, %mul3A_134 : i32
    %mul3A_136 = arith.constant 632 : i32
    %mul3A_137 = arith.muli %arg1, %mul3A_136 : i32
    "tpu.region"() ({
      %run_scoped3A_138 = tpu.sem_alloc : memref<!tpu.dma_semaphore, #tpu.memory_space<semaphore_mem>>
      %dma_start3A_139 = arith.constant 0 : i32
      %dma_start3A_140 = arith.constant 0 : i32
      %dma_start3A_141 = tpu.memref_slice %arg5[%arg0, %dma_start3A_139, %dma_start3A_140] : memref<2x10112x128xf32, #tpu.memory_space<hbm>> -> memref<1x10112x128xf32, #tpu.memory_space<hbm>>
      %dma_start3A_142 = tpu.memref_squeeze %dma_start3A_141 : memref<1x10112x128xf32, #tpu.memory_space<hbm>> -> memref<10112x128xf32, #tpu.memory_space<hbm>>
      %dma_start3A_143 = arith.constant 0 : i32
      %dma_start3A_144 = tpu.memref_slice %dma_start3A_142[%mul3A_137, %dma_start3A_143] : memref<10112x128xf32, #tpu.memory_space<hbm>> -> memref<632x128xf32, #tpu.memory_space<hbm>>
      %dma_start3A_145 = arith.constant 0 : i32
      %dma_start3A_146 = tpu.memref_slice %arg10[%mul3A_135, %dma_start3A_145] : memref<10112x128xf32, #tpu.memory_space<vmem_shared>> -> memref<632x128xf32, #tpu.memory_space<vmem_shared>>
      tpu.enqueue_dma source(%dma_start3A_146 : memref<632x128xf32, #tpu.memory_space<vmem_shared>>) target(%dma_start3A_144 : memref<632x128xf32, #tpu.memory_space<hbm>>) target_semaphore(%run_scoped3A_138 : memref<!tpu.dma_semaphore, #tpu.memory_space<semaphore_mem>>)
      %dma_wait3A_147 = arith.constant 0 : i32
      %dma_wait3A_148 = arith.constant 0 : i32
      %dma_wait3A_149 = tpu.memref_slice %arg5[%arg0, %dma_wait3A_147, %dma_wait3A_148] : memref<2x10112x128xf32, #tpu.memory_space<hbm>> -> memref<1x10112x128xf32, #tpu.memory_space<hbm>>
      %dma_wait3A_150 = tpu.memref_squeeze %dma_wait3A_149 : memref<1x10112x128xf32, #tpu.memory_space<hbm>> -> memref<10112x128xf32, #tpu.memory_space<hbm>>
      %dma_wait3A_151 = arith.constant 0 : i32
      %dma_wait3A_152 = tpu.memref_slice %dma_wait3A_150[%mul3A_137, %dma_wait3A_151] : memref<10112x128xf32, #tpu.memory_space<hbm>> -> memref<632x128xf32, #tpu.memory_space<hbm>>
      %dma_wait3A_153 = arith.constant 0 : i32
      %dma_wait3A_154 = tpu.memref_slice %arg10[%mul3A_135, %dma_wait3A_153] : memref<10112x128xf32, #tpu.memory_space<vmem_shared>> -> memref<632x128xf32, #tpu.memory_space<vmem_shared>>
      tpu.wait_dma2 semaphore(%run_scoped3A_138 : memref<!tpu.dma_semaphore, #tpu.memory_space<semaphore_mem>>) src(%dma_wait3A_154 : memref<632x128xf32, #tpu.memory_space<vmem_shared>>) dst(%dma_wait3A_152 : memref<632x128xf32, #tpu.memory_space<hbm>>)
      tpu.yield
    }) : () -> ()
    return
  }
}

#map = affine_map<(d0, d1) -> (0, 0)>
#map1 = affine_map<(d0, d1) -> (0, 0, 0)>
module attributes {stable_mosaic.version = 14 : i64} {
  func.func @layer_k(%arg0: i32, %arg1: i32, %arg2: memref<10000x128xf32, #tpu.memory_space<hbm>>, %arg3: memref<32x80x128xi32, #tpu.memory_space<hbm>>, %arg4: memref<32x80x128xi32, #tpu.memory_space<hbm>>, %arg5: memref<2x10112x128xf32, #tpu.memory_space<hbm>>, %arg6: memref<327680x128xf32, #tpu.memory_space<hbm>>, %arg7: memref<2x8x128xi32, #tpu.memory_space<vmem>>, %arg8: memref<80x128xi32, #tpu.memory_space<vmem>>, %arg9: memref<2x128x128xf32, #tpu.memory_space<vmem>>, %arg10: memref<10112x128xf32, #tpu.memory_space<vmem_shared>>, %arg11: memref<2x!tpu.dma_semaphore, #tpu.memory_space<semaphore_mem>>, %arg12: memref<2x!tpu.dma_semaphore, #tpu.memory_space<semaphore_mem>>, %arg13: memref<!tpu.dma_semaphore, #tpu.memory_space<semaphore_mem>>, %arg14: memref<!tpu.dma_semaphore, #tpu.memory_space<semaphore_mem>>) attributes {dimension_semantics = [#tpu.dimension_semantics<core_parallel>, #tpu.dimension_semantics<subcore_parallel>], iteration_bounds = array<i64: 2, 16>, scalar_prefetch = 0 : i64, scratch_operands = 8 : i64, tpu.core_type = #tpu.core_type<sc_vector_subcore>, window_params = [{transform_indices = #map}, {transform_indices = #map1}, {transform_indices = #map1}, {transform_indices = #map1}, {transform_indices = #map}]} {
    %mul3A = arith.constant 16 : i32
    %mul3A_0 = arith.muli %arg0, %mul3A : i32
    %add3A = arith.addi %mul3A_0, %arg1 : i32
    %mul3A_1 = arith.constant 80 : i32
    %mul3A_2 = arith.muli %add3A, %mul3A_1 : i32
    %run_scoped3A = arith.constant 0 : i32
    "tpu.region"() ({
      %run_scoped3A_138 = tpu.sem_alloc : memref<!tpu.dma_semaphore, #tpu.memory_space<semaphore_mem>>
      %dma_start3A_139 = arith.constant 0 : i32
      %dma_start3A_140 = arith.constant 0 : i32
      %dma_start3A_141 = tpu.memref_slice %arg7[%run_scoped3A, %dma_start3A_139, %dma_start3A_140] : memref<2x8x128xi32, #tpu.memory_space<vmem>> -> memref<1x8x128xi32, #tpu.memory_space<vmem>>
      %dma_start3A_142 = tpu.memref_squeeze %dma_start3A_141 : memref<1x8x128xi32, #tpu.memory_space<vmem>> -> memref<8x128xi32, #tpu.memory_space<vmem>>
      %dma_start3A_143 = arith.constant 0 : i32
      %dma_start3A_144 = arith.constant 0 : i32
      %dma_start3A_145 = tpu.memref_slice %arg3[%add3A, %dma_start3A_143, %dma_start3A_144] : memref<32x80x128xi32, #tpu.memory_space<hbm>> -> memref<1x80x128xi32, #tpu.memory_space<hbm>>
      %dma_start3A_146 = tpu.memref_squeeze %dma_start3A_145 : memref<1x80x128xi32, #tpu.memory_space<hbm>> -> memref<80x128xi32, #tpu.memory_space<hbm>>
      %dma_start3A_147 = arith.constant 0 : i32
      %dma_start3A_148 = arith.constant 0 : i32
      %dma_start3A_149 = tpu.memref_slice %dma_start3A_146[%dma_start3A_147, %dma_start3A_148] : memref<80x128xi32, #tpu.memory_space<hbm>> -> memref<8x128xi32, #tpu.memory_space<hbm>>
      %dma_start3A_150 = arith.constant 0 : i32
      %dma_start3A_151 = arith.constant 0 : i32
      %dma_start3A_152 = tpu.memref_slice %arg7[%run_scoped3A, %dma_start3A_150, %dma_start3A_151] : memref<2x8x128xi32, #tpu.memory_space<vmem>> -> memref<1x8x128xi32, #tpu.memory_space<vmem>>
      %dma_start3A_153 = tpu.memref_squeeze %dma_start3A_152 : memref<1x8x128xi32, #tpu.memory_space<vmem>> -> memref<8x128xi32, #tpu.memory_space<vmem>>
      %dma_start3A_154 = arith.constant 0 : i32
      %dma_start3A_155 = arith.constant 0 : i32
      %dma_start3A_156 = tpu.memref_slice %arg3[%add3A, %dma_start3A_154, %dma_start3A_155] : memref<32x80x128xi32, #tpu.memory_space<hbm>> -> memref<1x80x128xi32, #tpu.memory_space<hbm>>
      %dma_start3A_157 = tpu.memref_squeeze %dma_start3A_156 : memref<1x80x128xi32, #tpu.memory_space<hbm>> -> memref<80x128xi32, #tpu.memory_space<hbm>>
      %dma_start3A_158 = arith.constant 0 : i32
      %dma_start3A_159 = arith.constant 0 : i32
      %dma_start3A_160 = tpu.memref_slice %dma_start3A_157[%dma_start3A_158, %dma_start3A_159] : memref<80x128xi32, #tpu.memory_space<hbm>> -> memref<8x128xi32, #tpu.memory_space<hbm>>
      tpu.enqueue_dma source(%dma_start3A_160 : memref<8x128xi32, #tpu.memory_space<hbm>>) target(%dma_start3A_153 : memref<8x128xi32, #tpu.memory_space<vmem>>) target_semaphore(%run_scoped3A_138 : memref<!tpu.dma_semaphore, #tpu.memory_space<semaphore_mem>>)
      %dma_wait3A_161 = arith.constant 0 : i32
      %dma_wait3A_162 = arith.constant 0 : i32
      %dma_wait3A_163 = tpu.memref_slice %arg7[%run_scoped3A, %dma_wait3A_161, %dma_wait3A_162] : memref<2x8x128xi32, #tpu.memory_space<vmem>> -> memref<1x8x128xi32, #tpu.memory_space<vmem>>
      %dma_wait3A_164 = tpu.memref_squeeze %dma_wait3A_163 : memref<1x8x128xi32, #tpu.memory_space<vmem>> -> memref<8x128xi32, #tpu.memory_space<vmem>>
      %dma_wait3A_165 = arith.constant 0 : i32
      %dma_wait3A_166 = arith.constant 0 : i32
      %dma_wait3A_167 = tpu.memref_slice %arg3[%add3A, %dma_wait3A_165, %dma_wait3A_166] : memref<32x80x128xi32, #tpu.memory_space<hbm>> -> memref<1x80x128xi32, #tpu.memory_space<hbm>>
      %dma_wait3A_168 = tpu.memref_squeeze %dma_wait3A_167 : memref<1x80x128xi32, #tpu.memory_space<hbm>> -> memref<80x128xi32, #tpu.memory_space<hbm>>
      %dma_wait3A_169 = arith.constant 0 : i32
      %dma_wait3A_170 = arith.constant 0 : i32
      %dma_wait3A_171 = tpu.memref_slice %dma_wait3A_168[%dma_wait3A_169, %dma_wait3A_170] : memref<80x128xi32, #tpu.memory_space<hbm>> -> memref<8x128xi32, #tpu.memory_space<hbm>>
      %dma_wait3A_172 = arith.constant 0 : i32
      %dma_wait3A_173 = arith.constant 0 : i32
      %dma_wait3A_174 = tpu.memref_slice %arg7[%run_scoped3A, %dma_wait3A_172, %dma_wait3A_173] : memref<2x8x128xi32, #tpu.memory_space<vmem>> -> memref<1x8x128xi32, #tpu.memory_space<vmem>>
      %dma_wait3A_175 = tpu.memref_squeeze %dma_wait3A_174 : memref<1x8x128xi32, #tpu.memory_space<vmem>> -> memref<8x128xi32, #tpu.memory_space<vmem>>
      %dma_wait3A_176 = arith.constant 0 : i32
      %dma_wait3A_177 = arith.constant 0 : i32
      %dma_wait3A_178 = tpu.memref_slice %arg3[%add3A, %dma_wait3A_176, %dma_wait3A_177] : memref<32x80x128xi32, #tpu.memory_space<hbm>> -> memref<1x80x128xi32, #tpu.memory_space<hbm>>
      %dma_wait3A_179 = tpu.memref_squeeze %dma_wait3A_178 : memref<1x80x128xi32, #tpu.memory_space<hbm>> -> memref<80x128xi32, #tpu.memory_space<hbm>>
      %dma_wait3A_180 = arith.constant 0 : i32
      %dma_wait3A_181 = arith.constant 0 : i32
      %dma_wait3A_182 = tpu.memref_slice %dma_wait3A_179[%dma_wait3A_180, %dma_wait3A_181] : memref<80x128xi32, #tpu.memory_space<hbm>> -> memref<8x128xi32, #tpu.memory_space<hbm>>
      tpu.wait_dma2 semaphore(%run_scoped3A_138 : memref<!tpu.dma_semaphore, #tpu.memory_space<semaphore_mem>>) src(%dma_wait3A_182 : memref<8x128xi32, #tpu.memory_space<hbm>>) dst(%dma_wait3A_175 : memref<8x128xi32, #tpu.memory_space<vmem>>)
      tpu.yield
    }) : () -> ()
    %dma_start3A = arith.constant 1 : i32
    %dma_start3A_3 = arith.constant 0 : i32
    %dma_start3A_4 = arith.constant 0 : i32
    %dma_start3A_5 = tpu.memref_slice %arg7[%dma_start3A, %dma_start3A_3, %dma_start3A_4] : memref<2x8x128xi32, #tpu.memory_space<vmem>> -> memref<1x8x128xi32, #tpu.memory_space<vmem>>
    %dma_start3A_6 = tpu.memref_squeeze %dma_start3A_5 : memref<1x8x128xi32, #tpu.memory_space<vmem>> -> memref<8x128xi32, #tpu.memory_space<vmem>>
    %dma_start3A_7 = arith.constant 0 : i32
    %dma_start3A_8 = arith.constant 0 : i32
    %dma_start3A_9 = tpu.memref_slice %arg3[%add3A, %dma_start3A_7, %dma_start3A_8] : memref<32x80x128xi32, #tpu.memory_space<hbm>> -> memref<1x80x128xi32, #tpu.memory_space<hbm>>
    %dma_start3A_10 = tpu.memref_squeeze %dma_start3A_9 : memref<1x80x128xi32, #tpu.memory_space<hbm>> -> memref<80x128xi32, #tpu.memory_space<hbm>>
    %dma_start3A_11 = arith.constant 8 : i32
    %dma_start3A_12 = arith.constant 0 : i32
    %dma_start3A_13 = tpu.memref_slice %dma_start3A_10[%dma_start3A_11, %dma_start3A_12] : memref<80x128xi32, #tpu.memory_space<hbm>> -> memref<8x128xi32, #tpu.memory_space<hbm>>
    %dma_start3A_14 = arith.constant 0 : i32
    %dma_start3A_15 = arith.constant 0 : i32
    %dma_start3A_16 = tpu.memref_slice %arg7[%dma_start3A, %dma_start3A_14, %dma_start3A_15] : memref<2x8x128xi32, #tpu.memory_space<vmem>> -> memref<1x8x128xi32, #tpu.memory_space<vmem>>
    %dma_start3A_17 = tpu.memref_squeeze %dma_start3A_16 : memref<1x8x128xi32, #tpu.memory_space<vmem>> -> memref<8x128xi32, #tpu.memory_space<vmem>>
    %dma_start3A_18 = arith.constant 0 : i32
    %dma_start3A_19 = arith.constant 0 : i32
    %dma_start3A_20 = tpu.memref_slice %arg3[%add3A, %dma_start3A_18, %dma_start3A_19] : memref<32x80x128xi32, #tpu.memory_space<hbm>> -> memref<1x80x128xi32, #tpu.memory_space<hbm>>
    %dma_start3A_21 = tpu.memref_squeeze %dma_start3A_20 : memref<1x80x128xi32, #tpu.memory_space<hbm>> -> memref<80x128xi32, #tpu.memory_space<hbm>>
    %dma_start3A_22 = arith.constant 8 : i32
    %dma_start3A_23 = arith.constant 0 : i32
    %dma_start3A_24 = tpu.memref_slice %dma_start3A_21[%dma_start3A_22, %dma_start3A_23] : memref<80x128xi32, #tpu.memory_space<hbm>> -> memref<8x128xi32, #tpu.memory_space<hbm>>
    tpu.enqueue_dma source(%dma_start3A_24 : memref<8x128xi32, #tpu.memory_space<hbm>>) target(%dma_start3A_17 : memref<8x128xi32, #tpu.memory_space<vmem>>) target_semaphore(%arg13 : memref<!tpu.dma_semaphore, #tpu.memory_space<semaphore_mem>>)
    %dma_start3A_25 = arith.constant 0 : i32
    %dma_start3A_26 = arith.constant 0 : i32
    %dma_start3A_27 = tpu.memref_slice %arg4[%add3A, %dma_start3A_25, %dma_start3A_26] : memref<32x80x128xi32, #tpu.memory_space<hbm>> -> memref<1x80x128xi32, #tpu.memory_space<hbm>>
    %dma_start3A_28 = tpu.memref_squeeze %dma_start3A_27 : memref<1x80x128xi32, #tpu.memory_space<hbm>> -> memref<80x128xi32, #tpu.memory_space<hbm>>
    %dma_start3A_29 = arith.constant 0 : i32
    %dma_start3A_30 = arith.constant 0 : i32
    %dma_start3A_31 = tpu.memref_slice %arg4[%add3A, %dma_start3A_29, %dma_start3A_30] : memref<32x80x128xi32, #tpu.memory_space<hbm>> -> memref<1x80x128xi32, #tpu.memory_space<hbm>>
    %dma_start3A_32 = tpu.memref_squeeze %dma_start3A_31 : memref<1x80x128xi32, #tpu.memory_space<hbm>> -> memref<80x128xi32, #tpu.memory_space<hbm>>
    tpu.enqueue_dma source(%dma_start3A_32 : memref<80x128xi32, #tpu.memory_space<hbm>>) target(%arg8 : memref<80x128xi32, #tpu.memory_space<vmem>>) target_semaphore(%arg14 : memref<!tpu.dma_semaphore, #tpu.memory_space<semaphore_mem>>)
    %lt3A = arith.constant 15 : i32
    %lt3A_33 = arith.cmpi slt, %arg1, %lt3A : i32
    %convert_element_type3A = arith.extui %lt3A_33 : i1 to i32
    %cond3A = arith.constant 0 : i32
    %cond3A_34 = arith.cmpi ne, %convert_element_type3A, %cond3A : i32
    scf.if %cond3A_34 {
      %mul3A_138 = arith.constant 640 : i32
      %mul3A_139 = arith.muli %arg1, %mul3A_138 : i32
      %mul3A_140 = arith.constant 640 : i32
      %mul3A_141 = arith.muli %arg1, %mul3A_140 : i32
      "tpu.region"() ({
        %run_scoped3A_142 = tpu.sem_alloc : memref<!tpu.dma_semaphore, #tpu.memory_space<semaphore_mem>>
        %dma_start3A_143 = arith.constant 0 : i32
        %dma_start3A_144 = tpu.memref_slice %arg10[%mul3A_141, %dma_start3A_143] : memref<10112x128xf32, #tpu.memory_space<vmem_shared>> -> memref<640x128xf32, #tpu.memory_space<vmem_shared>>
        %dma_start3A_145 = arith.constant 0 : i32
        %dma_start3A_146 = tpu.memref_slice %arg2[%mul3A_139, %dma_start3A_145] : memref<10000x128xf32, #tpu.memory_space<hbm>> -> memref<640x128xf32, #tpu.memory_space<hbm>>
        tpu.enqueue_dma source(%dma_start3A_146 : memref<640x128xf32, #tpu.memory_space<hbm>>) target(%dma_start3A_144 : memref<640x128xf32, #tpu.memory_space<vmem_shared>>) target_semaphore(%run_scoped3A_142 : memref<!tpu.dma_semaphore, #tpu.memory_space<semaphore_mem>>)
        %dma_wait3A_147 = arith.constant 0 : i32
        %dma_wait3A_148 = tpu.memref_slice %arg10[%mul3A_141, %dma_wait3A_147] : memref<10112x128xf32, #tpu.memory_space<vmem_shared>> -> memref<640x128xf32, #tpu.memory_space<vmem_shared>>
        %dma_wait3A_149 = arith.constant 0 : i32
        %dma_wait3A_150 = tpu.memref_slice %arg2[%mul3A_139, %dma_wait3A_149] : memref<10000x128xf32, #tpu.memory_space<hbm>> -> memref<640x128xf32, #tpu.memory_space<hbm>>
        tpu.wait_dma2 semaphore(%run_scoped3A_142 : memref<!tpu.dma_semaphore, #tpu.memory_space<semaphore_mem>>) src(%dma_wait3A_150 : memref<640x128xf32, #tpu.memory_space<hbm>>) dst(%dma_wait3A_148 : memref<640x128xf32, #tpu.memory_space<vmem_shared>>)
        tpu.yield
      }) : () -> ()
    } else {
    }
    %eq3A = arith.constant 15 : i32
    %eq3A_35 = arith.cmpi eq, %arg1, %eq3A : i32
    %convert_element_type3A_36 = arith.extui %eq3A_35 : i1 to i32
    %cond3A_37 = arith.constant 0 : i32
    %cond3A_38 = arith.cmpi ne, %convert_element_type3A_36, %cond3A_37 : i32
    scf.if %cond3A_38 {
      "tpu.region"() ({
        %run_scoped3A_138 = tpu.sem_alloc : memref<!tpu.dma_semaphore, #tpu.memory_space<semaphore_mem>>
        %dma_start3A_139 = arith.constant 9600 : i32
        %dma_start3A_140 = arith.constant 0 : i32
        %dma_start3A_141 = tpu.memref_slice %arg10[%dma_start3A_139, %dma_start3A_140] : memref<10112x128xf32, #tpu.memory_space<vmem_shared>> -> memref<400x128xf32, #tpu.memory_space<vmem_shared>>
        %dma_start3A_142 = arith.constant 9600 : i32
        %dma_start3A_143 = arith.constant 0 : i32
        %dma_start3A_144 = tpu.memref_slice %arg2[%dma_start3A_142, %dma_start3A_143] : memref<10000x128xf32, #tpu.memory_space<hbm>> -> memref<400x128xf32, #tpu.memory_space<hbm>>
        tpu.enqueue_dma source(%dma_start3A_144 : memref<400x128xf32, #tpu.memory_space<hbm>>) target(%dma_start3A_141 : memref<400x128xf32, #tpu.memory_space<vmem_shared>>) target_semaphore(%run_scoped3A_138 : memref<!tpu.dma_semaphore, #tpu.memory_space<semaphore_mem>>)
        %dma_wait3A_145 = arith.constant 9600 : i32
        %dma_wait3A_146 = arith.constant 0 : i32
        %dma_wait3A_147 = tpu.memref_slice %arg10[%dma_wait3A_145, %dma_wait3A_146] : memref<10112x128xf32, #tpu.memory_space<vmem_shared>> -> memref<400x128xf32, #tpu.memory_space<vmem_shared>>
        %dma_wait3A_148 = arith.constant 9600 : i32
        %dma_wait3A_149 = arith.constant 0 : i32
        %dma_wait3A_150 = tpu.memref_slice %arg2[%dma_wait3A_148, %dma_wait3A_149] : memref<10000x128xf32, #tpu.memory_space<hbm>> -> memref<400x128xf32, #tpu.memory_space<hbm>>
        tpu.wait_dma2 semaphore(%run_scoped3A_138 : memref<!tpu.dma_semaphore, #tpu.memory_space<semaphore_mem>>) src(%dma_wait3A_150 : memref<400x128xf32, #tpu.memory_space<hbm>>) dst(%dma_wait3A_147 : memref<400x128xf32, #tpu.memory_space<vmem_shared>>)
        tpu.yield
      }) : () -> ()
    } else {
    }
    %barrier3A = arith.constant 0 : index
    tpu.barrier barrier_id(%barrier3A)
    %dma_start3A_39 = arith.constant 0 : i32
    %dma_start3A_40 = arith.constant 0 : i32
    %dma_start3A_41 = arith.constant 0 : i32
    %dma_start3A_42 = arith.constant 0 : i32
    %dma_start3A_43 = arith.constant 0 : i32
    %dma_start3A_44 = arith.constant 0 : i32
    %dma_start3A_45 = tpu.memref_slice %arg9[%dma_start3A_41, %dma_start3A_43, %dma_start3A_44] : memref<2x128x128xf32, #tpu.memory_space<vmem>> -> memref<1x128x128xf32, #tpu.memory_space<vmem>>
    %dma_start3A_46 = tpu.memref_squeeze %dma_start3A_45 : memref<1x128x128xf32, #tpu.memory_space<vmem>> -> memref<128x128xf32, #tpu.memory_space<vmem>>
    %dma_start3A_47 = arith.constant 0 : i32
    %dma_start3A_48 = arith.constant 0 : i32
    %dma_start3A_49 = tpu.memref_slice %arg7[%dma_start3A_39, %dma_start3A_47, %dma_start3A_48] : memref<2x8x128xi32, #tpu.memory_space<vmem>> -> memref<1x8x128xi32, #tpu.memory_space<vmem>>
    %dma_start3A_50 = tpu.memref_squeeze %dma_start3A_49 : memref<1x8x128xi32, #tpu.memory_space<vmem>> -> memref<8x128xi32, #tpu.memory_space<vmem>>
    %dma_start3A_51 = arith.constant 0 : i32
    %dma_start3A_52 = tpu.memref_slice %dma_start3A_50[%dma_start3A_40, %dma_start3A_51] : memref<8x128xi32, #tpu.memory_space<vmem>> -> memref<1x128xi32, #tpu.memory_space<vmem>>
    %dma_start3A_53 = tpu.memref_squeeze %dma_start3A_52 : memref<1x128xi32, #tpu.memory_space<vmem>> -> memref<128xi32, #tpu.memory_space<vmem>>
    %dma_start3A_54 = arith.constant 0 : i32
    %dma_start3A_55 = arith.constant 0 : i32
    %dma_start3A_56 = tpu.memref_slice %arg10[%dma_start3A_54, %dma_start3A_55] : memref<10112x128xf32, #tpu.memory_space<vmem_shared>> -> memref<10112x128xf32, #tpu.memory_space<vmem_shared>>
    %dma_start3A_57 = tpu.memref_slice %arg11[%dma_start3A_42] : memref<2x!tpu.dma_semaphore, #tpu.memory_space<semaphore_mem>> -> memref<1x!tpu.dma_semaphore, #tpu.memory_space<semaphore_mem>>
    %dma_start3A_58 = tpu.memref_squeeze %dma_start3A_57 : memref<1x!tpu.dma_semaphore, #tpu.memory_space<semaphore_mem>> -> memref<!tpu.dma_semaphore, #tpu.memory_space<semaphore_mem>>
    tpu.enqueue_indirect_dma source(%dma_start3A_56 : memref<10112x128xf32, #tpu.memory_space<vmem_shared>>) target(%dma_start3A_46 : memref<128x128xf32, #tpu.memory_space<vmem>>) offsets(%dma_start3A_53 : memref<128xi32, #tpu.memory_space<vmem>>) semaphore(%dma_start3A_58 : memref<!tpu.dma_semaphore, #tpu.memory_space<semaphore_mem>>)
    %scan3A = arith.constant 0 : i32
    %scan3A_59 = arith.constant 0 : i32
    %scan3A_60 = arith.constant 10 : i32
    %scan3A_61 = arith.addi %scan3A_59, %scan3A_60 : i32
    %scan3A_62 = arith.constant 1 : i32
    scf.for %scan3A_138 = %scan3A_59 to %scan3A_61 step %scan3A_62  : i32 {
      %jit3A = arith.constant 2 : i32
      %eq3A_139 = arith.constant 0 : i32
      %eq3A_140 = arith.cmpi eq, %jit3A, %eq3A_139 : i32
      %jit3A_141 = arith.constant 1 : i32
      %select_n3A = arith.select %eq3A_140, %jit3A_141, %jit3A : i32
      %rem3A = arith.remsi %scan3A_138, %select_n3A : i32
      %ne3A = arith.constant 0 : i32
      %ne3A_142 = arith.cmpi ne, %rem3A, %ne3A : i32
      %lt3A_143 = arith.constant 0 : i32
      %lt3A_144 = arith.cmpi slt, %rem3A, %lt3A_143 : i32
      %lt3A_145 = arith.constant 0 : i32
      %lt3A_146 = arith.cmpi slt, %select_n3A, %lt3A_145 : i32
      %ne3A_147 = arith.xori %lt3A_144, %lt3A_146 : i1
      %and3A = arith.andi %ne3A_147, %ne3A_142 : i1
      %add3A_148 = arith.addi %rem3A, %select_n3A : i32
      %select_n3A_149 = arith.select %and3A, %add3A_148, %rem3A : i32
      %add3A_150 = arith.constant 1 : i32
      %add3A_151 = arith.addi %scan3A_138, %add3A_150 : i32
      %jit3A_152 = arith.constant 2 : i32
      %eq3A_153 = arith.constant 0 : i32
      %eq3A_154 = arith.cmpi eq, %jit3A_152, %eq3A_153 : i32
      %jit3A_155 = arith.constant 1 : i32
      %select_n3A_156 = arith.select %eq3A_154, %jit3A_155, %jit3A_152 : i32
      %rem3A_157 = arith.remsi %add3A_151, %select_n3A_156 : i32
      %ne3A_158 = arith.constant 0 : i32
      %ne3A_159 = arith.cmpi ne, %rem3A_157, %ne3A_158 : i32
      %lt3A_160 = arith.constant 0 : i32
      %lt3A_161 = arith.cmpi slt, %rem3A_157, %lt3A_160 : i32
      %lt3A_162 = arith.constant 0 : i32
      %lt3A_163 = arith.cmpi slt, %select_n3A_156, %lt3A_162 : i32
      %ne3A_164 = arith.xori %lt3A_161, %lt3A_163 : i1
      %and3A_165 = arith.andi %ne3A_164, %ne3A_159 : i1
      %add3A_166 = arith.addi %rem3A_157, %select_n3A_156 : i32
      %select_n3A_167 = arith.select %and3A_165, %add3A_166, %rem3A_157 : i32
      %mul3A_168 = arith.constant 8 : i32
      %mul3A_169 = arith.muli %scan3A_138, %mul3A_168 : i32
      %add3A_170 = arith.constant 0 : i32
      %add3A_171 = arith.addi %mul3A_169, %add3A_170 : i32
      %ge3A = arith.constant 1 : i32
      %ge3A_172 = arith.cmpi sge, %add3A_171, %ge3A : i32
      %convert_element_type3A_173 = arith.extui %ge3A_172 : i1 to i32
      %cond3A_174 = arith.constant 0 : i32
      %cond3A_175 = arith.cmpi ne, %convert_element_type3A_173, %cond3A_174 : i32
      scf.if %cond3A_175 {
        %dma_wait3A_682 = arith.constant 1 : i32
        %dma_wait3A_683 = arith.constant 1 : i32
        %dma_wait3A_684 = arith.constant 0 : i32
        %dma_wait3A_685 = arith.constant 0 : i32
        %dma_wait3A_686 = tpu.memref_slice %arg9[%dma_wait3A_682, %dma_wait3A_684, %dma_wait3A_685] : memref<2x128x128xf32, #tpu.memory_space<vmem>> -> memref<1x128x128xf32, #tpu.memory_space<vmem>>
        %dma_wait3A_687 = tpu.memref_squeeze %dma_wait3A_686 : memref<1x128x128xf32, #tpu.memory_space<vmem>> -> memref<128x128xf32, #tpu.memory_space<vmem>>
        %dma_wait3A_688 = arith.constant 0 : i32
        %dma_wait3A_689 = arith.constant 0 : i32
        %dma_wait3A_690 = tpu.memref_slice %arg2[%dma_wait3A_688, %dma_wait3A_689] : memref<10000x128xf32, #tpu.memory_space<hbm>> -> memref<128x128xf32, #tpu.memory_space<hbm>>
        %dma_wait3A_691 = tpu.memref_slice %arg12[%dma_wait3A_683] : memref<2x!tpu.dma_semaphore, #tpu.memory_space<semaphore_mem>> -> memref<1x!tpu.dma_semaphore, #tpu.memory_space<semaphore_mem>>
        %dma_wait3A_692 = tpu.memref_squeeze %dma_wait3A_691 : memref<1x!tpu.dma_semaphore, #tpu.memory_space<semaphore_mem>> -> memref<!tpu.dma_semaphore, #tpu.memory_space<semaphore_mem>>
        %dma_wait3A_693 = arith.constant 0 : i32
        %dma_wait3A_694 = arith.constant 0 : i32
        %dma_wait3A_695 = tpu.memref_slice %arg9[%dma_wait3A_682, %dma_wait3A_693, %dma_wait3A_694] : memref<2x128x128xf32, #tpu.memory_space<vmem>> -> memref<1x128x128xf32, #tpu.memory_space<vmem>>
        %dma_wait3A_696 = tpu.memref_squeeze %dma_wait3A_695 : memref<1x128x128xf32, #tpu.memory_space<vmem>> -> memref<128x128xf32, #tpu.memory_space<vmem>>
        %dma_wait3A_697 = arith.constant 0 : i32
        %dma_wait3A_698 = arith.constant 0 : i32
        %dma_wait3A_699 = tpu.memref_slice %arg2[%dma_wait3A_697, %dma_wait3A_698] : memref<10000x128xf32, #tpu.memory_space<hbm>> -> memref<128x128xf32, #tpu.memory_space<hbm>>
        tpu.wait_dma2 semaphore(%dma_wait3A_692 : memref<!tpu.dma_semaphore, #tpu.memory_space<semaphore_mem>>) src(%dma_wait3A_699 : memref<128x128xf32, #tpu.memory_space<hbm>>) dst(%dma_wait3A_696 : memref<128x128xf32, #tpu.memory_space<vmem>>)
      } else {
      }
      %dma_start3A_176 = arith.constant 1 : i32
      %dma_start3A_177 = arith.constant 1 : i32
      %dma_start3A_178 = arith.constant 1 : i32
      %dma_start3A_179 = arith.constant 0 : i32
      %dma_start3A_180 = arith.constant 0 : i32
      %dma_start3A_181 = tpu.memref_slice %arg9[%dma_start3A_177, %dma_start3A_179, %dma_start3A_180] : memref<2x128x128xf32, #tpu.memory_space<vmem>> -> memref<1x128x128xf32, #tpu.memory_space<vmem>>
      %dma_start3A_182 = tpu.memref_squeeze %dma_start3A_181 : memref<1x128x128xf32, #tpu.memory_space<vmem>> -> memref<128x128xf32, #tpu.memory_space<vmem>>
      %dma_start3A_183 = arith.constant 0 : i32
      %dma_start3A_184 = arith.constant 0 : i32
      %dma_start3A_185 = tpu.memref_slice %arg7[%select_n3A_149, %dma_start3A_183, %dma_start3A_184] : memref<2x8x128xi32, #tpu.memory_space<vmem>> -> memref<1x8x128xi32, #tpu.memory_space<vmem>>
      %dma_start3A_186 = tpu.memref_squeeze %dma_start3A_185 : memref<1x8x128xi32, #tpu.memory_space<vmem>> -> memref<8x128xi32, #tpu.memory_space<vmem>>
      %dma_start3A_187 = arith.constant 0 : i32
      %dma_start3A_188 = tpu.memref_slice %dma_start3A_186[%dma_start3A_176, %dma_start3A_187] : memref<8x128xi32, #tpu.memory_space<vmem>> -> memref<1x128xi32, #tpu.memory_space<vmem>>
      %dma_start3A_189 = tpu.memref_squeeze %dma_start3A_188 : memref<1x128xi32, #tpu.memory_space<vmem>> -> memref<128xi32, #tpu.memory_space<vmem>>
      %dma_start3A_190 = arith.constant 0 : i32
      %dma_start3A_191 = arith.constant 0 : i32
      %dma_start3A_192 = tpu.memref_slice %arg10[%dma_start3A_190, %dma_start3A_191] : memref<10112x128xf32, #tpu.memory_space<vmem_shared>> -> memref<10112x128xf32, #tpu.memory_space<vmem_shared>>
      %dma_start3A_193 = tpu.memref_slice %arg11[%dma_start3A_178] : memref<2x!tpu.dma_semaphore, #tpu.memory_space<semaphore_mem>> -> memref<1x!tpu.dma_semaphore, #tpu.memory_space<semaphore_mem>>
      %dma_start3A_194 = tpu.memref_squeeze %dma_start3A_193 : memref<1x!tpu.dma_semaphore, #tpu.memory_space<semaphore_mem>> -> memref<!tpu.dma_semaphore, #tpu.memory_space<semaphore_mem>>
      tpu.enqueue_indirect_dma source(%dma_start3A_192 : memref<10112x128xf32, #tpu.memory_space<vmem_shared>>) target(%dma_start3A_182 : memref<128x128xf32, #tpu.memory_space<vmem>>) offsets(%dma_start3A_189 : memref<128xi32, #tpu.memory_space<vmem>>) semaphore(%dma_start3A_194 : memref<!tpu.dma_semaphore, #tpu.memory_space<semaphore_mem>>)
      %dma_wait3A_195 = arith.constant 0 : i32
      %dma_wait3A_196 = arith.constant 0 : i32
      %dma_wait3A_197 = arith.constant 0 : i32
      %dma_wait3A_198 = arith.constant 0 : i32
      %dma_wait3A_199 = tpu.memref_slice %arg9[%dma_wait3A_195, %dma_wait3A_197, %dma_wait3A_198] : memref<2x128x128xf32, #tpu.memory_space<vmem>> -> memref<1x128x128xf32, #tpu.memory_space<vmem>>
      %dma_wait3A_200 = tpu.memref_squeeze %dma_wait3A_199 : memref<1x128x128xf32, #tpu.memory_space<vmem>> -> memref<128x128xf32, #tpu.memory_space<vmem>>
      %dma_wait3A_201 = arith.constant 0 : i32
      %dma_wait3A_202 = arith.constant 0 : i32
      %dma_wait3A_203 = tpu.memref_slice %arg2[%dma_wait3A_201, %dma_wait3A_202] : memref<10000x128xf32, #tpu.memory_space<hbm>> -> memref<128x128xf32, #tpu.memory_space<hbm>>
      %dma_wait3A_204 = tpu.memref_slice %arg11[%dma_wait3A_196] : memref<2x!tpu.dma_semaphore, #tpu.memory_space<semaphore_mem>> -> memref<1x!tpu.dma_semaphore, #tpu.memory_space<semaphore_mem>>
      %dma_wait3A_205 = tpu.memref_squeeze %dma_wait3A_204 : memref<1x!tpu.dma_semaphore, #tpu.memory_space<semaphore_mem>> -> memref<!tpu.dma_semaphore, #tpu.memory_space<semaphore_mem>>
      %dma_wait3A_206 = arith.constant 0 : i32
      %dma_wait3A_207 = arith.constant 0 : i32
      %dma_wait3A_208 = tpu.memref_slice %arg9[%dma_wait3A_195, %dma_wait3A_206, %dma_wait3A_207] : memref<2x128x128xf32, #tpu.memory_space<vmem>> -> memref<1x128x128xf32, #tpu.memory_space<vmem>>
      %dma_wait3A_209 = tpu.memref_squeeze %dma_wait3A_208 : memref<1x128x128xf32, #tpu.memory_space<vmem>> -> memref<128x128xf32, #tpu.memory_space<vmem>>
      %dma_wait3A_210 = arith.constant 0 : i32
      %dma_wait3A_211 = arith.constant 0 : i32
      %dma_wait3A_212 = tpu.memref_slice %arg2[%dma_wait3A_210, %dma_wait3A_211] : memref<10000x128xf32, #tpu.memory_space<hbm>> -> memref<128x128xf32, #tpu.memory_space<hbm>>
      tpu.wait_dma2 semaphore(%dma_wait3A_205 : memref<!tpu.dma_semaphore, #tpu.memory_space<semaphore_mem>>) src(%dma_wait3A_212 : memref<128x128xf32, #tpu.memory_space<hbm>>) dst(%dma_wait3A_209 : memref<128x128xf32, #tpu.memory_space<vmem>>)
      %add3A_213 = arith.addi %mul3A_2, %add3A_171 : i32
      %mul3A_214 = arith.constant 128 : i32
      %mul3A_215 = arith.muli %add3A_213, %mul3A_214 : i32
      %dma_start3A_216 = arith.constant 0 : i32
      %dma_start3A_217 = arith.constant 0 : i32
      %dma_start3A_218 = arith.constant 0 : i32
      %dma_start3A_219 = arith.constant 0 : i32
      %dma_start3A_220 = tpu.memref_slice %arg9[%dma_start3A_216, %dma_start3A_218, %dma_start3A_219] : memref<2x128x128xf32, #tpu.memory_space<vmem>> -> memref<1x128x128xf32, #tpu.memory_space<vmem>>
      %dma_start3A_221 = tpu.memref_squeeze %dma_start3A_220 : memref<1x128x128xf32, #tpu.memory_space<vmem>> -> memref<128x128xf32, #tpu.memory_space<vmem>>
      %dma_start3A_222 = arith.constant 0 : i32
      %dma_start3A_223 = tpu.memref_slice %arg6[%mul3A_215, %dma_start3A_222] : memref<327680x128xf32, #tpu.memory_space<hbm>> -> memref<128x128xf32, #tpu.memory_space<hbm>>
      %dma_start3A_224 = tpu.memref_slice %arg12[%dma_start3A_217] : memref<2x!tpu.dma_semaphore, #tpu.memory_space<semaphore_mem>> -> memref<1x!tpu.dma_semaphore, #tpu.memory_space<semaphore_mem>>
      %dma_start3A_225 = tpu.memref_squeeze %dma_start3A_224 : memref<1x!tpu.dma_semaphore, #tpu.memory_space<semaphore_mem>> -> memref<!tpu.dma_semaphore, #tpu.memory_space<semaphore_mem>>
      %dma_start3A_226 = arith.constant 0 : i32
      %dma_start3A_227 = tpu.memref_slice %arg6[%mul3A_215, %dma_start3A_226] : memref<327680x128xf32, #tpu.memory_space<hbm>> -> memref<128x128xf32, #tpu.memory_space<hbm>>
      %dma_start3A_228 = arith.constant 0 : i32
      %dma_start3A_229 = arith.constant 0 : i32
      %dma_start3A_230 = tpu.memref_slice %arg9[%dma_start3A_216, %dma_start3A_228, %dma_start3A_229] : memref<2x128x128xf32, #tpu.memory_space<vmem>> -> memref<1x128x128xf32, #tpu.memory_space<vmem>>
      %dma_start3A_231 = tpu.memref_squeeze %dma_start3A_230 : memref<1x128x128xf32, #tpu.memory_space<vmem>> -> memref<128x128xf32, #tpu.memory_space<vmem>>
      tpu.enqueue_dma source(%dma_start3A_231 : memref<128x128xf32, #tpu.memory_space<vmem>>) target(%dma_start3A_227 : memref<128x128xf32, #tpu.memory_space<hbm>>) target_semaphore(%dma_start3A_225 : memref<!tpu.dma_semaphore, #tpu.memory_space<semaphore_mem>>)
      %mul3A_232 = arith.constant 8 : i32
      %mul3A_233 = arith.muli %scan3A_138, %mul3A_232 : i32
      %add3A_234 = arith.constant 1 : i32
      %add3A_235 = arith.addi %mul3A_233, %add3A_234 : i32
      %ge3A_236 = arith.constant 1 : i32
      %ge3A_237 = arith.cmpi sge, %add3A_235, %ge3A_236 : i32
      %convert_element_type3A_238 = arith.extui %ge3A_237 : i1 to i32
      %cond3A_239 = arith.constant 0 : i32
      %cond3A_240 = arith.cmpi ne, %convert_element_type3A_238, %cond3A_239 : i32
      scf.if %cond3A_240 {
        %dma_wait3A_682 = arith.constant 0 : i32
        %dma_wait3A_683 = arith.constant 0 : i32
        %dma_wait3A_684 = arith.constant 0 : i32
        %dma_wait3A_685 = arith.constant 0 : i32
        %dma_wait3A_686 = tpu.memref_slice %arg9[%dma_wait3A_682, %dma_wait3A_684, %dma_wait3A_685] : memref<2x128x128xf32, #tpu.memory_space<vmem>> -> memref<1x128x128xf32, #tpu.memory_space<vmem>>
        %dma_wait3A_687 = tpu.memref_squeeze %dma_wait3A_686 : memref<1x128x128xf32, #tpu.memory_space<vmem>> -> memref<128x128xf32, #tpu.memory_space<vmem>>
        %dma_wait3A_688 = arith.constant 0 : i32
        %dma_wait3A_689 = arith.constant 0 : i32
        %dma_wait3A_690 = tpu.memref_slice %arg2[%dma_wait3A_688, %dma_wait3A_689] : memref<10000x128xf32, #tpu.memory_space<hbm>> -> memref<128x128xf32, #tpu.memory_space<hbm>>
        %dma_wait3A_691 = tpu.memref_slice %arg12[%dma_wait3A_683] : memref<2x!tpu.dma_semaphore, #tpu.memory_space<semaphore_mem>> -> memref<1x!tpu.dma_semaphore, #tpu.memory_space<semaphore_mem>>
        %dma_wait3A_692 = tpu.memref_squeeze %dma_wait3A_691 : memref<1x!tpu.dma_semaphore, #tpu.memory_space<semaphore_mem>> -> memref<!tpu.dma_semaphore, #tpu.memory_space<semaphore_mem>>
        %dma_wait3A_693 = arith.constant 0 : i32
        %dma_wait3A_694 = arith.constant 0 : i32
        %dma_wait3A_695 = tpu.memref_slice %arg9[%dma_wait3A_682, %dma_wait3A_693, %dma_wait3A_694] : memref<2x128x128xf32, #tpu.memory_space<vmem>> -> memref<1x128x128xf32, #tpu.memory_space<vmem>>
        %dma_wait3A_696 = tpu.memref_squeeze %dma_wait3A_695 : memref<1x128x128xf32, #tpu.memory_space<vmem>> -> memref<128x128xf32, #tpu.memory_space<vmem>>
        %dma_wait3A_697 = arith.constant 0 : i32
        %dma_wait3A_698 = arith.constant 0 : i32
        %dma_wait3A_699 = tpu.memref_slice %arg2[%dma_wait3A_697, %dma_wait3A_698] : memref<10000x128xf32, #tpu.memory_space<hbm>> -> memref<128x128xf32, #tpu.memory_space<hbm>>
        tpu.wait_dma2 semaphore(%dma_wait3A_692 : memref<!tpu.dma_semaphore, #tpu.memory_space<semaphore_mem>>) src(%dma_wait3A_699 : memref<128x128xf32, #tpu.memory_space<hbm>>) dst(%dma_wait3A_696 : memref<128x128xf32, #tpu.memory_space<vmem>>)
      } else {
      }
      %dma_start3A_241 = arith.constant 2 : i32
      %dma_start3A_242 = arith.constant 0 : i32
      %dma_start3A_243 = arith.constant 0 : i32
      %dma_start3A_244 = arith.constant 0 : i32
      %dma_start3A_245 = arith.constant 0 : i32
      %dma_start3A_246 = tpu.memref_slice %arg9[%dma_start3A_242, %dma_start3A_244, %dma_start3A_245] : memref<2x128x128xf32, #tpu.memory_space<vmem>> -> memref<1x128x128xf32, #tpu.memory_space<vmem>>
      %dma_start3A_247 = tpu.memref_squeeze %dma_start3A_246 : memref<1x128x128xf32, #tpu.memory_space<vmem>> -> memref<128x128xf32, #tpu.memory_space<vmem>>
      %dma_start3A_248 = arith.constant 0 : i32
      %dma_start3A_249 = arith.constant 0 : i32
      %dma_start3A_250 = tpu.memref_slice %arg7[%select_n3A_149, %dma_start3A_248, %dma_start3A_249] : memref<2x8x128xi32, #tpu.memory_space<vmem>> -> memref<1x8x128xi32, #tpu.memory_space<vmem>>
      %dma_start3A_251 = tpu.memref_squeeze %dma_start3A_250 : memref<1x8x128xi32, #tpu.memory_space<vmem>> -> memref<8x128xi32, #tpu.memory_space<vmem>>
      %dma_start3A_252 = arith.constant 0 : i32
      %dma_start3A_253 = tpu.memref_slice %dma_start3A_251[%dma_start3A_241, %dma_start3A_252] : memref<8x128xi32, #tpu.memory_space<vmem>> -> memref<1x128xi32, #tpu.memory_space<vmem>>
      %dma_start3A_254 = tpu.memref_squeeze %dma_start3A_253 : memref<1x128xi32, #tpu.memory_space<vmem>> -> memref<128xi32, #tpu.memory_space<vmem>>
      %dma_start3A_255 = arith.constant 0 : i32
      %dma_start3A_256 = arith.constant 0 : i32
      %dma_start3A_257 = tpu.memref_slice %arg10[%dma_start3A_255, %dma_start3A_256] : memref<10112x128xf32, #tpu.memory_space<vmem_shared>> -> memref<10112x128xf32, #tpu.memory_space<vmem_shared>>
      %dma_start3A_258 = tpu.memref_slice %arg11[%dma_start3A_243] : memref<2x!tpu.dma_semaphore, #tpu.memory_space<semaphore_mem>> -> memref<1x!tpu.dma_semaphore, #tpu.memory_space<semaphore_mem>>
      %dma_start3A_259 = tpu.memref_squeeze %dma_start3A_258 : memref<1x!tpu.dma_semaphore, #tpu.memory_space<semaphore_mem>> -> memref<!tpu.dma_semaphore, #tpu.memory_space<semaphore_mem>>
      tpu.enqueue_indirect_dma source(%dma_start3A_257 : memref<10112x128xf32, #tpu.memory_space<vmem_shared>>) target(%dma_start3A_247 : memref<128x128xf32, #tpu.memory_space<vmem>>) offsets(%dma_start3A_254 : memref<128xi32, #tpu.memory_space<vmem>>) semaphore(%dma_start3A_259 : memref<!tpu.dma_semaphore, #tpu.memory_space<semaphore_mem>>)
      %dma_wait3A_260 = arith.constant 1 : i32
      %dma_wait3A_261 = arith.constant 1 : i32
      %dma_wait3A_262 = arith.constant 0 : i32
      %dma_wait3A_263 = arith.constant 0 : i32
      %dma_wait3A_264 = tpu.memref_slice %arg9[%dma_wait3A_260, %dma_wait3A_262, %dma_wait3A_263] : memref<2x128x128xf32, #tpu.memory_space<vmem>> -> memref<1x128x128xf32, #tpu.memory_space<vmem>>
      %dma_wait3A_265 = tpu.memref_squeeze %dma_wait3A_264 : memref<1x128x128xf32, #tpu.memory_space<vmem>> -> memref<128x128xf32, #tpu.memory_space<vmem>>
      %dma_wait3A_266 = arith.constant 0 : i32
      %dma_wait3A_267 = arith.constant 0 : i32
      %dma_wait3A_268 = tpu.memref_slice %arg2[%dma_wait3A_266, %dma_wait3A_267] : memref<10000x128xf32, #tpu.memory_space<hbm>> -> memref<128x128xf32, #tpu.memory_space<hbm>>
      %dma_wait3A_269 = tpu.memref_slice %arg11[%dma_wait3A_261] : memref<2x!tpu.dma_semaphore, #tpu.memory_space<semaphore_mem>> -> memref<1x!tpu.dma_semaphore, #tpu.memory_space<semaphore_mem>>
      %dma_wait3A_270 = tpu.memref_squeeze %dma_wait3A_269 : memref<1x!tpu.dma_semaphore, #tpu.memory_space<semaphore_mem>> -> memref<!tpu.dma_semaphore, #tpu.memory_space<semaphore_mem>>
      %dma_wait3A_271 = arith.constant 0 : i32
      %dma_wait3A_272 = arith.constant 0 : i32
      %dma_wait3A_273 = tpu.memref_slice %arg9[%dma_wait3A_260, %dma_wait3A_271, %dma_wait3A_272] : memref<2x128x128xf32, #tpu.memory_space<vmem>> -> memref<1x128x128xf32, #tpu.memory_space<vmem>>
      %dma_wait3A_274 = tpu.memref_squeeze %dma_wait3A_273 : memref<1x128x128xf32, #tpu.memory_space<vmem>> -> memref<128x128xf32, #tpu.memory_space<vmem>>
      %dma_wait3A_275 = arith.constant 0 : i32
      %dma_wait3A_276 = arith.constant 0 : i32
      %dma_wait3A_277 = tpu.memref_slice %arg2[%dma_wait3A_275, %dma_wait3A_276] : memref<10000x128xf32, #tpu.memory_space<hbm>> -> memref<128x128xf32, #tpu.memory_space<hbm>>
      tpu.wait_dma2 semaphore(%dma_wait3A_270 : memref<!tpu.dma_semaphore, #tpu.memory_space<semaphore_mem>>) src(%dma_wait3A_277 : memref<128x128xf32, #tpu.memory_space<hbm>>) dst(%dma_wait3A_274 : memref<128x128xf32, #tpu.memory_space<vmem>>)
      %add3A_278 = arith.addi %mul3A_2, %add3A_235 : i32
      %mul3A_279 = arith.constant 128 : i32
      %mul3A_280 = arith.muli %add3A_278, %mul3A_279 : i32
      %dma_start3A_281 = arith.constant 1 : i32
      %dma_start3A_282 = arith.constant 1 : i32
      %dma_start3A_283 = arith.constant 0 : i32
      %dma_start3A_284 = arith.constant 0 : i32
      %dma_start3A_285 = tpu.memref_slice %arg9[%dma_start3A_281, %dma_start3A_283, %dma_start3A_284] : memref<2x128x128xf32, #tpu.memory_space<vmem>> -> memref<1x128x128xf32, #tpu.memory_space<vmem>>
      %dma_start3A_286 = tpu.memref_squeeze %dma_start3A_285 : memref<1x128x128xf32, #tpu.memory_space<vmem>> -> memref<128x128xf32, #tpu.memory_space<vmem>>
      %dma_start3A_287 = arith.constant 0 : i32
      %dma_start3A_288 = tpu.memref_slice %arg6[%mul3A_280, %dma_start3A_287] : memref<327680x128xf32, #tpu.memory_space<hbm>> -> memref<128x128xf32, #tpu.memory_space<hbm>>
      %dma_start3A_289 = tpu.memref_slice %arg12[%dma_start3A_282] : memref<2x!tpu.dma_semaphore, #tpu.memory_space<semaphore_mem>> -> memref<1x!tpu.dma_semaphore, #tpu.memory_space<semaphore_mem>>
      %dma_start3A_290 = tpu.memref_squeeze %dma_start3A_289 : memref<1x!tpu.dma_semaphore, #tpu.memory_space<semaphore_mem>> -> memref<!tpu.dma_semaphore, #tpu.memory_space<semaphore_mem>>
      %dma_start3A_291 = arith.constant 0 : i32
      %dma_start3A_292 = tpu.memref_slice %arg6[%mul3A_280, %dma_start3A_291] : memref<327680x128xf32, #tpu.memory_space<hbm>> -> memref<128x128xf32, #tpu.memory_space<hbm>>
      %dma_start3A_293 = arith.constant 0 : i32
      %dma_start3A_294 = arith.constant 0 : i32
      %dma_start3A_295 = tpu.memref_slice %arg9[%dma_start3A_281, %dma_start3A_293, %dma_start3A_294] : memref<2x128x128xf32, #tpu.memory_space<vmem>> -> memref<1x128x128xf32, #tpu.memory_space<vmem>>
      %dma_start3A_296 = tpu.memref_squeeze %dma_start3A_295 : memref<1x128x128xf32, #tpu.memory_space<vmem>> -> memref<128x128xf32, #tpu.memory_space<vmem>>
      tpu.enqueue_dma source(%dma_start3A_296 : memref<128x128xf32, #tpu.memory_space<vmem>>) target(%dma_start3A_292 : memref<128x128xf32, #tpu.memory_space<hbm>>) target_semaphore(%dma_start3A_290 : memref<!tpu.dma_semaphore, #tpu.memory_space<semaphore_mem>>)
      %mul3A_297 = arith.constant 8 : i32
      %mul3A_298 = arith.muli %scan3A_138, %mul3A_297 : i32
      %add3A_299 = arith.constant 2 : i32
      %add3A_300 = arith.addi %mul3A_298, %add3A_299 : i32
      %ge3A_301 = arith.constant 1 : i32
      %ge3A_302 = arith.cmpi sge, %add3A_300, %ge3A_301 : i32
      %convert_element_type3A_303 = arith.extui %ge3A_302 : i1 to i32
      %cond3A_304 = arith.constant 0 : i32
      %cond3A_305 = arith.cmpi ne, %convert_element_type3A_303, %cond3A_304 : i32
      scf.if %cond3A_305 {
        %dma_wait3A_682 = arith.constant 1 : i32
        %dma_wait3A_683 = arith.constant 1 : i32
        %dma_wait3A_684 = arith.constant 0 : i32
        %dma_wait3A_685 = arith.constant 0 : i32
        %dma_wait3A_686 = tpu.memref_slice %arg9[%dma_wait3A_682, %dma_wait3A_684, %dma_wait3A_685] : memref<2x128x128xf32, #tpu.memory_space<vmem>> -> memref<1x128x128xf32, #tpu.memory_space<vmem>>
        %dma_wait3A_687 = tpu.memref_squeeze %dma_wait3A_686 : memref<1x128x128xf32, #tpu.memory_space<vmem>> -> memref<128x128xf32, #tpu.memory_space<vmem>>
        %dma_wait3A_688 = arith.constant 0 : i32
        %dma_wait3A_689 = arith.constant 0 : i32
        %dma_wait3A_690 = tpu.memref_slice %arg2[%dma_wait3A_688, %dma_wait3A_689] : memref<10000x128xf32, #tpu.memory_space<hbm>> -> memref<128x128xf32, #tpu.memory_space<hbm>>
        %dma_wait3A_691 = tpu.memref_slice %arg12[%dma_wait3A_683] : memref<2x!tpu.dma_semaphore, #tpu.memory_space<semaphore_mem>> -> memref<1x!tpu.dma_semaphore, #tpu.memory_space<semaphore_mem>>
        %dma_wait3A_692 = tpu.memref_squeeze %dma_wait3A_691 : memref<1x!tpu.dma_semaphore, #tpu.memory_space<semaphore_mem>> -> memref<!tpu.dma_semaphore, #tpu.memory_space<semaphore_mem>>
        %dma_wait3A_693 = arith.constant 0 : i32
        %dma_wait3A_694 = arith.constant 0 : i32
        %dma_wait3A_695 = tpu.memref_slice %arg9[%dma_wait3A_682, %dma_wait3A_693, %dma_wait3A_694] : memref<2x128x128xf32, #tpu.memory_space<vmem>> -> memref<1x128x128xf32, #tpu.memory_space<vmem>>
        %dma_wait3A_696 = tpu.memref_squeeze %dma_wait3A_695 : memref<1x128x128xf32, #tpu.memory_space<vmem>> -> memref<128x128xf32, #tpu.memory_space<vmem>>
        %dma_wait3A_697 = arith.constant 0 : i32
        %dma_wait3A_698 = arith.constant 0 : i32
        %dma_wait3A_699 = tpu.memref_slice %arg2[%dma_wait3A_697, %dma_wait3A_698] : memref<10000x128xf32, #tpu.memory_space<hbm>> -> memref<128x128xf32, #tpu.memory_space<hbm>>
        tpu.wait_dma2 semaphore(%dma_wait3A_692 : memref<!tpu.dma_semaphore, #tpu.memory_space<semaphore_mem>>) src(%dma_wait3A_699 : memref<128x128xf32, #tpu.memory_space<hbm>>) dst(%dma_wait3A_696 : memref<128x128xf32, #tpu.memory_space<vmem>>)
      } else {
      }
      %dma_start3A_306 = arith.constant 3 : i32
      %dma_start3A_307 = arith.constant 1 : i32
      %dma_start3A_308 = arith.constant 1 : i32
      %dma_start3A_309 = arith.constant 0 : i32
      %dma_start3A_310 = arith.constant 0 : i32
      %dma_start3A_311 = tpu.memref_slice %arg9[%dma_start3A_307, %dma_start3A_309, %dma_start3A_310] : memref<2x128x128xf32, #tpu.memory_space<vmem>> -> memref<1x128x128xf32, #tpu.memory_space<vmem>>
      %dma_start3A_312 = tpu.memref_squeeze %dma_start3A_311 : memref<1x128x128xf32, #tpu.memory_space<vmem>> -> memref<128x128xf32, #tpu.memory_space<vmem>>
      %dma_start3A_313 = arith.constant 0 : i32
      %dma_start3A_314 = arith.constant 0 : i32
      %dma_start3A_315 = tpu.memref_slice %arg7[%select_n3A_149, %dma_start3A_313, %dma_start3A_314] : memref<2x8x128xi32, #tpu.memory_space<vmem>> -> memref<1x8x128xi32, #tpu.memory_space<vmem>>
      %dma_start3A_316 = tpu.memref_squeeze %dma_start3A_315 : memref<1x8x128xi32, #tpu.memory_space<vmem>> -> memref<8x128xi32, #tpu.memory_space<vmem>>
      %dma_start3A_317 = arith.constant 0 : i32
      %dma_start3A_318 = tpu.memref_slice %dma_start3A_316[%dma_start3A_306, %dma_start3A_317] : memref<8x128xi32, #tpu.memory_space<vmem>> -> memref<1x128xi32, #tpu.memory_space<vmem>>
      %dma_start3A_319 = tpu.memref_squeeze %dma_start3A_318 : memref<1x128xi32, #tpu.memory_space<vmem>> -> memref<128xi32, #tpu.memory_space<vmem>>
      %dma_start3A_320 = arith.constant 0 : i32
      %dma_start3A_321 = arith.constant 0 : i32
      %dma_start3A_322 = tpu.memref_slice %arg10[%dma_start3A_320, %dma_start3A_321] : memref<10112x128xf32, #tpu.memory_space<vmem_shared>> -> memref<10112x128xf32, #tpu.memory_space<vmem_shared>>
      %dma_start3A_323 = tpu.memref_slice %arg11[%dma_start3A_308] : memref<2x!tpu.dma_semaphore, #tpu.memory_space<semaphore_mem>> -> memref<1x!tpu.dma_semaphore, #tpu.memory_space<semaphore_mem>>
      %dma_start3A_324 = tpu.memref_squeeze %dma_start3A_323 : memref<1x!tpu.dma_semaphore, #tpu.memory_space<semaphore_mem>> -> memref<!tpu.dma_semaphore, #tpu.memory_space<semaphore_mem>>
      tpu.enqueue_indirect_dma source(%dma_start3A_322 : memref<10112x128xf32, #tpu.memory_space<vmem_shared>>) target(%dma_start3A_312 : memref<128x128xf32, #tpu.memory_space<vmem>>) offsets(%dma_start3A_319 : memref<128xi32, #tpu.memory_space<vmem>>) semaphore(%dma_start3A_324 : memref<!tpu.dma_semaphore, #tpu.memory_space<semaphore_mem>>)
      %dma_wait3A_325 = arith.constant 0 : i32
      %dma_wait3A_326 = arith.constant 0 : i32
      %dma_wait3A_327 = arith.constant 0 : i32
      %dma_wait3A_328 = arith.constant 0 : i32
      %dma_wait3A_329 = tpu.memref_slice %arg9[%dma_wait3A_325, %dma_wait3A_327, %dma_wait3A_328] : memref<2x128x128xf32, #tpu.memory_space<vmem>> -> memref<1x128x128xf32, #tpu.memory_space<vmem>>
      %dma_wait3A_330 = tpu.memref_squeeze %dma_wait3A_329 : memref<1x128x128xf32, #tpu.memory_space<vmem>> -> memref<128x128xf32, #tpu.memory_space<vmem>>
      %dma_wait3A_331 = arith.constant 0 : i32
      %dma_wait3A_332 = arith.constant 0 : i32
      %dma_wait3A_333 = tpu.memref_slice %arg2[%dma_wait3A_331, %dma_wait3A_332] : memref<10000x128xf32, #tpu.memory_space<hbm>> -> memref<128x128xf32, #tpu.memory_space<hbm>>
      %dma_wait3A_334 = tpu.memref_slice %arg11[%dma_wait3A_326] : memref<2x!tpu.dma_semaphore, #tpu.memory_space<semaphore_mem>> -> memref<1x!tpu.dma_semaphore, #tpu.memory_space<semaphore_mem>>
      %dma_wait3A_335 = tpu.memref_squeeze %dma_wait3A_334 : memref<1x!tpu.dma_semaphore, #tpu.memory_space<semaphore_mem>> -> memref<!tpu.dma_semaphore, #tpu.memory_space<semaphore_mem>>
      %dma_wait3A_336 = arith.constant 0 : i32
      %dma_wait3A_337 = arith.constant 0 : i32
      %dma_wait3A_338 = tpu.memref_slice %arg9[%dma_wait3A_325, %dma_wait3A_336, %dma_wait3A_337] : memref<2x128x128xf32, #tpu.memory_space<vmem>> -> memref<1x128x128xf32, #tpu.memory_space<vmem>>
      %dma_wait3A_339 = tpu.memref_squeeze %dma_wait3A_338 : memref<1x128x128xf32, #tpu.memory_space<vmem>> -> memref<128x128xf32, #tpu.memory_space<vmem>>
      %dma_wait3A_340 = arith.constant 0 : i32
      %dma_wait3A_341 = arith.constant 0 : i32
      %dma_wait3A_342 = tpu.memref_slice %arg2[%dma_wait3A_340, %dma_wait3A_341] : memref<10000x128xf32, #tpu.memory_space<hbm>> -> memref<128x128xf32, #tpu.memory_space<hbm>>
      tpu.wait_dma2 semaphore(%dma_wait3A_335 : memref<!tpu.dma_semaphore, #tpu.memory_space<semaphore_mem>>) src(%dma_wait3A_342 : memref<128x128xf32, #tpu.memory_space<hbm>>) dst(%dma_wait3A_339 : memref<128x128xf32, #tpu.memory_space<vmem>>)
      %add3A_343 = arith.addi %mul3A_2, %add3A_300 : i32
      %mul3A_344 = arith.constant 128 : i32
      %mul3A_345 = arith.muli %add3A_343, %mul3A_344 : i32
      %dma_start3A_346 = arith.constant 0 : i32
      %dma_start3A_347 = arith.constant 0 : i32
      %dma_start3A_348 = arith.constant 0 : i32
      %dma_start3A_349 = arith.constant 0 : i32
      %dma_start3A_350 = tpu.memref_slice %arg9[%dma_start3A_346, %dma_start3A_348, %dma_start3A_349] : memref<2x128x128xf32, #tpu.memory_space<vmem>> -> memref<1x128x128xf32, #tpu.memory_space<vmem>>
      %dma_start3A_351 = tpu.memref_squeeze %dma_start3A_350 : memref<1x128x128xf32, #tpu.memory_space<vmem>> -> memref<128x128xf32, #tpu.memory_space<vmem>>
      %dma_start3A_352 = arith.constant 0 : i32
      %dma_start3A_353 = tpu.memref_slice %arg6[%mul3A_345, %dma_start3A_352] : memref<327680x128xf32, #tpu.memory_space<hbm>> -> memref<128x128xf32, #tpu.memory_space<hbm>>
      %dma_start3A_354 = tpu.memref_slice %arg12[%dma_start3A_347] : memref<2x!tpu.dma_semaphore, #tpu.memory_space<semaphore_mem>> -> memref<1x!tpu.dma_semaphore, #tpu.memory_space<semaphore_mem>>
      %dma_start3A_355 = tpu.memref_squeeze %dma_start3A_354 : memref<1x!tpu.dma_semaphore, #tpu.memory_space<semaphore_mem>> -> memref<!tpu.dma_semaphore, #tpu.memory_space<semaphore_mem>>
      %dma_start3A_356 = arith.constant 0 : i32
      %dma_start3A_357 = tpu.memref_slice %arg6[%mul3A_345, %dma_start3A_356] : memref<327680x128xf32, #tpu.memory_space<hbm>> -> memref<128x128xf32, #tpu.memory_space<hbm>>
      %dma_start3A_358 = arith.constant 0 : i32
      %dma_start3A_359 = arith.constant 0 : i32
      %dma_start3A_360 = tpu.memref_slice %arg9[%dma_start3A_346, %dma_start3A_358, %dma_start3A_359] : memref<2x128x128xf32, #tpu.memory_space<vmem>> -> memref<1x128x128xf32, #tpu.memory_space<vmem>>
      %dma_start3A_361 = tpu.memref_squeeze %dma_start3A_360 : memref<1x128x128xf32, #tpu.memory_space<vmem>> -> memref<128x128xf32, #tpu.memory_space<vmem>>
      tpu.enqueue_dma source(%dma_start3A_361 : memref<128x128xf32, #tpu.memory_space<vmem>>) target(%dma_start3A_357 : memref<128x128xf32, #tpu.memory_space<hbm>>) target_semaphore(%dma_start3A_355 : memref<!tpu.dma_semaphore, #tpu.memory_space<semaphore_mem>>)
      %mul3A_362 = arith.constant 8 : i32
      %mul3A_363 = arith.muli %scan3A_138, %mul3A_362 : i32
      %add3A_364 = arith.constant 3 : i32
      %add3A_365 = arith.addi %mul3A_363, %add3A_364 : i32
      %ge3A_366 = arith.constant 1 : i32
      %ge3A_367 = arith.cmpi sge, %add3A_365, %ge3A_366 : i32
      %convert_element_type3A_368 = arith.extui %ge3A_367 : i1 to i32
      %cond3A_369 = arith.constant 0 : i32
      %cond3A_370 = arith.cmpi ne, %convert_element_type3A_368, %cond3A_369 : i32
      scf.if %cond3A_370 {
        %dma_wait3A_682 = arith.constant 0 : i32
        %dma_wait3A_683 = arith.constant 0 : i32
        %dma_wait3A_684 = arith.constant 0 : i32
        %dma_wait3A_685 = arith.constant 0 : i32
        %dma_wait3A_686 = tpu.memref_slice %arg9[%dma_wait3A_682, %dma_wait3A_684, %dma_wait3A_685] : memref<2x128x128xf32, #tpu.memory_space<vmem>> -> memref<1x128x128xf32, #tpu.memory_space<vmem>>
        %dma_wait3A_687 = tpu.memref_squeeze %dma_wait3A_686 : memref<1x128x128xf32, #tpu.memory_space<vmem>> -> memref<128x128xf32, #tpu.memory_space<vmem>>
        %dma_wait3A_688 = arith.constant 0 : i32
        %dma_wait3A_689 = arith.constant 0 : i32
        %dma_wait3A_690 = tpu.memref_slice %arg2[%dma_wait3A_688, %dma_wait3A_689] : memref<10000x128xf32, #tpu.memory_space<hbm>> -> memref<128x128xf32, #tpu.memory_space<hbm>>
        %dma_wait3A_691 = tpu.memref_slice %arg12[%dma_wait3A_683] : memref<2x!tpu.dma_semaphore, #tpu.memory_space<semaphore_mem>> -> memref<1x!tpu.dma_semaphore, #tpu.memory_space<semaphore_mem>>
        %dma_wait3A_692 = tpu.memref_squeeze %dma_wait3A_691 : memref<1x!tpu.dma_semaphore, #tpu.memory_space<semaphore_mem>> -> memref<!tpu.dma_semaphore, #tpu.memory_space<semaphore_mem>>
        %dma_wait3A_693 = arith.constant 0 : i32
        %dma_wait3A_694 = arith.constant 0 : i32
        %dma_wait3A_695 = tpu.memref_slice %arg9[%dma_wait3A_682, %dma_wait3A_693, %dma_wait3A_694] : memref<2x128x128xf32, #tpu.memory_space<vmem>> -> memref<1x128x128xf32, #tpu.memory_space<vmem>>
        %dma_wait3A_696 = tpu.memref_squeeze %dma_wait3A_695 : memref<1x128x128xf32, #tpu.memory_space<vmem>> -> memref<128x128xf32, #tpu.memory_space<vmem>>
        %dma_wait3A_697 = arith.constant 0 : i32
        %dma_wait3A_698 = arith.constant 0 : i32
        %dma_wait3A_699 = tpu.memref_slice %arg2[%dma_wait3A_697, %dma_wait3A_698] : memref<10000x128xf32, #tpu.memory_space<hbm>> -> memref<128x128xf32, #tpu.memory_space<hbm>>
        tpu.wait_dma2 semaphore(%dma_wait3A_692 : memref<!tpu.dma_semaphore, #tpu.memory_space<semaphore_mem>>) src(%dma_wait3A_699 : memref<128x128xf32, #tpu.memory_space<hbm>>) dst(%dma_wait3A_696 : memref<128x128xf32, #tpu.memory_space<vmem>>)
      } else {
      }
      %dma_start3A_371 = arith.constant 4 : i32
      %dma_start3A_372 = arith.constant 0 : i32
      %dma_start3A_373 = arith.constant 0 : i32
      %dma_start3A_374 = arith.constant 0 : i32
      %dma_start3A_375 = arith.constant 0 : i32
      %dma_start3A_376 = tpu.memref_slice %arg9[%dma_start3A_372, %dma_start3A_374, %dma_start3A_375] : memref<2x128x128xf32, #tpu.memory_space<vmem>> -> memref<1x128x128xf32, #tpu.memory_space<vmem>>
      %dma_start3A_377 = tpu.memref_squeeze %dma_start3A_376 : memref<1x128x128xf32, #tpu.memory_space<vmem>> -> memref<128x128xf32, #tpu.memory_space<vmem>>
      %dma_start3A_378 = arith.constant 0 : i32
      %dma_start3A_379 = arith.constant 0 : i32
      %dma_start3A_380 = tpu.memref_slice %arg7[%select_n3A_149, %dma_start3A_378, %dma_start3A_379] : memref<2x8x128xi32, #tpu.memory_space<vmem>> -> memref<1x8x128xi32, #tpu.memory_space<vmem>>
      %dma_start3A_381 = tpu.memref_squeeze %dma_start3A_380 : memref<1x8x128xi32, #tpu.memory_space<vmem>> -> memref<8x128xi32, #tpu.memory_space<vmem>>
      %dma_start3A_382 = arith.constant 0 : i32
      %dma_start3A_383 = tpu.memref_slice %dma_start3A_381[%dma_start3A_371, %dma_start3A_382] : memref<8x128xi32, #tpu.memory_space<vmem>> -> memref<1x128xi32, #tpu.memory_space<vmem>>
      %dma_start3A_384 = tpu.memref_squeeze %dma_start3A_383 : memref<1x128xi32, #tpu.memory_space<vmem>> -> memref<128xi32, #tpu.memory_space<vmem>>
      %dma_start3A_385 = arith.constant 0 : i32
      %dma_start3A_386 = arith.constant 0 : i32
      %dma_start3A_387 = tpu.memref_slice %arg10[%dma_start3A_385, %dma_start3A_386] : memref<10112x128xf32, #tpu.memory_space<vmem_shared>> -> memref<10112x128xf32, #tpu.memory_space<vmem_shared>>
      %dma_start3A_388 = tpu.memref_slice %arg11[%dma_start3A_373] : memref<2x!tpu.dma_semaphore, #tpu.memory_space<semaphore_mem>> -> memref<1x!tpu.dma_semaphore, #tpu.memory_space<semaphore_mem>>
      %dma_start3A_389 = tpu.memref_squeeze %dma_start3A_388 : memref<1x!tpu.dma_semaphore, #tpu.memory_space<semaphore_mem>> -> memref<!tpu.dma_semaphore, #tpu.memory_space<semaphore_mem>>
      tpu.enqueue_indirect_dma source(%dma_start3A_387 : memref<10112x128xf32, #tpu.memory_space<vmem_shared>>) target(%dma_start3A_377 : memref<128x128xf32, #tpu.memory_space<vmem>>) offsets(%dma_start3A_384 : memref<128xi32, #tpu.memory_space<vmem>>) semaphore(%dma_start3A_389 : memref<!tpu.dma_semaphore, #tpu.memory_space<semaphore_mem>>)
      %dma_wait3A_390 = arith.constant 1 : i32
      %dma_wait3A_391 = arith.constant 1 : i32
      %dma_wait3A_392 = arith.constant 0 : i32
      %dma_wait3A_393 = arith.constant 0 : i32
      %dma_wait3A_394 = tpu.memref_slice %arg9[%dma_wait3A_390, %dma_wait3A_392, %dma_wait3A_393] : memref<2x128x128xf32, #tpu.memory_space<vmem>> -> memref<1x128x128xf32, #tpu.memory_space<vmem>>
      %dma_wait3A_395 = tpu.memref_squeeze %dma_wait3A_394 : memref<1x128x128xf32, #tpu.memory_space<vmem>> -> memref<128x128xf32, #tpu.memory_space<vmem>>
      %dma_wait3A_396 = arith.constant 0 : i32
      %dma_wait3A_397 = arith.constant 0 : i32
      %dma_wait3A_398 = tpu.memref_slice %arg2[%dma_wait3A_396, %dma_wait3A_397] : memref<10000x128xf32, #tpu.memory_space<hbm>> -> memref<128x128xf32, #tpu.memory_space<hbm>>
      %dma_wait3A_399 = tpu.memref_slice %arg11[%dma_wait3A_391] : memref<2x!tpu.dma_semaphore, #tpu.memory_space<semaphore_mem>> -> memref<1x!tpu.dma_semaphore, #tpu.memory_space<semaphore_mem>>
      %dma_wait3A_400 = tpu.memref_squeeze %dma_wait3A_399 : memref<1x!tpu.dma_semaphore, #tpu.memory_space<semaphore_mem>> -> memref<!tpu.dma_semaphore, #tpu.memory_space<semaphore_mem>>
      %dma_wait3A_401 = arith.constant 0 : i32
      %dma_wait3A_402 = arith.constant 0 : i32
      %dma_wait3A_403 = tpu.memref_slice %arg9[%dma_wait3A_390, %dma_wait3A_401, %dma_wait3A_402] : memref<2x128x128xf32, #tpu.memory_space<vmem>> -> memref<1x128x128xf32, #tpu.memory_space<vmem>>
      %dma_wait3A_404 = tpu.memref_squeeze %dma_wait3A_403 : memref<1x128x128xf32, #tpu.memory_space<vmem>> -> memref<128x128xf32, #tpu.memory_space<vmem>>
      %dma_wait3A_405 = arith.constant 0 : i32
      %dma_wait3A_406 = arith.constant 0 : i32
      %dma_wait3A_407 = tpu.memref_slice %arg2[%dma_wait3A_405, %dma_wait3A_406] : memref<10000x128xf32, #tpu.memory_space<hbm>> -> memref<128x128xf32, #tpu.memory_space<hbm>>
      tpu.wait_dma2 semaphore(%dma_wait3A_400 : memref<!tpu.dma_semaphore, #tpu.memory_space<semaphore_mem>>) src(%dma_wait3A_407 : memref<128x128xf32, #tpu.memory_space<hbm>>) dst(%dma_wait3A_404 : memref<128x128xf32, #tpu.memory_space<vmem>>)
      %add3A_408 = arith.addi %mul3A_2, %add3A_365 : i32
      %mul3A_409 = arith.constant 128 : i32
      %mul3A_410 = arith.muli %add3A_408, %mul3A_409 : i32
      %dma_start3A_411 = arith.constant 1 : i32
      %dma_start3A_412 = arith.constant 1 : i32
      %dma_start3A_413 = arith.constant 0 : i32
      %dma_start3A_414 = arith.constant 0 : i32
      %dma_start3A_415 = tpu.memref_slice %arg9[%dma_start3A_411, %dma_start3A_413, %dma_start3A_414] : memref<2x128x128xf32, #tpu.memory_space<vmem>> -> memref<1x128x128xf32, #tpu.memory_space<vmem>>
      %dma_start3A_416 = tpu.memref_squeeze %dma_start3A_415 : memref<1x128x128xf32, #tpu.memory_space<vmem>> -> memref<128x128xf32, #tpu.memory_space<vmem>>
      %dma_start3A_417 = arith.constant 0 : i32
      %dma_start3A_418 = tpu.memref_slice %arg6[%mul3A_410, %dma_start3A_417] : memref<327680x128xf32, #tpu.memory_space<hbm>> -> memref<128x128xf32, #tpu.memory_space<hbm>>
      %dma_start3A_419 = tpu.memref_slice %arg12[%dma_start3A_412] : memref<2x!tpu.dma_semaphore, #tpu.memory_space<semaphore_mem>> -> memref<1x!tpu.dma_semaphore, #tpu.memory_space<semaphore_mem>>
      %dma_start3A_420 = tpu.memref_squeeze %dma_start3A_419 : memref<1x!tpu.dma_semaphore, #tpu.memory_space<semaphore_mem>> -> memref<!tpu.dma_semaphore, #tpu.memory_space<semaphore_mem>>
      %dma_start3A_421 = arith.constant 0 : i32
      %dma_start3A_422 = tpu.memref_slice %arg6[%mul3A_410, %dma_start3A_421] : memref<327680x128xf32, #tpu.memory_space<hbm>> -> memref<128x128xf32, #tpu.memory_space<hbm>>
      %dma_start3A_423 = arith.constant 0 : i32
      %dma_start3A_424 = arith.constant 0 : i32
      %dma_start3A_425 = tpu.memref_slice %arg9[%dma_start3A_411, %dma_start3A_423, %dma_start3A_424] : memref<2x128x128xf32, #tpu.memory_space<vmem>> -> memref<1x128x128xf32, #tpu.memory_space<vmem>>
      %dma_start3A_426 = tpu.memref_squeeze %dma_start3A_425 : memref<1x128x128xf32, #tpu.memory_space<vmem>> -> memref<128x128xf32, #tpu.memory_space<vmem>>
      tpu.enqueue_dma source(%dma_start3A_426 : memref<128x128xf32, #tpu.memory_space<vmem>>) target(%dma_start3A_422 : memref<128x128xf32, #tpu.memory_space<hbm>>) target_semaphore(%dma_start3A_420 : memref<!tpu.dma_semaphore, #tpu.memory_space<semaphore_mem>>)
      %mul3A_427 = arith.constant 8 : i32
      %mul3A_428 = arith.muli %scan3A_138, %mul3A_427 : i32
      %add3A_429 = arith.constant 4 : i32
      %add3A_430 = arith.addi %mul3A_428, %add3A_429 : i32
      %ge3A_431 = arith.constant 1 : i32
      %ge3A_432 = arith.cmpi sge, %add3A_430, %ge3A_431 : i32
      %convert_element_type3A_433 = arith.extui %ge3A_432 : i1 to i32
      %cond3A_434 = arith.constant 0 : i32
      %cond3A_435 = arith.cmpi ne, %convert_element_type3A_433, %cond3A_434 : i32
      scf.if %cond3A_435 {
        %dma_wait3A_682 = arith.constant 1 : i32
        %dma_wait3A_683 = arith.constant 1 : i32
        %dma_wait3A_684 = arith.constant 0 : i32
        %dma_wait3A_685 = arith.constant 0 : i32
        %dma_wait3A_686 = tpu.memref_slice %arg9[%dma_wait3A_682, %dma_wait3A_684, %dma_wait3A_685] : memref<2x128x128xf32, #tpu.memory_space<vmem>> -> memref<1x128x128xf32, #tpu.memory_space<vmem>>
        %dma_wait3A_687 = tpu.memref_squeeze %dma_wait3A_686 : memref<1x128x128xf32, #tpu.memory_space<vmem>> -> memref<128x128xf32, #tpu.memory_space<vmem>>
        %dma_wait3A_688 = arith.constant 0 : i32
        %dma_wait3A_689 = arith.constant 0 : i32
        %dma_wait3A_690 = tpu.memref_slice %arg2[%dma_wait3A_688, %dma_wait3A_689] : memref<10000x128xf32, #tpu.memory_space<hbm>> -> memref<128x128xf32, #tpu.memory_space<hbm>>
        %dma_wait3A_691 = tpu.memref_slice %arg12[%dma_wait3A_683] : memref<2x!tpu.dma_semaphore, #tpu.memory_space<semaphore_mem>> -> memref<1x!tpu.dma_semaphore, #tpu.memory_space<semaphore_mem>>
        %dma_wait3A_692 = tpu.memref_squeeze %dma_wait3A_691 : memref<1x!tpu.dma_semaphore, #tpu.memory_space<semaphore_mem>> -> memref<!tpu.dma_semaphore, #tpu.memory_space<semaphore_mem>>
        %dma_wait3A_693 = arith.constant 0 : i32
        %dma_wait3A_694 = arith.constant 0 : i32
        %dma_wait3A_695 = tpu.memref_slice %arg9[%dma_wait3A_682, %dma_wait3A_693, %dma_wait3A_694] : memref<2x128x128xf32, #tpu.memory_space<vmem>> -> memref<1x128x128xf32, #tpu.memory_space<vmem>>
        %dma_wait3A_696 = tpu.memref_squeeze %dma_wait3A_695 : memref<1x128x128xf32, #tpu.memory_space<vmem>> -> memref<128x128xf32, #tpu.memory_space<vmem>>
        %dma_wait3A_697 = arith.constant 0 : i32
        %dma_wait3A_698 = arith.constant 0 : i32
        %dma_wait3A_699 = tpu.memref_slice %arg2[%dma_wait3A_697, %dma_wait3A_698] : memref<10000x128xf32, #tpu.memory_space<hbm>> -> memref<128x128xf32, #tpu.memory_space<hbm>>
        tpu.wait_dma2 semaphore(%dma_wait3A_692 : memref<!tpu.dma_semaphore, #tpu.memory_space<semaphore_mem>>) src(%dma_wait3A_699 : memref<128x128xf32, #tpu.memory_space<hbm>>) dst(%dma_wait3A_696 : memref<128x128xf32, #tpu.memory_space<vmem>>)
      } else {
      }
      %dma_start3A_436 = arith.constant 5 : i32
      %dma_start3A_437 = arith.constant 1 : i32
      %dma_start3A_438 = arith.constant 1 : i32
      %dma_start3A_439 = arith.constant 0 : i32
      %dma_start3A_440 = arith.constant 0 : i32
      %dma_start3A_441 = tpu.memref_slice %arg9[%dma_start3A_437, %dma_start3A_439, %dma_start3A_440] : memref<2x128x128xf32, #tpu.memory_space<vmem>> -> memref<1x128x128xf32, #tpu.memory_space<vmem>>
      %dma_start3A_442 = tpu.memref_squeeze %dma_start3A_441 : memref<1x128x128xf32, #tpu.memory_space<vmem>> -> memref<128x128xf32, #tpu.memory_space<vmem>>
      %dma_start3A_443 = arith.constant 0 : i32
      %dma_start3A_444 = arith.constant 0 : i32
      %dma_start3A_445 = tpu.memref_slice %arg7[%select_n3A_149, %dma_start3A_443, %dma_start3A_444] : memref<2x8x128xi32, #tpu.memory_space<vmem>> -> memref<1x8x128xi32, #tpu.memory_space<vmem>>
      %dma_start3A_446 = tpu.memref_squeeze %dma_start3A_445 : memref<1x8x128xi32, #tpu.memory_space<vmem>> -> memref<8x128xi32, #tpu.memory_space<vmem>>
      %dma_start3A_447 = arith.constant 0 : i32
      %dma_start3A_448 = tpu.memref_slice %dma_start3A_446[%dma_start3A_436, %dma_start3A_447] : memref<8x128xi32, #tpu.memory_space<vmem>> -> memref<1x128xi32, #tpu.memory_space<vmem>>
      %dma_start3A_449 = tpu.memref_squeeze %dma_start3A_448 : memref<1x128xi32, #tpu.memory_space<vmem>> -> memref<128xi32, #tpu.memory_space<vmem>>
      %dma_start3A_450 = arith.constant 0 : i32
      %dma_start3A_451 = arith.constant 0 : i32
      %dma_start3A_452 = tpu.memref_slice %arg10[%dma_start3A_450, %dma_start3A_451] : memref<10112x128xf32, #tpu.memory_space<vmem_shared>> -> memref<10112x128xf32, #tpu.memory_space<vmem_shared>>
      %dma_start3A_453 = tpu.memref_slice %arg11[%dma_start3A_438] : memref<2x!tpu.dma_semaphore, #tpu.memory_space<semaphore_mem>> -> memref<1x!tpu.dma_semaphore, #tpu.memory_space<semaphore_mem>>
      %dma_start3A_454 = tpu.memref_squeeze %dma_start3A_453 : memref<1x!tpu.dma_semaphore, #tpu.memory_space<semaphore_mem>> -> memref<!tpu.dma_semaphore, #tpu.memory_space<semaphore_mem>>
      tpu.enqueue_indirect_dma source(%dma_start3A_452 : memref<10112x128xf32, #tpu.memory_space<vmem_shared>>) target(%dma_start3A_442 : memref<128x128xf32, #tpu.memory_space<vmem>>) offsets(%dma_start3A_449 : memref<128xi32, #tpu.memory_space<vmem>>) semaphore(%dma_start3A_454 : memref<!tpu.dma_semaphore, #tpu.memory_space<semaphore_mem>>)
      %dma_wait3A_455 = arith.constant 0 : i32
      %dma_wait3A_456 = arith.constant 0 : i32
      %dma_wait3A_457 = arith.constant 0 : i32
      %dma_wait3A_458 = arith.constant 0 : i32
      %dma_wait3A_459 = tpu.memref_slice %arg9[%dma_wait3A_455, %dma_wait3A_457, %dma_wait3A_458] : memref<2x128x128xf32, #tpu.memory_space<vmem>> -> memref<1x128x128xf32, #tpu.memory_space<vmem>>
      %dma_wait3A_460 = tpu.memref_squeeze %dma_wait3A_459 : memref<1x128x128xf32, #tpu.memory_space<vmem>> -> memref<128x128xf32, #tpu.memory_space<vmem>>
      %dma_wait3A_461 = arith.constant 0 : i32
      %dma_wait3A_462 = arith.constant 0 : i32
      %dma_wait3A_463 = tpu.memref_slice %arg2[%dma_wait3A_461, %dma_wait3A_462] : memref<10000x128xf32, #tpu.memory_space<hbm>> -> memref<128x128xf32, #tpu.memory_space<hbm>>
      %dma_wait3A_464 = tpu.memref_slice %arg11[%dma_wait3A_456] : memref<2x!tpu.dma_semaphore, #tpu.memory_space<semaphore_mem>> -> memref<1x!tpu.dma_semaphore, #tpu.memory_space<semaphore_mem>>
      %dma_wait3A_465 = tpu.memref_squeeze %dma_wait3A_464 : memref<1x!tpu.dma_semaphore, #tpu.memory_space<semaphore_mem>> -> memref<!tpu.dma_semaphore, #tpu.memory_space<semaphore_mem>>
      %dma_wait3A_466 = arith.constant 0 : i32
      %dma_wait3A_467 = arith.constant 0 : i32
      %dma_wait3A_468 = tpu.memref_slice %arg9[%dma_wait3A_455, %dma_wait3A_466, %dma_wait3A_467] : memref<2x128x128xf32, #tpu.memory_space<vmem>> -> memref<1x128x128xf32, #tpu.memory_space<vmem>>
      %dma_wait3A_469 = tpu.memref_squeeze %dma_wait3A_468 : memref<1x128x128xf32, #tpu.memory_space<vmem>> -> memref<128x128xf32, #tpu.memory_space<vmem>>
      %dma_wait3A_470 = arith.constant 0 : i32
      %dma_wait3A_471 = arith.constant 0 : i32
      %dma_wait3A_472 = tpu.memref_slice %arg2[%dma_wait3A_470, %dma_wait3A_471] : memref<10000x128xf32, #tpu.memory_space<hbm>> -> memref<128x128xf32, #tpu.memory_space<hbm>>
      tpu.wait_dma2 semaphore(%dma_wait3A_465 : memref<!tpu.dma_semaphore, #tpu.memory_space<semaphore_mem>>) src(%dma_wait3A_472 : memref<128x128xf32, #tpu.memory_space<hbm>>) dst(%dma_wait3A_469 : memref<128x128xf32, #tpu.memory_space<vmem>>)
      %add3A_473 = arith.addi %mul3A_2, %add3A_430 : i32
      %mul3A_474 = arith.constant 128 : i32
      %mul3A_475 = arith.muli %add3A_473, %mul3A_474 : i32
      %dma_start3A_476 = arith.constant 0 : i32
      %dma_start3A_477 = arith.constant 0 : i32
      %dma_start3A_478 = arith.constant 0 : i32
      %dma_start3A_479 = arith.constant 0 : i32
      %dma_start3A_480 = tpu.memref_slice %arg9[%dma_start3A_476, %dma_start3A_478, %dma_start3A_479] : memref<2x128x128xf32, #tpu.memory_space<vmem>> -> memref<1x128x128xf32, #tpu.memory_space<vmem>>
      %dma_start3A_481 = tpu.memref_squeeze %dma_start3A_480 : memref<1x128x128xf32, #tpu.memory_space<vmem>> -> memref<128x128xf32, #tpu.memory_space<vmem>>
      %dma_start3A_482 = arith.constant 0 : i32
      %dma_start3A_483 = tpu.memref_slice %arg6[%mul3A_475, %dma_start3A_482] : memref<327680x128xf32, #tpu.memory_space<hbm>> -> memref<128x128xf32, #tpu.memory_space<hbm>>
      %dma_start3A_484 = tpu.memref_slice %arg12[%dma_start3A_477] : memref<2x!tpu.dma_semaphore, #tpu.memory_space<semaphore_mem>> -> memref<1x!tpu.dma_semaphore, #tpu.memory_space<semaphore_mem>>
      %dma_start3A_485 = tpu.memref_squeeze %dma_start3A_484 : memref<1x!tpu.dma_semaphore, #tpu.memory_space<semaphore_mem>> -> memref<!tpu.dma_semaphore, #tpu.memory_space<semaphore_mem>>
      %dma_start3A_486 = arith.constant 0 : i32
      %dma_start3A_487 = tpu.memref_slice %arg6[%mul3A_475, %dma_start3A_486] : memref<327680x128xf32, #tpu.memory_space<hbm>> -> memref<128x128xf32, #tpu.memory_space<hbm>>
      %dma_start3A_488 = arith.constant 0 : i32
      %dma_start3A_489 = arith.constant 0 : i32
      %dma_start3A_490 = tpu.memref_slice %arg9[%dma_start3A_476, %dma_start3A_488, %dma_start3A_489] : memref<2x128x128xf32, #tpu.memory_space<vmem>> -> memref<1x128x128xf32, #tpu.memory_space<vmem>>
      %dma_start3A_491 = tpu.memref_squeeze %dma_start3A_490 : memref<1x128x128xf32, #tpu.memory_space<vmem>> -> memref<128x128xf32, #tpu.memory_space<vmem>>
      tpu.enqueue_dma source(%dma_start3A_491 : memref<128x128xf32, #tpu.memory_space<vmem>>) target(%dma_start3A_487 : memref<128x128xf32, #tpu.memory_space<hbm>>) target_semaphore(%dma_start3A_485 : memref<!tpu.dma_semaphore, #tpu.memory_space<semaphore_mem>>)
      %mul3A_492 = arith.constant 8 : i32
      %mul3A_493 = arith.muli %scan3A_138, %mul3A_492 : i32
      %add3A_494 = arith.constant 5 : i32
      %add3A_495 = arith.addi %mul3A_493, %add3A_494 : i32
      %ge3A_496 = arith.constant 1 : i32
      %ge3A_497 = arith.cmpi sge, %add3A_495, %ge3A_496 : i32
      %convert_element_type3A_498 = arith.extui %ge3A_497 : i1 to i32
      %cond3A_499 = arith.constant 0 : i32
      %cond3A_500 = arith.cmpi ne, %convert_element_type3A_498, %cond3A_499 : i32
      scf.if %cond3A_500 {
        %dma_wait3A_682 = arith.constant 0 : i32
        %dma_wait3A_683 = arith.constant 0 : i32
        %dma_wait3A_684 = arith.constant 0 : i32
        %dma_wait3A_685 = arith.constant 0 : i32
        %dma_wait3A_686 = tpu.memref_slice %arg9[%dma_wait3A_682, %dma_wait3A_684, %dma_wait3A_685] : memref<2x128x128xf32, #tpu.memory_space<vmem>> -> memref<1x128x128xf32, #tpu.memory_space<vmem>>
        %dma_wait3A_687 = tpu.memref_squeeze %dma_wait3A_686 : memref<1x128x128xf32, #tpu.memory_space<vmem>> -> memref<128x128xf32, #tpu.memory_space<vmem>>
        %dma_wait3A_688 = arith.constant 0 : i32
        %dma_wait3A_689 = arith.constant 0 : i32
        %dma_wait3A_690 = tpu.memref_slice %arg2[%dma_wait3A_688, %dma_wait3A_689] : memref<10000x128xf32, #tpu.memory_space<hbm>> -> memref<128x128xf32, #tpu.memory_space<hbm>>
        %dma_wait3A_691 = tpu.memref_slice %arg12[%dma_wait3A_683] : memref<2x!tpu.dma_semaphore, #tpu.memory_space<semaphore_mem>> -> memref<1x!tpu.dma_semaphore, #tpu.memory_space<semaphore_mem>>
        %dma_wait3A_692 = tpu.memref_squeeze %dma_wait3A_691 : memref<1x!tpu.dma_semaphore, #tpu.memory_space<semaphore_mem>> -> memref<!tpu.dma_semaphore, #tpu.memory_space<semaphore_mem>>
        %dma_wait3A_693 = arith.constant 0 : i32
        %dma_wait3A_694 = arith.constant 0 : i32
        %dma_wait3A_695 = tpu.memref_slice %arg9[%dma_wait3A_682, %dma_wait3A_693, %dma_wait3A_694] : memref<2x128x128xf32, #tpu.memory_space<vmem>> -> memref<1x128x128xf32, #tpu.memory_space<vmem>>
        %dma_wait3A_696 = tpu.memref_squeeze %dma_wait3A_695 : memref<1x128x128xf32, #tpu.memory_space<vmem>> -> memref<128x128xf32, #tpu.memory_space<vmem>>
        %dma_wait3A_697 = arith.constant 0 : i32
        %dma_wait3A_698 = arith.constant 0 : i32
        %dma_wait3A_699 = tpu.memref_slice %arg2[%dma_wait3A_697, %dma_wait3A_698] : memref<10000x128xf32, #tpu.memory_space<hbm>> -> memref<128x128xf32, #tpu.memory_space<hbm>>
        tpu.wait_dma2 semaphore(%dma_wait3A_692 : memref<!tpu.dma_semaphore, #tpu.memory_space<semaphore_mem>>) src(%dma_wait3A_699 : memref<128x128xf32, #tpu.memory_space<hbm>>) dst(%dma_wait3A_696 : memref<128x128xf32, #tpu.memory_space<vmem>>)
      } else {
      }
      %dma_start3A_501 = arith.constant 6 : i32
      %dma_start3A_502 = arith.constant 0 : i32
      %dma_start3A_503 = arith.constant 0 : i32
      %dma_start3A_504 = arith.constant 0 : i32
      %dma_start3A_505 = arith.constant 0 : i32
      %dma_start3A_506 = tpu.memref_slice %arg9[%dma_start3A_502, %dma_start3A_504, %dma_start3A_505] : memref<2x128x128xf32, #tpu.memory_space<vmem>> -> memref<1x128x128xf32, #tpu.memory_space<vmem>>
      %dma_start3A_507 = tpu.memref_squeeze %dma_start3A_506 : memref<1x128x128xf32, #tpu.memory_space<vmem>> -> memref<128x128xf32, #tpu.memory_space<vmem>>
      %dma_start3A_508 = arith.constant 0 : i32
      %dma_start3A_509 = arith.constant 0 : i32
      %dma_start3A_510 = tpu.memref_slice %arg7[%select_n3A_149, %dma_start3A_508, %dma_start3A_509] : memref<2x8x128xi32, #tpu.memory_space<vmem>> -> memref<1x8x128xi32, #tpu.memory_space<vmem>>
      %dma_start3A_511 = tpu.memref_squeeze %dma_start3A_510 : memref<1x8x128xi32, #tpu.memory_space<vmem>> -> memref<8x128xi32, #tpu.memory_space<vmem>>
      %dma_start3A_512 = arith.constant 0 : i32
      %dma_start3A_513 = tpu.memref_slice %dma_start3A_511[%dma_start3A_501, %dma_start3A_512] : memref<8x128xi32, #tpu.memory_space<vmem>> -> memref<1x128xi32, #tpu.memory_space<vmem>>
      %dma_start3A_514 = tpu.memref_squeeze %dma_start3A_513 : memref<1x128xi32, #tpu.memory_space<vmem>> -> memref<128xi32, #tpu.memory_space<vmem>>
      %dma_start3A_515 = arith.constant 0 : i32
      %dma_start3A_516 = arith.constant 0 : i32
      %dma_start3A_517 = tpu.memref_slice %arg10[%dma_start3A_515, %dma_start3A_516] : memref<10112x128xf32, #tpu.memory_space<vmem_shared>> -> memref<10112x128xf32, #tpu.memory_space<vmem_shared>>
      %dma_start3A_518 = tpu.memref_slice %arg11[%dma_start3A_503] : memref<2x!tpu.dma_semaphore, #tpu.memory_space<semaphore_mem>> -> memref<1x!tpu.dma_semaphore, #tpu.memory_space<semaphore_mem>>
      %dma_start3A_519 = tpu.memref_squeeze %dma_start3A_518 : memref<1x!tpu.dma_semaphore, #tpu.memory_space<semaphore_mem>> -> memref<!tpu.dma_semaphore, #tpu.memory_space<semaphore_mem>>
      tpu.enqueue_indirect_dma source(%dma_start3A_517 : memref<10112x128xf32, #tpu.memory_space<vmem_shared>>) target(%dma_start3A_507 : memref<128x128xf32, #tpu.memory_space<vmem>>) offsets(%dma_start3A_514 : memref<128xi32, #tpu.memory_space<vmem>>) semaphore(%dma_start3A_519 : memref<!tpu.dma_semaphore, #tpu.memory_space<semaphore_mem>>)
      %dma_wait3A_520 = arith.constant 1 : i32
      %dma_wait3A_521 = arith.constant 1 : i32
      %dma_wait3A_522 = arith.constant 0 : i32
      %dma_wait3A_523 = arith.constant 0 : i32
      %dma_wait3A_524 = tpu.memref_slice %arg9[%dma_wait3A_520, %dma_wait3A_522, %dma_wait3A_523] : memref<2x128x128xf32, #tpu.memory_space<vmem>> -> memref<1x128x128xf32, #tpu.memory_space<vmem>>
      %dma_wait3A_525 = tpu.memref_squeeze %dma_wait3A_524 : memref<1x128x128xf32, #tpu.memory_space<vmem>> -> memref<128x128xf32, #tpu.memory_space<vmem>>
      %dma_wait3A_526 = arith.constant 0 : i32
      %dma_wait3A_527 = arith.constant 0 : i32
      %dma_wait3A_528 = tpu.memref_slice %arg2[%dma_wait3A_526, %dma_wait3A_527] : memref<10000x128xf32, #tpu.memory_space<hbm>> -> memref<128x128xf32, #tpu.memory_space<hbm>>
      %dma_wait3A_529 = tpu.memref_slice %arg11[%dma_wait3A_521] : memref<2x!tpu.dma_semaphore, #tpu.memory_space<semaphore_mem>> -> memref<1x!tpu.dma_semaphore, #tpu.memory_space<semaphore_mem>>
      %dma_wait3A_530 = tpu.memref_squeeze %dma_wait3A_529 : memref<1x!tpu.dma_semaphore, #tpu.memory_space<semaphore_mem>> -> memref<!tpu.dma_semaphore, #tpu.memory_space<semaphore_mem>>
      %dma_wait3A_531 = arith.constant 0 : i32
      %dma_wait3A_532 = arith.constant 0 : i32
      %dma_wait3A_533 = tpu.memref_slice %arg9[%dma_wait3A_520, %dma_wait3A_531, %dma_wait3A_532] : memref<2x128x128xf32, #tpu.memory_space<vmem>> -> memref<1x128x128xf32, #tpu.memory_space<vmem>>
      %dma_wait3A_534 = tpu.memref_squeeze %dma_wait3A_533 : memref<1x128x128xf32, #tpu.memory_space<vmem>> -> memref<128x128xf32, #tpu.memory_space<vmem>>
      %dma_wait3A_535 = arith.constant 0 : i32
      %dma_wait3A_536 = arith.constant 0 : i32
      %dma_wait3A_537 = tpu.memref_slice %arg2[%dma_wait3A_535, %dma_wait3A_536] : memref<10000x128xf32, #tpu.memory_space<hbm>> -> memref<128x128xf32, #tpu.memory_space<hbm>>
      tpu.wait_dma2 semaphore(%dma_wait3A_530 : memref<!tpu.dma_semaphore, #tpu.memory_space<semaphore_mem>>) src(%dma_wait3A_537 : memref<128x128xf32, #tpu.memory_space<hbm>>) dst(%dma_wait3A_534 : memref<128x128xf32, #tpu.memory_space<vmem>>)
      %add3A_538 = arith.addi %mul3A_2, %add3A_495 : i32
      %mul3A_539 = arith.constant 128 : i32
      %mul3A_540 = arith.muli %add3A_538, %mul3A_539 : i32
      %dma_start3A_541 = arith.constant 1 : i32
      %dma_start3A_542 = arith.constant 1 : i32
      %dma_start3A_543 = arith.constant 0 : i32
      %dma_start3A_544 = arith.constant 0 : i32
      %dma_start3A_545 = tpu.memref_slice %arg9[%dma_start3A_541, %dma_start3A_543, %dma_start3A_544] : memref<2x128x128xf32, #tpu.memory_space<vmem>> -> memref<1x128x128xf32, #tpu.memory_space<vmem>>
      %dma_start3A_546 = tpu.memref_squeeze %dma_start3A_545 : memref<1x128x128xf32, #tpu.memory_space<vmem>> -> memref<128x128xf32, #tpu.memory_space<vmem>>
      %dma_start3A_547 = arith.constant 0 : i32
      %dma_start3A_548 = tpu.memref_slice %arg6[%mul3A_540, %dma_start3A_547] : memref<327680x128xf32, #tpu.memory_space<hbm>> -> memref<128x128xf32, #tpu.memory_space<hbm>>
      %dma_start3A_549 = tpu.memref_slice %arg12[%dma_start3A_542] : memref<2x!tpu.dma_semaphore, #tpu.memory_space<semaphore_mem>> -> memref<1x!tpu.dma_semaphore, #tpu.memory_space<semaphore_mem>>
      %dma_start3A_550 = tpu.memref_squeeze %dma_start3A_549 : memref<1x!tpu.dma_semaphore, #tpu.memory_space<semaphore_mem>> -> memref<!tpu.dma_semaphore, #tpu.memory_space<semaphore_mem>>
      %dma_start3A_551 = arith.constant 0 : i32
      %dma_start3A_552 = tpu.memref_slice %arg6[%mul3A_540, %dma_start3A_551] : memref<327680x128xf32, #tpu.memory_space<hbm>> -> memref<128x128xf32, #tpu.memory_space<hbm>>
      %dma_start3A_553 = arith.constant 0 : i32
      %dma_start3A_554 = arith.constant 0 : i32
      %dma_start3A_555 = tpu.memref_slice %arg9[%dma_start3A_541, %dma_start3A_553, %dma_start3A_554] : memref<2x128x128xf32, #tpu.memory_space<vmem>> -> memref<1x128x128xf32, #tpu.memory_space<vmem>>
      %dma_start3A_556 = tpu.memref_squeeze %dma_start3A_555 : memref<1x128x128xf32, #tpu.memory_space<vmem>> -> memref<128x128xf32, #tpu.memory_space<vmem>>
      tpu.enqueue_dma source(%dma_start3A_556 : memref<128x128xf32, #tpu.memory_space<vmem>>) target(%dma_start3A_552 : memref<128x128xf32, #tpu.memory_space<hbm>>) target_semaphore(%dma_start3A_550 : memref<!tpu.dma_semaphore, #tpu.memory_space<semaphore_mem>>)
      %mul3A_557 = arith.constant 8 : i32
      %mul3A_558 = arith.muli %scan3A_138, %mul3A_557 : i32
      %add3A_559 = arith.constant 6 : i32
      %add3A_560 = arith.addi %mul3A_558, %add3A_559 : i32
      %ge3A_561 = arith.constant 1 : i32
      %ge3A_562 = arith.cmpi sge, %add3A_560, %ge3A_561 : i32
      %convert_element_type3A_563 = arith.extui %ge3A_562 : i1 to i32
      %cond3A_564 = arith.constant 0 : i32
      %cond3A_565 = arith.cmpi ne, %convert_element_type3A_563, %cond3A_564 : i32
      scf.if %cond3A_565 {
        %dma_wait3A_682 = arith.constant 1 : i32
        %dma_wait3A_683 = arith.constant 1 : i32
        %dma_wait3A_684 = arith.constant 0 : i32
        %dma_wait3A_685 = arith.constant 0 : i32
        %dma_wait3A_686 = tpu.memref_slice %arg9[%dma_wait3A_682, %dma_wait3A_684, %dma_wait3A_685] : memref<2x128x128xf32, #tpu.memory_space<vmem>> -> memref<1x128x128xf32, #tpu.memory_space<vmem>>
        %dma_wait3A_687 = tpu.memref_squeeze %dma_wait3A_686 : memref<1x128x128xf32, #tpu.memory_space<vmem>> -> memref<128x128xf32, #tpu.memory_space<vmem>>
        %dma_wait3A_688 = arith.constant 0 : i32
        %dma_wait3A_689 = arith.constant 0 : i32
        %dma_wait3A_690 = tpu.memref_slice %arg2[%dma_wait3A_688, %dma_wait3A_689] : memref<10000x128xf32, #tpu.memory_space<hbm>> -> memref<128x128xf32, #tpu.memory_space<hbm>>
        %dma_wait3A_691 = tpu.memref_slice %arg12[%dma_wait3A_683] : memref<2x!tpu.dma_semaphore, #tpu.memory_space<semaphore_mem>> -> memref<1x!tpu.dma_semaphore, #tpu.memory_space<semaphore_mem>>
        %dma_wait3A_692 = tpu.memref_squeeze %dma_wait3A_691 : memref<1x!tpu.dma_semaphore, #tpu.memory_space<semaphore_mem>> -> memref<!tpu.dma_semaphore, #tpu.memory_space<semaphore_mem>>
        %dma_wait3A_693 = arith.constant 0 : i32
        %dma_wait3A_694 = arith.constant 0 : i32
        %dma_wait3A_695 = tpu.memref_slice %arg9[%dma_wait3A_682, %dma_wait3A_693, %dma_wait3A_694] : memref<2x128x128xf32, #tpu.memory_space<vmem>> -> memref<1x128x128xf32, #tpu.memory_space<vmem>>
        %dma_wait3A_696 = tpu.memref_squeeze %dma_wait3A_695 : memref<1x128x128xf32, #tpu.memory_space<vmem>> -> memref<128x128xf32, #tpu.memory_space<vmem>>
        %dma_wait3A_697 = arith.constant 0 : i32
        %dma_wait3A_698 = arith.constant 0 : i32
        %dma_wait3A_699 = tpu.memref_slice %arg2[%dma_wait3A_697, %dma_wait3A_698] : memref<10000x128xf32, #tpu.memory_space<hbm>> -> memref<128x128xf32, #tpu.memory_space<hbm>>
        tpu.wait_dma2 semaphore(%dma_wait3A_692 : memref<!tpu.dma_semaphore, #tpu.memory_space<semaphore_mem>>) src(%dma_wait3A_699 : memref<128x128xf32, #tpu.memory_space<hbm>>) dst(%dma_wait3A_696 : memref<128x128xf32, #tpu.memory_space<vmem>>)
      } else {
      }
      %dma_start3A_566 = arith.constant 7 : i32
      %dma_start3A_567 = arith.constant 1 : i32
      %dma_start3A_568 = arith.constant 1 : i32
      %dma_start3A_569 = arith.constant 0 : i32
      %dma_start3A_570 = arith.constant 0 : i32
      %dma_start3A_571 = tpu.memref_slice %arg9[%dma_start3A_567, %dma_start3A_569, %dma_start3A_570] : memref<2x128x128xf32, #tpu.memory_space<vmem>> -> memref<1x128x128xf32, #tpu.memory_space<vmem>>
      %dma_start3A_572 = tpu.memref_squeeze %dma_start3A_571 : memref<1x128x128xf32, #tpu.memory_space<vmem>> -> memref<128x128xf32, #tpu.memory_space<vmem>>
      %dma_start3A_573 = arith.constant 0 : i32
      %dma_start3A_574 = arith.constant 0 : i32
      %dma_start3A_575 = tpu.memref_slice %arg7[%select_n3A_149, %dma_start3A_573, %dma_start3A_574] : memref<2x8x128xi32, #tpu.memory_space<vmem>> -> memref<1x8x128xi32, #tpu.memory_space<vmem>>
      %dma_start3A_576 = tpu.memref_squeeze %dma_start3A_575 : memref<1x8x128xi32, #tpu.memory_space<vmem>> -> memref<8x128xi32, #tpu.memory_space<vmem>>
      %dma_start3A_577 = arith.constant 0 : i32
      %dma_start3A_578 = tpu.memref_slice %dma_start3A_576[%dma_start3A_566, %dma_start3A_577] : memref<8x128xi32, #tpu.memory_space<vmem>> -> memref<1x128xi32, #tpu.memory_space<vmem>>
      %dma_start3A_579 = tpu.memref_squeeze %dma_start3A_578 : memref<1x128xi32, #tpu.memory_space<vmem>> -> memref<128xi32, #tpu.memory_space<vmem>>
      %dma_start3A_580 = arith.constant 0 : i32
      %dma_start3A_581 = arith.constant 0 : i32
      %dma_start3A_582 = tpu.memref_slice %arg10[%dma_start3A_580, %dma_start3A_581] : memref<10112x128xf32, #tpu.memory_space<vmem_shared>> -> memref<10112x128xf32, #tpu.memory_space<vmem_shared>>
      %dma_start3A_583 = tpu.memref_slice %arg11[%dma_start3A_568] : memref<2x!tpu.dma_semaphore, #tpu.memory_space<semaphore_mem>> -> memref<1x!tpu.dma_semaphore, #tpu.memory_space<semaphore_mem>>
      %dma_start3A_584 = tpu.memref_squeeze %dma_start3A_583 : memref<1x!tpu.dma_semaphore, #tpu.memory_space<semaphore_mem>> -> memref<!tpu.dma_semaphore, #tpu.memory_space<semaphore_mem>>
      tpu.enqueue_indirect_dma source(%dma_start3A_582 : memref<10112x128xf32, #tpu.memory_space<vmem_shared>>) target(%dma_start3A_572 : memref<128x128xf32, #tpu.memory_space<vmem>>) offsets(%dma_start3A_579 : memref<128xi32, #tpu.memory_space<vmem>>) semaphore(%dma_start3A_584 : memref<!tpu.dma_semaphore, #tpu.memory_space<semaphore_mem>>)
      %dma_wait3A_585 = arith.constant 0 : i32
      %dma_wait3A_586 = arith.constant 0 : i32
      %dma_wait3A_587 = arith.constant 0 : i32
      %dma_wait3A_588 = arith.constant 0 : i32
      %dma_wait3A_589 = tpu.memref_slice %arg9[%dma_wait3A_585, %dma_wait3A_587, %dma_wait3A_588] : memref<2x128x128xf32, #tpu.memory_space<vmem>> -> memref<1x128x128xf32, #tpu.memory_space<vmem>>
      %dma_wait3A_590 = tpu.memref_squeeze %dma_wait3A_589 : memref<1x128x128xf32, #tpu.memory_space<vmem>> -> memref<128x128xf32, #tpu.memory_space<vmem>>
      %dma_wait3A_591 = arith.constant 0 : i32
      %dma_wait3A_592 = arith.constant 0 : i32
      %dma_wait3A_593 = tpu.memref_slice %arg2[%dma_wait3A_591, %dma_wait3A_592] : memref<10000x128xf32, #tpu.memory_space<hbm>> -> memref<128x128xf32, #tpu.memory_space<hbm>>
      %dma_wait3A_594 = tpu.memref_slice %arg11[%dma_wait3A_586] : memref<2x!tpu.dma_semaphore, #tpu.memory_space<semaphore_mem>> -> memref<1x!tpu.dma_semaphore, #tpu.memory_space<semaphore_mem>>
      %dma_wait3A_595 = tpu.memref_squeeze %dma_wait3A_594 : memref<1x!tpu.dma_semaphore, #tpu.memory_space<semaphore_mem>> -> memref<!tpu.dma_semaphore, #tpu.memory_space<semaphore_mem>>
      %dma_wait3A_596 = arith.constant 0 : i32
      %dma_wait3A_597 = arith.constant 0 : i32
      %dma_wait3A_598 = tpu.memref_slice %arg9[%dma_wait3A_585, %dma_wait3A_596, %dma_wait3A_597] : memref<2x128x128xf32, #tpu.memory_space<vmem>> -> memref<1x128x128xf32, #tpu.memory_space<vmem>>
      %dma_wait3A_599 = tpu.memref_squeeze %dma_wait3A_598 : memref<1x128x128xf32, #tpu.memory_space<vmem>> -> memref<128x128xf32, #tpu.memory_space<vmem>>
      %dma_wait3A_600 = arith.constant 0 : i32
      %dma_wait3A_601 = arith.constant 0 : i32
      %dma_wait3A_602 = tpu.memref_slice %arg2[%dma_wait3A_600, %dma_wait3A_601] : memref<10000x128xf32, #tpu.memory_space<hbm>> -> memref<128x128xf32, #tpu.memory_space<hbm>>
      tpu.wait_dma2 semaphore(%dma_wait3A_595 : memref<!tpu.dma_semaphore, #tpu.memory_space<semaphore_mem>>) src(%dma_wait3A_602 : memref<128x128xf32, #tpu.memory_space<hbm>>) dst(%dma_wait3A_599 : memref<128x128xf32, #tpu.memory_space<vmem>>)
      %add3A_603 = arith.addi %mul3A_2, %add3A_560 : i32
      %mul3A_604 = arith.constant 128 : i32
      %mul3A_605 = arith.muli %add3A_603, %mul3A_604 : i32
      %dma_start3A_606 = arith.constant 0 : i32
      %dma_start3A_607 = arith.constant 0 : i32
      %dma_start3A_608 = arith.constant 0 : i32
      %dma_start3A_609 = arith.constant 0 : i32
      %dma_start3A_610 = tpu.memref_slice %arg9[%dma_start3A_606, %dma_start3A_608, %dma_start3A_609] : memref<2x128x128xf32, #tpu.memory_space<vmem>> -> memref<1x128x128xf32, #tpu.memory_space<vmem>>
      %dma_start3A_611 = tpu.memref_squeeze %dma_start3A_610 : memref<1x128x128xf32, #tpu.memory_space<vmem>> -> memref<128x128xf32, #tpu.memory_space<vmem>>
      %dma_start3A_612 = arith.constant 0 : i32
      %dma_start3A_613 = tpu.memref_slice %arg6[%mul3A_605, %dma_start3A_612] : memref<327680x128xf32, #tpu.memory_space<hbm>> -> memref<128x128xf32, #tpu.memory_space<hbm>>
      %dma_start3A_614 = tpu.memref_slice %arg12[%dma_start3A_607] : memref<2x!tpu.dma_semaphore, #tpu.memory_space<semaphore_mem>> -> memref<1x!tpu.dma_semaphore, #tpu.memory_space<semaphore_mem>>
      %dma_start3A_615 = tpu.memref_squeeze %dma_start3A_614 : memref<1x!tpu.dma_semaphore, #tpu.memory_space<semaphore_mem>> -> memref<!tpu.dma_semaphore, #tpu.memory_space<semaphore_mem>>
      %dma_start3A_616 = arith.constant 0 : i32
      %dma_start3A_617 = tpu.memref_slice %arg6[%mul3A_605, %dma_start3A_616] : memref<327680x128xf32, #tpu.memory_space<hbm>> -> memref<128x128xf32, #tpu.memory_space<hbm>>
      %dma_start3A_618 = arith.constant 0 : i32
      %dma_start3A_619 = arith.constant 0 : i32
      %dma_start3A_620 = tpu.memref_slice %arg9[%dma_start3A_606, %dma_start3A_618, %dma_start3A_619] : memref<2x128x128xf32, #tpu.memory_space<vmem>> -> memref<1x128x128xf32, #tpu.memory_space<vmem>>
      %dma_start3A_621 = tpu.memref_squeeze %dma_start3A_620 : memref<1x128x128xf32, #tpu.memory_space<vmem>> -> memref<128x128xf32, #tpu.memory_space<vmem>>
      tpu.enqueue_dma source(%dma_start3A_621 : memref<128x128xf32, #tpu.memory_space<vmem>>) target(%dma_start3A_617 : memref<128x128xf32, #tpu.memory_space<hbm>>) target_semaphore(%dma_start3A_615 : memref<!tpu.dma_semaphore, #tpu.memory_space<semaphore_mem>>)
      %mul3A_622 = arith.constant 8 : i32
      %mul3A_623 = arith.muli %scan3A_138, %mul3A_622 : i32
      %add3A_624 = arith.constant 7 : i32
      %add3A_625 = arith.addi %mul3A_623, %add3A_624 : i32
      %ge3A_626 = arith.constant 1 : i32
      %ge3A_627 = arith.cmpi sge, %add3A_625, %ge3A_626 : i32
      %convert_element_type3A_628 = arith.extui %ge3A_627 : i1 to i32
      %cond3A_629 = arith.constant 0 : i32
      %cond3A_630 = arith.cmpi ne, %convert_element_type3A_628, %cond3A_629 : i32
      scf.if %cond3A_630 {
        %dma_wait3A_682 = arith.constant 0 : i32
        %dma_wait3A_683 = arith.constant 0 : i32
        %dma_wait3A_684 = arith.constant 0 : i32
        %dma_wait3A_685 = arith.constant 0 : i32
        %dma_wait3A_686 = tpu.memref_slice %arg9[%dma_wait3A_682, %dma_wait3A_684, %dma_wait3A_685] : memref<2x128x128xf32, #tpu.memory_space<vmem>> -> memref<1x128x128xf32, #tpu.memory_space<vmem>>
        %dma_wait3A_687 = tpu.memref_squeeze %dma_wait3A_686 : memref<1x128x128xf32, #tpu.memory_space<vmem>> -> memref<128x128xf32, #tpu.memory_space<vmem>>
        %dma_wait3A_688 = arith.constant 0 : i32
        %dma_wait3A_689 = arith.constant 0 : i32
        %dma_wait3A_690 = tpu.memref_slice %arg2[%dma_wait3A_688, %dma_wait3A_689] : memref<10000x128xf32, #tpu.memory_space<hbm>> -> memref<128x128xf32, #tpu.memory_space<hbm>>
        %dma_wait3A_691 = tpu.memref_slice %arg12[%dma_wait3A_683] : memref<2x!tpu.dma_semaphore, #tpu.memory_space<semaphore_mem>> -> memref<1x!tpu.dma_semaphore, #tpu.memory_space<semaphore_mem>>
        %dma_wait3A_692 = tpu.memref_squeeze %dma_wait3A_691 : memref<1x!tpu.dma_semaphore, #tpu.memory_space<semaphore_mem>> -> memref<!tpu.dma_semaphore, #tpu.memory_space<semaphore_mem>>
        %dma_wait3A_693 = arith.constant 0 : i32
        %dma_wait3A_694 = arith.constant 0 : i32
        %dma_wait3A_695 = tpu.memref_slice %arg9[%dma_wait3A_682, %dma_wait3A_693, %dma_wait3A_694] : memref<2x128x128xf32, #tpu.memory_space<vmem>> -> memref<1x128x128xf32, #tpu.memory_space<vmem>>
        %dma_wait3A_696 = tpu.memref_squeeze %dma_wait3A_695 : memref<1x128x128xf32, #tpu.memory_space<vmem>> -> memref<128x128xf32, #tpu.memory_space<vmem>>
        %dma_wait3A_697 = arith.constant 0 : i32
        %dma_wait3A_698 = arith.constant 0 : i32
        %dma_wait3A_699 = tpu.memref_slice %arg2[%dma_wait3A_697, %dma_wait3A_698] : memref<10000x128xf32, #tpu.memory_space<hbm>> -> memref<128x128xf32, #tpu.memory_space<hbm>>
        tpu.wait_dma2 semaphore(%dma_wait3A_692 : memref<!tpu.dma_semaphore, #tpu.memory_space<semaphore_mem>>) src(%dma_wait3A_699 : memref<128x128xf32, #tpu.memory_space<hbm>>) dst(%dma_wait3A_696 : memref<128x128xf32, #tpu.memory_space<vmem>>)
      } else {
      }
      %add3A_631 = arith.constant 1 : i32
      %add3A_632 = arith.addi %scan3A_138, %add3A_631 : i32
      %lt3A_633 = arith.constant 10 : i32
      %lt3A_634 = arith.cmpi slt, %add3A_632, %lt3A_633 : i32
      %convert_element_type3A_635 = arith.extui %lt3A_634 : i1 to i32
      %cond3A_636 = arith.constant 0 : i32
      %cond3A_637 = arith.cmpi ne, %convert_element_type3A_635, %cond3A_636 : i32
      scf.if %cond3A_637 {
        %dma_wait3A_682 = arith.constant 0 : i32
        %dma_wait3A_683 = arith.constant 0 : i32
        %dma_wait3A_684 = arith.constant 0 : i32
        %dma_wait3A_685 = tpu.memref_slice %arg7[%select_n3A_167, %dma_wait3A_683, %dma_wait3A_684] : memref<2x8x128xi32, #tpu.memory_space<vmem>> -> memref<1x8x128xi32, #tpu.memory_space<vmem>>
        %dma_wait3A_686 = tpu.memref_squeeze %dma_wait3A_685 : memref<1x8x128xi32, #tpu.memory_space<vmem>> -> memref<8x128xi32, #tpu.memory_space<vmem>>
        %dma_wait3A_687 = arith.constant 0 : i32
        %dma_wait3A_688 = arith.constant 0 : i32
        %dma_wait3A_689 = tpu.memref_slice %arg3[%dma_wait3A_682, %dma_wait3A_687, %dma_wait3A_688] : memref<32x80x128xi32, #tpu.memory_space<hbm>> -> memref<1x80x128xi32, #tpu.memory_space<hbm>>
        %dma_wait3A_690 = tpu.memref_squeeze %dma_wait3A_689 : memref<1x80x128xi32, #tpu.memory_space<hbm>> -> memref<80x128xi32, #tpu.memory_space<hbm>>
        %dma_wait3A_691 = arith.constant 0 : i32
        %dma_wait3A_692 = arith.constant 0 : i32
        %dma_wait3A_693 = tpu.memref_slice %dma_wait3A_690[%dma_wait3A_691, %dma_wait3A_692] : memref<80x128xi32, #tpu.memory_space<hbm>> -> memref<8x128xi32, #tpu.memory_space<hbm>>
        %dma_wait3A_694 = arith.constant 0 : i32
        %dma_wait3A_695 = arith.constant 0 : i32
        %dma_wait3A_696 = tpu.memref_slice %arg7[%select_n3A_167, %dma_wait3A_694, %dma_wait3A_695] : memref<2x8x128xi32, #tpu.memory_space<vmem>> -> memref<1x8x128xi32, #tpu.memory_space<vmem>>
        %dma_wait3A_697 = tpu.memref_squeeze %dma_wait3A_696 : memref<1x8x128xi32, #tpu.memory_space<vmem>> -> memref<8x128xi32, #tpu.memory_space<vmem>>
        %dma_wait3A_698 = arith.constant 0 : i32
        %dma_wait3A_699 = arith.constant 0 : i32
        %dma_wait3A_700 = tpu.memref_slice %arg3[%dma_wait3A_682, %dma_wait3A_698, %dma_wait3A_699] : memref<32x80x128xi32, #tpu.memory_space<hbm>> -> memref<1x80x128xi32, #tpu.memory_space<hbm>>
        %dma_wait3A_701 = tpu.memref_squeeze %dma_wait3A_700 : memref<1x80x128xi32, #tpu.memory_space<hbm>> -> memref<80x128xi32, #tpu.memory_space<hbm>>
        %dma_wait3A_702 = arith.constant 0 : i32
        %dma_wait3A_703 = arith.constant 0 : i32
        %dma_wait3A_704 = tpu.memref_slice %dma_wait3A_701[%dma_wait3A_702, %dma_wait3A_703] : memref<80x128xi32, #tpu.memory_space<hbm>> -> memref<8x128xi32, #tpu.memory_space<hbm>>
        tpu.wait_dma2 semaphore(%arg13 : memref<!tpu.dma_semaphore, #tpu.memory_space<semaphore_mem>>) src(%dma_wait3A_704 : memref<8x128xi32, #tpu.memory_space<hbm>>) dst(%dma_wait3A_697 : memref<8x128xi32, #tpu.memory_space<vmem>>)
        %dma_start3A_705 = arith.constant 0 : i32
        %dma_start3A_706 = arith.constant 0 : i32
        %dma_start3A_707 = arith.constant 0 : i32
        %dma_start3A_708 = arith.constant 0 : i32
        %dma_start3A_709 = arith.constant 0 : i32
        %dma_start3A_710 = tpu.memref_slice %arg9[%dma_start3A_706, %dma_start3A_708, %dma_start3A_709] : memref<2x128x128xf32, #tpu.memory_space<vmem>> -> memref<1x128x128xf32, #tpu.memory_space<vmem>>
        %dma_start3A_711 = tpu.memref_squeeze %dma_start3A_710 : memref<1x128x128xf32, #tpu.memory_space<vmem>> -> memref<128x128xf32, #tpu.memory_space<vmem>>
        %dma_start3A_712 = arith.constant 0 : i32
        %dma_start3A_713 = arith.constant 0 : i32
        %dma_start3A_714 = tpu.memref_slice %arg7[%select_n3A_167, %dma_start3A_712, %dma_start3A_713] : memref<2x8x128xi32, #tpu.memory_space<vmem>> -> memref<1x8x128xi32, #tpu.memory_space<vmem>>
        %dma_start3A_715 = tpu.memref_squeeze %dma_start3A_714 : memref<1x8x128xi32, #tpu.memory_space<vmem>> -> memref<8x128xi32, #tpu.memory_space<vmem>>
        %dma_start3A_716 = arith.constant 0 : i32
        %dma_start3A_717 = tpu.memref_slice %dma_start3A_715[%dma_start3A_705, %dma_start3A_716] : memref<8x128xi32, #tpu.memory_space<vmem>> -> memref<1x128xi32, #tpu.memory_space<vmem>>
        %dma_start3A_718 = tpu.memref_squeeze %dma_start3A_717 : memref<1x128xi32, #tpu.memory_space<vmem>> -> memref<128xi32, #tpu.memory_space<vmem>>
        %dma_start3A_719 = arith.constant 0 : i32
        %dma_start3A_720 = arith.constant 0 : i32
        %dma_start3A_721 = tpu.memref_slice %arg10[%dma_start3A_719, %dma_start3A_720] : memref<10112x128xf32, #tpu.memory_space<vmem_shared>> -> memref<10112x128xf32, #tpu.memory_space<vmem_shared>>
        %dma_start3A_722 = tpu.memref_slice %arg11[%dma_start3A_707] : memref<2x!tpu.dma_semaphore, #tpu.memory_space<semaphore_mem>> -> memref<1x!tpu.dma_semaphore, #tpu.memory_space<semaphore_mem>>
        %dma_start3A_723 = tpu.memref_squeeze %dma_start3A_722 : memref<1x!tpu.dma_semaphore, #tpu.memory_space<semaphore_mem>> -> memref<!tpu.dma_semaphore, #tpu.memory_space<semaphore_mem>>
        tpu.enqueue_indirect_dma source(%dma_start3A_721 : memref<10112x128xf32, #tpu.memory_space<vmem_shared>>) target(%dma_start3A_711 : memref<128x128xf32, #tpu.memory_space<vmem>>) offsets(%dma_start3A_718 : memref<128xi32, #tpu.memory_space<vmem>>) semaphore(%dma_start3A_723 : memref<!tpu.dma_semaphore, #tpu.memory_space<semaphore_mem>>)
      } else {
      }
      %add3A_638 = arith.constant 2 : i32
      %add3A_639 = arith.addi %scan3A_138, %add3A_638 : i32
      %lt3A_640 = arith.constant 10 : i32
      %lt3A_641 = arith.cmpi slt, %add3A_639, %lt3A_640 : i32
      %convert_element_type3A_642 = arith.extui %lt3A_641 : i1 to i32
      %cond3A_643 = arith.constant 0 : i32
      %cond3A_644 = arith.cmpi ne, %convert_element_type3A_642, %cond3A_643 : i32
      scf.if %cond3A_644 {
        %add3A_682 = arith.constant 2 : i32
        %add3A_683 = arith.addi %scan3A_138, %add3A_682 : i32
        %mul3A_684 = arith.constant 8 : i32
        %mul3A_685 = arith.muli %add3A_683, %mul3A_684 : i32
        %multiple_of3A = tpu.assume_multiple %mul3A_685, 8 : i32
        %dma_start3A_686 = arith.constant 0 : i32
        %dma_start3A_687 = arith.constant 0 : i32
        %dma_start3A_688 = tpu.memref_slice %arg7[%select_n3A_149, %dma_start3A_686, %dma_start3A_687] : memref<2x8x128xi32, #tpu.memory_space<vmem>> -> memref<1x8x128xi32, #tpu.memory_space<vmem>>
        %dma_start3A_689 = tpu.memref_squeeze %dma_start3A_688 : memref<1x8x128xi32, #tpu.memory_space<vmem>> -> memref<8x128xi32, #tpu.memory_space<vmem>>
        %dma_start3A_690 = arith.constant 0 : i32
        %dma_start3A_691 = arith.constant 0 : i32
        %dma_start3A_692 = tpu.memref_slice %arg3[%add3A, %dma_start3A_690, %dma_start3A_691] : memref<32x80x128xi32, #tpu.memory_space<hbm>> -> memref<1x80x128xi32, #tpu.memory_space<hbm>>
        %dma_start3A_693 = tpu.memref_squeeze %dma_start3A_692 : memref<1x80x128xi32, #tpu.memory_space<hbm>> -> memref<80x128xi32, #tpu.memory_space<hbm>>
        %dma_start3A_694 = arith.constant 0 : i32
        %dma_start3A_695 = tpu.memref_slice %dma_start3A_693[%multiple_of3A, %dma_start3A_694] : memref<80x128xi32, #tpu.memory_space<hbm>> -> memref<8x128xi32, #tpu.memory_space<hbm>>
        %dma_start3A_696 = arith.constant 0 : i32
        %dma_start3A_697 = arith.constant 0 : i32
        %dma_start3A_698 = tpu.memref_slice %arg7[%select_n3A_149, %dma_start3A_696, %dma_start3A_697] : memref<2x8x128xi32, #tpu.memory_space<vmem>> -> memref<1x8x128xi32, #tpu.memory_space<vmem>>
        %dma_start3A_699 = tpu.memref_squeeze %dma_start3A_698 : memref<1x8x128xi32, #tpu.memory_space<vmem>> -> memref<8x128xi32, #tpu.memory_space<vmem>>
        %dma_start3A_700 = arith.constant 0 : i32
        %dma_start3A_701 = arith.constant 0 : i32
        %dma_start3A_702 = tpu.memref_slice %arg3[%add3A, %dma_start3A_700, %dma_start3A_701] : memref<32x80x128xi32, #tpu.memory_space<hbm>> -> memref<1x80x128xi32, #tpu.memory_space<hbm>>
        %dma_start3A_703 = tpu.memref_squeeze %dma_start3A_702 : memref<1x80x128xi32, #tpu.memory_space<hbm>> -> memref<80x128xi32, #tpu.memory_space<hbm>>
        %dma_start3A_704 = arith.constant 0 : i32
        %dma_start3A_705 = tpu.memref_slice %dma_start3A_703[%multiple_of3A, %dma_start3A_704] : memref<80x128xi32, #tpu.memory_space<hbm>> -> memref<8x128xi32, #tpu.memory_space<hbm>>
        tpu.enqueue_dma source(%dma_start3A_705 : memref<8x128xi32, #tpu.memory_space<hbm>>) target(%dma_start3A_699 : memref<8x128xi32, #tpu.memory_space<vmem>>) target_semaphore(%arg13 : memref<!tpu.dma_semaphore, #tpu.memory_space<semaphore_mem>>)
      } else {
      }
      %dma_wait3A_645 = arith.constant 1 : i32
      %dma_wait3A_646 = arith.constant 1 : i32
      %dma_wait3A_647 = arith.constant 0 : i32
      %dma_wait3A_648 = arith.constant 0 : i32
      %dma_wait3A_649 = tpu.memref_slice %arg9[%dma_wait3A_645, %dma_wait3A_647, %dma_wait3A_648] : memref<2x128x128xf32, #tpu.memory_space<vmem>> -> memref<1x128x128xf32, #tpu.memory_space<vmem>>
      %dma_wait3A_650 = tpu.memref_squeeze %dma_wait3A_649 : memref<1x128x128xf32, #tpu.memory_space<vmem>> -> memref<128x128xf32, #tpu.memory_space<vmem>>
      %dma_wait3A_651 = arith.constant 0 : i32
      %dma_wait3A_652 = arith.constant 0 : i32
      %dma_wait3A_653 = tpu.memref_slice %arg2[%dma_wait3A_651, %dma_wait3A_652] : memref<10000x128xf32, #tpu.memory_space<hbm>> -> memref<128x128xf32, #tpu.memory_space<hbm>>
      %dma_wait3A_654 = tpu.memref_slice %arg11[%dma_wait3A_646] : memref<2x!tpu.dma_semaphore, #tpu.memory_space<semaphore_mem>> -> memref<1x!tpu.dma_semaphore, #tpu.memory_space<semaphore_mem>>
      %dma_wait3A_655 = tpu.memref_squeeze %dma_wait3A_654 : memref<1x!tpu.dma_semaphore, #tpu.memory_space<semaphore_mem>> -> memref<!tpu.dma_semaphore, #tpu.memory_space<semaphore_mem>>
      %dma_wait3A_656 = arith.constant 0 : i32
      %dma_wait3A_657 = arith.constant 0 : i32
      %dma_wait3A_658 = tpu.memref_slice %arg9[%dma_wait3A_645, %dma_wait3A_656, %dma_wait3A_657] : memref<2x128x128xf32, #tpu.memory_space<vmem>> -> memref<1x128x128xf32, #tpu.memory_space<vmem>>
      %dma_wait3A_659 = tpu.memref_squeeze %dma_wait3A_658 : memref<1x128x128xf32, #tpu.memory_space<vmem>> -> memref<128x128xf32, #tpu.memory_space<vmem>>
      %dma_wait3A_660 = arith.constant 0 : i32
      %dma_wait3A_661 = arith.constant 0 : i32
      %dma_wait3A_662 = tpu.memref_slice %arg2[%dma_wait3A_660, %dma_wait3A_661] : memref<10000x128xf32, #tpu.memory_space<hbm>> -> memref<128x128xf32, #tpu.memory_space<hbm>>
      tpu.wait_dma2 semaphore(%dma_wait3A_655 : memref<!tpu.dma_semaphore, #tpu.memory_space<semaphore_mem>>) src(%dma_wait3A_662 : memref<128x128xf32, #tpu.memory_space<hbm>>) dst(%dma_wait3A_659 : memref<128x128xf32, #tpu.memory_space<vmem>>)
      %add3A_663 = arith.addi %mul3A_2, %add3A_625 : i32
      %mul3A_664 = arith.constant 128 : i32
      %mul3A_665 = arith.muli %add3A_663, %mul3A_664 : i32
      %dma_start3A_666 = arith.constant 1 : i32
      %dma_start3A_667 = arith.constant 1 : i32
      %dma_start3A_668 = arith.constant 0 : i32
      %dma_start3A_669 = arith.constant 0 : i32
      %dma_start3A_670 = tpu.memref_slice %arg9[%dma_start3A_666, %dma_start3A_668, %dma_start3A_669] : memref<2x128x128xf32, #tpu.memory_space<vmem>> -> memref<1x128x128xf32, #tpu.memory_space<vmem>>
      %dma_start3A_671 = tpu.memref_squeeze %dma_start3A_670 : memref<1x128x128xf32, #tpu.memory_space<vmem>> -> memref<128x128xf32, #tpu.memory_space<vmem>>
      %dma_start3A_672 = arith.constant 0 : i32
      %dma_start3A_673 = tpu.memref_slice %arg6[%mul3A_665, %dma_start3A_672] : memref<327680x128xf32, #tpu.memory_space<hbm>> -> memref<128x128xf32, #tpu.memory_space<hbm>>
      %dma_start3A_674 = tpu.memref_slice %arg12[%dma_start3A_667] : memref<2x!tpu.dma_semaphore, #tpu.memory_space<semaphore_mem>> -> memref<1x!tpu.dma_semaphore, #tpu.memory_space<semaphore_mem>>
      %dma_start3A_675 = tpu.memref_squeeze %dma_start3A_674 : memref<1x!tpu.dma_semaphore, #tpu.memory_space<semaphore_mem>> -> memref<!tpu.dma_semaphore, #tpu.memory_space<semaphore_mem>>
      %dma_start3A_676 = arith.constant 0 : i32
      %dma_start3A_677 = tpu.memref_slice %arg6[%mul3A_665, %dma_start3A_676] : memref<327680x128xf32, #tpu.memory_space<hbm>> -> memref<128x128xf32, #tpu.memory_space<hbm>>
      %dma_start3A_678 = arith.constant 0 : i32
      %dma_start3A_679 = arith.constant 0 : i32
      %dma_start3A_680 = tpu.memref_slice %arg9[%dma_start3A_666, %dma_start3A_678, %dma_start3A_679] : memref<2x128x128xf32, #tpu.memory_space<vmem>> -> memref<1x128x128xf32, #tpu.memory_space<vmem>>
      %dma_start3A_681 = tpu.memref_squeeze %dma_start3A_680 : memref<1x128x128xf32, #tpu.memory_space<vmem>> -> memref<128x128xf32, #tpu.memory_space<vmem>>
      tpu.enqueue_dma source(%dma_start3A_681 : memref<128x128xf32, #tpu.memory_space<vmem>>) target(%dma_start3A_677 : memref<128x128xf32, #tpu.memory_space<hbm>>) target_semaphore(%dma_start3A_675 : memref<!tpu.dma_semaphore, #tpu.memory_space<semaphore_mem>>)
    }
    %scan3A_63 = arith.constant 10 : i32
    %dma_wait3A = arith.constant 1 : i32
    %dma_wait3A_64 = arith.constant 1 : i32
    %dma_wait3A_65 = arith.constant 0 : i32
    %dma_wait3A_66 = arith.constant 0 : i32
    %dma_wait3A_67 = tpu.memref_slice %arg9[%dma_wait3A, %dma_wait3A_65, %dma_wait3A_66] : memref<2x128x128xf32, #tpu.memory_space<vmem>> -> memref<1x128x128xf32, #tpu.memory_space<vmem>>
    %dma_wait3A_68 = tpu.memref_squeeze %dma_wait3A_67 : memref<1x128x128xf32, #tpu.memory_space<vmem>> -> memref<128x128xf32, #tpu.memory_space<vmem>>
    %dma_wait3A_69 = arith.constant 0 : i32
    %dma_wait3A_70 = arith.constant 0 : i32
    %dma_wait3A_71 = tpu.memref_slice %arg2[%dma_wait3A_69, %dma_wait3A_70] : memref<10000x128xf32, #tpu.memory_space<hbm>> -> memref<128x128xf32, #tpu.memory_space<hbm>>
    %dma_wait3A_72 = tpu.memref_slice %arg12[%dma_wait3A_64] : memref<2x!tpu.dma_semaphore, #tpu.memory_space<semaphore_mem>> -> memref<1x!tpu.dma_semaphore, #tpu.memory_space<semaphore_mem>>
    %dma_wait3A_73 = tpu.memref_squeeze %dma_wait3A_72 : memref<1x!tpu.dma_semaphore, #tpu.memory_space<semaphore_mem>> -> memref<!tpu.dma_semaphore, #tpu.memory_space<semaphore_mem>>
    %dma_wait3A_74 = arith.constant 0 : i32
    %dma_wait3A_75 = arith.constant 0 : i32
    %dma_wait3A_76 = tpu.memref_slice %arg9[%dma_wait3A, %dma_wait3A_74, %dma_wait3A_75] : memref<2x128x128xf32, #tpu.memory_space<vmem>> -> memref<1x128x128xf32, #tpu.memory_space<vmem>>
    %dma_wait3A_77 = tpu.memref_squeeze %dma_wait3A_76 : memref<1x128x128xf32, #tpu.memory_space<vmem>> -> memref<128x128xf32, #tpu.memory_space<vmem>>
    %dma_wait3A_78 = arith.constant 0 : i32
    %dma_wait3A_79 = arith.constant 0 : i32
    %dma_wait3A_80 = tpu.memref_slice %arg2[%dma_wait3A_78, %dma_wait3A_79] : memref<10000x128xf32, #tpu.memory_space<hbm>> -> memref<128x128xf32, #tpu.memory_space<hbm>>
    tpu.wait_dma2 semaphore(%dma_wait3A_73 : memref<!tpu.dma_semaphore, #tpu.memory_space<semaphore_mem>>) src(%dma_wait3A_80 : memref<128x128xf32, #tpu.memory_space<hbm>>) dst(%dma_wait3A_77 : memref<128x128xf32, #tpu.memory_space<vmem>>)
    %mul3A_81 = arith.constant 128 : i32
    %mul3A_82 = arith.muli %mul3A_2, %mul3A_81 : i32
    %dma_start3A_83 = arith.constant 0 : i32
    %dma_start3A_84 = arith.constant 0 : i32
    %dma_start3A_85 = arith.constant 0 : i32
    %dma_start3A_86 = arith.constant 0 : i32
    %dma_start3A_87 = tpu.memref_slice %arg9[%dma_start3A_83, %dma_start3A_85, %dma_start3A_86] : memref<2x128x128xf32, #tpu.memory_space<vmem>> -> memref<1x128x128xf32, #tpu.memory_space<vmem>>
    %dma_start3A_88 = tpu.memref_squeeze %dma_start3A_87 : memref<1x128x128xf32, #tpu.memory_space<vmem>> -> memref<128x128xf32, #tpu.memory_space<vmem>>
    %dma_start3A_89 = arith.constant 0 : i32
    %dma_start3A_90 = tpu.memref_slice %arg6[%mul3A_82, %dma_start3A_89] : memref<327680x128xf32, #tpu.memory_space<hbm>> -> memref<128x128xf32, #tpu.memory_space<hbm>>
    %dma_start3A_91 = tpu.memref_slice %arg11[%dma_start3A_84] : memref<2x!tpu.dma_semaphore, #tpu.memory_space<semaphore_mem>> -> memref<1x!tpu.dma_semaphore, #tpu.memory_space<semaphore_mem>>
    %dma_start3A_92 = tpu.memref_squeeze %dma_start3A_91 : memref<1x!tpu.dma_semaphore, #tpu.memory_space<semaphore_mem>> -> memref<!tpu.dma_semaphore, #tpu.memory_space<semaphore_mem>>
    %dma_start3A_93 = arith.constant 0 : i32
    %dma_start3A_94 = arith.constant 0 : i32
    %dma_start3A_95 = tpu.memref_slice %arg9[%dma_start3A_83, %dma_start3A_93, %dma_start3A_94] : memref<2x128x128xf32, #tpu.memory_space<vmem>> -> memref<1x128x128xf32, #tpu.memory_space<vmem>>
    %dma_start3A_96 = tpu.memref_squeeze %dma_start3A_95 : memref<1x128x128xf32, #tpu.memory_space<vmem>> -> memref<128x128xf32, #tpu.memory_space<vmem>>
    %dma_start3A_97 = arith.constant 0 : i32
    %dma_start3A_98 = tpu.memref_slice %arg6[%mul3A_82, %dma_start3A_97] : memref<327680x128xf32, #tpu.memory_space<hbm>> -> memref<128x128xf32, #tpu.memory_space<hbm>>
    tpu.enqueue_dma source(%dma_start3A_98 : memref<128x128xf32, #tpu.memory_space<hbm>>) target(%dma_start3A_96 : memref<128x128xf32, #tpu.memory_space<vmem>>) target_semaphore(%dma_start3A_92 : memref<!tpu.dma_semaphore, #tpu.memory_space<semaphore_mem>>)
    %barrier3A_99 = arith.constant 0 : index
    tpu.barrier barrier_id(%barrier3A_99)
    %dma_wait3A_100 = arith.constant 0 : i32
    %dma_wait3A_101 = arith.constant 0 : i32
    %dma_wait3A_102 = arith.constant 0 : i32
    %dma_wait3A_103 = tpu.memref_slice %arg4[%dma_wait3A_100, %dma_wait3A_101, %dma_wait3A_102] : memref<32x80x128xi32, #tpu.memory_space<hbm>> -> memref<1x80x128xi32, #tpu.memory_space<hbm>>
    %dma_wait3A_104 = tpu.memref_squeeze %dma_wait3A_103 : memref<1x80x128xi32, #tpu.memory_space<hbm>> -> memref<80x128xi32, #tpu.memory_space<hbm>>
    %dma_wait3A_105 = arith.constant 0 : i32
    %dma_wait3A_106 = arith.constant 0 : i32
    %dma_wait3A_107 = tpu.memref_slice %arg4[%dma_wait3A_100, %dma_wait3A_105, %dma_wait3A_106] : memref<32x80x128xi32, #tpu.memory_space<hbm>> -> memref<1x80x128xi32, #tpu.memory_space<hbm>>
    %dma_wait3A_108 = tpu.memref_squeeze %dma_wait3A_107 : memref<1x80x128xi32, #tpu.memory_space<hbm>> -> memref<80x128xi32, #tpu.memory_space<hbm>>
    tpu.wait_dma2 semaphore(%arg14 : memref<!tpu.dma_semaphore, #tpu.memory_space<semaphore_mem>>) src(%dma_wait3A_108 : memref<80x128xi32, #tpu.memory_space<hbm>>) dst(%arg8 : memref<80x128xi32, #tpu.memory_space<vmem>>)
    %scan3A_109 = arith.constant 0 : i32
    %scan3A_110 = arith.constant 0 : i32
    %scan3A_111 = arith.constant 40 : i32
    %scan3A_112 = arith.addi %scan3A_110, %scan3A_111 : i32
    %scan3A_113 = arith.constant 1 : i32
    scf.for %scan3A_138 = %scan3A_110 to %scan3A_112 step %scan3A_113  : i32 {
      %mul3A_139 = arith.constant 2 : i32
      %mul3A_140 = arith.muli %scan3A_138, %mul3A_139 : i32
      %add3A_141 = arith.constant 0 : i32
      %add3A_142 = arith.addi %mul3A_140, %add3A_141 : i32
      %ge3A = arith.constant 1 : i32
      %ge3A_143 = arith.cmpi sge, %add3A_142, %ge3A : i32
      %convert_element_type3A_144 = arith.extui %ge3A_143 : i1 to i32
      %cond3A_145 = arith.constant 0 : i32
      %cond3A_146 = arith.cmpi ne, %convert_element_type3A_144, %cond3A_145 : i32
      scf.if %cond3A_146 {
        %dma_wait3A_234 = arith.constant 1 : i32
        %dma_wait3A_235 = arith.constant 1 : i32
        %dma_wait3A_236 = arith.constant 0 : i32
        %dma_wait3A_237 = arith.constant 0 : i32
        %dma_wait3A_238 = tpu.memref_slice %arg9[%dma_wait3A_234, %dma_wait3A_236, %dma_wait3A_237] : memref<2x128x128xf32, #tpu.memory_space<vmem>> -> memref<1x128x128xf32, #tpu.memory_space<vmem>>
        %dma_wait3A_239 = tpu.memref_squeeze %dma_wait3A_238 : memref<1x128x128xf32, #tpu.memory_space<vmem>> -> memref<128x128xf32, #tpu.memory_space<vmem>>
        %dma_wait3A_240 = arith.constant 0 : i32
        %dma_wait3A_241 = arith.constant 0 : i32
        %dma_wait3A_242 = tpu.memref_slice %arg6[%dma_wait3A_240, %dma_wait3A_241] : memref<327680x128xf32, #tpu.memory_space<hbm>> -> memref<128x128xf32, #tpu.memory_space<hbm>>
        %dma_wait3A_243 = tpu.memref_slice %arg12[%dma_wait3A_235] : memref<2x!tpu.dma_semaphore, #tpu.memory_space<semaphore_mem>> -> memref<1x!tpu.dma_semaphore, #tpu.memory_space<semaphore_mem>>
        %dma_wait3A_244 = tpu.memref_squeeze %dma_wait3A_243 : memref<1x!tpu.dma_semaphore, #tpu.memory_space<semaphore_mem>> -> memref<!tpu.dma_semaphore, #tpu.memory_space<semaphore_mem>>
        %dma_wait3A_245 = arith.constant 0 : i32
        %dma_wait3A_246 = arith.constant 0 : i32
        %dma_wait3A_247 = tpu.memref_slice %arg9[%dma_wait3A_234, %dma_wait3A_245, %dma_wait3A_246] : memref<2x128x128xf32, #tpu.memory_space<vmem>> -> memref<1x128x128xf32, #tpu.memory_space<vmem>>
        %dma_wait3A_248 = tpu.memref_squeeze %dma_wait3A_247 : memref<1x128x128xf32, #tpu.memory_space<vmem>> -> memref<128x128xf32, #tpu.memory_space<vmem>>
        %dma_wait3A_249 = arith.constant 0 : i32
        %dma_wait3A_250 = arith.constant 0 : i32
        %dma_wait3A_251 = tpu.memref_slice %arg6[%dma_wait3A_249, %dma_wait3A_250] : memref<327680x128xf32, #tpu.memory_space<hbm>> -> memref<128x128xf32, #tpu.memory_space<hbm>>
        tpu.wait_dma2 semaphore(%dma_wait3A_244 : memref<!tpu.dma_semaphore, #tpu.memory_space<semaphore_mem>>) src(%dma_wait3A_251 : memref<128x128xf32, #tpu.memory_space<hbm>>) dst(%dma_wait3A_248 : memref<128x128xf32, #tpu.memory_space<vmem>>)
      } else {
      }
      %add3A_147 = arith.constant 1 : i32
      %add3A_148 = arith.addi %add3A_142, %add3A_147 : i32
      %lt3A_149 = arith.constant 80 : i32
      %lt3A_150 = arith.cmpi slt, %add3A_148, %lt3A_149 : i32
      %convert_element_type3A_151 = arith.extui %lt3A_150 : i1 to i32
      %cond3A_152 = arith.constant 0 : i32
      %cond3A_153 = arith.cmpi ne, %convert_element_type3A_151, %cond3A_152 : i32
      scf.if %cond3A_153 {
        %add3A_234 = arith.addi %mul3A_2, %add3A_142 : i32
        %add3A_235 = arith.constant 1 : i32
        %add3A_236 = arith.addi %add3A_234, %add3A_235 : i32
        %mul3A_237 = arith.constant 128 : i32
        %mul3A_238 = arith.muli %add3A_236, %mul3A_237 : i32
        %dma_start3A_239 = arith.constant 1 : i32
        %dma_start3A_240 = arith.constant 1 : i32
        %dma_start3A_241 = arith.constant 0 : i32
        %dma_start3A_242 = arith.constant 0 : i32
        %dma_start3A_243 = tpu.memref_slice %arg9[%dma_start3A_239, %dma_start3A_241, %dma_start3A_242] : memref<2x128x128xf32, #tpu.memory_space<vmem>> -> memref<1x128x128xf32, #tpu.memory_space<vmem>>
        %dma_start3A_244 = tpu.memref_squeeze %dma_start3A_243 : memref<1x128x128xf32, #tpu.memory_space<vmem>> -> memref<128x128xf32, #tpu.memory_space<vmem>>
        %dma_start3A_245 = arith.constant 0 : i32
        %dma_start3A_246 = tpu.memref_slice %arg6[%mul3A_238, %dma_start3A_245] : memref<327680x128xf32, #tpu.memory_space<hbm>> -> memref<128x128xf32, #tpu.memory_space<hbm>>
        %dma_start3A_247 = tpu.memref_slice %arg11[%dma_start3A_240] : memref<2x!tpu.dma_semaphore, #tpu.memory_space<semaphore_mem>> -> memref<1x!tpu.dma_semaphore, #tpu.memory_space<semaphore_mem>>
        %dma_start3A_248 = tpu.memref_squeeze %dma_start3A_247 : memref<1x!tpu.dma_semaphore, #tpu.memory_space<semaphore_mem>> -> memref<!tpu.dma_semaphore, #tpu.memory_space<semaphore_mem>>
        %dma_start3A_249 = arith.constant 0 : i32
        %dma_start3A_250 = arith.constant 0 : i32
        %dma_start3A_251 = tpu.memref_slice %arg9[%dma_start3A_239, %dma_start3A_249, %dma_start3A_250] : memref<2x128x128xf32, #tpu.memory_space<vmem>> -> memref<1x128x128xf32, #tpu.memory_space<vmem>>
        %dma_start3A_252 = tpu.memref_squeeze %dma_start3A_251 : memref<1x128x128xf32, #tpu.memory_space<vmem>> -> memref<128x128xf32, #tpu.memory_space<vmem>>
        %dma_start3A_253 = arith.constant 0 : i32
        %dma_start3A_254 = tpu.memref_slice %arg6[%mul3A_238, %dma_start3A_253] : memref<327680x128xf32, #tpu.memory_space<hbm>> -> memref<128x128xf32, #tpu.memory_space<hbm>>
        tpu.enqueue_dma source(%dma_start3A_254 : memref<128x128xf32, #tpu.memory_space<hbm>>) target(%dma_start3A_252 : memref<128x128xf32, #tpu.memory_space<vmem>>) target_semaphore(%dma_start3A_248 : memref<!tpu.dma_semaphore, #tpu.memory_space<semaphore_mem>>)
      } else {
      }
      %dma_wait3A_154 = arith.constant 0 : i32
      %dma_wait3A_155 = arith.constant 0 : i32
      %dma_wait3A_156 = arith.constant 0 : i32
      %dma_wait3A_157 = arith.constant 0 : i32
      %dma_wait3A_158 = tpu.memref_slice %arg9[%dma_wait3A_154, %dma_wait3A_156, %dma_wait3A_157] : memref<2x128x128xf32, #tpu.memory_space<vmem>> -> memref<1x128x128xf32, #tpu.memory_space<vmem>>
      %dma_wait3A_159 = tpu.memref_squeeze %dma_wait3A_158 : memref<1x128x128xf32, #tpu.memory_space<vmem>> -> memref<128x128xf32, #tpu.memory_space<vmem>>
      %dma_wait3A_160 = arith.constant 0 : i32
      %dma_wait3A_161 = arith.constant 0 : i32
      %dma_wait3A_162 = tpu.memref_slice %arg6[%dma_wait3A_160, %dma_wait3A_161] : memref<327680x128xf32, #tpu.memory_space<hbm>> -> memref<128x128xf32, #tpu.memory_space<hbm>>
      %dma_wait3A_163 = tpu.memref_slice %arg11[%dma_wait3A_155] : memref<2x!tpu.dma_semaphore, #tpu.memory_space<semaphore_mem>> -> memref<1x!tpu.dma_semaphore, #tpu.memory_space<semaphore_mem>>
      %dma_wait3A_164 = tpu.memref_squeeze %dma_wait3A_163 : memref<1x!tpu.dma_semaphore, #tpu.memory_space<semaphore_mem>> -> memref<!tpu.dma_semaphore, #tpu.memory_space<semaphore_mem>>
      %dma_wait3A_165 = arith.constant 0 : i32
      %dma_wait3A_166 = arith.constant 0 : i32
      %dma_wait3A_167 = tpu.memref_slice %arg9[%dma_wait3A_154, %dma_wait3A_165, %dma_wait3A_166] : memref<2x128x128xf32, #tpu.memory_space<vmem>> -> memref<1x128x128xf32, #tpu.memory_space<vmem>>
      %dma_wait3A_168 = tpu.memref_squeeze %dma_wait3A_167 : memref<1x128x128xf32, #tpu.memory_space<vmem>> -> memref<128x128xf32, #tpu.memory_space<vmem>>
      %dma_wait3A_169 = arith.constant 0 : i32
      %dma_wait3A_170 = arith.constant 0 : i32
      %dma_wait3A_171 = tpu.memref_slice %arg6[%dma_wait3A_169, %dma_wait3A_170] : memref<327680x128xf32, #tpu.memory_space<hbm>> -> memref<128x128xf32, #tpu.memory_space<hbm>>
      tpu.wait_dma2 semaphore(%dma_wait3A_164 : memref<!tpu.dma_semaphore, #tpu.memory_space<semaphore_mem>>) src(%dma_wait3A_171 : memref<128x128xf32, #tpu.memory_space<hbm>>) dst(%dma_wait3A_168 : memref<128x128xf32, #tpu.memory_space<vmem>>)
      %dma_start3A_172 = arith.constant 0 : i32
      %dma_start3A_173 = arith.constant 0 : i32
      %dma_start3A_174 = arith.constant 0 : i32
      %dma_start3A_175 = arith.constant 0 : i32
      %dma_start3A_176 = tpu.memref_slice %arg9[%dma_start3A_172, %dma_start3A_174, %dma_start3A_175] : memref<2x128x128xf32, #tpu.memory_space<vmem>> -> memref<1x128x128xf32, #tpu.memory_space<vmem>>
      %dma_start3A_177 = tpu.memref_squeeze %dma_start3A_176 : memref<1x128x128xf32, #tpu.memory_space<vmem>> -> memref<128x128xf32, #tpu.memory_space<vmem>>
      %dma_start3A_178 = arith.constant 0 : i32
      %dma_start3A_179 = tpu.memref_slice %arg8[%add3A_142, %dma_start3A_178] : memref<80x128xi32, #tpu.memory_space<vmem>> -> memref<1x128xi32, #tpu.memory_space<vmem>>
      %dma_start3A_180 = tpu.memref_squeeze %dma_start3A_179 : memref<1x128xi32, #tpu.memory_space<vmem>> -> memref<128xi32, #tpu.memory_space<vmem>>
      %dma_start3A_181 = arith.constant 0 : i32
      %dma_start3A_182 = arith.constant 0 : i32
      %dma_start3A_183 = tpu.memref_slice %arg10[%dma_start3A_181, %dma_start3A_182] : memref<10112x128xf32, #tpu.memory_space<vmem_shared>> -> memref<10112x128xf32, #tpu.memory_space<vmem_shared>>
      %dma_start3A_184 = tpu.memref_slice %arg12[%dma_start3A_173] : memref<2x!tpu.dma_semaphore, #tpu.memory_space<semaphore_mem>> -> memref<1x!tpu.dma_semaphore, #tpu.memory_space<semaphore_mem>>
      %dma_start3A_185 = tpu.memref_squeeze %dma_start3A_184 : memref<1x!tpu.dma_semaphore, #tpu.memory_space<semaphore_mem>> -> memref<!tpu.dma_semaphore, #tpu.memory_space<semaphore_mem>>
      tpu.enqueue_indirect_dma source(%dma_start3A_177 : memref<128x128xf32, #tpu.memory_space<vmem>>) target(%dma_start3A_183 : memref<10112x128xf32, #tpu.memory_space<vmem_shared>>) offsets(%dma_start3A_180 : memref<128xi32, #tpu.memory_space<vmem>>) semaphore(%dma_start3A_185 : memref<!tpu.dma_semaphore, #tpu.memory_space<semaphore_mem>>) {add = true}
      %mul3A_186 = arith.constant 2 : i32
      %mul3A_187 = arith.muli %scan3A_138, %mul3A_186 : i32
      %add3A_188 = arith.constant 1 : i32
      %add3A_189 = arith.addi %mul3A_187, %add3A_188 : i32
      %ge3A_190 = arith.constant 1 : i32
      %ge3A_191 = arith.cmpi sge, %add3A_189, %ge3A_190 : i32
      %convert_element_type3A_192 = arith.extui %ge3A_191 : i1 to i32
      %cond3A_193 = arith.constant 0 : i32
      %cond3A_194 = arith.cmpi ne, %convert_element_type3A_192, %cond3A_193 : i32
      scf.if %cond3A_194 {
        %dma_wait3A_234 = arith.constant 0 : i32
        %dma_wait3A_235 = arith.constant 0 : i32
        %dma_wait3A_236 = arith.constant 0 : i32
        %dma_wait3A_237 = arith.constant 0 : i32
        %dma_wait3A_238 = tpu.memref_slice %arg9[%dma_wait3A_234, %dma_wait3A_236, %dma_wait3A_237] : memref<2x128x128xf32, #tpu.memory_space<vmem>> -> memref<1x128x128xf32, #tpu.memory_space<vmem>>
        %dma_wait3A_239 = tpu.memref_squeeze %dma_wait3A_238 : memref<1x128x128xf32, #tpu.memory_space<vmem>> -> memref<128x128xf32, #tpu.memory_space<vmem>>
        %dma_wait3A_240 = arith.constant 0 : i32
        %dma_wait3A_241 = arith.constant 0 : i32
        %dma_wait3A_242 = tpu.memref_slice %arg6[%dma_wait3A_240, %dma_wait3A_241] : memref<327680x128xf32, #tpu.memory_space<hbm>> -> memref<128x128xf32, #tpu.memory_space<hbm>>
        %dma_wait3A_243 = tpu.memref_slice %arg12[%dma_wait3A_235] : memref<2x!tpu.dma_semaphore, #tpu.memory_space<semaphore_mem>> -> memref<1x!tpu.dma_semaphore, #tpu.memory_space<semaphore_mem>>
        %dma_wait3A_244 = tpu.memref_squeeze %dma_wait3A_243 : memref<1x!tpu.dma_semaphore, #tpu.memory_space<semaphore_mem>> -> memref<!tpu.dma_semaphore, #tpu.memory_space<semaphore_mem>>
        %dma_wait3A_245 = arith.constant 0 : i32
        %dma_wait3A_246 = arith.constant 0 : i32
        %dma_wait3A_247 = tpu.memref_slice %arg9[%dma_wait3A_234, %dma_wait3A_245, %dma_wait3A_246] : memref<2x128x128xf32, #tpu.memory_space<vmem>> -> memref<1x128x128xf32, #tpu.memory_space<vmem>>
        %dma_wait3A_248 = tpu.memref_squeeze %dma_wait3A_247 : memref<1x128x128xf32, #tpu.memory_space<vmem>> -> memref<128x128xf32, #tpu.memory_space<vmem>>
        %dma_wait3A_249 = arith.constant 0 : i32
        %dma_wait3A_250 = arith.constant 0 : i32
        %dma_wait3A_251 = tpu.memref_slice %arg6[%dma_wait3A_249, %dma_wait3A_250] : memref<327680x128xf32, #tpu.memory_space<hbm>> -> memref<128x128xf32, #tpu.memory_space<hbm>>
        tpu.wait_dma2 semaphore(%dma_wait3A_244 : memref<!tpu.dma_semaphore, #tpu.memory_space<semaphore_mem>>) src(%dma_wait3A_251 : memref<128x128xf32, #tpu.memory_space<hbm>>) dst(%dma_wait3A_248 : memref<128x128xf32, #tpu.memory_space<vmem>>)
      } else {
      }
      %add3A_195 = arith.constant 1 : i32
      %add3A_196 = arith.addi %add3A_189, %add3A_195 : i32
      %lt3A_197 = arith.constant 80 : i32
      %lt3A_198 = arith.cmpi slt, %add3A_196, %lt3A_197 : i32
      %convert_element_type3A_199 = arith.extui %lt3A_198 : i1 to i32
      %cond3A_200 = arith.constant 0 : i32
      %cond3A_201 = arith.cmpi ne, %convert_element_type3A_199, %cond3A_200 : i32
      scf.if %cond3A_201 {
        %add3A_234 = arith.addi %mul3A_2, %add3A_189 : i32
        %add3A_235 = arith.constant 1 : i32
        %add3A_236 = arith.addi %add3A_234, %add3A_235 : i32
        %mul3A_237 = arith.constant 128 : i32
        %mul3A_238 = arith.muli %add3A_236, %mul3A_237 : i32
        %dma_start3A_239 = arith.constant 0 : i32
        %dma_start3A_240 = arith.constant 0 : i32
        %dma_start3A_241 = arith.constant 0 : i32
        %dma_start3A_242 = arith.constant 0 : i32
        %dma_start3A_243 = tpu.memref_slice %arg9[%dma_start3A_239, %dma_start3A_241, %dma_start3A_242] : memref<2x128x128xf32, #tpu.memory_space<vmem>> -> memref<1x128x128xf32, #tpu.memory_space<vmem>>
        %dma_start3A_244 = tpu.memref_squeeze %dma_start3A_243 : memref<1x128x128xf32, #tpu.memory_space<vmem>> -> memref<128x128xf32, #tpu.memory_space<vmem>>
        %dma_start3A_245 = arith.constant 0 : i32
        %dma_start3A_246 = tpu.memref_slice %arg6[%mul3A_238, %dma_start3A_245] : memref<327680x128xf32, #tpu.memory_space<hbm>> -> memref<128x128xf32, #tpu.memory_space<hbm>>
        %dma_start3A_247 = tpu.memref_slice %arg11[%dma_start3A_240] : memref<2x!tpu.dma_semaphore, #tpu.memory_space<semaphore_mem>> -> memref<1x!tpu.dma_semaphore, #tpu.memory_space<semaphore_mem>>
        %dma_start3A_248 = tpu.memref_squeeze %dma_start3A_247 : memref<1x!tpu.dma_semaphore, #tpu.memory_space<semaphore_mem>> -> memref<!tpu.dma_semaphore, #tpu.memory_space<semaphore_mem>>
        %dma_start3A_249 = arith.constant 0 : i32
        %dma_start3A_250 = arith.constant 0 : i32
        %dma_start3A_251 = tpu.memref_slice %arg9[%dma_start3A_239, %dma_start3A_249, %dma_start3A_250] : memref<2x128x128xf32, #tpu.memory_space<vmem>> -> memref<1x128x128xf32, #tpu.memory_space<vmem>>
        %dma_start3A_252 = tpu.memref_squeeze %dma_start3A_251 : memref<1x128x128xf32, #tpu.memory_space<vmem>> -> memref<128x128xf32, #tpu.memory_space<vmem>>
        %dma_start3A_253 = arith.constant 0 : i32
        %dma_start3A_254 = tpu.memref_slice %arg6[%mul3A_238, %dma_start3A_253] : memref<327680x128xf32, #tpu.memory_space<hbm>> -> memref<128x128xf32, #tpu.memory_space<hbm>>
        tpu.enqueue_dma source(%dma_start3A_254 : memref<128x128xf32, #tpu.memory_space<hbm>>) target(%dma_start3A_252 : memref<128x128xf32, #tpu.memory_space<vmem>>) target_semaphore(%dma_start3A_248 : memref<!tpu.dma_semaphore, #tpu.memory_space<semaphore_mem>>)
      } else {
      }
      %dma_wait3A_202 = arith.constant 1 : i32
      %dma_wait3A_203 = arith.constant 1 : i32
      %dma_wait3A_204 = arith.constant 0 : i32
      %dma_wait3A_205 = arith.constant 0 : i32
      %dma_wait3A_206 = tpu.memref_slice %arg9[%dma_wait3A_202, %dma_wait3A_204, %dma_wait3A_205] : memref<2x128x128xf32, #tpu.memory_space<vmem>> -> memref<1x128x128xf32, #tpu.memory_space<vmem>>
      %dma_wait3A_207 = tpu.memref_squeeze %dma_wait3A_206 : memref<1x128x128xf32, #tpu.memory_space<vmem>> -> memref<128x128xf32, #tpu.memory_space<vmem>>
      %dma_wait3A_208 = arith.constant 0 : i32
      %dma_wait3A_209 = arith.constant 0 : i32
      %dma_wait3A_210 = tpu.memref_slice %arg6[%dma_wait3A_208, %dma_wait3A_209] : memref<327680x128xf32, #tpu.memory_space<hbm>> -> memref<128x128xf32, #tpu.memory_space<hbm>>
      %dma_wait3A_211 = tpu.memref_slice %arg11[%dma_wait3A_203] : memref<2x!tpu.dma_semaphore, #tpu.memory_space<semaphore_mem>> -> memref<1x!tpu.dma_semaphore, #tpu.memory_space<semaphore_mem>>
      %dma_wait3A_212 = tpu.memref_squeeze %dma_wait3A_211 : memref<1x!tpu.dma_semaphore, #tpu.memory_space<semaphore_mem>> -> memref<!tpu.dma_semaphore, #tpu.memory_space<semaphore_mem>>
      %dma_wait3A_213 = arith.constant 0 : i32
      %dma_wait3A_214 = arith.constant 0 : i32
      %dma_wait3A_215 = tpu.memref_slice %arg9[%dma_wait3A_202, %dma_wait3A_213, %dma_wait3A_214] : memref<2x128x128xf32, #tpu.memory_space<vmem>> -> memref<1x128x128xf32, #tpu.memory_space<vmem>>
      %dma_wait3A_216 = tpu.memref_squeeze %dma_wait3A_215 : memref<1x128x128xf32, #tpu.memory_space<vmem>> -> memref<128x128xf32, #tpu.memory_space<vmem>>
      %dma_wait3A_217 = arith.constant 0 : i32
      %dma_wait3A_218 = arith.constant 0 : i32
      %dma_wait3A_219 = tpu.memref_slice %arg6[%dma_wait3A_217, %dma_wait3A_218] : memref<327680x128xf32, #tpu.memory_space<hbm>> -> memref<128x128xf32, #tpu.memory_space<hbm>>
      tpu.wait_dma2 semaphore(%dma_wait3A_212 : memref<!tpu.dma_semaphore, #tpu.memory_space<semaphore_mem>>) src(%dma_wait3A_219 : memref<128x128xf32, #tpu.memory_space<hbm>>) dst(%dma_wait3A_216 : memref<128x128xf32, #tpu.memory_space<vmem>>)
      %dma_start3A_220 = arith.constant 1 : i32
      %dma_start3A_221 = arith.constant 1 : i32
      %dma_start3A_222 = arith.constant 0 : i32
      %dma_start3A_223 = arith.constant 0 : i32
      %dma_start3A_224 = tpu.memref_slice %arg9[%dma_start3A_220, %dma_start3A_222, %dma_start3A_223] : memref<2x128x128xf32, #tpu.memory_space<vmem>> -> memref<1x128x128xf32, #tpu.memory_space<vmem>>
      %dma_start3A_225 = tpu.memref_squeeze %dma_start3A_224 : memref<1x128x128xf32, #tpu.memory_space<vmem>> -> memref<128x128xf32, #tpu.memory_space<vmem>>
      %dma_start3A_226 = arith.constant 0 : i32
      %dma_start3A_227 = tpu.memref_slice %arg8[%add3A_189, %dma_start3A_226] : memref<80x128xi32, #tpu.memory_space<vmem>> -> memref<1x128xi32, #tpu.memory_space<vmem>>
      %dma_start3A_228 = tpu.memref_squeeze %dma_start3A_227 : memref<1x128xi32, #tpu.memory_space<vmem>> -> memref<128xi32, #tpu.memory_space<vmem>>
      %dma_start3A_229 = arith.constant 0 : i32
      %dma_start3A_230 = arith.constant 0 : i32
      %dma_start3A_231 = tpu.memref_slice %arg10[%dma_start3A_229, %dma_start3A_230] : memref<10112x128xf32, #tpu.memory_space<vmem_shared>> -> memref<10112x128xf32, #tpu.memory_space<vmem_shared>>
      %dma_start3A_232 = tpu.memref_slice %arg12[%dma_start3A_221] : memref<2x!tpu.dma_semaphore, #tpu.memory_space<semaphore_mem>> -> memref<1x!tpu.dma_semaphore, #tpu.memory_space<semaphore_mem>>
      %dma_start3A_233 = tpu.memref_squeeze %dma_start3A_232 : memref<1x!tpu.dma_semaphore, #tpu.memory_space<semaphore_mem>> -> memref<!tpu.dma_semaphore, #tpu.memory_space<semaphore_mem>>
      tpu.enqueue_indirect_dma source(%dma_start3A_225 : memref<128x128xf32, #tpu.memory_space<vmem>>) target(%dma_start3A_231 : memref<10112x128xf32, #tpu.memory_space<vmem_shared>>) offsets(%dma_start3A_228 : memref<128xi32, #tpu.memory_space<vmem>>) semaphore(%dma_start3A_233 : memref<!tpu.dma_semaphore, #tpu.memory_space<semaphore_mem>>) {add = true}
    }
    %scan3A_114 = arith.constant 40 : i32
    %dma_wait3A_115 = arith.constant 1 : i32
    %dma_wait3A_116 = arith.constant 1 : i32
    %dma_wait3A_117 = arith.constant 0 : i32
    %dma_wait3A_118 = arith.constant 0 : i32
    %dma_wait3A_119 = tpu.memref_slice %arg9[%dma_wait3A_115, %dma_wait3A_117, %dma_wait3A_118] : memref<2x128x128xf32, #tpu.memory_space<vmem>> -> memref<1x128x128xf32, #tpu.memory_space<vmem>>
    %dma_wait3A_120 = tpu.memref_squeeze %dma_wait3A_119 : memref<1x128x128xf32, #tpu.memory_space<vmem>> -> memref<128x128xf32, #tpu.memory_space<vmem>>
    %dma_wait3A_121 = arith.constant 0 : i32
    %dma_wait3A_122 = arith.constant 0 : i32
    %dma_wait3A_123 = tpu.memref_slice %arg6[%dma_wait3A_121, %dma_wait3A_122] : memref<327680x128xf32, #tpu.memory_space<hbm>> -> memref<128x128xf32, #tpu.memory_space<hbm>>
    %dma_wait3A_124 = tpu.memref_slice %arg12[%dma_wait3A_116] : memref<2x!tpu.dma_semaphore, #tpu.memory_space<semaphore_mem>> -> memref<1x!tpu.dma_semaphore, #tpu.memory_space<semaphore_mem>>
    %dma_wait3A_125 = tpu.memref_squeeze %dma_wait3A_124 : memref<1x!tpu.dma_semaphore, #tpu.memory_space<semaphore_mem>> -> memref<!tpu.dma_semaphore, #tpu.memory_space<semaphore_mem>>
    %dma_wait3A_126 = arith.constant 0 : i32
    %dma_wait3A_127 = arith.constant 0 : i32
    %dma_wait3A_128 = tpu.memref_slice %arg9[%dma_wait3A_115, %dma_wait3A_126, %dma_wait3A_127] : memref<2x128x128xf32, #tpu.memory_space<vmem>> -> memref<1x128x128xf32, #tpu.memory_space<vmem>>
    %dma_wait3A_129 = tpu.memref_squeeze %dma_wait3A_128 : memref<1x128x128xf32, #tpu.memory_space<vmem>> -> memref<128x128xf32, #tpu.memory_space<vmem>>
    %dma_wait3A_130 = arith.constant 0 : i32
    %dma_wait3A_131 = arith.constant 0 : i32
    %dma_wait3A_132 = tpu.memref_slice %arg6[%dma_wait3A_130, %dma_wait3A_131] : memref<327680x128xf32, #tpu.memory_space<hbm>> -> memref<128x128xf32, #tpu.memory_space<hbm>>
    tpu.wait_dma2 semaphore(%dma_wait3A_125 : memref<!tpu.dma_semaphore, #tpu.memory_space<semaphore_mem>>) src(%dma_wait3A_132 : memref<128x128xf32, #tpu.memory_space<hbm>>) dst(%dma_wait3A_129 : memref<128x128xf32, #tpu.memory_space<vmem>>)
    %barrier3A_133 = arith.constant 0 : index
    tpu.barrier barrier_id(%barrier3A_133)
    %mul3A_134 = arith.constant 632 : i32
    %mul3A_135 = arith.muli %arg1, %mul3A_134 : i32
    %mul3A_136 = arith.constant 632 : i32
    %mul3A_137 = arith.muli %arg1, %mul3A_136 : i32
    "tpu.region"() ({
      %run_scoped3A_138 = tpu.sem_alloc : memref<!tpu.dma_semaphore, #tpu.memory_space<semaphore_mem>>
      %dma_start3A_139 = arith.constant 0 : i32
      %dma_start3A_140 = arith.constant 0 : i32
      %dma_start3A_141 = tpu.memref_slice %arg5[%arg0, %dma_start3A_139, %dma_start3A_140] : memref<2x10112x128xf32, #tpu.memory_space<hbm>> -> memref<1x10112x128xf32, #tpu.memory_space<hbm>>
      %dma_start3A_142 = tpu.memref_squeeze %dma_start3A_141 : memref<1x10112x128xf32, #tpu.memory_space<hbm>> -> memref<10112x128xf32, #tpu.memory_space<hbm>>
      %dma_start3A_143 = arith.constant 0 : i32
      %dma_start3A_144 = tpu.memref_slice %dma_start3A_142[%mul3A_137, %dma_start3A_143] : memref<10112x128xf32, #tpu.memory_space<hbm>> -> memref<632x128xf32, #tpu.memory_space<hbm>>
      %dma_start3A_145 = arith.constant 0 : i32
      %dma_start3A_146 = tpu.memref_slice %arg10[%mul3A_135, %dma_start3A_145] : memref<10112x128xf32, #tpu.memory_space<vmem_shared>> -> memref<632x128xf32, #tpu.memory_space<vmem_shared>>
      tpu.enqueue_dma source(%dma_start3A_146 : memref<632x128xf32, #tpu.memory_space<vmem_shared>>) target(%dma_start3A_144 : memref<632x128xf32, #tpu.memory_space<hbm>>) target_semaphore(%run_scoped3A_138 : memref<!tpu.dma_semaphore, #tpu.memory_space<semaphore_mem>>)
      %dma_wait3A_147 = arith.constant 0 : i32
      %dma_wait3A_148 = arith.constant 0 : i32
      %dma_wait3A_149 = tpu.memref_slice %arg5[%arg0, %dma_wait3A_147, %dma_wait3A_148] : memref<2x10112x128xf32, #tpu.memory_space<hbm>> -> memref<1x10112x128xf32, #tpu.memory_space<hbm>>
      %dma_wait3A_150 = tpu.memref_squeeze %dma_wait3A_149 : memref<1x10112x128xf32, #tpu.memory_space<hbm>> -> memref<10112x128xf32, #tpu.memory_space<hbm>>
      %dma_wait3A_151 = arith.constant 0 : i32
      %dma_wait3A_152 = tpu.memref_slice %dma_wait3A_150[%mul3A_137, %dma_wait3A_151] : memref<10112x128xf32, #tpu.memory_space<hbm>> -> memref<632x128xf32, #tpu.memory_space<hbm>>
      %dma_wait3A_153 = arith.constant 0 : i32
      %dma_wait3A_154 = tpu.memref_slice %arg10[%mul3A_135, %dma_wait3A_153] : memref<10112x128xf32, #tpu.memory_space<vmem_shared>> -> memref<632x128xf32, #tpu.memory_space<vmem_shared>>
      tpu.wait_dma2 semaphore(%run_scoped3A_138 : memref<!tpu.dma_semaphore, #tpu.memory_space<semaphore_mem>>) src(%dma_wait3A_154 : memref<632x128xf32, #tpu.memory_space<vmem_shared>>) dst(%dma_wait3A_152 : memref<632x128xf32, #tpu.memory_space<hbm>>)
      tpu.yield
    }) : () -> ()
    return
  }
}

module attributes {stable_mosaic.version = 14 : i64} {
  func.func @_mid_body(%arg0: i32, %arg1: memref<2x2000x128xf32, #tpu.memory_space<vmem>>, %arg2: memref<2000x128xf32, #tpu.memory_space<vmem>>, %arg3: memref<128x128xf32, #tpu.memory_space<vmem>>, %arg4: memref<1x128xf32, #tpu.memory_space<vmem>>, %arg5: memref<2000x128xf32, #tpu.memory_space<vmem>>) attributes {dimension_semantics = [#tpu.dimension_semantics<arbitrary>], iteration_bounds = array<i64: 5>, scalar_prefetch = 0 : i64, scratch_operands = 0 : i64, tpu.core_type = #tpu.core_type<tc>, window_params = [{transform_indices = @transform_0, window_bounds = array<i64: 2, 2000, 128>}, {transform_indices = @transform_1, window_bounds = array<i64: 2000, 128>}, {pipeline_mode = #tpu.pipeline_mode<synchronous>, transform_indices = @transform_2, window_bounds = array<i64: 128, 128>}, {pipeline_mode = #tpu.pipeline_mode<synchronous>, transform_indices = @transform_3, window_bounds = array<i64: 1, 128>}, {transform_indices = @transform_4, window_bounds = array<i64: 2000, 128>}]} {
    %get3A = arith.constant 0 : index
    %get3A_0 = arith.constant 0 : index
    %get3A_1 = arith.constant 0 : index
    %get3A_2 = vector.load %arg1[%get3A, %get3A_0, %get3A_1] : memref<2x2000x128xf32, #tpu.memory_space<vmem>>, vector<1x2000x128xf32>
    %get3A_3 = vector.shape_cast %get3A_2 : vector<1x2000x128xf32> to vector<2000x128xf32>
    %get3A_4 = arith.constant 1 : index
    %get3A_5 = arith.constant 0 : index
    %get3A_6 = arith.constant 0 : index
    %get3A_7 = vector.load %arg1[%get3A_4, %get3A_5, %get3A_6] : memref<2x2000x128xf32, #tpu.memory_space<vmem>>, vector<1x2000x128xf32>
    %get3A_8 = vector.shape_cast %get3A_7 : vector<1x2000x128xf32> to vector<2000x128xf32>
    %add3A = arith.addf %get3A_3, %get3A_8 : vector<2000x128xf32>
    %get3A_9 = arith.constant 0 : index
    %get3A_10 = arith.constant 0 : index
    %get3A_11 = vector.load %arg2[%get3A_9, %get3A_10] : memref<2000x128xf32, #tpu.memory_space<vmem>>, vector<2000x128xf32>
    %mul3A = arith.constant 2.000000e+00 : f32
    %mul3A_12 = vector.broadcast %mul3A : f32 to vector<2000x128xf32>
    %mul3A_13 = arith.mulf %mul3A_12, %get3A_11 : vector<2000x128xf32>
    %sub3A = arith.subf %add3A, %mul3A_13 : vector<2000x128xf32>
    %get3A_14 = arith.constant 0 : index
    %get3A_15 = arith.constant 0 : index
    %get3A_16 = vector.load %arg3[%get3A_14, %get3A_15] : memref<128x128xf32, #tpu.memory_space<vmem>>, vector<128x128xf32>
    %dot_general3A = arith.constant dense<0.000000e+00> : vector<2000x128xf32>
    %dot_general3A_17 = tpu.matmul %sub3A, %get3A_16, %dot_general3A {dimension_numbers = #tpu.dot_dimension_numbers<[1], [0], [0], [1], [0, 0, 1, 1], [], []>, transpose_lhs_hint = false} : vector<2000x128xf32>, vector<128x128xf32>, vector<2000x128xf32> -> vector<2000x128xf32>
    %get3A_18 = arith.constant 0 : index
    %get3A_19 = arith.constant 0 : index
    %get3A_20 = vector.load %arg4[%get3A_18, %get3A_19] : memref<1x128xf32, #tpu.memory_space<vmem>>, vector<1x128xf32>
    %add3A_21 = vector.broadcast %get3A_20 : vector<1x128xf32> to vector<2000x128xf32>
    %add3A_22 = arith.addf %dot_general3A_17, %add3A_21 : vector<2000x128xf32>
    %max3A = arith.constant 0.000000e+00 : f32
    %max3A_23 = vector.broadcast %max3A : f32 to vector<2000x128xf32>
    %max3A_24 = arith.maximumf %add3A_22, %max3A_23 : vector<2000x128xf32>
    %swap3A = arith.constant 0 : index
    %swap3A_25 = arith.constant 0 : index
    %swap3A_26 = vector.load %arg5[%swap3A, %swap3A_25] : memref<2000x128xf32, #tpu.memory_space<vmem>>, vector<2000x128xf32>
    tpu.vector_store %arg5[%swap3A, %swap3A_25], %max3A_24 {strides = array<i32>} : memref<2000x128xf32, #tpu.memory_space<vmem>>, vector<2000x128xf32>,
    return
  }
  func.func @transform_0(%arg0: i32) -> (i32, i32, i32) {
    %c0_i32 = arith.constant 0 : i32
    %c0_i32_0 = arith.constant 0 : i32
    %c0_i32_1 = arith.constant 0 : i32
    return %c0_i32, %arg0, %c0_i32_0 : i32, i32, i32
  }
  func.func @transform_1(%arg0: i32) -> (i32, i32) {
    %c0_i32 = arith.constant 0 : i32
    %c0_i32_0 = arith.constant 0 : i32
    return %arg0, %c0_i32 : i32, i32
  }
  func.func @transform_2(%arg0: i32) -> (i32, i32) {
    %c0_i32 = arith.constant 0 : i32
    %c0_i32_0 = arith.constant 0 : i32
    %c0_i32_1 = arith.constant 0 : i32
    return %c0_i32, %c0_i32_0 : i32, i32
  }
  func.func @transform_3(%arg0: i32) -> (i32, i32) {
    %c0_i32 = arith.constant 0 : i32
    %c0_i32_0 = arith.constant 0 : i32
    %c0_i32_1 = arith.constant 0 : i32
    return %c0_i32, %c0_i32_0 : i32, i32
  }
  func.func @transform_4(%arg0: i32) -> (i32, i32) {
    %c0_i32 = arith.constant 0 : i32
    %c0_i32_0 = arith.constant 0 : i32
    return %arg0, %c0_i32 : i32, i32
  }
}

module attributes {stable_mosaic.version = 14 : i64} {
  func.func @_fin_body(%arg0: i32, %arg1: memref<2x2000x128xf32, #tpu.memory_space<vmem>>, %arg2: memref<2000x128xf32, #tpu.memory_space<vmem>>, %arg3: memref<128x128xf32, #tpu.memory_space<vmem>>, %arg4: memref<1x128xf32, #tpu.memory_space<vmem>>, %arg5: memref<128x128xf32, #tpu.memory_space<vmem>>, %arg6: memref<1x128xf32, #tpu.memory_space<vmem>>, %arg7: memref<128x16xf32, #tpu.memory_space<vmem>>, %arg8: memref<1x16xf32, #tpu.memory_space<vmem>>, %arg9: memref<1x16xf32, #tpu.memory_space<vmem>>, %arg10: memref<1x128xf32, #tpu.memory_space<vmem>>) attributes {dimension_semantics = [#tpu.dimension_semantics<arbitrary>], iteration_bounds = array<i64: 5>, scalar_prefetch = 0 : i64, scratch_operands = 1 : i64, tpu.core_type = #tpu.core_type<tc>, window_params = [{transform_indices = @transform_0, window_bounds = array<i64: 2, 2000, 128>}, {transform_indices = @transform_1, window_bounds = array<i64: 2000, 128>}, {pipeline_mode = #tpu.pipeline_mode<synchronous>, transform_indices = @transform_2, window_bounds = array<i64: 128, 128>}, {pipeline_mode = #tpu.pipeline_mode<synchronous>, transform_indices = @transform_3, window_bounds = array<i64: 1, 128>}, {pipeline_mode = #tpu.pipeline_mode<synchronous>, transform_indices = @transform_4, window_bounds = array<i64: 128, 128>}, {pipeline_mode = #tpu.pipeline_mode<synchronous>, transform_indices = @transform_5, window_bounds = array<i64: 1, 128>}, {pipeline_mode = #tpu.pipeline_mode<synchronous>, transform_indices = @transform_6, window_bounds = array<i64: 128, 16>}, {pipeline_mode = #tpu.pipeline_mode<synchronous>, transform_indices = @transform_7, window_bounds = array<i64: 1, 16>}, {pipeline_mode = #tpu.pipeline_mode<synchronous>, transform_indices = @transform_8, window_bounds = array<i64: 1, 16>}]} {
    %eq3A = arith.constant 0 : i32
    %eq3A_0 = arith.cmpi eq, %arg0, %eq3A : i32
    %convert_element_type3A = arith.extui %eq3A_0 : i1 to i32
    %cond3A = arith.constant 0 : i32
    %cond3A_1 = arith.cmpi ne, %convert_element_type3A, %cond3A : i32
    scf.if %cond3A_1 {
      %broadcast_in_dim3A_39 = arith.constant 0.000000e+00 : f32
      %broadcast_in_dim3A_40 = vector.broadcast %broadcast_in_dim3A_39 : f32 to vector<1x128xf32>
      %swap3A_41 = arith.constant 0 : index
      %swap3A_42 = arith.constant 0 : index
      %swap3A_43 = vector.load %arg10[%swap3A_41, %swap3A_42] : memref<1x128xf32, #tpu.memory_space<vmem>>, vector<1x128xf32>
      tpu.vector_store %arg10[%swap3A_41, %swap3A_42], %broadcast_in_dim3A_40 {strides = array<i32>} : memref<1x128xf32, #tpu.memory_space<vmem>>, vector<1x128xf32>,
    } else {
    }
    %get3A = arith.constant 0 : index
    %get3A_2 = arith.constant 0 : index
    %get3A_3 = arith.constant 0 : index
    %get3A_4 = vector.load %arg1[%get3A, %get3A_2, %get3A_3] : memref<2x2000x128xf32, #tpu.memory_space<vmem>>, vector<1x2000x128xf32>
    %get3A_5 = vector.shape_cast %get3A_4 : vector<1x2000x128xf32> to vector<2000x128xf32>
    %get3A_6 = arith.constant 1 : index
    %get3A_7 = arith.constant 0 : index
    %get3A_8 = arith.constant 0 : index
    %get3A_9 = vector.load %arg1[%get3A_6, %get3A_7, %get3A_8] : memref<2x2000x128xf32, #tpu.memory_space<vmem>>, vector<1x2000x128xf32>
    %get3A_10 = vector.shape_cast %get3A_9 : vector<1x2000x128xf32> to vector<2000x128xf32>
    %add3A = arith.addf %get3A_5, %get3A_10 : vector<2000x128xf32>
    %get3A_11 = arith.constant 0 : index
    %get3A_12 = arith.constant 0 : index
    %get3A_13 = vector.load %arg2[%get3A_11, %get3A_12] : memref<2000x128xf32, #tpu.memory_space<vmem>>, vector<2000x128xf32>
    %mul3A = arith.constant 2.000000e+00 : f32
    %mul3A_14 = vector.broadcast %mul3A : f32 to vector<2000x128xf32>
    %mul3A_15 = arith.mulf %mul3A_14, %get3A_13 : vector<2000x128xf32>
    %sub3A = arith.subf %add3A, %mul3A_15 : vector<2000x128xf32>
    %get3A_16 = arith.constant 0 : index
    %get3A_17 = arith.constant 0 : index
    %get3A_18 = vector.load %arg3[%get3A_16, %get3A_17] : memref<128x128xf32, #tpu.memory_space<vmem>>, vector<128x128xf32>
    %dot_general3A = arith.constant dense<0.000000e+00> : vector<2000x128xf32>
    %dot_general3A_19 = tpu.matmul %sub3A, %get3A_18, %dot_general3A {dimension_numbers = #tpu.dot_dimension_numbers<[1], [0], [0], [1], [0, 0, 1, 1], [], []>, transpose_lhs_hint = false} : vector<2000x128xf32>, vector<128x128xf32>, vector<2000x128xf32> -> vector<2000x128xf32>
    %get3A_20 = arith.constant 0 : index
    %get3A_21 = arith.constant 0 : index
    %get3A_22 = vector.load %arg4[%get3A_20, %get3A_21] : memref<1x128xf32, #tpu.memory_space<vmem>>, vector<1x128xf32>
    %add3A_23 = vector.broadcast %get3A_22 : vector<1x128xf32> to vector<2000x128xf32>
    %add3A_24 = arith.addf %dot_general3A_19, %add3A_23 : vector<2000x128xf32>
    %max3A = arith.constant 0.000000e+00 : f32
    %max3A_25 = vector.broadcast %max3A : f32 to vector<2000x128xf32>
    %max3A_26 = arith.maximumf %add3A_24, %max3A_25 : vector<2000x128xf32>
    %get3A_27 = arith.constant 0 : index
    %get3A_28 = arith.constant 0 : index
    %get3A_29 = vector.load %arg10[%get3A_27, %get3A_28] : memref<1x128xf32, #tpu.memory_space<vmem>>, vector<1x128xf32>
    %reduce_sum3A = arith.constant dense<0.000000e+00> : vector<128xf32>
    %reduce_sum3A_30 = vector.multi_reduction <add>, %max3A_26, %reduce_sum3A [0] : vector<2000x128xf32> to vector<128xf32>
    %broadcast_in_dim3A = vector.shape_cast %reduce_sum3A_30 : vector<128xf32> to vector<1x128xf32>
    %add3A_31 = arith.addf %get3A_29, %broadcast_in_dim3A : vector<1x128xf32>
    %swap3A = arith.constant 0 : index
    %swap3A_32 = arith.constant 0 : index
    %swap3A_33 = vector.load %arg10[%swap3A, %swap3A_32] : memref<1x128xf32, #tpu.memory_space<vmem>>, vector<1x128xf32>
    tpu.vector_store %arg10[%swap3A, %swap3A_32], %add3A_31 {strides = array<i32>} : memref<1x128xf32, #tpu.memory_space<vmem>>, vector<1x128xf32>,
    %eq3A_34 = arith.constant 4 : i32
    %eq3A_35 = arith.cmpi eq, %arg0, %eq3A_34 : i32
    %convert_element_type3A_36 = arith.extui %eq3A_35 : i1 to i32
    %cond3A_37 = arith.constant 0 : i32
    %cond3A_38 = arith.cmpi ne, %convert_element_type3A_36, %cond3A_37 : i32
    scf.if %cond3A_38 {
      %get3A_39 = arith.constant 0 : index
      %get3A_40 = arith.constant 0 : index
      %get3A_41 = vector.load %arg10[%get3A_39, %get3A_40] : memref<1x128xf32, #tpu.memory_space<vmem>>, vector<1x128xf32>
      %mul3A_42 = arith.constant 9.99999974E-5 : f32
      %mul3A_43 = vector.broadcast %mul3A_42 : f32 to vector<1x128xf32>
      %mul3A_44 = arith.mulf %get3A_41, %mul3A_43 : vector<1x128xf32>
      %get3A_45 = arith.constant 0 : index
      %get3A_46 = arith.constant 0 : index
      %get3A_47 = vector.load %arg5[%get3A_45, %get3A_46] : memref<128x128xf32, #tpu.memory_space<vmem>>, vector<128x128xf32>
      %dot_general3A_48 = arith.constant dense<0.000000e+00> : vector<1x128xf32>
      %dot_general3A_49 = tpu.matmul %mul3A_44, %get3A_47, %dot_general3A_48 {dimension_numbers = #tpu.dot_dimension_numbers<[1], [0], [0], [1], [0, 0, 1, 1], [], []>, transpose_lhs_hint = false} : vector<1x128xf32>, vector<128x128xf32>, vector<1x128xf32> -> vector<1x128xf32>
      %get3A_50 = arith.constant 0 : index
      %get3A_51 = arith.constant 0 : index
      %get3A_52 = vector.load %arg6[%get3A_50, %get3A_51] : memref<1x128xf32, #tpu.memory_space<vmem>>, vector<1x128xf32>
      %add3A_53 = arith.addf %dot_general3A_49, %get3A_52 : vector<1x128xf32>
      %max3A_54 = arith.constant 0.000000e+00 : f32
      %max3A_55 = vector.broadcast %max3A_54 : f32 to vector<1x128xf32>
      %max3A_56 = arith.maximumf %add3A_53, %max3A_55 : vector<1x128xf32>
      %get3A_57 = arith.constant 0 : index
      %get3A_58 = arith.constant 0 : index
      %get3A_59 = vector.load %arg7[%get3A_57, %get3A_58] : memref<128x16xf32, #tpu.memory_space<vmem>>, vector<128x16xf32>
      %dot_general3A_60 = arith.constant dense<0.000000e+00> : vector<1x16xf32>
      %dot_general3A_61 = tpu.matmul %max3A_56, %get3A_59, %dot_general3A_60 {dimension_numbers = #tpu.dot_dimension_numbers<[1], [0], [0], [1], [0, 0, 1, 1], [], []>, transpose_lhs_hint = false} : vector<1x128xf32>, vector<128x16xf32>, vector<1x16xf32> -> vector<1x16xf32>
      %get3A_62 = arith.constant 0 : index
      %get3A_63 = arith.constant 0 : index
      %get3A_64 = vector.load %arg8[%get3A_62, %get3A_63] : memref<1x16xf32, #tpu.memory_space<vmem>>, vector<1x16xf32>
      %add3A_65 = arith.addf %dot_general3A_61, %get3A_64 : vector<1x16xf32>
      %swap3A_66 = arith.constant 0 : index
      %swap3A_67 = arith.constant 0 : index
      %swap3A_68 = vector.load %arg9[%swap3A_66, %swap3A_67] : memref<1x16xf32, #tpu.memory_space<vmem>>, vector<1x16xf32>
      tpu.vector_store %arg9[%swap3A_66, %swap3A_67], %add3A_65 {strides = array<i32>} : memref<1x16xf32, #tpu.memory_space<vmem>>, vector<1x16xf32>,
    } else {
    }
    return
  }
  func.func @transform_0(%arg0: i32) -> (i32, i32, i32) {
    %c0_i32 = arith.constant 0 : i32
    %c0_i32_0 = arith.constant 0 : i32
    %c0_i32_1 = arith.constant 0 : i32
    return %c0_i32, %arg0, %c0_i32_0 : i32, i32, i32
  }
  func.func @transform_1(%arg0: i32) -> (i32, i32) {
    %c0_i32 = arith.constant 0 : i32
    %c0_i32_0 = arith.constant 0 : i32
    return %arg0, %c0_i32 : i32, i32
  }
  func.func @transform_2(%arg0: i32) -> (i32, i32) {
    %c0_i32 = arith.constant 0 : i32
    %c0_i32_0 = arith.constant 0 : i32
    %c0_i32_1 = arith.constant 0 : i32
    return %c0_i32, %c0_i32_0 : i32, i32
  }
  func.func @transform_3(%arg0: i32) -> (i32, i32) {
    %c0_i32 = arith.constant 0 : i32
    %c0_i32_0 = arith.constant 0 : i32
    %c0_i32_1 = arith.constant 0 : i32
    return %c0_i32, %c0_i32_0 : i32, i32
  }
  func.func @transform_4(%arg0: i32) -> (i32, i32) {
    %c0_i32 = arith.constant 0 : i32
    %c0_i32_0 = arith.constant 0 : i32
    %c0_i32_1 = arith.constant 0 : i32
    return %c0_i32, %c0_i32_0 : i32, i32
  }
  func.func @transform_5(%arg0: i32) -> (i32, i32) {
    %c0_i32 = arith.constant 0 : i32
    %c0_i32_0 = arith.constant 0 : i32
    %c0_i32_1 = arith.constant 0 : i32
    return %c0_i32, %c0_i32_0 : i32, i32
  }
  func.func @transform_6(%arg0: i32) -> (i32, i32) {
    %c0_i32 = arith.constant 0 : i32
    %c0_i32_0 = arith.constant 0 : i32
    %c0_i32_1 = arith.constant 0 : i32
    return %c0_i32, %c0_i32_0 : i32, i32
  }
  func.func @transform_7(%arg0: i32) -> (i32, i32) {
    %c0_i32 = arith.constant 0 : i32
    %c0_i32_0 = arith.constant 0 : i32
    %c0_i32_1 = arith.constant 0 : i32
    return %c0_i32, %c0_i32_0 : i32, i32
  }
  func.func @transform_8(%arg0: i32) -> (i32, i32) {
    %c0_i32 = arith.constant 0 : i32
    %c0_i32_0 = arith.constant 0 : i32
    %c0_i32_1 = arith.constant 0 : i32
    return %c0_i32, %c0_i32_0 : i32, i32
  }
}

</mosaic_0001>

<sc_bundles>
// kernel: kernel.6.cloned.1.call-start
scs
__scs_entry_jumppad:
0x0: {  	(pc) =	sbr.rel $0x88, $3  }
0x1: {  	(tag) =	ssettag $0x0;
	lr =	simm.s32 $0x1  }
0x2: {  	[smem:$0x3F97] =	sst lr;
	_ =	strace $0xD0000000  }
0x3: {  	_ = 	snop  }
0x4: {  	_ = 	snop  }
0x5: {  	_ = 	snop  }
0x6: {  	_ = 	snop  }
0x7: {  	_ = 	snop  }
__scs_overlays_trampoline_lowered:
0x8: {  	[smem:$0x3FA6] =	sst s0  }
0x9: {  	[smem:$0x3FA7] =	sst s1  }
0xa: {  	[smem:$0x3FA8] =	sst s2  }
0xb: {  	[smem:$0x3FA9] =	sst s3  }
0xc: {  	[smem:$0x3FAA] =	sst s4  }
0xd: {  	[smem:$0x3FAB] =	sst s5  }
0xe: {  	[smem:$0x3FAC] =	sst s6  }
0xf: {  	[smem:$0x3FAD] =	sst s7  }
0x10: {  	[smem:$0x3FAE] =	sst s8  }
0x11: {  	[smem:$0x3FAF] =	sst s9;
	s0 =	simm.s32 @!p0 $0x0  }
0x12: {  	s1 =	sld [smem:$0x3F95];
	s0 =	simm.s32 @p0 $0x1  }
0x13: {  	[smem:$0x3FB0] =	sst s0;
	s0 =	simm.s32 @!p1 $0x0  }
0x14: {  	s2 =	sld [smem:$0x3F94];
	s0 =	simm.s32 @p1 $0x1  }
0x15: {  	[smem:$0x3FB1] =	sst s0;
	s0 =	simm.s32 @!p2 $0x0  }
0x16: {  	s3 =	sld [smem:$0x3FDB];
	s0 =	simm.s32 @p2 $0x1  }
0x17: {  	s4 =	simm.s32 $0x1BF5;
	[smem:$0x3FB3] =	sst s0  }
0x18: {  	s0 =	sld [smem:$0x3F96];
	_ =	swait.ge [sflag:s4], $0x0  }
0x19: {  	s7 =	sld [smem:$0x3F97]  }
0x1a: {  	s8 =	sadd.s32 $0xFFFFE003, lr  }
0x1b: {  	s9 =	sadd.s32 $0xFFFFFEF7, lr;
	s5 =	simm.s32 $0xFFFFFFFF;
	p2 =	slt.u32 s8, $0xFFFFF086  }
0x1c: {  	p1 =	slt.u32 s9, $0xF7A;
	s5 =	simm.s32 @!p2 $0x0  }
0x1d: {  	s5 =	simm.s32 @p1 $0x1;
	p0 =	seq.s32 s7, s2  }
0x1e: {  	s7 =	smul.u32 @!p0 $0xF7A, s2;
	p2 =	seq.s32 @!p0 s5, $0x0  }
0x1f: {  	s9 =	smul.u32 $0xF7A, s1;
	s8 =	simm.s32 @!p0 $0x1BF5;
	p2 =	por !p2, p0  }
0x20: {  	[sflag:s8] =	ssyncset.s32 @!p0 $0xFFFFF086;
	s6 =	sadd.s32 @!p0 s3, s7;
	s7 =	simm.s32 @!p0 $0x108  }
0x21: {  	s3 =	sadd.s32 s3, s9;
	s6 =	sadd.s32 @!p0 $0x88, s6;
	s7 =	simm.s32 @p2 $0x1082  }
0x22: {  	[simem:s7], [sflag:s8] =	dma.local @!p0 [hbm:s6], $0xF7A  }
0x23: {  	s9 =	sor.u32 $0xD0000000, s2;
	s6 =	simm.s32 $0x108;
	_ =	swait.ge @!p0 [sflag:s8], $0x0  }
0x24: {  	s3 =	sadd.s32 $0x88, s3;
	s6 =	simm.s32 @!p1 $0x1082;
	[sflag:s4] =	ssyncset.s32 $0xFFFFF086  }
0x25: {  	[simem:s6], [sflag:s4] =	dma.local [hbm:s3], $0xF7A  }
0x26: {  	[smem:$0x3F97] =	sst s1;
	(tag) =	ssettag s2;
	_ =	strace s9  }
0x27: {  	s1 =	sld [smem:$0x3FA7]  }
0x28: {  	s2 =	sld [smem:$0x3FA8]  }
0x29: {  	s4 =	sld [smem:$0x3FAA]  }
0x2a: {  	p0 =	seq.s32 s5, $0x0;
	s5 =	sld [smem:$0x3FAB]  }
0x2b: {  	s6 =	sld [smem:$0x3FAC]  }
0x2c: {  	s7 =	sld [smem:$0x3FAD]  }
0x2d: {  	s3 =	simm.s32 $0x108;
	s8 =	sld [smem:$0x3FAE]  }
0x2e: {  	s3 =	simm.s32 @!p0 $0x1082;
	s9 =	sld [smem:$0x3FAF]  }
0x2f: {  	lr =	sadd.s32 s0, s3;
	s0 =	sld [smem:$0x3FA6]  }
0x30: {  	s3 =	sld [smem:$0x3FA9]  }
0x31: {  	[smem:$0x3FB2] =	sst s10  }
0x32: {  	s10 =	sld [smem:$0x3FB0];
	_ =	sdelay $0x3  }
0x33: {  	p0 =	seq.s32 s10, $0x1;
	s10 =	sld [smem:$0x3FB2];
	_ =	sdelay $0x3  }
0x34: {  	[smem:$0x3FB2] =	sst s10  }
0x35: {  	s10 =	sld [smem:$0x3FB1];
	_ =	sdelay $0x3  }
0x36: {  	p1 =	seq.s32 s10, $0x1;
	s10 =	sld [smem:$0x3FB2];
	_ =	sdelay $0x3  }
0x37: {  	[smem:$0x3FB2] =	sst s10  }
0x38: {  	s10 =	sld [smem:$0x3FB3]  }
0x39: {  	_ = 	snop;
	(pc) =	sbr.ind lr, $3  }
0x3a: {  	_ = 	snop  }
0x3b: {  	_ = 	snop  }
0x3c: {  	p2 =	seq.s32 s10, $0x1;
	s10 =	sld [smem:$0x3FB2]  }
0x3d: {  	_ =	shalt  }
0x3e: {  	_ =	shalt  }
0x3f: {  	_ =	shalt  }
0x40: {  	_ =	shalt  }
0x41: {  	_ =	shalt  }
0x42: {  	_ =	shalt  }
0x43: {  	_ =	shalt  }
0x44: {  	_ =	shalt  }
0x45: {  	_ =	shalt  }
0x46: {  	_ =	shalt  }
0x47: {  	_ =	shalt  }
0x48: {  	_ =	shalt  }
0x49: {  	_ =	shalt  }
0x4a: {  	_ =	shalt  }
0x4b: {  	_ =	shalt  }
0x4c: {  	_ =	shalt  }
0x4d: {  	_ =	shalt  }
0x4e: {  	_ =	shalt  }
0x4f: {  	_ =	shalt  }
0x50: {  	_ =	shalt  }
0x51: {  	_ =	shalt  }
0x52: {  	_ =	shalt  }
0x53: {  	_ =	shalt  }
0x54: {  	_ =	shalt  }
0x55: {  	_ =	shalt  }
0x56: {  	_ =	shalt  }
0x57: {  	_ =	shalt  }
0x58: {  	_ =	shalt  }
0x59: {  	_ =	shalt  }
0x5a: {  	_ =	shalt  }
0x5b: {  	_ =	shalt  }
0x5c: {  	_ =	shalt  }
0x5d: {  	_ =	shalt  }
0x5e: {  	_ =	shalt  }
0x5f: {  	_ =	shalt  }
0x60: {  	_ =	shalt  }
0x61: {  	_ =	shalt  }
0x62: {  	_ =	shalt  }
0x63: {  	_ =	shalt  }
0x64: {  	_ =	shalt  }
0x65: {  	_ =	shalt  }
0x66: {  	_ =	shalt  }
0x67: {  	_ =	shalt  }
0x68: {  	_ =	shalt  }
0x69: {  	_ =	shalt  }
0x6a: {  	_ =	shalt  }
0x6b: {  	_ =	shalt  }
0x6c: {  	_ =	shalt  }
0x6d: {  	_ =	shalt  }
0x6e: {  	_ =	shalt  }
0x6f: {  	_ =	shalt  }
0x70: {  	_ =	shalt  }
0x71: {  	_ =	shalt  }
0x72: {  	_ =	shalt  }
0x73: {  	_ =	shalt  }
0x74: {  	_ =	shalt  }
0x75: {  	_ =	shalt  }
0x76: {  	_ =	shalt  }
0x77: {  	_ =	shalt  }
0x78: {  	_ =	shalt  }
0x79: {  	_ =	shalt  }
0x7a: {  	_ =	shalt  }
0x7b: {  	_ =	shalt  }
0x7c: {  	_ =	shalt  }
0x7d: {  	_ =	shalt  }
0x7e: {  	_ =	shalt  }
0x7f: {  	_ =	shalt  }
0x80: {  	_ =	shalt  }
0x81: {  	_ =	shalt  }
0x82: {  	_ =	shalt  }
0x83: {  	_ =	shalt  }
0x84: {  	_ =	shalt  }
0x85: {  	_ =	shalt  }
0x86: {  	_ =	shalt  }
0x87: {  	_ =	shalt  }
.Lfunc_end0:
.L_simem_size_0:
called_computation_lowered:
.L_overlay_start_0:
0x88: {  	s2 =	sld [smem:$0x3FD9]  }
0x89: {  	s3 =	sld [smem:$0x3FFE];
	_ =	sdelay $0x1  }
0x8a: {  	s1 =	srdreg.scid  }
0x8b: {  	s0 =	sand.u32 $0x1, s1  }
0x8c: {  	s17 =	sshll.u32 s0, $0xA;
	s2 =	sadd.s32 s3, s2  }
0x8d: {  	s2 =	sadd.s32 s2, s17  }
0x8e: {  	[smem:$0x3FBE] =	sst s2  }
0x8f: {  	_ = 	snop  }
0x90: {  	s2 =	sld [smem:$0x3FC9];
	(tm) =	ssettm $0x1  }
0x91: {  	s18 =	sld [smem:$0x3FFB];
	_ =	sdelay $0x3  }
0x92: {  	_ =	strace s18  }
0x93: {  	s3 =	sld [smem:$0x3FFC];
	_ =	sdelay $0x3  }
0x94: {  	_ =	strace s3  }
0x95: {  	s3 =	sld [smem:$0x3FFD];
	_ =	sdelay $0x3  }
0x96: {  	_ =	strace s3  }
0x97: {  	_ =	strace $0x8FFFFFFF  }
0x98: {  	s19 =	sld [smem:$0x3FDB];
	_ =	sdelay $0x1  }
0x99: {  	s4 =	simm.s32 $_scs_section_size  }
0x9a: {  	s5 =	simm.s32 $_size__tile_overlayer_lowered;
	s6 =	simm.s32 $_tile_overlayer_lowered  }
0x9b: {  	s22 =	simm.s32 $0x1BFF;
	s21 =	sshll.u32 s6, $0x1;
	s3 =	sadd.s32 s4, s19  }
0x9c: {  	s7 =	simm.s32 $0x0;
	s20 =	sshll.u32 s5, $0x1;
	s5 =	sadd.s32 s21, s3  }
0x9d: {  	[timem:s7], [sflag:s22] =	dma.local [hbm:s5], s20  }
0x9e: {  	_ =	swait.ge [sflag:s22], s20  }
0x9f: {  	s4 =	ssub.s32 $0x0, s20;
	[sflag:s22] =	ssyncset.done $0x0  }
0xa0: {  	[sflag:s22] =	ssyncadd.s32 s4;
	_ =	sdelay $0x1  }
0xa1: {  	s23 =	simm.s32 $0x1B8B  }
0xa2: {  	_ =	swait.ge [sflag:s23], $0x1  }
0xa3: {  	[sflag:s23] =	ssyncset.done $0x0  }
0xa4: {  	s25 =	simm.s32 $0x1B8E;
	s24 =	sld [smem:$0x3FFE];
	[sflag:s23] =	ssyncadd.s32 $0xFFFFFFFF  }
0xa5: {  	s26 =	simm.s32 $execute0_lowered;
	[smem:$0x3FD2] =	sst s25  }
0xa6: {  	s5 =	sshll.u32 s26, $0x1;
	_ =	strace $0x80000046;
	[dreg:$0x1] =	wrdreg $0xFFFFFFFF  }
0xa7: {  	s28 =	simm.s32 $_size_execute0_lowered;
	s3 =	sadd.s32 s3, s5;
	[dreg:$0x0] =	wrdreg $0x0  }
0xa8: {  	s5 =	sshll.u32 s28, $0x1;
	[dreg:$0x2] =	wrdreg s3  }
0xa9: {  	[dreg:$0x3] =	wrdreg s5  }
0xaa: {  	[dreg:$0x4] =	wrdreg $0xC0  }
0xab: {  	_ =	task [dreg:s7], $0x5FFFF  }
0xac: {  	[dreg:$0x1] =	wrdreg $0xFFFFFFFF  }
0xad: {  	[dreg:$0x0] =	wrdreg $0x60  }
0xae: {  	[dreg:$0x2] =	wrdreg s2  }
0xaf: {  	[dreg:$0x3] =	wrdreg s24  }
0xb0: {  	[dreg:$0x4] =	wrdreg $0xB0000  }
0xb1: {  	[dreg:$0x5] =	wrdreg $0x9  }
0xb2: {  	_ =	task.clear_ibuf [dreg:s7], $0x6FFFF;
	_ =	strace $0x90000046  }
0xb3: {  	s29 =	simm.s32 $0x9;
	_ =	strace $0x80000048  }
0xb4: {  	_ =	swait.ge [sflag:s29], $0x1  }
0xb5: {  	[sflag:s29] =	ssyncadd.s32 $0xFFFFFFFF  }
0xb6: {  	_ =	strace $0x90000048  }
0xb7: {  	_ =	sfence  }
0xb8: {  	s30 =	sld [smem:$0x0];
	_ =	sdelay $0x2  }
0xb9: {  	s31 =	sshll.u32 s1, $0xD;
	s1 =	sshrl.u32 s1, $0x2  }
0xba: {  	s3 =	sand.u32 $0x4000, s31;
	s1 =	sadd.s32 s1, s30  }
0xbb: {  	s0 =	sor.u32 s3, s0;
	s1 =	sshll.u32 s1, $0x11  }
0xbc: {  	s0 =	sor.u32 s1, s0  }
0xbd: {  	s0 =	sadd.s32 $0x8F2B, s0  }
0xbe: {  	[sflag:s0] =	ssyncadd.remote.s32 $0x1  }
0xbf: {  	_ =	sfence.sel $0xFFFF  }
0xc0: {  	[dreg:$0x0] =	wrdreg $0xFFFFFFFF;
	(pc) =	sbr.abs _section_cstart, $3  }
0xc1: {  	[dreg:$0x1] =	wrdreg $0xFFFFFFFF  }
0xc2: {  	_ =	task.clear_ibuf [dreg:s7], $0x2FFFF;
	_ =	strace $0x9FFFFFFF  }
0xc3: {  	(tm) =	ssettm $0x7FFFFFFF  }
tec
execute0_lowered:
.L_overlay_start_1:
0x0: {  	(tag) =	ssettag $0x1  }
0x1: {  	s0 =	srdreg.scid  }
0x2: {  	s4 =	sand.u32 $0x1, s0  }
0x3: {  	s0 =	stileid.u32;
	s8 =	smul.u32 $0x27800, s4  }
0x4: {  	s10 =	smul.u32 $0x50000, s0  }
0x5: {  	s1 =	rddreg [dreg:$0x0];
	s12 =	smul.u32 $0x2800, s0  }
0x6: {  	s5 =	rddreg [dreg:$0x1];
	s24 =	smul.u32 $0x4F000, s0  }
0x7: {  	s2 =	rddreg [dreg:$0x2];
	s25 =	smul.u32 $0x500, s4  }
0x8: {  	s28 =	simm.s32 $0x7000;
	s29 =	simm.s32 $0x1;
	s15 =	smul.u32 $0x50, s0  }
0x9: {  	s30 =	simm.s32 $0x3;
	s31 =	simm.s32 $0x2;
	s19 =	smul.u32 $0x2780, s0  }
0xa: {  	s3 =	sshll.u32 s4, $0x4;
	s9 =	ssub.s32 $0x2, s4;
	s4 =	smul.u32 $0x280000, s4  }
0xb: {  	p0 =	seq.s32 s0, $0xF;
	s6 =	sor.u32 s0, s3;
	s3 =	simm.s32 $0x0  }
0xc: {  	s11 =	sshrl.u32 s9, $0x1;
	s7 =	smul.u32 $0x500, s6;
	[smem:$0x7FF] =	sst s3  }
0xd: {  	s8 =	sadd.s32 s8, s5;
	s11 =	ssub.s32 s9, s11;
	s6 =	smul.u32 $0x28000, s6  }
0xe: {  	s23 =	sshrl.u32 s10, $0x2;
	s26 =	sadd.s32 s1, s12;
	s12 =	sadd.s32 $0x12C000, s2  }
0xf: {  	s1 =	sadd.s32 $0x25800, s1;
	s18 =	sadd.s32 s15, s25;
	s25 =	smul.u32 $0x28000, s0  }
0x10: {  	_ =	strace $0x80000047;
	s14 =	sadd.s32 s23, s2;
	[dreg:$0xa] =	wrdreg s26  }
0x11: {  	[dreg:$0xb] =	wrdreg s1;
	s10 =	sadd.s32 $0x516800, s8;
	s11 =	smax.u32 s11, $0x1  }
0x12: {  	s8 =	sshll.u32 s18, $0xB;
	s18 =	simm.s32 $0x7;
	s7 =	sadd.s32 s7, s5  }
0x13: {  	s5 =	sadd.s32 $0x16800, s5;
	[dreg:$0xc] =	wrdreg s11;
	s11 =	simm.s32 $0x800  }
0x14: {  	s21 =	sadd.s32 $0x2800, s7;
	s22 =	sadd.s32 $0x2880, s7;
	s13 =	sadd.s32 $0xC800, s7  }
0x15: {  	s9 =	sadd.s32 s5, s6;
	s6 =	sshrl.u32 s24, $0x2;
	[dreg:$0x7] =	wrdreg s21  }
0x16: {  	s4 =	sadd.s32 s4, s5;
	s15 =	sadd.s32 $0x2900, s7;
	[dreg:$0x8] =	wrdreg s22  }
0x17: {  	[dreg:$0x9] =	wrdreg s13;
	s1 =	sadd.s32 s6, s2;
	s20 =	sadd.s32 $0x800, s9  }
0x18: {  	s21 =	sadd.s32 $0x1000, s9;
	s13 =	sadd.s32 s8, s5;
	[dreg:$0xd] =	wrdreg s20  }
0x19: {  	s22 =	sadd.s32 $0x27800, s9;
	s16 =	sadd.s32 s25, s4;
	[dreg:$0xe] =	wrdreg s21  }
0x1a: {  	s4 =	sshrl.u32 @p0 s12, $0x3;
	[dreg:$0xf] =	wrdreg s22;
	s23 =	sadd.s32 $0x3000, s13  }
0x1b: {  	s24 =	sadd.s32 $0x2000, s13;
	s26 =	sadd.s32 $0x1000, s13;
	[dreg:$0x10] =	wrdreg s4  }
0x1c: {  	s17 =	sadd.s32 $0x2000, s16;
	s22 =	sshrl.u32 @!p0 s14, $0x3;
	[dreg:$0x6] =	wrdreg s23  }
0x1d: {  	s25 =	sshrl.u32 s1, $0x3;
	s1 =	simm.s32 $0x4;
	[dreg:$0x5] =	wrdreg s24  }
0x1e: {  	s4 =	simm.s32 $0x0;
	[dreg:$0x4] =	wrdreg s26;
	s23 =	sadd.s32 s19, s10  }
0x1f: {  	s24 =	simm.s32 $0x80;
	s26 =	simm.s32 $0x3000;
	s19 =	simm.s32 $0x6  }
.LBB2_1:
0x20: {  	s5 =	rddreg [dreg:$0x7]  }
0x21: {  	[tilespmem:s3], [sflag:$0x7] =	stream.linear.gather [hbm4b:s5+s3], $0x400, $0x38;
	[tilespmem:$0x1EC00] =	vst v63  }
0x22: {  	_ =	swait.ge [sflag:s18], $0x400  }
0x23: {  	[sflag:s18] =	ssyncset.done $0x0;
	s21 =	rddreg [dreg:$0x8]  }
0x24: {  	s6 =	simm.s32 $0x400;
	s7 =	rddreg [dreg:$0x9];
	[sflag:s18] =	ssyncadd.s32 $0xFFFFFC00  }
0x25: {  	[tilespmem:s6], [sflag:$0x5] =	stream.linear.gather [hbm4b:s21+s3], $0x400, $0x38;
	[tilespmem:$0x1EC00] =	vst v63  }
0x26: {  	s6 =	rddreg [dreg:$0xb]  }
0x27: {  	[tilespmem:s11], [sflag:$0x6] =	stream.linear.gather [hbm4b:s7+s3], $0x2800, $0x38;
	[tilespmem:$0x1EC00] =	vst v63  }
0x28: {  	s5 =	simm.s32 @p0 $0x1FC7;
	s7 =	rddreg [dreg:$0x10]  }
0x29: {  	[spmem:s7], [sflag:s5] =	dma.local @p0 [hbm:s6], $0x1900  }
0x2a: {  	s5 =	simm.s32 @p0 $0x7  }
0x2b: {  	_ =	swait.ge @p0 [sflag:s5], $0x1900  }
0x2c: {  	s6 =	sshll.u32 @!p0 s0, $0x6;
	[sflag:s5] =	ssyncset.done @p0 $0x0  }
0x2d: {  	[sflag:s5] =	ssyncadd.s32 @p0 $0xFFFFE700;
	s5 =	sor.u32 @!p0 $0x1C07, s6;
	s6 =	rddreg [dreg:$0xa]  }
0x2e: {  	[spmem:s22], [sflag:s5] =	dma.local @!p0 [hbm:s6], $0x2800  }
0x2f: {  	s5 =	simm.s32 @!p0 $0x7  }
0x30: {  	_ =	swait.ge @!p0 [sflag:s5], $0x2800  }
0x31: {  	p1 =	por $0x1, $0x1;
	[sflag:s5] =	ssyncset.done @!p0 $0x0  }
0x32: {  	p1 =	por p1, p1;
	[sflag:s5] =	ssyncadd.s32 @!p0 $0xFFFFD800  }
0x33: {  	s6 =	simm.s32 @!p1 $0x4;
	[bflag:$0x0] =	sbarrier.arrive $0xFFFF  }
0x34: {  	[tilespmem:s26], [sflag:$0x1] =	stream.indirect.gather [spmem:s2], $0x80, s3, s24, $0xb8;
	[tilespmem:$0x1EC00] =	vst v63  }
0x35: {  	_ =	swait.ge @!p1 [sflag:s6], $0x4000  }
0x36: {  	s5 =	sand.u32 $0x400, s3;
	[sflag:s6] =	ssyncset.done @!p1 $0x0  }
0x37: {  	s8 =	sor.u32 $0x80, s5;
	[sflag:s6] =	ssyncadd.s32 @!p1 $0xFFFFC000  }
0x38: {  	[tilespmem:s28], [sflag:$0x2] =	stream.indirect.gather [spmem:s2], $0x80, s8, s24, $0xb8;
	[tilespmem:$0x1EC00] =	vst v63  }
0x39: {  	_ =	swait.ge [sflag:s29], $0x4000  }
0x3a: {  	[sflag:s29] =	ssyncset.done $0x0  }
0x3b: {  	s10 =	sadd.s32 $0x0, s16;
	[sflag:s29] =	ssyncadd.s32 $0xFFFFC000  }
0x3c: {  	[hbm4b:s10+s3] =	stream.linear.scatter [tilespmem:s26], [sflag:$0x3], $0x4000, $0x38;
	[tilespmem:$0x1EC00] =	vst v63  }
0x3d: {  	_ =	swait.ge [sflag:s30], $0x4000  }
0x3e: {  	[sflag:s30] =	ssyncset.done $0x0  }
0x3f: {  	s11 =	sor.u32 $0x100, s5;
	[sflag:s30] =	ssyncadd.s32 $0xFFFFC000  }
0x40: {  	[tilespmem:s26], [sflag:$0x1] =	stream.indirect.gather [spmem:s2], $0x80, s11, s24, $0xb8;
	[tilespmem:$0x1EC00] =	vst v63  }
0x41: {  	_ =	swait.ge [sflag:s31], $0x4000  }
0x42: {  	s11 =	sadd.s32 $0x0, s13;
	[sflag:s31] =	ssyncset.done $0x0  }
0x43: {  	s12 =	sadd.s32 $0x800, s11;
	[sflag:s31] =	ssyncadd.s32 $0xFFFFC000  }
0x44: {  	[hbm4b:s12+s3] =	stream.linear.scatter [tilespmem:s28], [sflag:$0x4], $0x4000, $0x38;
	[tilespmem:$0x1EC00] =	vst v63  }
0x45: {  	_ =	swait.ge [sflag:s1], $0x4000  }
0x46: {  	[sflag:s1] =	ssyncset.done $0x0  }
0x47: {  	s14 =	sor.u32 $0x180, s5;
	[sflag:s1] =	ssyncadd.s32 $0xFFFFC000  }
0x48: {  	[tilespmem:s28], [sflag:$0x2] =	stream.indirect.gather [spmem:s2], $0x80, s14, s24, $0xb8;
	[tilespmem:$0x1EC00] =	vst v63  }
0x49: {  	_ =	swait.ge [sflag:s29], $0x4000  }
0x4a: {  	s20 =	rddreg [dreg:$0x4];
	[sflag:s29] =	ssyncset.done $0x0  }
0x4b: {  	[sflag:s29] =	ssyncadd.s32 $0xFFFFC000;
	s6 =	sadd.s32 $0x0, s20  }
0x4c: {  	[hbm4b:s6+s3] =	stream.linear.scatter [tilespmem:s26], [sflag:$0x3], $0x4000, $0x38;
	[tilespmem:$0x1EC00] =	vst v63  }
0x4d: {  	_ =	swait.ge [sflag:s30], $0x4000  }
0x4e: {  	[sflag:s30] =	ssyncset.done $0x0  }
0x4f: {  	s21 =	sor.u32 $0x200, s5;
	[sflag:s30] =	ssyncadd.s32 $0xFFFFC000  }
0x50: {  	[tilespmem:s26], [sflag:$0x1] =	stream.indirect.gather [spmem:s2], $0x80, s21, s24, $0xb8;
	[tilespmem:$0x1EC00] =	vst v63  }
0x51: {  	_ =	swait.ge [sflag:s31], $0x4000  }
0x52: {  	[sflag:s31] =	ssyncset.done $0x0  }
0x53: {  	s7 =	sadd.s32 $0x1800, s11;
	[sflag:s31] =	ssyncadd.s32 $0xFFFFC000  }
0x54: {  	[hbm4b:s7+s3] =	stream.linear.scatter [tilespmem:s28], [sflag:$0x4], $0x4000, $0x38;
	[tilespmem:$0x1EC00] =	vst v63  }
0x55: {  	_ =	swait.ge [sflag:s1], $0x4000  }
0x56: {  	[sflag:s1] =	ssyncset.done $0x0  }
0x57: {  	s8 =	sor.u32 $0x280, s5;
	[sflag:s1] =	ssyncadd.s32 $0xFFFFC000  }
0x58: {  	[tilespmem:s28], [sflag:$0x2] =	stream.indirect.gather [spmem:s2], $0x80, s8, s24, $0xb8;
	[tilespmem:$0x1EC00] =	vst v63  }
0x59: {  	_ =	swait.ge [sflag:s29], $0x4000  }
0x5a: {  	s10 =	rddreg [dreg:$0x5];
	[sflag:s29] =	ssyncset.done $0x0  }
0x5b: {  	[sflag:s29] =	ssyncadd.s32 $0xFFFFC000;
	s6 =	sadd.s32 $0x0, s10  }
0x5c: {  	[hbm4b:s6+s3] =	stream.linear.scatter [tilespmem:s26], [sflag:$0x3], $0x4000, $0x38;
	[tilespmem:$0x1EC00] =	vst v63  }
0x5d: {  	_ =	swait.ge [sflag:s30], $0x4000  }
0x5e: {  	[sflag:s30] =	ssyncset.done $0x0  }
0x5f: {  	s12 =	sor.u32 $0x300, s5;
	[sflag:s30] =	ssyncadd.s32 $0xFFFFC000  }
0x60: {  	[tilespmem:s26], [sflag:$0x1] =	stream.indirect.gather [spmem:s2], $0x80, s12, s24, $0xb8;
	[tilespmem:$0x1EC00] =	vst v63  }
0x61: {  	_ =	swait.ge [sflag:s31], $0x4000  }
0x62: {  	[sflag:s31] =	ssyncset.done $0x0  }
0x63: {  	s14 =	sadd.s32 $0x2800, s11;
	[sflag:s31] =	ssyncadd.s32 $0xFFFFC000  }
0x64: {  	[hbm4b:s14+s3] =	stream.linear.scatter [tilespmem:s28], [sflag:$0x4], $0x4000, $0x38;
	[tilespmem:$0x1EC00] =	vst v63  }
0x65: {  	_ =	swait.ge [sflag:s1], $0x4000  }
0x66: {  	[sflag:s1] =	ssyncset.done $0x0  }
0x67: {  	s20 =	sor.u32 $0x380, s5;
	[sflag:s1] =	ssyncadd.s32 $0xFFFFC000  }
0x68: {  	[tilespmem:s28], [sflag:$0x2] =	stream.indirect.gather [spmem:s2], $0x80, s20, s24, $0xb8;
	[tilespmem:$0x1EC00] =	vst v63  }
0x69: {  	_ =	swait.ge [sflag:s29], $0x4000  }
0x6a: {  	s21 =	rddreg [dreg:$0x6];
	[sflag:s29] =	ssyncset.done $0x0  }
0x6b: {  	[sflag:s29] =	ssyncadd.s32 $0xFFFFC000;
	s6 =	sadd.s32 $0x0, s21  }
0x6c: {  	[hbm4b:s6+s3] =	stream.linear.scatter [tilespmem:s26], [sflag:$0x3], $0x4000, $0x38;
	[tilespmem:$0x1EC00] =	vst v63  }
0x6d: {  	_ =	swait.ge [sflag:s30], $0x4000  }
0x6e: {  	p1 =	por $0x0, $0x0;
	[sflag:s30] =	ssyncset.done $0x0  }
0x6f: {  	s6 =	simm.s32 @!p1 $0x5;
	[sflag:s30] =	ssyncadd.s32 $0xFFFFC000  }
0x70: {  	p2 =	por @!p1 $0x0, $0x0;
	s7 =	sxor.u32 @!p1 $0xFFFFFFFF, s3;
	_ =	swait.ge @!p1 [sflag:s6], $0x400  }
0x71: {  	p2 =	por p2, p1;
	s7 =	sand.u32 @!p1 $0x400, s7;
	[sflag:s6] =	ssyncset.done @!p1 $0x0  }
0x72: {  	s8 =	simm.s32 @!p1 $0x3000;
	[sflag:s6] =	ssyncadd.s32 @!p1 $0xFFFFFC00;
	s6 =	simm.s32 @!p1 $0x80  }
0x73: {  	[tilespmem:s8], [sflag:$0x1] =	stream.indirect.gather @!p1 [spmem:s2], $0x80, s7, s6, $0xb8;
	[tilespmem:$0x1EC00] =	vst v63  }
0x74: {  	p6 =	por $0x0, $0x0;
	s11 =	sadd.s32 $0x3800, s11;
	s7 =	simm.s32 @!p2 $0x0  }
0x75: {  	[tilespmem:s5], [sflag:$0x5] =	stream.linear.gather @!p2 [hbm4b:s15+s7], $0x400, $0x38;
	[tilespmem:$0x1EC00] =	vst v63  }
0x76: {  	s10 =	simm.s32 $0x8000;
	s6 =	simm.s32 $0x4000;
	_ =	swait.ge [sflag:s31], $0x4000  }
0x77: {  	p1 =	por p6, p6;
	s8 =	simm.s32 $0x400;
	[sflag:s31] =	ssyncset.done $0x0  }
0x78: {  	s7 =	simm.s32 $0x1;
	s5 =	sadd.s32 $0x80, s15;
	[sflag:s31] =	ssyncadd.s32 $0xFFFFC000  }
.LBB2_2:
0x79: {  	[hbm4b:s11+s3] =	stream.linear.scatter [tilespmem:s28], [sflag:$0x4], $0x4000, $0x38;
	[tilespmem:$0x1EC00] =	vst v63  }
0x7a: {  	s14 =	simm.s32 @!p1 $0x4  }
0x7b: {  	_ =	swait.ge @!p1 [sflag:s14], $0x4000  }
0x7c: {  	s11 =	sand.u32 $0x400, s8;
	[sflag:s14] =	ssyncset.done @!p1 $0x0  }
0x7d: {  	s20 =	sor.u32 $0x80, s11;
	[sflag:s14] =	ssyncadd.s32 @!p1 $0xFFFFC000  }
0x7e: {  	[tilespmem:s28], [sflag:$0x2] =	stream.indirect.gather [spmem:s2], $0x80, s20, s24, $0xb8;
	[tilespmem:$0x1EC00] =	vst v63  }
0x7f: {  	_ =	swait.ge [sflag:s29], $0x4000  }
0x80: {  	[sflag:s29] =	ssyncset.done $0x0  }
0x81: {  	s21 =	sadd.s32 s6, s16;
	[sflag:s29] =	ssyncadd.s32 $0xFFFFC000  }
0x82: {  	[hbm4b:s21+s3] =	stream.linear.scatter [tilespmem:s26], [sflag:$0x3], $0x4000, $0x38;
	[tilespmem:$0x1EC00] =	vst v63  }
0x83: {  	_ =	swait.ge [sflag:s30], $0x4000  }
0x84: {  	[sflag:s30] =	ssyncset.done $0x0  }
0x85: {  	s20 =	sor.u32 $0x100, s11;
	[sflag:s30] =	ssyncadd.s32 $0xFFFFC000  }
0x86: {  	[tilespmem:s26], [sflag:$0x1] =	stream.indirect.gather [spmem:s2], $0x80, s20, s24, $0xb8;
	[tilespmem:$0x1EC00] =	vst v63  }
0x87: {  	_ =	swait.ge [sflag:s31], $0x4000  }
0x88: {  	s14 =	sadd.s32 s6, s13;
	[sflag:s31] =	ssyncset.done $0x0  }
0x89: {  	s20 =	sadd.s32 $0x800, s14;
	[sflag:s31] =	ssyncadd.s32 $0xFFFFC000  }
0x8a: {  	[hbm4b:s20+s3] =	stream.linear.scatter [tilespmem:s28], [sflag:$0x4], $0x4000, $0x38;
	[tilespmem:$0x1EC00] =	vst v63  }
0x8b: {  	_ =	swait.ge [sflag:s1], $0x4000  }
0x8c: {  	[sflag:s1] =	ssyncset.done $0x0  }
0x8d: {  	s21 =	sor.u32 $0x180, s11;
	[sflag:s1] =	ssyncadd.s32 $0xFFFFC000  }
0x8e: {  	[tilespmem:s28], [sflag:$0x2] =	stream.indirect.gather [spmem:s2], $0x80, s21, s24, $0xb8;
	[tilespmem:$0x1EC00] =	vst v63  }
0x8f: {  	_ =	swait.ge [sflag:s29], $0x4000  }
0x90: {  	s21 =	rddreg [dreg:$0x4];
	[sflag:s29] =	ssyncset.done $0x0  }
0x91: {  	[sflag:s29] =	ssyncadd.s32 $0xFFFFC000;
	s20 =	sadd.s32 s6, s21  }
0x92: {  	[hbm4b:s20+s3] =	stream.linear.scatter [tilespmem:s26], [sflag:$0x3], $0x4000, $0x38;
	[tilespmem:$0x1EC00] =	vst v63  }
0x93: {  	_ =	swait.ge [sflag:s30], $0x4000  }
0x94: {  	[sflag:s30] =	ssyncset.done $0x0  }
0x95: {  	s21 =	sor.u32 $0x200, s11;
	[sflag:s30] =	ssyncadd.s32 $0xFFFFC000  }
0x96: {  	[tilespmem:s26], [sflag:$0x1] =	stream.indirect.gather [spmem:s2], $0x80, s21, s24, $0xb8;
	[tilespmem:$0x1EC00] =	vst v63  }
0x97: {  	_ =	swait.ge [sflag:s31], $0x4000  }
0x98: {  	[sflag:s31] =	ssyncset.done $0x0  }
0x99: {  	s21 =	sadd.s32 $0x1800, s14;
	[sflag:s31] =	ssyncadd.s32 $0xFFFFC000  }
0x9a: {  	[hbm4b:s21+s3] =	stream.linear.scatter [tilespmem:s28], [sflag:$0x4], $0x4000, $0x38;
	[tilespmem:$0x1EC00] =	vst v63  }
0x9b: {  	_ =	swait.ge [sflag:s1], $0x4000  }
0x9c: {  	[sflag:s1] =	ssyncset.done $0x0  }
0x9d: {  	s21 =	sor.u32 $0x280, s11;
	[sflag:s1] =	ssyncadd.s32 $0xFFFFC000  }
0x9e: {  	[tilespmem:s28], [sflag:$0x2] =	stream.indirect.gather [spmem:s2], $0x80, s21, s24, $0xb8;
	[tilespmem:$0x1EC00] =	vst v63  }
0x9f: {  	_ =	swait.ge [sflag:s29], $0x4000  }
0xa0: {  	s21 =	rddreg [dreg:$0x5];
	[sflag:s29] =	ssyncset.done $0x0  }
0xa1: {  	[sflag:s29] =	ssyncadd.s32 $0xFFFFC000;
	s20 =	sadd.s32 s6, s21  }
0xa2: {  	[hbm4b:s20+s3] =	stream.linear.scatter [tilespmem:s26], [sflag:$0x3], $0x4000, $0x38;
	[tilespmem:$0x1EC00] =	vst v63  }
0xa3: {  	_ =	swait.ge [sflag:s30], $0x4000  }
0xa4: {  	[sflag:s30] =	ssyncset.done $0x0  }
0xa5: {  	s21 =	sor.u32 $0x300, s11;
	[sflag:s30] =	ssyncadd.s32 $0xFFFFC000  }
0xa6: {  	[tilespmem:s26], [sflag:$0x1] =	stream.indirect.gather [spmem:s2], $0x80, s21, s24, $0xb8;
	[tilespmem:$0x1EC00] =	vst v63  }
0xa7: {  	_ =	swait.ge [sflag:s31], $0x4000  }
0xa8: {  	[sflag:s31] =	ssyncset.done $0x0  }
0xa9: {  	s21 =	sadd.s32 $0x2800, s14;
	[sflag:s31] =	ssyncadd.s32 $0xFFFFC000  }
0xaa: {  	[hbm4b:s21+s3] =	stream.linear.scatter [tilespmem:s28], [sflag:$0x4], $0x4000, $0x38;
	[tilespmem:$0x1EC00] =	vst v63  }
0xab: {  	_ =	swait.ge [sflag:s1], $0x4000  }
0xac: {  	[sflag:s1] =	ssyncset.done $0x0  }
0xad: {  	s21 =	sor.u32 $0x380, s11;
	[sflag:s1] =	ssyncadd.s32 $0xFFFFC000  }
0xae: {  	[tilespmem:s28], [sflag:$0x2] =	stream.indirect.gather [spmem:s2], $0x80, s21, s24, $0xb8;
	[tilespmem:$0x1EC00] =	vst v63  }
0xaf: {  	_ =	swait.ge [sflag:s29], $0x4000  }
0xb0: {  	s12 =	smov.u32 s10;
	s21 =	rddreg [dreg:$0x6];
	[sflag:s29] =	ssyncset.done $0x0  }
0xb1: {  	s10 =	sadd.s32 $0x4000, s10;
	[sflag:s29] =	ssyncadd.s32 $0xFFFFC000;
	s20 =	sadd.s32 s6, s21  }
0xb2: {  	[hbm4b:s20+s3] =	stream.linear.scatter [tilespmem:s26], [sflag:$0x3], $0x4000, $0x38;
	[tilespmem:$0x1EC00] =	vst v63  }
0xb3: {  	p3 =	seq.s32 s12, $0x0;
	p2 =	sne.s32 s10, $0x28000;
	_ =	swait.ge [sflag:s30], $0x4000  }
0xb4: {  	p1 =	por p3, p3;
	p3 =	seq.s32 s6, $0x24000;
	[sflag:s30] =	ssyncset.done $0x0  }
0xb5: {  	p4 =	sgt.u32 @!p3 s7, $0x7;
	s20 =	simm.s32 @!p3 $0x5;
	[sflag:s30] =	ssyncadd.s32 $0xFFFFC000  }
0xb6: {  	p4 =	por p4, p3;
	s6 =	smov.u32 s12;
	_ =	swait.ge @!p3 [sflag:s20], $0x400  }
0xb7: {  	s12 =	sxor.u32 @!p3 $0xFFFFFFFF, s8;
	s21 =	simm.s32 @!p3 $0x3000;
	[sflag:s20] =	ssyncset.done @!p3 $0x0  }
0xb8: {  	s12 =	sand.u32 @!p3 $0x400, s12;
	[sflag:s20] =	ssyncadd.s32 @!p3 $0xFFFFFC00;
	s20 =	simm.s32 @!p3 $0x80  }
0xb9: {  	[tilespmem:s21], [sflag:$0x1] =	stream.indirect.gather @!p3 [spmem:s2], $0x80, s12, s20, $0xb8;
	[tilespmem:$0x1EC00] =	vst v63  }
.Ltmp0:
0xba: {  	s12 =	simm.s32 @!p4 $0x0;
	(pc) =	sbr.rel @p2 .LBB2_2-.Ltmp0, $4  }
0xbb: {  	[tilespmem:s11], [sflag:$0x5] =	stream.linear.gather @!p4 [hbm4b:s5+s12], $0x400, $0x38;
	[tilespmem:$0x1EC00] =	vst v63  }
0xbc: {  	_ =	swait.ge [sflag:s31], $0x4000  }
0xbd: {  	s7 =	sadd.s32 $0x1, s7;
	s8 =	sadd.s32 $0x400, s8;
	[sflag:s31] =	ssyncset.done $0x0  }
0xbe: {  	s11 =	sadd.s32 $0x3800, s14;
	s5 =	sadd.s32 $0x80, s5;
	[sflag:s31] =	ssyncadd.s32 $0xFFFFC000  }
0xbf: {  	[hbm4b:s11+s3] =	stream.linear.scatter [tilespmem:s28], [sflag:$0x4], $0x4000, $0x38;
	[tilespmem:$0x1EC00] =	vst v63  }
0xc0: {  	s11 =	simm.s32 @!p1 $0x4  }
0xc1: {  	_ =	swait.ge @!p1 [sflag:s11], $0x4000  }
0xc2: {  	s10 =	sand.u32 $0x400, s8;
	[sflag:s11] =	ssyncset.done @!p1 $0x0  }
0xc3: {  	s12 =	sor.u32 $0x80, s10;
	[sflag:s11] =	ssyncadd.s32 @!p1 $0xFFFFC000  }
0xc4: {  	[tilespmem:s28], [sflag:$0x2] =	stream.indirect.gather [spmem:s2], $0x80, s12, s24, $0xb8;
	[tilespmem:$0x1EC00] =	vst v63  }
0xc5: {  	_ =	swait.ge [sflag:s29], $0x4000  }
0xc6: {  	[sflag:s29] =	ssyncset.done $0x0  }
0xc7: {  	s14 =	sadd.s32 s6, s16;
	[sflag:s29] =	ssyncadd.s32 $0xFFFFC000  }
0xc8: {  	[hbm4b:s14+s3] =	stream.linear.scatter [tilespmem:s26], [sflag:$0x3], $0x4000, $0x38;
	[tilespmem:$0x1EC00] =	vst v63  }
0xc9: {  	_ =	swait.ge [sflag:s30], $0x4000  }
0xca: {  	[sflag:s30] =	ssyncset.done $0x0  }
0xcb: {  	s20 =	sor.u32 $0x100, s10;
	[sflag:s30] =	ssyncadd.s32 $0xFFFFC000  }
0xcc: {  	[tilespmem:s26], [sflag:$0x1] =	stream.indirect.gather [spmem:s2], $0x80, s20, s24, $0xb8;
	[tilespmem:$0x1EC00] =	vst v63  }
0xcd: {  	_ =	swait.ge [sflag:s31], $0x4000  }
0xce: {  	s11 =	sadd.s32 s6, s13;
	[sflag:s31] =	ssyncset.done $0x0  }
0xcf: {  	s12 =	sadd.s32 $0x800, s11;
	[sflag:s31] =	ssyncadd.s32 $0xFFFFC000  }
0xd0: {  	[hbm4b:s12+s3] =	stream.linear.scatter [tilespmem:s28], [sflag:$0x4], $0x4000, $0x38;
	[tilespmem:$0x1EC00] =	vst v63  }
0xd1: {  	_ =	swait.ge [sflag:s1], $0x4000  }
0xd2: {  	[sflag:s1] =	ssyncset.done $0x0  }
0xd3: {  	s21 =	sor.u32 $0x180, s10;
	[sflag:s1] =	ssyncadd.s32 $0xFFFFC000  }
0xd4: {  	[tilespmem:s28], [sflag:$0x2] =	stream.indirect.gather [spmem:s2], $0x80, s21, s24, $0xb8;
	[tilespmem:$0x1EC00] =	vst v63  }
0xd5: {  	_ =	swait.ge [sflag:s29], $0x4000  }
0xd6: {  	s14 =	rddreg [dreg:$0x4];
	[sflag:s29] =	ssyncset.done $0x0  }
0xd7: {  	[sflag:s29] =	ssyncadd.s32 $0xFFFFC000;
	s12 =	sadd.s32 s6, s14  }
0xd8: {  	[hbm4b:s12+s3] =	stream.linear.scatter [tilespmem:s26], [sflag:$0x3], $0x4000, $0x38;
	[tilespmem:$0x1EC00] =	vst v63  }
0xd9: {  	_ =	swait.ge [sflag:s30], $0x4000  }
0xda: {  	[sflag:s30] =	ssyncset.done $0x0  }
0xdb: {  	s20 =	sor.u32 $0x200, s10;
	[sflag:s30] =	ssyncadd.s32 $0xFFFFC000  }
0xdc: {  	[tilespmem:s26], [sflag:$0x1] =	stream.indirect.gather [spmem:s2], $0x80, s20, s24, $0xb8;
	[tilespmem:$0x1EC00] =	vst v63  }
0xdd: {  	_ =	swait.ge [sflag:s31], $0x4000  }
0xde: {  	[sflag:s31] =	ssyncset.done $0x0  }
0xdf: {  	s21 =	sadd.s32 $0x1800, s11;
	[sflag:s31] =	ssyncadd.s32 $0xFFFFC000  }
0xe0: {  	[hbm4b:s21+s3] =	stream.linear.scatter [tilespmem:s28], [sflag:$0x4], $0x4000, $0x38;
	[tilespmem:$0x1EC00] =	vst v63  }
0xe1: {  	_ =	swait.ge [sflag:s1], $0x4000  }
0xe2: {  	[sflag:s1] =	ssyncset.done $0x0  }
0xe3: {  	s14 =	sor.u32 $0x280, s10;
	[sflag:s1] =	ssyncadd.s32 $0xFFFFC000  }
0xe4: {  	[tilespmem:s28], [sflag:$0x2] =	stream.indirect.gather [spmem:s2], $0x80, s14, s24, $0xb8;
	[tilespmem:$0x1EC00] =	vst v63  }
0xe5: {  	_ =	swait.ge [sflag:s29], $0x4000  }
0xe6: {  	s20 =	rddreg [dreg:$0x5];
	[sflag:s29] =	ssyncset.done $0x0  }
0xe7: {  	[sflag:s29] =	ssyncadd.s32 $0xFFFFC000;
	s12 =	sadd.s32 s6, s20  }
0xe8: {  	[hbm4b:s12+s3] =	stream.linear.scatter [tilespmem:s26], [sflag:$0x3], $0x4000, $0x38;
	[tilespmem:$0x1EC00] =	vst v63  }
0xe9: {  	_ =	swait.ge [sflag:s30], $0x4000  }
0xea: {  	[sflag:s30] =	ssyncset.done $0x0  }
0xeb: {  	s21 =	sor.u32 $0x300, s10;
	[sflag:s30] =	ssyncadd.s32 $0xFFFFC000  }
0xec: {  	[tilespmem:s26], [sflag:$0x1] =	stream.indirect.gather [spmem:s2], $0x80, s21, s24, $0xb8;
	[tilespmem:$0x1EC00] =	vst v63  }
0xed: {  	_ =	swait.ge [sflag:s31], $0x4000  }
0xee: {  	[sflag:s31] =	ssyncset.done $0x0  }
0xef: {  	s14 =	sadd.s32 $0x2800, s11;
	[sflag:s31] =	ssyncadd.s32 $0xFFFFC000  }
0xf0: {  	[hbm4b:s14+s3] =	stream.linear.scatter [tilespmem:s28], [sflag:$0x4], $0x4000, $0x38;
	[tilespmem:$0x1EC00] =	vst v63  }
0xf1: {  	_ =	swait.ge [sflag:s1], $0x4000  }
0xf2: {  	[sflag:s1] =	ssyncset.done $0x0  }
0xf3: {  	s20 =	sor.u32 $0x380, s10;
	[sflag:s1] =	ssyncadd.s32 $0xFFFFC000  }
0xf4: {  	[tilespmem:s28], [sflag:$0x2] =	stream.indirect.gather [spmem:s2], $0x80, s20, s24, $0xb8;
	[tilespmem:$0x1EC00] =	vst v63  }
0xf5: {  	_ =	swait.ge [sflag:s29], $0x4000  }
0xf6: {  	s21 =	rddreg [dreg:$0x6];
	[sflag:s29] =	ssyncset.done $0x0  }
0xf7: {  	[sflag:s29] =	ssyncadd.s32 $0xFFFFC000;
	s12 =	sadd.s32 s6, s21  }
0xf8: {  	[hbm4b:s12+s3] =	stream.linear.scatter [tilespmem:s26], [sflag:$0x3], $0x4000, $0x38;
	[tilespmem:$0x1EC00] =	vst v63  }
0xf9: {  	_ =	swait.ge [sflag:s30], $0x4000  }
0xfa: {  	p1 =	seq.s32 s6, $0x24000;
	[sflag:s30] =	ssyncset.done $0x0  }
0xfb: {  	s6 =	simm.s32 @!p1 $0x5;
	[sflag:s30] =	ssyncadd.s32 $0xFFFFC000  }
0xfc: {  	s8 =	sxor.u32 @!p1 $0xFFFFFFFF, s8;
	p2 =	sgt.u32 @!p1 s7, $0x7;
	_ =	swait.ge @!p1 [sflag:s6], $0x400  }
0xfd: {  	s7 =	sand.u32 @!p1 $0x400, s8;
	p2 =	por p2, p1;
	[sflag:s6] =	ssyncset.done @!p1 $0x0  }
0xfe: {  	s8 =	simm.s32 @!p1 $0x3000;
	[sflag:s6] =	ssyncadd.s32 @!p1 $0xFFFFFC00;
	s6 =	simm.s32 @!p1 $0x80  }
0xff: {  	[tilespmem:s8], [sflag:$0x1] =	stream.indirect.gather @!p1 [spmem:s2], $0x80, s7, s6, $0xb8;
	[tilespmem:$0x1EC00] =	vst v63  }
0x100: {  	s6 =	simm.s32 @!p2 $0x0  }
0x101: {  	[tilespmem:s10], [sflag:$0x5] =	stream.linear.gather @!p2 [hbm4b:s5+s6], $0x400, $0x38;
	[tilespmem:$0x1EC00] =	vst v63  }
0x102: {  	_ =	swait.ge [sflag:s31], $0x4000  }
0x103: {  	[sflag:s31] =	ssyncset.done $0x0  }
0x104: {  	s8 =	sadd.s32 $0x3800, s11;
	[sflag:s31] =	ssyncadd.s32 $0xFFFFC000  }
0x105: {  	[hbm4b:s8+s3] =	stream.linear.scatter [tilespmem:s28], [sflag:$0x4], $0x4000, $0x38;
	[tilespmem:$0x1EC00] =	vst v63  }
0x106: {  	_ =	swait.ge [sflag:s1], $0x4000  }
0x107: {  	[sflag:s1] =	ssyncset.done $0x0  }
0x108: {  	s10 =	simm.s32 $0x0;
	[sflag:s1] =	ssyncadd.s32 $0xFFFFC000  }
0x109: {  	[tilespmem:s26], [sflag:$0x1] =	stream.linear.gather [hbm4b:s9+s10], $0x4000, $0x38;
	[tilespmem:$0x1EC00] =	vst v63  }
0x10a: {  	[bflag:$0x0] =	sbarrier.arrive $0xFFFF  }
0x10b: {  	_ =	swait.ge [sflag:s19], $0x2800  }
0x10c: {  	[sflag:s19] =	ssyncset.done $0x0  }
0x10d: {  	s11 =	rddreg [dreg:$0xd];
	[sflag:s19] =	ssyncadd.s32 $0xFFFFD800  }
0x10e: {  	[tilespmem:s28], [sflag:$0x2] =	stream.linear.gather [hbm4b:s11+s10], $0x4000, $0x38;
	[tilespmem:$0x1EC00] =	vst v63  }
0x10f: {  	_ =	swait.ge [sflag:s29], $0x4000  }
0x110: {  	[sflag:s29] =	ssyncset.done $0x0  }
0x111: {  	s11 =	simm.s32 $0x800;
	[sflag:s29] =	ssyncadd.s32 $0xFFFFC000  }
0x112: {  	[spmem:s2] =	stream.indirect.scatter.add.f32 [tilespmem:s26], [sflag:$0x3], $0x80, s11, s24, $0xb8;
	[tilespmem:$0x1EC00] =	vst v63  }
0x113: {  	_ =	swait.ge [sflag:s30], $0x4000  }
0x114: {  	[sflag:s30] =	ssyncset.done $0x0  }
0x115: {  	s12 =	rddreg [dreg:$0xe];
	[sflag:s30] =	ssyncadd.s32 $0xFFFFC000  }
0x116: {  	[tilespmem:s26], [sflag:$0x1] =	stream.linear.gather [hbm4b:s12+s10], $0x4000, $0x38;
	[tilespmem:$0x1EC00] =	vst v63  }
0x117: {  	_ =	swait.ge [sflag:s31], $0x4000  }
0x118: {  	[sflag:s31] =	ssyncset.done $0x0  }
0x119: {  	s14 =	simm.s32 $0x880;
	[sflag:s31] =	ssyncadd.s32 $0xFFFFC000  }
0x11a: {  	[spmem:s2] =	stream.indirect.scatter.add.f32 [tilespmem:s28], [sflag:$0x4], $0x80, s14, s24, $0xb8;
	[tilespmem:$0x1EC00] =	vst v63  }
0x11b: {  	_ =	swait.ge [sflag:s1], $0x4000  }
0x11c: {  	[sflag:s1] =	ssyncset.done $0x0  }
0x11d: {  	s20 =	sadd.s32 $0xFFFFF800, s17;
	[sflag:s1] =	ssyncadd.s32 $0xFFFFC000  }
0x11e: {  	[tilespmem:s28], [sflag:$0x2] =	stream.linear.gather [hbm4b:s20+s3], $0x4000, $0x38;
	[tilespmem:$0x1EC00] =	vst v63  }
0x11f: {  	_ =	swait.ge [sflag:s29], $0x4000  }
0x120: {  	[sflag:s29] =	ssyncset.done $0x0  }
0x121: {  	s21 =	simm.s32 $0x900;
	[sflag:s29] =	ssyncadd.s32 $0xFFFFC000  }
0x122: {  	[spmem:s2] =	stream.indirect.scatter.add.f32 [tilespmem:s26], [sflag:$0x3], $0x80, s21, s24, $0xb8;
	[tilespmem:$0x1EC00] =	vst v63  }
0x123: {  	_ =	swait.ge [sflag:s30], $0x4000  }
0x124: {  	[sflag:s30] =	ssyncset.done $0x0  }
0x125: {  	[sflag:s30] =	ssyncadd.s32 $0xFFFFC000  }
0x126: {  	[tilespmem:s26], [sflag:$0x1] =	stream.linear.gather [hbm4b:s17+s3], $0x4000, $0x38;
	[tilespmem:$0x1EC00] =	vst v63  }
0x127: {  	_ =	swait.ge [sflag:s31], $0x4000  }
0x128: {  	s7 =	simm.s32 $0x980;
	[sflag:s31] =	ssyncset.done $0x0  }
0x129: {  	s5 =	simm.s32 $0x400;
	s6 =	sadd.s32 $0x1000, s17;
	[sflag:s31] =	ssyncadd.s32 $0xFFFFC000  }
.LBB2_4:
0x12a: {  	[spmem:s2] =	stream.indirect.scatter.add.f32 [tilespmem:s28], [sflag:$0x4], $0x80, s7, s24, $0xb8;
	[tilespmem:$0x1EC00] =	vst v63  }
0x12b: {  	s7 =	smov.u32 s5  }
0x12c: {  	p1 =	sne.s32 s5, $0x9400;
	s5 =	sadd.s32 $0x400, s5;
	_ =	swait.ge [sflag:s1], $0x4000  }
0x12d: {  	[sflag:s1] =	ssyncset.done $0x0  }
0x12e: {  	s8 =	sadd.s32 $0xFFFFF800, s6;
	[sflag:s1] =	ssyncadd.s32 $0xFFFFC000  }
0x12f: {  	[tilespmem:s28], [sflag:$0x2] =	stream.linear.gather [hbm4b:s8+s3], $0x4000, $0x38;
	[tilespmem:$0x1EC00] =	vst v63  }
0x130: {  	_ =	swait.ge [sflag:s29], $0x4000  }
0x131: {  	s7 =	sshra.s32 s7, $0x2;
	[sflag:s29] =	ssyncset.done $0x0  }
0x132: {  	s8 =	sadd.s32 $0x900, s7;
	[sflag:s29] =	ssyncadd.s32 $0xFFFFC000  }
0x133: {  	[spmem:s2] =	stream.indirect.scatter.add.f32 [tilespmem:s26], [sflag:$0x3], $0x80, s8, s24, $0xb8;
	[tilespmem:$0x1EC00] =	vst v63  }
0x134: {  	_ =	swait.ge [sflag:s30], $0x4000  }
0x135: {  	[sflag:s30] =	ssyncset.done $0x0  }
.Ltmp1:
0x136: {  	[sflag:s30] =	ssyncadd.s32 $0xFFFFC000;
	(pc) =	sbr.rel @p1 .LBB2_4-.Ltmp1, $4  }
0x137: {  	[tilespmem:s26], [sflag:$0x1] =	stream.linear.gather [hbm4b:s6+s3], $0x4000, $0x38;
	[tilespmem:$0x1EC00] =	vst v63  }
0x138: {  	_ =	swait.ge [sflag:s31], $0x4000  }
0x139: {  	[sflag:s31] =	ssyncset.done $0x0  }
0x13a: {  	s7 =	sadd.s32 $0x980, s7;
	s6 =	sadd.s32 $0x1000, s6;
	[sflag:s31] =	ssyncadd.s32 $0xFFFFC000  }
0x13b: {  	[spmem:s2] =	stream.indirect.scatter.add.f32 [tilespmem:s28], [sflag:$0x4], $0x80, s7, s24, $0xb8;
	[tilespmem:$0x1EC00] =	vst v63  }
0x13c: {  	_ =	swait.ge [sflag:s1], $0x4000  }
0x13d: {  	[sflag:s1] =	ssyncset.done $0x0  }
0x13e: {  	s5 =	rddreg [dreg:$0xf];
	[sflag:s1] =	ssyncadd.s32 $0xFFFFC000  }
0x13f: {  	[tilespmem:s28], [sflag:$0x2] =	stream.linear.gather [hbm4b:s5+s3], $0x4000, $0x38;
	[tilespmem:$0x1EC00] =	vst v63  }
0x140: {  	_ =	swait.ge [sflag:s29], $0x4000  }
0x141: {  	[sflag:s29] =	ssyncset.done $0x0  }
0x142: {  	s12 =	simm.s32 $0x2F00;
	[sflag:s29] =	ssyncadd.s32 $0xFFFFC000  }
0x143: {  	[spmem:s2] =	stream.indirect.scatter.add.f32 [tilespmem:s26], [sflag:$0x3], $0x80, s12, s24, $0xb8;
	[tilespmem:$0x1EC00] =	vst v63  }
0x144: {  	_ =	swait.ge [sflag:s30], $0x4000  }
0x145: {  	[sflag:s30] =	ssyncset.done $0x0  }
0x146: {  	[sflag:s30] =	ssyncadd.s32 $0xFFFFC000  }
0x147: {  	_ =	swait.ge [sflag:s31], $0x4000  }
0x148: {  	[sflag:s31] =	ssyncset.done $0x0  }
0x149: {  	s14 =	simm.s32 $0x2F80;
	[sflag:s31] =	ssyncadd.s32 $0xFFFFC000  }
0x14a: {  	[spmem:s2] =	stream.indirect.scatter.add.f32 [tilespmem:s28], [sflag:$0x4], $0x80, s14, s24, $0xb8;
	[tilespmem:$0x1EC00] =	vst v63  }
0x14b: {  	_ =	swait.ge [sflag:s1], $0x4000  }
0x14c: {  	[sflag:s1] =	ssyncset.done $0x0  }
0x14d: {  	s20 =	sshll.u32 s0, $0x6;
	[sflag:s1] =	ssyncadd.s32 $0xFFFFC000  }
0x14e: {  	s5 =	sor.u32 $0x1C07, s20;
	[bflag:$0x0] =	sbarrier.arrive $0xFFFF  }
0x14f: {  	[hbm:s23], [sflag:s5] =	dma.local [spmem:s25], $0x2780  }
0x150: {  	_ =	swait.ge [sflag:s18], $0x2780  }
0x151: {  	s4 =	sadd.s32 $0x1, s4;
	s21 =	rddreg [dreg:$0xc]  }
0x152: {  	p1 =	sne.s32 s4, s21  }
.Ltmp2:
0x153: {  	_ = 	snop;
	(pc) =	sbr.rel @p1 .LBB2_1-.Ltmp2, $3  }
0x154: {  	_ =	sdelay $0x1  }
0x155: {  	[sflag:s18] =	ssyncset.done $0x0  }
0x156: {  	[sflag:s18] =	ssyncadd.s32 $0xFFFFD880  }
0x157: {  	_ =	sfence.sel $0x180000  }
0x158: {  	[bflag:$0x0] =	sbarrier.arrive $0xFFFF  }
0x159: {  	_ =	strace $0x90000047  }
0x15a: {  	[bflag:$0x2] =	sbarrier.arrive $0xFFFF  }
0x15b: {  	p0 =	sne.s32 s0, $0x0;
	s0 =	rddreg [dreg:$0x3]  }
0x15c: {  	s0 =	sadd.s32 @!p0 $0x100000, s0  }
0x15d: {  	[sflag:s0] =	ssyncadd.tile.s32 @!p0 $0x1;
	_ =	shalt  }
.Lfunc_end2:
_tile_overlayer_lowered:
.L_overlay_start_2:
0x15e: {  	(tag) =	ssettag $0x2  }
0x15f: {  	s0 =	rddreg [dreg:$0x0];
	s2 =	stileid.u32  }
0x160: {  	s1 =	rddreg [dreg:$0x1];
	p0 =	sne.s32 s2, $0x0  }
0x161: {  	s3 =	rddreg [dreg:$0x2];
	[bflag:$0x3] =	sbarrier.arrive $0xFFFF;
	s2 =	simm.s32 @!p0 $0x1C07  }
0x162: {  	[timem:s3], [sflag:s2] =	dma.local @!p0 [hbm:s0], s1  }
0x163: {  	s0 =	simm.s32 @!p0 $0x7  }
0x164: {  	_ =	swait.ge @!p0 [sflag:s0], s1  }
0x165: {  	s1 =	ssub.s32 @!p0 $0x0, s1;
	[sflag:s0] =	ssyncset.done @!p0 $0x0  }
0x166: {  	[sflag:s0] =	ssyncadd.s32 @!p0 s1  }
0x167: {  	[bflag:$0x3] =	sbarrier.arrive $0xFFFF  }
0x168: {  	_ =	shalt  }

// kernel: kernel.9.cloned.1.call-start
scs
__scs_entry_jumppad:
0x0: {  	(pc) =	sbr.rel $0x88, $3  }
0x1: {  	(tag) =	ssettag $0x0;
	lr =	simm.s32 $0x1  }
0x2: {  	[smem:$0x3F97] =	sst lr;
	_ =	strace $0xD0000000  }
0x3: {  	_ = 	snop  }
0x4: {  	_ = 	snop  }
0x5: {  	_ = 	snop  }
0x6: {  	_ = 	snop  }
0x7: {  	_ = 	snop  }
__scs_overlays_trampoline_lowered:
0x8: {  	[smem:$0x3FA6] =	sst s0  }
0x9: {  	[smem:$0x3FA7] =	sst s1  }
0xa: {  	[smem:$0x3FA8] =	sst s2  }
0xb: {  	[smem:$0x3FA9] =	sst s3  }
0xc: {  	[smem:$0x3FAA] =	sst s4  }
0xd: {  	[smem:$0x3FAB] =	sst s5  }
0xe: {  	[smem:$0x3FAC] =	sst s6  }
0xf: {  	[smem:$0x3FAD] =	sst s7  }
0x10: {  	[smem:$0x3FAE] =	sst s8  }
0x11: {  	[smem:$0x3FAF] =	sst s9;
	s0 =	simm.s32 @!p0 $0x0  }
0x12: {  	s1 =	sld [smem:$0x3F95];
	s0 =	simm.s32 @p0 $0x1  }
0x13: {  	[smem:$0x3FB0] =	sst s0;
	s0 =	simm.s32 @!p1 $0x0  }
0x14: {  	s2 =	sld [smem:$0x3F94];
	s0 =	simm.s32 @p1 $0x1  }
0x15: {  	[smem:$0x3FB1] =	sst s0;
	s0 =	simm.s32 @!p2 $0x0  }
0x16: {  	s3 =	sld [smem:$0x3FDB];
	s0 =	simm.s32 @p2 $0x1  }
0x17: {  	s4 =	simm.s32 $0x1BF5;
	[smem:$0x3FB3] =	sst s0  }
0x18: {  	s0 =	sld [smem:$0x3F96];
	_ =	swait.ge [sflag:s4], $0x0  }
0x19: {  	s7 =	sld [smem:$0x3F97]  }
0x1a: {  	s8 =	sadd.s32 $0xFFFFE003, lr  }
0x1b: {  	s9 =	sadd.s32 $0xFFFFFEF7, lr;
	s5 =	simm.s32 $0xFFFFFFFF;
	p2 =	slt.u32 s8, $0xFFFFF086  }
0x1c: {  	p1 =	slt.u32 s9, $0xF7A;
	s5 =	simm.s32 @!p2 $0x0  }
0x1d: {  	s5 =	simm.s32 @p1 $0x1;
	p0 =	seq.s32 s7, s2  }
0x1e: {  	s7 =	smul.u32 @!p0 $0xF7A, s2;
	p2 =	seq.s32 @!p0 s5, $0x0  }
0x1f: {  	s9 =	smul.u32 $0xF7A, s1;
	s8 =	simm.s32 @!p0 $0x1BF5;
	p2 =	por !p2, p0  }
0x20: {  	[sflag:s8] =	ssyncset.s32 @!p0 $0xFFFFF086;
	s6 =	sadd.s32 @!p0 s3, s7;
	s7 =	simm.s32 @!p0 $0x108  }
0x21: {  	s3 =	sadd.s32 s3, s9;
	s6 =	sadd.s32 @!p0 $0x88, s6;
	s7 =	simm.s32 @p2 $0x1082  }
0x22: {  	[simem:s7], [sflag:s8] =	dma.local @!p0 [hbm:s6], $0xF7A  }
0x23: {  	s9 =	sor.u32 $0xD0000000, s2;
	s6 =	simm.s32 $0x108;
	_ =	swait.ge @!p0 [sflag:s8], $0x0  }
0x24: {  	s3 =	sadd.s32 $0x88, s3;
	s6 =	simm.s32 @!p1 $0x1082;
	[sflag:s4] =	ssyncset.s32 $0xFFFFF086  }
0x25: {  	[simem:s6], [sflag:s4] =	dma.local [hbm:s3], $0xF7A  }
0x26: {  	[smem:$0x3F97] =	sst s1;
	(tag) =	ssettag s2;
	_ =	strace s9  }
0x27: {  	s1 =	sld [smem:$0x3FA7]  }
0x28: {  	s2 =	sld [smem:$0x3FA8]  }
0x29: {  	s4 =	sld [smem:$0x3FAA]  }
0x2a: {  	p0 =	seq.s32 s5, $0x0;
	s5 =	sld [smem:$0x3FAB]  }
0x2b: {  	s6 =	sld [smem:$0x3FAC]  }
0x2c: {  	s7 =	sld [smem:$0x3FAD]  }
0x2d: {  	s3 =	simm.s32 $0x108;
	s8 =	sld [smem:$0x3FAE]  }
0x2e: {  	s3 =	simm.s32 @!p0 $0x1082;
	s9 =	sld [smem:$0x3FAF]  }
0x2f: {  	lr =	sadd.s32 s0, s3;
	s0 =	sld [smem:$0x3FA6]  }
0x30: {  	s3 =	sld [smem:$0x3FA9]  }
0x31: {  	[smem:$0x3FB2] =	sst s10  }
0x32: {  	s10 =	sld [smem:$0x3FB0];
	_ =	sdelay $0x3  }
0x33: {  	p0 =	seq.s32 s10, $0x1;
	s10 =	sld [smem:$0x3FB2];
	_ =	sdelay $0x3  }
0x34: {  	[smem:$0x3FB2] =	sst s10  }
0x35: {  	s10 =	sld [smem:$0x3FB1];
	_ =	sdelay $0x3  }
0x36: {  	p1 =	seq.s32 s10, $0x1;
	s10 =	sld [smem:$0x3FB2];
	_ =	sdelay $0x3  }
0x37: {  	[smem:$0x3FB2] =	sst s10  }
0x38: {  	s10 =	sld [smem:$0x3FB3]  }
0x39: {  	_ = 	snop;
	(pc) =	sbr.ind lr, $3  }
0x3a: {  	_ = 	snop  }
0x3b: {  	_ = 	snop  }
0x3c: {  	p2 =	seq.s32 s10, $0x1;
	s10 =	sld [smem:$0x3FB2]  }
0x3d: {  	_ =	shalt  }
0x3e: {  	_ =	shalt  }
0x3f: {  	_ =	shalt  }
0x40: {  	_ =	shalt  }
0x41: {  	_ =	shalt  }
0x42: {  	_ =	shalt  }
0x43: {  	_ =	shalt  }
0x44: {  	_ =	shalt  }
0x45: {  	_ =	shalt  }
0x46: {  	_ =	shalt  }
0x47: {  	_ =	shalt  }
0x48: {  	_ =	shalt  }
0x49: {  	_ =	shalt  }
0x4a: {  	_ =	shalt  }
0x4b: {  	_ =	shalt  }
0x4c: {  	_ =	shalt  }
0x4d: {  	_ =	shalt  }
0x4e: {  	_ =	shalt  }
0x4f: {  	_ =	shalt  }
0x50: {  	_ =	shalt  }
0x51: {  	_ =	shalt  }
0x52: {  	_ =	shalt  }
0x53: {  	_ =	shalt  }
0x54: {  	_ =	shalt  }
0x55: {  	_ =	shalt  }
0x56: {  	_ =	shalt  }
0x57: {  	_ =	shalt  }
0x58: {  	_ =	shalt  }
0x59: {  	_ =	shalt  }
0x5a: {  	_ =	shalt  }
0x5b: {  	_ =	shalt  }
0x5c: {  	_ =	shalt  }
0x5d: {  	_ =	shalt  }
0x5e: {  	_ =	shalt  }
0x5f: {  	_ =	shalt  }
0x60: {  	_ =	shalt  }
0x61: {  	_ =	shalt  }
0x62: {  	_ =	shalt  }
0x63: {  	_ =	shalt  }
0x64: {  	_ =	shalt  }
0x65: {  	_ =	shalt  }
0x66: {  	_ =	shalt  }
0x67: {  	_ =	shalt  }
0x68: {  	_ =	shalt  }
0x69: {  	_ =	shalt  }
0x6a: {  	_ =	shalt  }
0x6b: {  	_ =	shalt  }
0x6c: {  	_ =	shalt  }
0x6d: {  	_ =	shalt  }
0x6e: {  	_ =	shalt  }
0x6f: {  	_ =	shalt  }
0x70: {  	_ =	shalt  }
0x71: {  	_ =	shalt  }
0x72: {  	_ =	shalt  }
0x73: {  	_ =	shalt  }
0x74: {  	_ =	shalt  }
0x75: {  	_ =	shalt  }
0x76: {  	_ =	shalt  }
0x77: {  	_ =	shalt  }
0x78: {  	_ =	shalt  }
0x79: {  	_ =	shalt  }
0x7a: {  	_ =	shalt  }
0x7b: {  	_ =	shalt  }
0x7c: {  	_ =	shalt  }
0x7d: {  	_ =	shalt  }
0x7e: {  	_ =	shalt  }
0x7f: {  	_ =	shalt  }
0x80: {  	_ =	shalt  }
0x81: {  	_ =	shalt  }
0x82: {  	_ =	shalt  }
0x83: {  	_ =	shalt  }
0x84: {  	_ =	shalt  }
0x85: {  	_ =	shalt  }
0x86: {  	_ =	shalt  }
0x87: {  	_ =	shalt  }
.Lfunc_end0:
.L_simem_size_0:
called_computation.1_lowered:
.L_overlay_start_0:
0x88: {  	s2 =	sld [smem:$0x3FD9]  }
0x89: {  	s3 =	sld [smem:$0x3FFE];
	_ =	sdelay $0x1  }
0x8a: {  	s1 =	srdreg.scid  }
0x8b: {  	s0 =	sand.u32 $0x1, s1  }
0x8c: {  	s16 =	sshll.u32 s0, $0xA;
	s2 =	sadd.s32 s3, s2  }
0x8d: {  	s2 =	sadd.s32 s2, s16  }
0x8e: {  	[smem:$0x3FBE] =	sst s2  }
0x8f: {  	_ = 	snop  }
0x90: {  	(tm) =	ssettm $0x1  }
0x91: {  	s17 =	sld [smem:$0x3FFB];
	_ =	sdelay $0x3  }
0x92: {  	_ =	strace s17  }
0x93: {  	s2 =	sld [smem:$0x3FFC];
	_ =	sdelay $0x3  }
0x94: {  	_ =	strace s2  }
0x95: {  	s2 =	sld [smem:$0x3FFD];
	_ =	sdelay $0x3  }
0x96: {  	_ =	strace s2  }
0x97: {  	_ =	strace $0x8FFFFFFF  }
0x98: {  	s18 =	sld [smem:$0x3FDB];
	_ =	sdelay $0x1  }
0x99: {  	s19 =	simm.s32 $_scs_section_size  }
0x9a: {  	s4 =	simm.s32 $_size__tile_overlayer_lowered;
	s5 =	simm.s32 $_tile_overlayer_lowered  }
0x9b: {  	s22 =	simm.s32 $0x1BFF;
	s21 =	sshll.u32 s5, $0x1;
	s2 =	sadd.s32 s19, s18  }
0x9c: {  	s6 =	simm.s32 $0x0;
	s20 =	sshll.u32 s4, $0x1;
	s4 =	sadd.s32 s21, s2  }
0x9d: {  	[timem:s6], [sflag:s22] =	dma.local [hbm:s4], s20  }
0x9e: {  	_ =	swait.ge [sflag:s22], s20  }
0x9f: {  	s3 =	ssub.s32 $0x0, s20;
	[sflag:s22] =	ssyncset.done $0x0  }
0xa0: {  	[sflag:s22] =	ssyncadd.s32 s3;
	_ =	sdelay $0x1  }
0xa1: {  	s23 =	simm.s32 $0x1B8B  }
0xa2: {  	_ =	swait.ge [sflag:s23], $0x1  }
0xa3: {  	[sflag:s23] =	ssyncset.done $0x0  }
0xa4: {  	s25 =	simm.s32 $0x1B8E;
	s24 =	sld [smem:$0x3FFE];
	[sflag:s23] =	ssyncadd.s32 $0xFFFFFFFF  }
0xa5: {  	s26 =	simm.s32 $execute0_lowered;
	[smem:$0x3FD2] =	sst s25  }
0xa6: {  	s4 =	sshll.u32 s26, $0x1;
	_ =	strace $0x80000049;
	[dreg:$0x1] =	wrdreg $0xFFFFFFFF  }
0xa7: {  	s28 =	simm.s32 $_size_execute0_lowered;
	s2 =	sadd.s32 s2, s4;
	[dreg:$0x0] =	wrdreg $0x0  }
0xa8: {  	s4 =	sshll.u32 s28, $0x1;
	[dreg:$0x2] =	wrdreg s2  }
0xa9: {  	[dreg:$0x3] =	wrdreg s4  }
0xaa: {  	[dreg:$0x4] =	wrdreg $0xC0  }
0xab: {  	_ =	task [dreg:s6], $0x5FFFF  }
0xac: {  	[dreg:$0x1] =	wrdreg $0xFFFFFFFF  }
0xad: {  	[dreg:$0x0] =	wrdreg $0x60  }
0xae: {  	[dreg:$0x2] =	wrdreg s24  }
0xaf: {  	[dreg:$0x3] =	wrdreg $0xB0000  }
0xb0: {  	[dreg:$0x4] =	wrdreg $0x9  }
0xb1: {  	_ =	task.clear_ibuf [dreg:s6], $0x5FFFF;
	_ =	strace $0x90000049  }
0xb2: {  	s29 =	simm.s32 $0x9;
	_ =	strace $0x8000004B  }
0xb3: {  	_ =	swait.ge [sflag:s29], $0x1  }
0xb4: {  	[sflag:s29] =	ssyncadd.s32 $0xFFFFFFFF  }
0xb5: {  	_ =	strace $0x9000004B  }
0xb6: {  	_ =	sfence  }
0xb7: {  	s30 =	sld [smem:$0x0];
	_ =	sdelay $0x2  }
0xb8: {  	s31 =	sshll.u32 s1, $0xD;
	s1 =	sshrl.u32 s1, $0x2  }
0xb9: {  	s3 =	sand.u32 $0x4000, s31;
	s1 =	sadd.s32 s1, s30  }
0xba: {  	s0 =	sor.u32 s3, s0;
	s1 =	sshll.u32 s1, $0x11  }
0xbb: {  	s0 =	sor.u32 s1, s0  }
0xbc: {  	s0 =	sadd.s32 $0x8F2B, s0  }
0xbd: {  	[sflag:s0] =	ssyncadd.remote.s32 $0x1  }
0xbe: {  	_ =	sfence.sel $0xFFFF  }
0xbf: {  	[dreg:$0x0] =	wrdreg $0xFFFFFFFF;
	(pc) =	sbr.abs _section_cstart, $3  }
0xc0: {  	[dreg:$0x1] =	wrdreg $0xFFFFFFFF  }
0xc1: {  	_ =	task.clear_ibuf [dreg:s6], $0x2FFFF;
	_ =	strace $0x9FFFFFFF  }
0xc2: {  	(tm) =	ssettm $0x7FFFFFFF  }
0xc3: {  	_ =	shalt  }
tec
execute0_lowered:
.L_overlay_start_1:
0x0: {  	(tag) =	ssettag $0x1  }
0x1: {  	s0 =	srdreg.scid  }
0x2: {  	s1 =	sand.u32 $0x1, s0;
	s0 =	stileid.u32  }
0x3: {  	s5 =	smul.u32 $0x2800, s0  }
0x4: {  	s8 =	smul.u32 $0x27800, s1  }
0x5: {  	s12 =	smul.u32 $0x50000, s0  }
0x6: {  	s4 =	rddreg [dreg:$0x0];
	s25 =	smul.u32 $0x4F000, s0  }
0x7: {  	s2 =	rddreg [dreg:$0x1];
	s28 =	simm.s32 $0x7000;
	s26 =	smul.u32 $0x500, s1  }
0x8: {  	s29 =	simm.s32 $0x1;
	s30 =	simm.s32 $0x3;
	s15 =	smul.u32 $0x50, s0  }
0x9: {  	s31 =	simm.s32 $0x2;
	s10 =	sadd.s32 $0x3DA00, s4;
	s19 =	smul.u32 $0x2780, s0  }
0xa: {  	s3 =	sshll.u32 s1, $0x4;
	s9 =	ssub.s32 $0x2, s1;
	s1 =	smul.u32 $0x280000, s1  }
0xb: {  	p0 =	seq.s32 s0, $0xF;
	s6 =	sor.u32 s0, s3;
	s3 =	simm.s32 $0x0  }
0xc: {  	s11 =	sshrl.u32 s9, $0x1;
	s7 =	smul.u32 $0x500, s6;
	[smem:$0x7FF] =	sst s3  }
0xd: {  	s5 =	sadd.s32 s5, s4;
	s8 =	sadd.s32 s8, s4;
	s11 =	ssub.s32 s9, s11  }
0xe: {  	s6 =	smul.u32 $0x28000, s6;
	s24 =	sshrl.u32 s12, $0x2;
	s18 =	sadd.s32 s15, s26  }
0xf: {  	s1 =	sadd.s32 s1, s10;
	_ =	strace $0x8000004A;
	s14 =	sadd.s32 s24, s2  }
0x10: {  	s5 =	sadd.s32 $0x16800, s5;
	s12 =	sadd.s32 $0x53DA00, s8;
	s11 =	smax.u32 s11, $0x1  }
0x11: {  	s8 =	sshll.u32 s18, $0xB;
	s18 =	simm.s32 $0x7;
	[dreg:$0x9] =	wrdreg s5  }
0x12: {  	s7 =	sadd.s32 s7, s4;
	s4 =	sadd.s32 $0x3C000, s4;
	[dreg:$0xb] =	wrdreg s11  }
0x13: {  	s5 =	sadd.s32 $0x12C000, s2;
	s22 =	sadd.s32 $0x2800, s7;
	[dreg:$0xa] =	wrdreg s4  }
0x14: {  	s9 =	sadd.s32 s10, s6;
	s23 =	sadd.s32 $0x2880, s7;
	[dreg:$0x6] =	wrdreg s22  }
0x15: {  	s6 =	sshrl.u32 s25, $0x2;
	s13 =	sadd.s32 $0xC800, s7;
	[dreg:$0x7] =	wrdreg s23  }
0x16: {  	s25 =	smul.u32 $0x28000, s0;
	s20 =	sadd.s32 $0x800, s9;
	[dreg:$0x8] =	wrdreg s13  }
0x17: {  	s4 =	sadd.s32 s6, s2;
	s21 =	sadd.s32 $0x1000, s9;
	[dreg:$0xc] =	wrdreg s20  }
0x18: {  	s15 =	sadd.s32 $0x2900, s7;
	[dreg:$0xd] =	wrdreg s21;
	s13 =	sadd.s32 s8, s10  }
0x19: {  	s22 =	sadd.s32 $0x27800, s9;
	s16 =	sadd.s32 s25, s1;
	s10 =	simm.s32 $0x800  }
0x1a: {  	s1 =	sshrl.u32 @p0 s5, $0x3;
	s25 =	sshrl.u32 s4, $0x3;
	[dreg:$0xe] =	wrdreg s22  }
0x1b: {  	s4 =	simm.s32 $0x0;
	s23 =	sadd.s32 $0x3000, s13;
	[dreg:$0xf] =	wrdreg s1  }
0x1c: {  	s24 =	sadd.s32 $0x2000, s13;
	s26 =	sadd.s32 $0x1000, s13;
	[dreg:$0x5] =	wrdreg s23  }
0x1d: {  	s17 =	sadd.s32 $0x2000, s16;
	s22 =	sshrl.u32 @!p0 s14, $0x3;
	[dreg:$0x4] =	wrdreg s24  }
0x1e: {  	s1 =	simm.s32 $0x4;
	[dreg:$0x3] =	wrdreg s26;
	s23 =	sadd.s32 s19, s12  }
0x1f: {  	s24 =	simm.s32 $0x80;
	s26 =	simm.s32 $0x3000;
	s19 =	simm.s32 $0x6  }
.LBB2_1:
0x20: {  	s5 =	rddreg [dreg:$0x6]  }
0x21: {  	[tilespmem:s3], [sflag:$0x7] =	stream.linear.gather [hbm4b:s5+s3], $0x400, $0x38;
	[tilespmem:$0x1EC00] =	vst v63  }
0x22: {  	_ =	swait.ge [sflag:s18], $0x400  }
0x23: {  	[sflag:s18] =	ssyncset.done $0x0;
	s21 =	rddreg [dreg:$0x7]  }
0x24: {  	s6 =	simm.s32 $0x400;
	s7 =	rddreg [dreg:$0x8];
	[sflag:s18] =	ssyncadd.s32 $0xFFFFFC00  }
0x25: {  	[tilespmem:s6], [sflag:$0x5] =	stream.linear.gather [hbm4b:s21+s3], $0x400, $0x38;
	[tilespmem:$0x1EC00] =	vst v63  }
0x26: {  	s6 =	rddreg [dreg:$0xa]  }
0x27: {  	[tilespmem:s10], [sflag:$0x6] =	stream.linear.gather [hbm4b:s7+s3], $0x2800, $0x38;
	[tilespmem:$0x1EC00] =	vst v63  }
0x28: {  	s5 =	simm.s32 @p0 $0x1FC7;
	s7 =	rddreg [dreg:$0xf]  }
0x29: {  	[spmem:s7], [sflag:s5] =	dma.local @p0 [hbm:s6], $0x1900  }
0x2a: {  	s5 =	simm.s32 @p0 $0x7  }
0x2b: {  	_ =	swait.ge @p0 [sflag:s5], $0x1900  }
0x2c: {  	s6 =	sshll.u32 @!p0 s0, $0x6;
	[sflag:s5] =	ssyncset.done @p0 $0x0  }
0x2d: {  	[sflag:s5] =	ssyncadd.s32 @p0 $0xFFFFE700;
	s5 =	sor.u32 @!p0 $0x1C07, s6;
	s6 =	rddreg [dreg:$0x9]  }
0x2e: {  	[spmem:s22], [sflag:s5] =	dma.local @!p0 [hbm:s6], $0x2800  }
0x2f: {  	s5 =	simm.s32 @!p0 $0x7  }
0x30: {  	_ =	swait.ge @!p0 [sflag:s5], $0x2800  }
0x31: {  	p1 =	por $0x1, $0x1;
	[sflag:s5] =	ssyncset.done @!p0 $0x0  }
0x32: {  	p1 =	por p1, p1;
	[sflag:s5] =	ssyncadd.s32 @!p0 $0xFFFFD800  }
0x33: {  	s6 =	simm.s32 @!p1 $0x4;
	[bflag:$0x0] =	sbarrier.arrive $0xFFFF  }
0x34: {  	[tilespmem:s26], [sflag:$0x1] =	stream.indirect.gather [spmem:s2], $0x80, s3, s24, $0xb8;
	[tilespmem:$0x1EC00] =	vst v63  }
0x35: {  	_ =	swait.ge @!p1 [sflag:s6], $0x4000  }
0x36: {  	s5 =	sand.u32 $0x400, s3;
	[sflag:s6] =	ssyncset.done @!p1 $0x0  }
0x37: {  	s8 =	sor.u32 $0x80, s5;
	[sflag:s6] =	ssyncadd.s32 @!p1 $0xFFFFC000  }
0x38: {  	[tilespmem:s28], [sflag:$0x2] =	stream.indirect.gather [spmem:s2], $0x80, s8, s24, $0xb8;
	[tilespmem:$0x1EC00] =	vst v63  }
0x39: {  	_ =	swait.ge [sflag:s29], $0x4000  }
0x3a: {  	[sflag:s29] =	ssyncset.done $0x0  }
0x3b: {  	s10 =	sadd.s32 $0x0, s16;
	[sflag:s29] =	ssyncadd.s32 $0xFFFFC000  }
0x3c: {  	[hbm4b:s10+s3] =	stream.linear.scatter [tilespmem:s26], [sflag:$0x3], $0x4000, $0x38;
	[tilespmem:$0x1EC00] =	vst v63  }
0x3d: {  	_ =	swait.ge [sflag:s30], $0x4000  }
0x3e: {  	[sflag:s30] =	ssyncset.done $0x0  }
0x3f: {  	s11 =	sor.u32 $0x100, s5;
	[sflag:s30] =	ssyncadd.s32 $0xFFFFC000  }
0x40: {  	[tilespmem:s26], [sflag:$0x1] =	stream.indirect.gather [spmem:s2], $0x80, s11, s24, $0xb8;
	[tilespmem:$0x1EC00] =	vst v63  }
0x41: {  	_ =	swait.ge [sflag:s31], $0x4000  }
0x42: {  	s11 =	sadd.s32 $0x0, s13;
	[sflag:s31] =	ssyncset.done $0x0  }
0x43: {  	s12 =	sadd.s32 $0x800, s11;
	[sflag:s31] =	ssyncadd.s32 $0xFFFFC000  }
0x44: {  	[hbm4b:s12+s3] =	stream.linear.scatter [tilespmem:s28], [sflag:$0x4], $0x4000, $0x38;
	[tilespmem:$0x1EC00] =	vst v63  }
0x45: {  	_ =	swait.ge [sflag:s1], $0x4000  }
0x46: {  	[sflag:s1] =	ssyncset.done $0x0  }
0x47: {  	s14 =	sor.u32 $0x180, s5;
	[sflag:s1] =	ssyncadd.s32 $0xFFFFC000  }
0x48: {  	[tilespmem:s28], [sflag:$0x2] =	stream.indirect.gather [spmem:s2], $0x80, s14, s24, $0xb8;
	[tilespmem:$0x1EC00] =	vst v63  }
0x49: {  	_ =	swait.ge [sflag:s29], $0x4000  }
0x4a: {  	s20 =	rddreg [dreg:$0x3];
	[sflag:s29] =	ssyncset.done $0x0  }
0x4b: {  	[sflag:s29] =	ssyncadd.s32 $0xFFFFC000;
	s6 =	sadd.s32 $0x0, s20  }
0x4c: {  	[hbm4b:s6+s3] =	stream.linear.scatter [tilespmem:s26], [sflag:$0x3], $0x4000, $0x38;
	[tilespmem:$0x1EC00] =	vst v63  }
0x4d: {  	_ =	swait.ge [sflag:s30], $0x4000  }
0x4e: {  	[sflag:s30] =	ssyncset.done $0x0  }
0x4f: {  	s21 =	sor.u32 $0x200, s5;
	[sflag:s30] =	ssyncadd.s32 $0xFFFFC000  }
0x50: {  	[tilespmem:s26], [sflag:$0x1] =	stream.indirect.gather [spmem:s2], $0x80, s21, s24, $0xb8;
	[tilespmem:$0x1EC00] =	vst v63  }
0x51: {  	_ =	swait.ge [sflag:s31], $0x4000  }
0x52: {  	[sflag:s31] =	ssyncset.done $0x0  }
0x53: {  	s7 =	sadd.s32 $0x1800, s11;
	[sflag:s31] =	ssyncadd.s32 $0xFFFFC000  }
0x54: {  	[hbm4b:s7+s3] =	stream.linear.scatter [tilespmem:s28], [sflag:$0x4], $0x4000, $0x38;
	[tilespmem:$0x1EC00] =	vst v63  }
0x55: {  	_ =	swait.ge [sflag:s1], $0x4000  }
0x56: {  	[sflag:s1] =	ssyncset.done $0x0  }
0x57: {  	s8 =	sor.u32 $0x280, s5;
	[sflag:s1] =	ssyncadd.s32 $0xFFFFC000  }
0x58: {  	[tilespmem:s28], [sflag:$0x2] =	stream.indirect.gather [spmem:s2], $0x80, s8, s24, $0xb8;
	[tilespmem:$0x1EC00] =	vst v63  }
0x59: {  	_ =	swait.ge [sflag:s29], $0x4000  }
0x5a: {  	s10 =	rddreg [dreg:$0x4];
	[sflag:s29] =	ssyncset.done $0x0  }
0x5b: {  	[sflag:s29] =	ssyncadd.s32 $0xFFFFC000;
	s6 =	sadd.s32 $0x0, s10  }
0x5c: {  	[hbm4b:s6+s3] =	stream.linear.scatter [tilespmem:s26], [sflag:$0x3], $0x4000, $0x38;
	[tilespmem:$0x1EC00] =	vst v63  }
0x5d: {  	_ =	swait.ge [sflag:s30], $0x4000  }
0x5e: {  	[sflag:s30] =	ssyncset.done $0x0  }
0x5f: {  	s12 =	sor.u32 $0x300, s5;
	[sflag:s30] =	ssyncadd.s32 $0xFFFFC000  }
0x60: {  	[tilespmem:s26], [sflag:$0x1] =	stream.indirect.gather [spmem:s2], $0x80, s12, s24, $0xb8;
	[tilespmem:$0x1EC00] =	vst v63  }
0x61: {  	_ =	swait.ge [sflag:s31], $0x4000  }
0x62: {  	[sflag:s31] =	ssyncset.done $0x0  }
0x63: {  	s14 =	sadd.s32 $0x2800, s11;
	[sflag:s31] =	ssyncadd.s32 $0xFFFFC000  }
0x64: {  	[hbm4b:s14+s3] =	stream.linear.scatter [tilespmem:s28], [sflag:$0x4], $0x4000, $0x38;
	[tilespmem:$0x1EC00] =	vst v63  }
0x65: {  	_ =	swait.ge [sflag:s1], $0x4000  }
0x66: {  	[sflag:s1] =	ssyncset.done $0x0  }
0x67: {  	s20 =	sor.u32 $0x380, s5;
	[sflag:s1] =	ssyncadd.s32 $0xFFFFC000  }
0x68: {  	[tilespmem:s28], [sflag:$0x2] =	stream.indirect.gather [spmem:s2], $0x80, s20, s24, $0xb8;
	[tilespmem:$0x1EC00] =	vst v63  }
0x69: {  	_ =	swait.ge [sflag:s29], $0x4000  }
0x6a: {  	s21 =	rddreg [dreg:$0x5];
	[sflag:s29] =	ssyncset.done $0x0  }
0x6b: {  	[sflag:s29] =	ssyncadd.s32 $0xFFFFC000;
	s6 =	sadd.s32 $0x0, s21  }
0x6c: {  	[hbm4b:s6+s3] =	stream.linear.scatter [tilespmem:s26], [sflag:$0x3], $0x4000, $0x38;
	[tilespmem:$0x1EC00] =	vst v63  }
0x6d: {  	_ =	swait.ge [sflag:s30], $0x4000  }
0x6e: {  	p1 =	por $0x0, $0x0;
	[sflag:s30] =	ssyncset.done $0x0  }
0x6f: {  	s6 =	simm.s32 @!p1 $0x5;
	[sflag:s30] =	ssyncadd.s32 $0xFFFFC000  }
0x70: {  	p2 =	por @!p1 $0x0, $0x0;
	s7 =	sxor.u32 @!p1 $0xFFFFFFFF, s3;
	_ =	swait.ge @!p1 [sflag:s6], $0x400  }
0x71: {  	p2 =	por p2, p1;
	s7 =	sand.u32 @!p1 $0x400, s7;
	[sflag:s6] =	ssyncset.done @!p1 $0x0  }
0x72: {  	s8 =	simm.s32 @!p1 $0x3000;
	[sflag:s6] =	ssyncadd.s32 @!p1 $0xFFFFFC00;
	s6 =	simm.s32 @!p1 $0x80  }
0x73: {  	[tilespmem:s8], [sflag:$0x1] =	stream.indirect.gather @!p1 [spmem:s2], $0x80, s7, s6, $0xb8;
	[tilespmem:$0x1EC00] =	vst v63  }
0x74: {  	p6 =	por $0x0, $0x0;
	s11 =	sadd.s32 $0x3800, s11;
	s7 =	simm.s32 @!p2 $0x0  }
0x75: {  	[tilespmem:s5], [sflag:$0x5] =	stream.linear.gather @!p2 [hbm4b:s15+s7], $0x400, $0x38;
	[tilespmem:$0x1EC00] =	vst v63  }
0x76: {  	s10 =	simm.s32 $0x8000;
	s6 =	simm.s32 $0x4000;
	_ =	swait.ge [sflag:s31], $0x4000  }
0x77: {  	p1 =	por p6, p6;
	s8 =	simm.s32 $0x400;
	[sflag:s31] =	ssyncset.done $0x0  }
0x78: {  	s7 =	simm.s32 $0x1;
	s5 =	sadd.s32 $0x80, s15;
	[sflag:s31] =	ssyncadd.s32 $0xFFFFC000  }
.LBB2_2:
0x79: {  	[hbm4b:s11+s3] =	stream.linear.scatter [tilespmem:s28], [sflag:$0x4], $0x4000, $0x38;
	[tilespmem:$0x1EC00] =	vst v63  }
0x7a: {  	s14 =	simm.s32 @!p1 $0x4  }
0x7b: {  	_ =	swait.ge @!p1 [sflag:s14], $0x4000  }
0x7c: {  	s11 =	sand.u32 $0x400, s8;
	[sflag:s14] =	ssyncset.done @!p1 $0x0  }
0x7d: {  	s20 =	sor.u32 $0x80, s11;
	[sflag:s14] =	ssyncadd.s32 @!p1 $0xFFFFC000  }
0x7e: {  	[tilespmem:s28], [sflag:$0x2] =	stream.indirect.gather [spmem:s2], $0x80, s20, s24, $0xb8;
	[tilespmem:$0x1EC00] =	vst v63  }
0x7f: {  	_ =	swait.ge [sflag:s29], $0x4000  }
0x80: {  	[sflag:s29] =	ssyncset.done $0x0  }
0x81: {  	s21 =	sadd.s32 s6, s16;
	[sflag:s29] =	ssyncadd.s32 $0xFFFFC000  }
0x82: {  	[hbm4b:s21+s3] =	stream.linear.scatter [tilespmem:s26], [sflag:$0x3], $0x4000, $0x38;
	[tilespmem:$0x1EC00] =	vst v63  }
0x83: {  	_ =	swait.ge [sflag:s30], $0x4000  }
0x84: {  	[sflag:s30] =	ssyncset.done $0x0  }
0x85: {  	s20 =	sor.u32 $0x100, s11;
	[sflag:s30] =	ssyncadd.s32 $0xFFFFC000  }
0x86: {  	[tilespmem:s26], [sflag:$0x1] =	stream.indirect.gather [spmem:s2], $0x80, s20, s24, $0xb8;
	[tilespmem:$0x1EC00] =	vst v63  }
0x87: {  	_ =	swait.ge [sflag:s31], $0x4000  }
0x88: {  	s14 =	sadd.s32 s6, s13;
	[sflag:s31] =	ssyncset.done $0x0  }
0x89: {  	s20 =	sadd.s32 $0x800, s14;
	[sflag:s31] =	ssyncadd.s32 $0xFFFFC000  }
0x8a: {  	[hbm4b:s20+s3] =	stream.linear.scatter [tilespmem:s28], [sflag:$0x4], $0x4000, $0x38;
	[tilespmem:$0x1EC00] =	vst v63  }
0x8b: {  	_ =	swait.ge [sflag:s1], $0x4000  }
0x8c: {  	[sflag:s1] =	ssyncset.done $0x0  }
0x8d: {  	s21 =	sor.u32 $0x180, s11;
	[sflag:s1] =	ssyncadd.s32 $0xFFFFC000  }
0x8e: {  	[tilespmem:s28], [sflag:$0x2] =	stream.indirect.gather [spmem:s2], $0x80, s21, s24, $0xb8;
	[tilespmem:$0x1EC00] =	vst v63  }
0x8f: {  	_ =	swait.ge [sflag:s29], $0x4000  }
0x90: {  	s21 =	rddreg [dreg:$0x3];
	[sflag:s29] =	ssyncset.done $0x0  }
0x91: {  	[sflag:s29] =	ssyncadd.s32 $0xFFFFC000;
	s20 =	sadd.s32 s6, s21  }
0x92: {  	[hbm4b:s20+s3] =	stream.linear.scatter [tilespmem:s26], [sflag:$0x3], $0x4000, $0x38;
	[tilespmem:$0x1EC00] =	vst v63  }
0x93: {  	_ =	swait.ge [sflag:s30], $0x4000  }
0x94: {  	[sflag:s30] =	ssyncset.done $0x0  }
0x95: {  	s21 =	sor.u32 $0x200, s11;
	[sflag:s30] =	ssyncadd.s32 $0xFFFFC000  }
0x96: {  	[tilespmem:s26], [sflag:$0x1] =	stream.indirect.gather [spmem:s2], $0x80, s21, s24, $0xb8;
	[tilespmem:$0x1EC00] =	vst v63  }
0x97: {  	_ =	swait.ge [sflag:s31], $0x4000  }
0x98: {  	[sflag:s31] =	ssyncset.done $0x0  }
0x99: {  	s21 =	sadd.s32 $0x1800, s14;
	[sflag:s31] =	ssyncadd.s32 $0xFFFFC000  }
0x9a: {  	[hbm4b:s21+s3] =	stream.linear.scatter [tilespmem:s28], [sflag:$0x4], $0x4000, $0x38;
	[tilespmem:$0x1EC00] =	vst v63  }
0x9b: {  	_ =	swait.ge [sflag:s1], $0x4000  }
0x9c: {  	[sflag:s1] =	ssyncset.done $0x0  }
0x9d: {  	s21 =	sor.u32 $0x280, s11;
	[sflag:s1] =	ssyncadd.s32 $0xFFFFC000  }
0x9e: {  	[tilespmem:s28], [sflag:$0x2] =	stream.indirect.gather [spmem:s2], $0x80, s21, s24, $0xb8;
	[tilespmem:$0x1EC00] =	vst v63  }
0x9f: {  	_ =	swait.ge [sflag:s29], $0x4000  }
0xa0: {  	s21 =	rddreg [dreg:$0x4];
	[sflag:s29] =	ssyncset.done $0x0  }
0xa1: {  	[sflag:s29] =	ssyncadd.s32 $0xFFFFC000;
	s20 =	sadd.s32 s6, s21  }
0xa2: {  	[hbm4b:s20+s3] =	stream.linear.scatter [tilespmem:s26], [sflag:$0x3], $0x4000, $0x38;
	[tilespmem:$0x1EC00] =	vst v63  }
0xa3: {  	_ =	swait.ge [sflag:s30], $0x4000  }
0xa4: {  	[sflag:s30] =	ssyncset.done $0x0  }
0xa5: {  	s21 =	sor.u32 $0x300, s11;
	[sflag:s30] =	ssyncadd.s32 $0xFFFFC000  }
0xa6: {  	[tilespmem:s26], [sflag:$0x1] =	stream.indirect.gather [spmem:s2], $0x80, s21, s24, $0xb8;
	[tilespmem:$0x1EC00] =	vst v63  }
0xa7: {  	_ =	swait.ge [sflag:s31], $0x4000  }
0xa8: {  	[sflag:s31] =	ssyncset.done $0x0  }
0xa9: {  	s21 =	sadd.s32 $0x2800, s14;
	[sflag:s31] =	ssyncadd.s32 $0xFFFFC000  }
0xaa: {  	[hbm4b:s21+s3] =	stream.linear.scatter [tilespmem:s28], [sflag:$0x4], $0x4000, $0x38;
	[tilespmem:$0x1EC00] =	vst v63  }
0xab: {  	_ =	swait.ge [sflag:s1], $0x4000  }
0xac: {  	[sflag:s1] =	ssyncset.done $0x0  }
0xad: {  	s21 =	sor.u32 $0x380, s11;
	[sflag:s1] =	ssyncadd.s32 $0xFFFFC000  }
0xae: {  	[tilespmem:s28], [sflag:$0x2] =	stream.indirect.gather [spmem:s2], $0x80, s21, s24, $0xb8;
	[tilespmem:$0x1EC00] =	vst v63  }
0xaf: {  	_ =	swait.ge [sflag:s29], $0x4000  }
0xb0: {  	s12 =	smov.u32 s10;
	s21 =	rddreg [dreg:$0x5];
	[sflag:s29] =	ssyncset.done $0x0  }
0xb1: {  	s10 =	sadd.s32 $0x4000, s10;
	[sflag:s29] =	ssyncadd.s32 $0xFFFFC000;
	s20 =	sadd.s32 s6, s21  }
0xb2: {  	[hbm4b:s20+s3] =	stream.linear.scatter [tilespmem:s26], [sflag:$0x3], $0x4000, $0x38;
	[tilespmem:$0x1EC00] =	vst v63  }
0xb3: {  	p3 =	seq.s32 s12, $0x0;
	p2 =	sne.s32 s10, $0x28000;
	_ =	swait.ge [sflag:s30], $0x4000  }
0xb4: {  	p1 =	por p3, p3;
	p3 =	seq.s32 s6, $0x24000;
	[sflag:s30] =	ssyncset.done $0x0  }
0xb5: {  	p4 =	sgt.u32 @!p3 s7, $0x7;
	s20 =	simm.s32 @!p3 $0x5;
	[sflag:s30] =	ssyncadd.s32 $0xFFFFC000  }
0xb6: {  	p4 =	por p4, p3;
	s6 =	smov.u32 s12;
	_ =	swait.ge @!p3 [sflag:s20], $0x400  }
0xb7: {  	s12 =	sxor.u32 @!p3 $0xFFFFFFFF, s8;
	s21 =	simm.s32 @!p3 $0x3000;
	[sflag:s20] =	ssyncset.done @!p3 $0x0  }
0xb8: {  	s12 =	sand.u32 @!p3 $0x400, s12;
	[sflag:s20] =	ssyncadd.s32 @!p3 $0xFFFFFC00;
	s20 =	simm.s32 @!p3 $0x80  }
0xb9: {  	[tilespmem:s21], [sflag:$0x1] =	stream.indirect.gather @!p3 [spmem:s2], $0x80, s12, s20, $0xb8;
	[tilespmem:$0x1EC00] =	vst v63  }
.Ltmp0:
0xba: {  	s12 =	simm.s32 @!p4 $0x0;
	(pc) =	sbr.rel @p2 .LBB2_2-.Ltmp0, $4  }
0xbb: {  	[tilespmem:s11], [sflag:$0x5] =	stream.linear.gather @!p4 [hbm4b:s5+s12], $0x400, $0x38;
	[tilespmem:$0x1EC00] =	vst v63  }
0xbc: {  	_ =	swait.ge [sflag:s31], $0x4000  }
0xbd: {  	s7 =	sadd.s32 $0x1, s7;
	s8 =	sadd.s32 $0x400, s8;
	[sflag:s31] =	ssyncset.done $0x0  }
0xbe: {  	s11 =	sadd.s32 $0x3800, s14;
	s5 =	sadd.s32 $0x80, s5;
	[sflag:s31] =	ssyncadd.s32 $0xFFFFC000  }
0xbf: {  	[hbm4b:s11+s3] =	stream.linear.scatter [tilespmem:s28], [sflag:$0x4], $0x4000, $0x38;
	[tilespmem:$0x1EC00] =	vst v63  }
0xc0: {  	s11 =	simm.s32 @!p1 $0x4  }
0xc1: {  	_ =	swait.ge @!p1 [sflag:s11], $0x4000  }
0xc2: {  	s10 =	sand.u32 $0x400, s8;
	[sflag:s11] =	ssyncset.done @!p1 $0x0  }
0xc3: {  	s12 =	sor.u32 $0x80, s10;
	[sflag:s11] =	ssyncadd.s32 @!p1 $0xFFFFC000  }
0xc4: {  	[tilespmem:s28], [sflag:$0x2] =	stream.indirect.gather [spmem:s2], $0x80, s12, s24, $0xb8;
	[tilespmem:$0x1EC00] =	vst v63  }
0xc5: {  	_ =	swait.ge [sflag:s29], $0x4000  }
0xc6: {  	[sflag:s29] =	ssyncset.done $0x0  }
0xc7: {  	s14 =	sadd.s32 s6, s16;
	[sflag:s29] =	ssyncadd.s32 $0xFFFFC000  }
0xc8: {  	[hbm4b:s14+s3] =	stream.linear.scatter [tilespmem:s26], [sflag:$0x3], $0x4000, $0x38;
	[tilespmem:$0x1EC00] =	vst v63  }
0xc9: {  	_ =	swait.ge [sflag:s30], $0x4000  }
0xca: {  	[sflag:s30] =	ssyncset.done $0x0  }
0xcb: {  	s20 =	sor.u32 $0x100, s10;
	[sflag:s30] =	ssyncadd.s32 $0xFFFFC000  }
0xcc: {  	[tilespmem:s26], [sflag:$0x1] =	stream.indirect.gather [spmem:s2], $0x80, s20, s24, $0xb8;
	[tilespmem:$0x1EC00] =	vst v63  }
0xcd: {  	_ =	swait.ge [sflag:s31], $0x4000  }
0xce: {  	s11 =	sadd.s32 s6, s13;
	[sflag:s31] =	ssyncset.done $0x0  }
0xcf: {  	s12 =	sadd.s32 $0x800, s11;
	[sflag:s31] =	ssyncadd.s32 $0xFFFFC000  }
0xd0: {  	[hbm4b:s12+s3] =	stream.linear.scatter [tilespmem:s28], [sflag:$0x4], $0x4000, $0x38;
	[tilespmem:$0x1EC00] =	vst v63  }
0xd1: {  	_ =	swait.ge [sflag:s1], $0x4000  }
0xd2: {  	[sflag:s1] =	ssyncset.done $0x0  }
0xd3: {  	s21 =	sor.u32 $0x180, s10;
	[sflag:s1] =	ssyncadd.s32 $0xFFFFC000  }
0xd4: {  	[tilespmem:s28], [sflag:$0x2] =	stream.indirect.gather [spmem:s2], $0x80, s21, s24, $0xb8;
	[tilespmem:$0x1EC00] =	vst v63  }
0xd5: {  	_ =	swait.ge [sflag:s29], $0x4000  }
0xd6: {  	s14 =	rddreg [dreg:$0x3];
	[sflag:s29] =	ssyncset.done $0x0  }
0xd7: {  	[sflag:s29] =	ssyncadd.s32 $0xFFFFC000;
	s12 =	sadd.s32 s6, s14  }
0xd8: {  	[hbm4b:s12+s3] =	stream.linear.scatter [tilespmem:s26], [sflag:$0x3], $0x4000, $0x38;
	[tilespmem:$0x1EC00] =	vst v63  }
0xd9: {  	_ =	swait.ge [sflag:s30], $0x4000  }
0xda: {  	[sflag:s30] =	ssyncset.done $0x0  }
0xdb: {  	s20 =	sor.u32 $0x200, s10;
	[sflag:s30] =	ssyncadd.s32 $0xFFFFC000  }
0xdc: {  	[tilespmem:s26], [sflag:$0x1] =	stream.indirect.gather [spmem:s2], $0x80, s20, s24, $0xb8;
	[tilespmem:$0x1EC00] =	vst v63  }
0xdd: {  	_ =	swait.ge [sflag:s31], $0x4000  }
0xde: {  	[sflag:s31] =	ssyncset.done $0x0  }
0xdf: {  	s21 =	sadd.s32 $0x1800, s11;
	[sflag:s31] =	ssyncadd.s32 $0xFFFFC000  }
0xe0: {  	[hbm4b:s21+s3] =	stream.linear.scatter [tilespmem:s28], [sflag:$0x4], $0x4000, $0x38;
	[tilespmem:$0x1EC00] =	vst v63  }
0xe1: {  	_ =	swait.ge [sflag:s1], $0x4000  }
0xe2: {  	[sflag:s1] =	ssyncset.done $0x0  }
0xe3: {  	s14 =	sor.u32 $0x280, s10;
	[sflag:s1] =	ssyncadd.s32 $0xFFFFC000  }
0xe4: {  	[tilespmem:s28], [sflag:$0x2] =	stream.indirect.gather [spmem:s2], $0x80, s14, s24, $0xb8;
	[tilespmem:$0x1EC00] =	vst v63  }
0xe5: {  	_ =	swait.ge [sflag:s29], $0x4000  }
0xe6: {  	s20 =	rddreg [dreg:$0x4];
	[sflag:s29] =	ssyncset.done $0x0  }
0xe7: {  	[sflag:s29] =	ssyncadd.s32 $0xFFFFC000;
	s12 =	sadd.s32 s6, s20  }
0xe8: {  	[hbm4b:s12+s3] =	stream.linear.scatter [tilespmem:s26], [sflag:$0x3], $0x4000, $0x38;
	[tilespmem:$0x1EC00] =	vst v63  }
0xe9: {  	_ =	swait.ge [sflag:s30], $0x4000  }
0xea: {  	[sflag:s30] =	ssyncset.done $0x0  }
0xeb: {  	s21 =	sor.u32 $0x300, s10;
	[sflag:s30] =	ssyncadd.s32 $0xFFFFC000  }
0xec: {  	[tilespmem:s26], [sflag:$0x1] =	stream.indirect.gather [spmem:s2], $0x80, s21, s24, $0xb8;
	[tilespmem:$0x1EC00] =	vst v63  }
0xed: {  	_ =	swait.ge [sflag:s31], $0x4000  }
0xee: {  	[sflag:s31] =	ssyncset.done $0x0  }
0xef: {  	s14 =	sadd.s32 $0x2800, s11;
	[sflag:s31] =	ssyncadd.s32 $0xFFFFC000  }
0xf0: {  	[hbm4b:s14+s3] =	stream.linear.scatter [tilespmem:s28], [sflag:$0x4], $0x4000, $0x38;
	[tilespmem:$0x1EC00] =	vst v63  }
0xf1: {  	_ =	swait.ge [sflag:s1], $0x4000  }
0xf2: {  	[sflag:s1] =	ssyncset.done $0x0  }
0xf3: {  	s20 =	sor.u32 $0x380, s10;
	[sflag:s1] =	ssyncadd.s32 $0xFFFFC000  }
0xf4: {  	[tilespmem:s28], [sflag:$0x2] =	stream.indirect.gather [spmem:s2], $0x80, s20, s24, $0xb8;
	[tilespmem:$0x1EC00] =	vst v63  }
0xf5: {  	_ =	swait.ge [sflag:s29], $0x4000  }
0xf6: {  	s21 =	rddreg [dreg:$0x5];
	[sflag:s29] =	ssyncset.done $0x0  }
0xf7: {  	[sflag:s29] =	ssyncadd.s32 $0xFFFFC000;
	s12 =	sadd.s32 s6, s21  }
0xf8: {  	[hbm4b:s12+s3] =	stream.linear.scatter [tilespmem:s26], [sflag:$0x3], $0x4000, $0x38;
	[tilespmem:$0x1EC00] =	vst v63  }
0xf9: {  	_ =	swait.ge [sflag:s30], $0x4000  }
0xfa: {  	p1 =	seq.s32 s6, $0x24000;
	[sflag:s30] =	ssyncset.done $0x0  }
0xfb: {  	s6 =	simm.s32 @!p1 $0x5;
	[sflag:s30] =	ssyncadd.s32 $0xFFFFC000  }
0xfc: {  	s8 =	sxor.u32 @!p1 $0xFFFFFFFF, s8;
	p2 =	sgt.u32 @!p1 s7, $0x7;
	_ =	swait.ge @!p1 [sflag:s6], $0x400  }
0xfd: {  	s7 =	sand.u32 @!p1 $0x400, s8;
	p2 =	por p2, p1;
	[sflag:s6] =	ssyncset.done @!p1 $0x0  }
0xfe: {  	s8 =	simm.s32 @!p1 $0x3000;
	[sflag:s6] =	ssyncadd.s32 @!p1 $0xFFFFFC00;
	s6 =	simm.s32 @!p1 $0x80  }
0xff: {  	[tilespmem:s8], [sflag:$0x1] =	stream.indirect.gather @!p1 [spmem:s2], $0x80, s7, s6, $0xb8;
	[tilespmem:$0x1EC00] =	vst v63  }
0x100: {  	s6 =	simm.s32 @!p2 $0x0  }
0x101: {  	[tilespmem:s10], [sflag:$0x5] =	stream.linear.gather @!p2 [hbm4b:s5+s6], $0x400, $0x38;
	[tilespmem:$0x1EC00] =	vst v63  }
0x102: {  	_ =	swait.ge [sflag:s31], $0x4000  }
0x103: {  	[sflag:s31] =	ssyncset.done $0x0  }
0x104: {  	s7 =	sadd.s32 $0x3800, s11;
	[sflag:s31] =	ssyncadd.s32 $0xFFFFC000  }
0x105: {  	[hbm4b:s7+s3] =	stream.linear.scatter [tilespmem:s28], [sflag:$0x4], $0x4000, $0x38;
	[tilespmem:$0x1EC00] =	vst v63  }
0x106: {  	_ =	swait.ge [sflag:s1], $0x4000  }
0x107: {  	[sflag:s1] =	ssyncset.done $0x0  }
0x108: {  	s8 =	simm.s32 $0x0;
	[sflag:s1] =	ssyncadd.s32 $0xFFFFC000  }
0x109: {  	[tilespmem:s26], [sflag:$0x1] =	stream.linear.gather [hbm4b:s9+s8], $0x4000, $0x38;
	[tilespmem:$0x1EC00] =	vst v63  }
0x10a: {  	[bflag:$0x0] =	sbarrier.arrive $0xFFFF  }
0x10b: {  	_ =	swait.ge [sflag:s19], $0x2800  }
0x10c: {  	[sflag:s19] =	ssyncset.done $0x0  }
0x10d: {  	s11 =	rddreg [dreg:$0xc];
	[sflag:s19] =	ssyncadd.s32 $0xFFFFD800  }
0x10e: {  	[tilespmem:s28], [sflag:$0x2] =	stream.linear.gather [hbm4b:s11+s8], $0x4000, $0x38;
	[tilespmem:$0x1EC00] =	vst v63  }
0x10f: {  	_ =	swait.ge [sflag:s29], $0x4000  }
0x110: {  	[sflag:s29] =	ssyncset.done $0x0  }
0x111: {  	s10 =	simm.s32 $0x800;
	[sflag:s29] =	ssyncadd.s32 $0xFFFFC000  }
0x112: {  	[spmem:s2] =	stream.indirect.scatter.add.f32 [tilespmem:s26], [sflag:$0x3], $0x80, s10, s24, $0xb8;
	[tilespmem:$0x1EC00] =	vst v63  }
0x113: {  	_ =	swait.ge [sflag:s30], $0x4000  }
0x114: {  	[sflag:s30] =	ssyncset.done $0x0  }
0x115: {  	s12 =	rddreg [dreg:$0xd];
	[sflag:s30] =	ssyncadd.s32 $0xFFFFC000  }
0x116: {  	[tilespmem:s26], [sflag:$0x1] =	stream.linear.gather [hbm4b:s12+s8], $0x4000, $0x38;
	[tilespmem:$0x1EC00] =	vst v63  }
0x117: {  	_ =	swait.ge [sflag:s31], $0x4000  }
0x118: {  	[sflag:s31] =	ssyncset.done $0x0  }
0x119: {  	s14 =	simm.s32 $0x880;
	[sflag:s31] =	ssyncadd.s32 $0xFFFFC000  }
0x11a: {  	[spmem:s2] =	stream.indirect.scatter.add.f32 [tilespmem:s28], [sflag:$0x4], $0x80, s14, s24, $0xb8;
	[tilespmem:$0x1EC00] =	vst v63  }
0x11b: {  	_ =	swait.ge [sflag:s1], $0x4000  }
0x11c: {  	[sflag:s1] =	ssyncset.done $0x0  }
0x11d: {  	s20 =	sadd.s32 $0xFFFFF800, s17;
	[sflag:s1] =	ssyncadd.s32 $0xFFFFC000  }
0x11e: {  	[tilespmem:s28], [sflag:$0x2] =	stream.linear.gather [hbm4b:s20+s3], $0x4000, $0x38;
	[tilespmem:$0x1EC00] =	vst v63  }
0x11f: {  	_ =	swait.ge [sflag:s29], $0x4000  }
0x120: {  	[sflag:s29] =	ssyncset.done $0x0  }
0x121: {  	s21 =	simm.s32 $0x900;
	[sflag:s29] =	ssyncadd.s32 $0xFFFFC000  }
0x122: {  	[spmem:s2] =	stream.indirect.scatter.add.f32 [tilespmem:s26], [sflag:$0x3], $0x80, s21, s24, $0xb8;
	[tilespmem:$0x1EC00] =	vst v63  }
0x123: {  	_ =	swait.ge [sflag:s30], $0x4000  }
0x124: {  	[sflag:s30] =	ssyncset.done $0x0  }
0x125: {  	[sflag:s30] =	ssyncadd.s32 $0xFFFFC000  }
0x126: {  	[tilespmem:s26], [sflag:$0x1] =	stream.linear.gather [hbm4b:s17+s3], $0x4000, $0x38;
	[tilespmem:$0x1EC00] =	vst v63  }
0x127: {  	_ =	swait.ge [sflag:s31], $0x4000  }
0x128: {  	s5 =	simm.s32 $0x400;
	[sflag:s31] =	ssyncset.done $0x0  }
0x129: {  	s6 =	sadd.s32 $0x1000, s17;
	s7 =	simm.s32 $0x980;
	[sflag:s31] =	ssyncadd.s32 $0xFFFFC000  }
.LBB2_4:
0x12a: {  	[spmem:s2] =	stream.indirect.scatter.add.f32 [tilespmem:s28], [sflag:$0x4], $0x80, s7, s24, $0xb8;
	[tilespmem:$0x1EC00] =	vst v63  }
0x12b: {  	s7 =	smov.u32 s5  }
0x12c: {  	p1 =	sne.s32 s5, $0x9400;
	s5 =	sadd.s32 $0x400, s5;
	_ =	swait.ge [sflag:s1], $0x4000  }
0x12d: {  	[sflag:s1] =	ssyncset.done $0x0  }
0x12e: {  	s8 =	sadd.s32 $0xFFFFF800, s6;
	[sflag:s1] =	ssyncadd.s32 $0xFFFFC000  }
0x12f: {  	[tilespmem:s28], [sflag:$0x2] =	stream.linear.gather [hbm4b:s8+s3], $0x4000, $0x38;
	[tilespmem:$0x1EC00] =	vst v63  }
0x130: {  	_ =	swait.ge [sflag:s29], $0x4000  }
0x131: {  	s7 =	sshra.s32 s7, $0x2;
	[sflag:s29] =	ssyncset.done $0x0  }
0x132: {  	s8 =	sadd.s32 $0x900, s7;
	[sflag:s29] =	ssyncadd.s32 $0xFFFFC000  }
0x133: {  	[spmem:s2] =	stream.indirect.scatter.add.f32 [tilespmem:s26], [sflag:$0x3], $0x80, s8, s24, $0xb8;
	[tilespmem:$0x1EC00] =	vst v63  }
0x134: {  	_ =	swait.ge [sflag:s30], $0x4000  }
0x135: {  	[sflag:s30] =	ssyncset.done $0x0  }
.Ltmp1:
0x136: {  	[sflag:s30] =	ssyncadd.s32 $0xFFFFC000;
	(pc) =	sbr.rel @p1 .LBB2_4-.Ltmp1, $4  }
0x137: {  	[tilespmem:s26], [sflag:$0x1] =	stream.linear.gather [hbm4b:s6+s3], $0x4000, $0x38;
	[tilespmem:$0x1EC00] =	vst v63  }
0x138: {  	_ =	swait.ge [sflag:s31], $0x4000  }
0x139: {  	[sflag:s31] =	ssyncset.done $0x0  }
0x13a: {  	s7 =	sadd.s32 $0x980, s7;
	s6 =	sadd.s32 $0x1000, s6;
	[sflag:s31] =	ssyncadd.s32 $0xFFFFC000  }
0x13b: {  	[spmem:s2] =	stream.indirect.scatter.add.f32 [tilespmem:s28], [sflag:$0x4], $0x80, s7, s24, $0xb8;
	[tilespmem:$0x1EC00] =	vst v63  }
0x13c: {  	_ =	swait.ge [sflag:s1], $0x4000  }
0x13d: {  	[sflag:s1] =	ssyncset.done $0x0  }
0x13e: {  	s5 =	rddreg [dreg:$0xe];
	[sflag:s1] =	ssyncadd.s32 $0xFFFFC000  }
0x13f: {  	[tilespmem:s28], [sflag:$0x2] =	stream.linear.gather [hbm4b:s5+s3], $0x4000, $0x38;
	[tilespmem:$0x1EC00] =	vst v63  }
0x140: {  	_ =	swait.ge [sflag:s29], $0x4000  }
0x141: {  	[sflag:s29] =	ssyncset.done $0x0  }
0x142: {  	s12 =	simm.s32 $0x2F00;
	[sflag:s29] =	ssyncadd.s32 $0xFFFFC000  }
0x143: {  	[spmem:s2] =	stream.indirect.scatter.add.f32 [tilespmem:s26], [sflag:$0x3], $0x80, s12, s24, $0xb8;
	[tilespmem:$0x1EC00] =	vst v63  }
0x144: {  	_ =	swait.ge [sflag:s30], $0x4000  }
0x145: {  	[sflag:s30] =	ssyncset.done $0x0  }
0x146: {  	[sflag:s30] =	ssyncadd.s32 $0xFFFFC000  }
0x147: {  	_ =	swait.ge [sflag:s31], $0x4000  }
0x148: {  	[sflag:s31] =	ssyncset.done $0x0  }
0x149: {  	s14 =	simm.s32 $0x2F80;
	[sflag:s31] =	ssyncadd.s32 $0xFFFFC000  }
0x14a: {  	[spmem:s2] =	stream.indirect.scatter.add.f32 [tilespmem:s28], [sflag:$0x4], $0x80, s14, s24, $0xb8;
	[tilespmem:$0x1EC00] =	vst v63  }
0x14b: {  	_ =	swait.ge [sflag:s1], $0x4000  }
0x14c: {  	[sflag:s1] =	ssyncset.done $0x0  }
0x14d: {  	s20 =	sshll.u32 s0, $0x6;
	[sflag:s1] =	ssyncadd.s32 $0xFFFFC000  }
0x14e: {  	s5 =	sor.u32 $0x1C07, s20;
	[bflag:$0x0] =	sbarrier.arrive $0xFFFF  }
0x14f: {  	[hbm:s23], [sflag:s5] =	dma.local [spmem:s25], $0x2780  }
0x150: {  	_ =	swait.ge [sflag:s18], $0x2780  }
0x151: {  	s4 =	sadd.s32 $0x1, s4;
	s21 =	rddreg [dreg:$0xb]  }
0x152: {  	p1 =	sne.s32 s4, s21  }
.Ltmp2:
0x153: {  	_ = 	snop;
	(pc) =	sbr.rel @p1 .LBB2_1-.Ltmp2, $3  }
0x154: {  	_ =	sdelay $0x1  }
0x155: {  	[sflag:s18] =	ssyncset.done $0x0  }
0x156: {  	[sflag:s18] =	ssyncadd.s32 $0xFFFFD880  }
0x157: {  	_ =	sfence.sel $0x180000  }
0x158: {  	[bflag:$0x0] =	sbarrier.arrive $0xFFFF  }
0x159: {  	_ =	strace $0x9000004A  }
0x15a: {  	[bflag:$0x2] =	sbarrier.arrive $0xFFFF  }
0x15b: {  	p0 =	sne.s32 s0, $0x0;
	s0 =	rddreg [dreg:$0x2]  }
0x15c: {  	s0 =	sadd.s32 @!p0 $0x100000, s0  }
0x15d: {  	[sflag:s0] =	ssyncadd.tile.s32 @!p0 $0x1;
	_ =	shalt  }
.Lfunc_end2:
_tile_overlayer_lowered:
.L_overlay_start_2:
0x15e: {  	(tag) =	ssettag $0x2  }
0x15f: {  	s0 =	rddreg [dreg:$0x0];
	s2 =	stileid.u32  }
0x160: {  	s1 =	rddreg [dreg:$0x1];
	p0 =	sne.s32 s2, $0x0  }
0x161: {  	s3 =	rddreg [dreg:$0x2];
	[bflag:$0x3] =	sbarrier.arrive $0xFFFF;
	s2 =	simm.s32 @!p0 $0x1C07  }
0x162: {  	[timem:s3], [sflag:s2] =	dma.local @!p0 [hbm:s0], s1  }
0x163: {  	s0 =	simm.s32 @!p0 $0x7  }
0x164: {  	_ =	swait.ge @!p0 [sflag:s0], s1  }
0x165: {  	s1 =	ssub.s32 @!p0 $0x0, s1;
	[sflag:s0] =	ssyncset.done @!p0 $0x0  }
0x166: {  	[sflag:s0] =	ssyncadd.s32 @!p0 s1  }
0x167: {  	[bflag:$0x3] =	sbarrier.arrive $0xFFFF  }
0x168: {  	_ =	shalt  }

</sc_bundles>
